<compile_context>
chip_gen: v7x
topology: tpu7x:2x2x1
jax: 0.10.2.dev20260603
libtpu: 0.0.44.dev20260713+nightly
codegen_flags: <defaults>
</compile_context>

<pallas_src>
import dataclasses

import jax
import jax.numpy as jnp
from jax import lax
from jax.experimental import pallas as pl
from jax.experimental.pallas import tpu as pltpu
from jax.experimental.pallas import tpu_sc as plsc

BATCH = 16384
RANK = 32
NC = 2
NS = 16
LANES = 16
NW = NC * NS
BPW = BATCH // NW
QG = 2
SETS = 4
LAG = 3
SPW = LANES // QG
NT = BPW // LANES
BLK = 128


def _dot_gather_body(uidx_hbm, vidx_hbm, ut_hbm, vt_hbm, out_hbm,
                     idx_u, idx_v, cols_u, cols_v, blku, blkv, out_v,
                     sem_u, sem_v, sem_o):
    wid = lax.axis_index("s") * NC + lax.axis_index("c")
    base = wid * BPW

    cpu = pltpu.async_copy(uidx_hbm.at[pl.ds(base, BPW)], idx_u, sem_o)
    cpv = pltpu.async_copy(vidx_hbm.at[pl.ds(base, BPW)], idx_v, sem_o)
    cpu.wait()
    cpv.wait()

    iota = lax.iota(jnp.int32, LANES)

    def fire(t_hbm, blk, sem, i16, lane_base, p):
        for k in range(QG):
            c = pl.multiple_of((i16[lane_base + k] >> 7) * BLK, BLK)
            pltpu.async_copy(
                t_hbm.at[:, pl.ds(c, BLK)], blk.at[p, k], sem.at[p])

    def extract(t_hbm, blk, sem, cols, i16, lane_base, p, sbase):
        for k in range(QG):
            pltpu.make_async_copy(
                t_hbm.at[:, pl.ds(0, BLK)], blk.at[p, k], sem.at[p]).wait()
        pfull = jnp.full((LANES,), p, jnp.int32)
        for k in range(QG):
            b = sbase + k
            lane = jnp.full((LANES,), i16[lane_base + k] & (BLK - 1),
                            jnp.int32)
            kfull = jnp.full((LANES,), k, jnp.int32)
            lo = plsc.load_gather(blk, [pfull, kfull, iota, lane])
            hi = plsc.load_gather(blk, [pfull, kfull, LANES + iota, lane])
            plsc.store_scatter(cols, [iota * BPW + b], lo)
            plsc.store_scatter(cols, [(LANES + iota) * BPW + b], hi)

    @pl.loop(0, NT)
    def _(t):
        iu = idx_u[pl.ds(t * LANES, LANES)]
        iv = idx_v[pl.ds(t * LANES, LANES)]
        for q in range(SPW):
            p = q & (SETS - 1)
            fire(ut_hbm, blku, sem_u, iu, q * QG, p)
            fire(vt_hbm, blkv, sem_v, iv, q * QG, p)
            qq = q - LAG
            px = qq & (SETS - 1)
            sprev = t * LANES + qq * QG
            if qq < 0:
                @pl.when(t > 0)
                def _():
                    iup = idx_u[pl.ds((t - 1) * LANES, LANES)]
                    ivp = idx_v[pl.ds((t - 1) * LANES, LANES)]
                    extract(ut_hbm, blku, sem_u, cols_u, iup,
                            (qq + SPW) * QG, px, sprev)
                    extract(vt_hbm, blkv, sem_v, cols_v, ivp,
                            (qq + SPW) * QG, px, sprev)
            else:
                extract(ut_hbm, blku, sem_u, cols_u, iu,
                        qq * QG, px, sprev)
                extract(vt_hbm, blkv, sem_v, cols_v, iv,
                        qq * QG, px, sprev)

    iul = idx_u[pl.ds((NT - 1) * LANES, LANES)]
    ivl = idx_v[pl.ds((NT - 1) * LANES, LANES)]
    for q in range(SPW - LAG, SPW):
        p = q & (SETS - 1)
        sbase = (NT - 1) * LANES + q * QG
        extract(ut_hbm, blku, sem_u, cols_u, iul, q * QG, p, sbase)
        extract(vt_hbm, blkv, sem_v, cols_v, ivl, q * QG, p, sbase)

    @pl.loop(0, NT)
    def _(g):
        bb = g * LANES
        acc = jnp.zeros((LANES,), jnp.float32)
        for d in range(RANK):
            uu = cols_u[pl.ds(d * BPW + bb, LANES)]
            vv = cols_v[pl.ds(d * BPW + bb, LANES)]
            acc = acc + uu * vv
        out_v[pl.ds(bb, LANES)] = acc

    pltpu.async_copy(out_v, out_hbm.at[pl.ds(base, BPW)], sem_o).wait()


def kernel(idxs, U, V):
    idxs = idxs.astype(jnp.int32)
    uidx = idxs[:, 0]
    vidx = idxs[:, 1]
    mesh = plsc.VectorSubcoreMesh(core_axis_name="c", subcore_axis_name="s")
    cp = pltpu.CompilerParams()
    if "needs_layout_passes" in pltpu.CompilerParams.__dataclass_fields__:
        cp = dataclasses.replace(cp, needs_layout_passes=False)
    if "use_tc_tiling_on_sc" in pltpu.CompilerParams.__dataclass_fields__:
        cp = dataclasses.replace(cp, use_tc_tiling_on_sc=True)
    run = pl.kernel(
        _dot_gather_body,
        out_type=jax.ShapeDtypeStruct((BATCH,), jnp.float32),
        mesh=mesh,
        scratch_types=[
            pltpu.VMEM((BPW,), jnp.int32),
            pltpu.VMEM((BPW,), jnp.int32),
            pltpu.VMEM((RANK * BPW,), jnp.float32),
            pltpu.VMEM((RANK * BPW,), jnp.float32),
            pltpu.VMEM((SETS, QG, RANK, BLK), jnp.float32),
            pltpu.VMEM((SETS, QG, RANK, BLK), jnp.float32),
            pltpu.VMEM((BPW,), jnp.float32),
            pltpu.SemaphoreType.DMA((SETS,)),
            pltpu.SemaphoreType.DMA((SETS,)),
            pltpu.SemaphoreType.DMA,
        ],
        compiler_params=cp,
    )
    return run(uidx, vidx, U.T, V.T)

# --- scband reference (transcript-rebuilt; emitter-appended) ---
"""Pipeline reference for scband-matrix-factorization-78219944395137 (READ-ONLY COPY).

The authoritative reference and input builder live on the scoring server;
editing this copy changes nothing except your own understanding.
"""

import jax, jax.numpy as jnp
import numpy as np

N_USERS = 1000000
N_ITEMS = 1000000
RANK = 32
BATCH = 16384

def setup_inputs(seed: int = 0) -> dict:
    key = jax.random.key(seed)
    k_idx, k_u, k_v = jax.random.split(key, 3)
    idxs = jax.random.randint(k_idx, (BATCH, 2), 0, N_USERS, dtype=jnp.int64) if jax.config.jax_enable_x64 else jax.random.randint(k_idx, (BATCH, 2), 0, N_USERS, dtype=jnp.int32)
    U = jax.random.normal(k_u, (N_USERS, RANK), dtype=jnp.float32)
    V = jax.random.normal(k_v, (N_ITEMS, RANK), dtype=jnp.float32)
    return {"idxs": idxs, "U": U, "V": V}

def reference(idxs, U, V):
    u_idxs = idxs[:, 0]
    v_idxs = idxs[:, 1]
    u_emb = jnp.take(U, u_idxs, axis=0)
    v_emb = jnp.take(V, v_idxs, axis=0)
    return (u_emb * v_emb).sum(axis=1)

if __name__ == "__main__":
    import jax
    _d = setup_inputs()
    print(jax.jit(kernel)(*tuple(_d.values())))

</pallas_src>

<mosaic_0001>
#map = affine_map<(d0, d1) -> (0)>
#map1 = affine_map<(d0, d1) -> (0, 0)>
module attributes {stable_mosaic.version = 14 : i64} {
  func.func @_dot_gather_body(%arg0: i32, %arg1: i32, %arg2: memref<16384xi32, #tpu.memory_space<hbm>>, %arg3: memref<16384xi32, #tpu.memory_space<hbm>>, %arg4: memref<32x1000000xf32, #tpu.memory_space<hbm>>, %arg5: memref<32x1000000xf32, #tpu.memory_space<hbm>>, %arg6: memref<16384xf32, #tpu.memory_space<hbm>>, %arg7: memref<512xi32, #tpu.memory_space<vmem>>, %arg8: memref<512xi32, #tpu.memory_space<vmem>>, %arg9: memref<16384xf32, #tpu.memory_space<vmem>>, %arg10: memref<16384xf32, #tpu.memory_space<vmem>>, %arg11: memref<4x2x32x128xf32, #tpu.memory_space<vmem>>, %arg12: memref<4x2x32x128xf32, #tpu.memory_space<vmem>>, %arg13: memref<512xf32, #tpu.memory_space<vmem>>, %arg14: memref<4x!tpu.dma_semaphore, #tpu.memory_space<semaphore_mem>>, %arg15: memref<4x!tpu.dma_semaphore, #tpu.memory_space<semaphore_mem>>, %arg16: memref<!tpu.dma_semaphore, #tpu.memory_space<semaphore_mem>>) attributes {dimension_semantics = [#tpu.dimension_semantics<core_parallel>, #tpu.dimension_semantics<subcore_parallel>], iteration_bounds = array<i64: 2, 16>, scalar_prefetch = 0 : i64, scratch_operands = 10 : i64, tpu.core_type = #tpu.core_type<sc_vector_subcore>, window_params = [{transform_indices = #map}, {transform_indices = #map}, {transform_indices = #map1}, {transform_indices = #map1}, {transform_indices = #map}]} {
    %mul3A = arith.constant 2 : i32
    %mul3A_0 = arith.muli %arg1, %mul3A : i32
    %add3A = arith.addi %mul3A_0, %arg0 : i32
    %mul3A_1 = arith.constant 512 : i32
    %mul3A_2 = arith.muli %add3A, %mul3A_1 : i32
    %dma_start3A = tpu.memref_slice %arg2[%mul3A_2] : memref<16384xi32, #tpu.memory_space<hbm>> -> memref<512xi32, #tpu.memory_space<hbm>>
    %dma_start3A_3 = tpu.memref_slice %arg2[%mul3A_2] : memref<16384xi32, #tpu.memory_space<hbm>> -> memref<512xi32, #tpu.memory_space<hbm>>
    tpu.enqueue_dma source(%dma_start3A_3 : memref<512xi32, #tpu.memory_space<hbm>>) target(%arg7 : memref<512xi32, #tpu.memory_space<vmem>>) target_semaphore(%arg16 : memref<!tpu.dma_semaphore, #tpu.memory_space<semaphore_mem>>)
    %dma_start3A_4 = tpu.memref_slice %arg3[%mul3A_2] : memref<16384xi32, #tpu.memory_space<hbm>> -> memref<512xi32, #tpu.memory_space<hbm>>
    %dma_start3A_5 = tpu.memref_slice %arg3[%mul3A_2] : memref<16384xi32, #tpu.memory_space<hbm>> -> memref<512xi32, #tpu.memory_space<hbm>>
    tpu.enqueue_dma source(%dma_start3A_5 : memref<512xi32, #tpu.memory_space<hbm>>) target(%arg8 : memref<512xi32, #tpu.memory_space<vmem>>) target_semaphore(%arg16 : memref<!tpu.dma_semaphore, #tpu.memory_space<semaphore_mem>>)
    %dma_wait3A = tpu.memref_slice %arg2[%mul3A_2] : memref<16384xi32, #tpu.memory_space<hbm>> -> memref<512xi32, #tpu.memory_space<hbm>>
    %dma_wait3A_6 = tpu.memref_slice %arg2[%mul3A_2] : memref<16384xi32, #tpu.memory_space<hbm>> -> memref<512xi32, #tpu.memory_space<hbm>>
    tpu.wait_dma2 semaphore(%arg16 : memref<!tpu.dma_semaphore, #tpu.memory_space<semaphore_mem>>) src(%dma_wait3A_6 : memref<512xi32, #tpu.memory_space<hbm>>) dst(%arg7 : memref<512xi32, #tpu.memory_space<vmem>>)
    %dma_wait3A_7 = tpu.memref_slice %arg3[%mul3A_2] : memref<16384xi32, #tpu.memory_space<hbm>> -> memref<512xi32, #tpu.memory_space<hbm>>
    %dma_wait3A_8 = tpu.memref_slice %arg3[%mul3A_2] : memref<16384xi32, #tpu.memory_space<hbm>> -> memref<512xi32, #tpu.memory_space<hbm>>
    tpu.wait_dma2 semaphore(%arg16 : memref<!tpu.dma_semaphore, #tpu.memory_space<semaphore_mem>>) src(%dma_wait3A_8 : memref<512xi32, #tpu.memory_space<hbm>>) dst(%arg8 : memref<512xi32, #tpu.memory_space<vmem>>)
    %iota3A = tpu.iota {dimensions = array<i32: 0>} : vector<16xi32>
    %scan3A = arith.constant 0 : i32
    %scan3A_9 = arith.constant 32 : i32
    %scan3A_10 = arith.addi %scan3A, %scan3A_9 : i32
    %scan3A_11 = arith.constant 1 : i32
    scf.for %scan3A_584 = %scan3A to %scan3A_10 step %scan3A_11  : i32 {
      %mul3A_585 = arith.constant 1 : i32
      %mul3A_586 = arith.muli %scan3A_584, %mul3A_585 : i32
      %add3A_587 = arith.constant 0 : i32
      %add3A_588 = arith.addi %add3A_587, %mul3A_586 : i32
      %mul3A_589 = arith.constant 16 : i32
      %mul3A_590 = arith.muli %add3A_588, %mul3A_589 : i32
      %get3A_591 = arith.index_cast %mul3A_590 : i32 to index
      %get3A_592 = tpu.vector_load %arg7[%get3A_591] {strides = array<i32>} : memref<512xi32, #tpu.memory_space<vmem>>, vector<16xi32>,
      %mul3A_593 = arith.constant 16 : i32
      %mul3A_594 = arith.muli %add3A_588, %mul3A_593 : i32
      %get3A_595 = arith.index_cast %mul3A_594 : i32 to index
      %get3A_596 = tpu.vector_load %arg8[%get3A_595] {strides = array<i32>} : memref<512xi32, #tpu.memory_space<vmem>>, vector<16xi32>,
      %slice3A_597 = vector.extract_strided_slice %get3A_592 {offsets = [0], sizes = [1], strides = [1]} : vector<16xi32> to vector<1xi32>
      %squeeze3A_598 = vector.extract %slice3A_597[0] : i32 from vector<1xi32>
      %shift_right_arithmetic3A = arith.constant 7 : i32
      %shift_right_arithmetic3A_599 = arith.shrsi %squeeze3A_598, %shift_right_arithmetic3A : i32
      %mul3A_600 = arith.constant 128 : i32
      %mul3A_601 = arith.muli %shift_right_arithmetic3A_599, %mul3A_600 : i32
      %multiple_of3A = tpu.assume_multiple %mul3A_601, 128 : i32
      %dma_start3A_602 = arith.constant 0 : i32
      %dma_start3A_603 = arith.constant 0 : i32
      %dma_start3A_604 = arith.constant 0 : i32
      %dma_start3A_605 = arith.constant 0 : i32
      %dma_start3A_606 = arith.constant 0 : i32
      %dma_start3A_607 = tpu.memref_slice %arg11[%dma_start3A_602, %dma_start3A_603, %dma_start3A_605, %dma_start3A_606] : memref<4x2x32x128xf32, #tpu.memory_space<vmem>> -> memref<1x1x32x128xf32, #tpu.memory_space<vmem>>
      %dma_start3A_608 = tpu.memref_squeeze %dma_start3A_607 : memref<1x1x32x128xf32, #tpu.memory_space<vmem>> -> memref<32x128xf32, #tpu.memory_space<vmem>>
      %dma_start3A_609 = arith.constant 0 : i32
      %dma_start3A_610 = tpu.memref_slice %arg4[%dma_start3A_609, %multiple_of3A] : memref<32x1000000xf32, #tpu.memory_space<hbm>> -> memref<32x128xf32, #tpu.memory_space<hbm>>
      %dma_start3A_611 = tpu.memref_slice %arg14[%dma_start3A_604] : memref<4x!tpu.dma_semaphore, #tpu.memory_space<semaphore_mem>> -> memref<1x!tpu.dma_semaphore, #tpu.memory_space<semaphore_mem>>
      %dma_start3A_612 = tpu.memref_squeeze %dma_start3A_611 : memref<1x!tpu.dma_semaphore, #tpu.memory_space<semaphore_mem>> -> memref<!tpu.dma_semaphore, #tpu.memory_space<semaphore_mem>>
      %dma_start3A_613 = arith.constant 0 : i32
      %dma_start3A_614 = arith.constant 0 : i32
      %dma_start3A_615 = tpu.memref_slice %arg11[%dma_start3A_602, %dma_start3A_603, %dma_start3A_613, %dma_start3A_614] : memref<4x2x32x128xf32, #tpu.memory_space<vmem>> -> memref<1x1x32x128xf32, #tpu.memory_space<vmem>>
      %dma_start3A_616 = tpu.memref_squeeze %dma_start3A_615 : memref<1x1x32x128xf32, #tpu.memory_space<vmem>> -> memref<32x128xf32, #tpu.memory_space<vmem>>
      %dma_start3A_617 = arith.constant 0 : i32
      %dma_start3A_618 = tpu.memref_slice %arg4[%dma_start3A_617, %multiple_of3A] : memref<32x1000000xf32, #tpu.memory_space<hbm>> -> memref<32x128xf32, #tpu.memory_space<hbm>>
      tpu.enqueue_dma source(%dma_start3A_618 : memref<32x128xf32, #tpu.memory_space<hbm>>) target(%dma_start3A_616 : memref<32x128xf32, #tpu.memory_space<vmem>>) target_semaphore(%dma_start3A_612 : memref<!tpu.dma_semaphore, #tpu.memory_space<semaphore_mem>>)
      %slice3A_619 = vector.extract_strided_slice %get3A_592 {offsets = [1], sizes = [1], strides = [1]} : vector<16xi32> to vector<1xi32>
      %squeeze3A_620 = vector.extract %slice3A_619[0] : i32 from vector<1xi32>
      %shift_right_arithmetic3A_621 = arith.constant 7 : i32
      %shift_right_arithmetic3A_622 = arith.shrsi %squeeze3A_620, %shift_right_arithmetic3A_621 : i32
      %mul3A_623 = arith.constant 128 : i32
      %mul3A_624 = arith.muli %shift_right_arithmetic3A_622, %mul3A_623 : i32
      %multiple_of3A_625 = tpu.assume_multiple %mul3A_624, 128 : i32
      %dma_start3A_626 = arith.constant 0 : i32
      %dma_start3A_627 = arith.constant 1 : i32
      %dma_start3A_628 = arith.constant 0 : i32
      %dma_start3A_629 = arith.constant 0 : i32
      %dma_start3A_630 = arith.constant 0 : i32
      %dma_start3A_631 = tpu.memref_slice %arg11[%dma_start3A_626, %dma_start3A_627, %dma_start3A_629, %dma_start3A_630] : memref<4x2x32x128xf32, #tpu.memory_space<vmem>> -> memref<1x1x32x128xf32, #tpu.memory_space<vmem>>
      %dma_start3A_632 = tpu.memref_squeeze %dma_start3A_631 : memref<1x1x32x128xf32, #tpu.memory_space<vmem>> -> memref<32x128xf32, #tpu.memory_space<vmem>>
      %dma_start3A_633 = arith.constant 0 : i32
      %dma_start3A_634 = tpu.memref_slice %arg4[%dma_start3A_633, %multiple_of3A_625] : memref<32x1000000xf32, #tpu.memory_space<hbm>> -> memref<32x128xf32, #tpu.memory_space<hbm>>
      %dma_start3A_635 = tpu.memref_slice %arg14[%dma_start3A_628] : memref<4x!tpu.dma_semaphore, #tpu.memory_space<semaphore_mem>> -> memref<1x!tpu.dma_semaphore, #tpu.memory_space<semaphore_mem>>
      %dma_start3A_636 = tpu.memref_squeeze %dma_start3A_635 : memref<1x!tpu.dma_semaphore, #tpu.memory_space<semaphore_mem>> -> memref<!tpu.dma_semaphore, #tpu.memory_space<semaphore_mem>>
      %dma_start3A_637 = arith.constant 0 : i32
      %dma_start3A_638 = arith.constant 0 : i32
      %dma_start3A_639 = tpu.memref_slice %arg11[%dma_start3A_626, %dma_start3A_627, %dma_start3A_637, %dma_start3A_638] : memref<4x2x32x128xf32, #tpu.memory_space<vmem>> -> memref<1x1x32x128xf32, #tpu.memory_space<vmem>>
      %dma_start3A_640 = tpu.memref_squeeze %dma_start3A_639 : memref<1x1x32x128xf32, #tpu.memory_space<vmem>> -> memref<32x128xf32, #tpu.memory_space<vmem>>
      %dma_start3A_641 = arith.constant 0 : i32
      %dma_start3A_642 = tpu.memref_slice %arg4[%dma_start3A_641, %multiple_of3A_625] : memref<32x1000000xf32, #tpu.memory_space<hbm>> -> memref<32x128xf32, #tpu.memory_space<hbm>>
      tpu.enqueue_dma source(%dma_start3A_642 : memref<32x128xf32, #tpu.memory_space<hbm>>) target(%dma_start3A_640 : memref<32x128xf32, #tpu.memory_space<vmem>>) target_semaphore(%dma_start3A_636 : memref<!tpu.dma_semaphore, #tpu.memory_space<semaphore_mem>>)
      %slice3A_643 = vector.extract_strided_slice %get3A_596 {offsets = [0], sizes = [1], strides = [1]} : vector<16xi32> to vector<1xi32>
      %squeeze3A_644 = vector.extract %slice3A_643[0] : i32 from vector<1xi32>
      %shift_right_arithmetic3A_645 = arith.constant 7 : i32
      %shift_right_arithmetic3A_646 = arith.shrsi %squeeze3A_644, %shift_right_arithmetic3A_645 : i32
      %mul3A_647 = arith.constant 128 : i32
      %mul3A_648 = arith.muli %shift_right_arithmetic3A_646, %mul3A_647 : i32
      %multiple_of3A_649 = tpu.assume_multiple %mul3A_648, 128 : i32
      %dma_start3A_650 = arith.constant 0 : i32
      %dma_start3A_651 = arith.constant 0 : i32
      %dma_start3A_652 = arith.constant 0 : i32
      %dma_start3A_653 = arith.constant 0 : i32
      %dma_start3A_654 = arith.constant 0 : i32
      %dma_start3A_655 = tpu.memref_slice %arg12[%dma_start3A_650, %dma_start3A_651, %dma_start3A_653, %dma_start3A_654] : memref<4x2x32x128xf32, #tpu.memory_space<vmem>> -> memref<1x1x32x128xf32, #tpu.memory_space<vmem>>
      %dma_start3A_656 = tpu.memref_squeeze %dma_start3A_655 : memref<1x1x32x128xf32, #tpu.memory_space<vmem>> -> memref<32x128xf32, #tpu.memory_space<vmem>>
      %dma_start3A_657 = arith.constant 0 : i32
      %dma_start3A_658 = tpu.memref_slice %arg5[%dma_start3A_657, %multiple_of3A_649] : memref<32x1000000xf32, #tpu.memory_space<hbm>> -> memref<32x128xf32, #tpu.memory_space<hbm>>
      %dma_start3A_659 = tpu.memref_slice %arg15[%dma_start3A_652] : memref<4x!tpu.dma_semaphore, #tpu.memory_space<semaphore_mem>> -> memref<1x!tpu.dma_semaphore, #tpu.memory_space<semaphore_mem>>
      %dma_start3A_660 = tpu.memref_squeeze %dma_start3A_659 : memref<1x!tpu.dma_semaphore, #tpu.memory_space<semaphore_mem>> -> memref<!tpu.dma_semaphore, #tpu.memory_space<semaphore_mem>>
      %dma_start3A_661 = arith.constant 0 : i32
      %dma_start3A_662 = arith.constant 0 : i32
      %dma_start3A_663 = tpu.memref_slice %arg12[%dma_start3A_650, %dma_start3A_651, %dma_start3A_661, %dma_start3A_662] : memref<4x2x32x128xf32, #tpu.memory_space<vmem>> -> memref<1x1x32x128xf32, #tpu.memory_space<vmem>>
      %dma_start3A_664 = tpu.memref_squeeze %dma_start3A_663 : memref<1x1x32x128xf32, #tpu.memory_space<vmem>> -> memref<32x128xf32, #tpu.memory_space<vmem>>
      %dma_start3A_665 = arith.constant 0 : i32
      %dma_start3A_666 = tpu.memref_slice %arg5[%dma_start3A_665, %multiple_of3A_649] : memref<32x1000000xf32, #tpu.memory_space<hbm>> -> memref<32x128xf32, #tpu.memory_space<hbm>>
      tpu.enqueue_dma source(%dma_start3A_666 : memref<32x128xf32, #tpu.memory_space<hbm>>) target(%dma_start3A_664 : memref<32x128xf32, #tpu.memory_space<vmem>>) target_semaphore(%dma_start3A_660 : memref<!tpu.dma_semaphore, #tpu.memory_space<semaphore_mem>>)
      %slice3A_667 = vector.extract_strided_slice %get3A_596 {offsets = [1], sizes = [1], strides = [1]} : vector<16xi32> to vector<1xi32>
      %squeeze3A_668 = vector.extract %slice3A_667[0] : i32 from vector<1xi32>
      %shift_right_arithmetic3A_669 = arith.constant 7 : i32
      %shift_right_arithmetic3A_670 = arith.shrsi %squeeze3A_668, %shift_right_arithmetic3A_669 : i32
      %mul3A_671 = arith.constant 128 : i32
      %mul3A_672 = arith.muli %shift_right_arithmetic3A_670, %mul3A_671 : i32
      %multiple_of3A_673 = tpu.assume_multiple %mul3A_672, 128 : i32
      %dma_start3A_674 = arith.constant 0 : i32
      %dma_start3A_675 = arith.constant 1 : i32
      %dma_start3A_676 = arith.constant 0 : i32
      %dma_start3A_677 = arith.constant 0 : i32
      %dma_start3A_678 = arith.constant 0 : i32
      %dma_start3A_679 = tpu.memref_slice %arg12[%dma_start3A_674, %dma_start3A_675, %dma_start3A_677, %dma_start3A_678] : memref<4x2x32x128xf32, #tpu.memory_space<vmem>> -> memref<1x1x32x128xf32, #tpu.memory_space<vmem>>
      %dma_start3A_680 = tpu.memref_squeeze %dma_start3A_679 : memref<1x1x32x128xf32, #tpu.memory_space<vmem>> -> memref<32x128xf32, #tpu.memory_space<vmem>>
      %dma_start3A_681 = arith.constant 0 : i32
      %dma_start3A_682 = tpu.memref_slice %arg5[%dma_start3A_681, %multiple_of3A_673] : memref<32x1000000xf32, #tpu.memory_space<hbm>> -> memref<32x128xf32, #tpu.memory_space<hbm>>
      %dma_start3A_683 = tpu.memref_slice %arg15[%dma_start3A_676] : memref<4x!tpu.dma_semaphore, #tpu.memory_space<semaphore_mem>> -> memref<1x!tpu.dma_semaphore, #tpu.memory_space<semaphore_mem>>
      %dma_start3A_684 = tpu.memref_squeeze %dma_start3A_683 : memref<1x!tpu.dma_semaphore, #tpu.memory_space<semaphore_mem>> -> memref<!tpu.dma_semaphore, #tpu.memory_space<semaphore_mem>>
      %dma_start3A_685 = arith.constant 0 : i32
      %dma_start3A_686 = arith.constant 0 : i32
      %dma_start3A_687 = tpu.memref_slice %arg12[%dma_start3A_674, %dma_start3A_675, %dma_start3A_685, %dma_start3A_686] : memref<4x2x32x128xf32, #tpu.memory_space<vmem>> -> memref<1x1x32x128xf32, #tpu.memory_space<vmem>>
      %dma_start3A_688 = tpu.memref_squeeze %dma_start3A_687 : memref<1x1x32x128xf32, #tpu.memory_space<vmem>> -> memref<32x128xf32, #tpu.memory_space<vmem>>
      %dma_start3A_689 = arith.constant 0 : i32
      %dma_start3A_690 = tpu.memref_slice %arg5[%dma_start3A_689, %multiple_of3A_673] : memref<32x1000000xf32, #tpu.memory_space<hbm>> -> memref<32x128xf32, #tpu.memory_space<hbm>>
      tpu.enqueue_dma source(%dma_start3A_690 : memref<32x128xf32, #tpu.memory_space<hbm>>) target(%dma_start3A_688 : memref<32x128xf32, #tpu.memory_space<vmem>>) target_semaphore(%dma_start3A_684 : memref<!tpu.dma_semaphore, #tpu.memory_space<semaphore_mem>>)
      %mul3A_691 = arith.constant 16 : i32
      %mul3A_692 = arith.muli %add3A_588, %mul3A_691 : i32
      %add3A_693 = arith.constant -6 : i32
      %add3A_694 = arith.addi %mul3A_692, %add3A_693 : i32
      %gt3A = arith.constant 0 : i32
      %gt3A_695 = arith.cmpi sgt, %add3A_588, %gt3A : i32
      %convert_element_type3A = arith.extui %gt3A_695 : i1 to i32
      %cond3A = arith.constant 0 : i32
      %cond3A_696 = arith.cmpi ne, %convert_element_type3A, %cond3A : i32
      scf.if %cond3A_696 {
        %sub3A = arith.constant 1 : i32
        %sub3A_2347 = arith.subi %add3A_588, %sub3A : i32
        %mul3A_2348 = arith.constant 16 : i32
        %mul3A_2349 = arith.muli %sub3A_2347, %mul3A_2348 : i32
        %get3A_2350 = arith.index_cast %mul3A_2349 : i32 to index
        %get3A_2351 = tpu.vector_load %arg7[%get3A_2350] {strides = array<i32>} : memref<512xi32, #tpu.memory_space<vmem>>, vector<16xi32>,
        %sub3A_2352 = arith.constant 1 : i32
        %sub3A_2353 = arith.subi %add3A_588, %sub3A_2352 : i32
        %mul3A_2354 = arith.constant 16 : i32
        %mul3A_2355 = arith.muli %sub3A_2353, %mul3A_2354 : i32
        %get3A_2356 = arith.index_cast %mul3A_2355 : i32 to index
        %get3A_2357 = tpu.vector_load %arg8[%get3A_2356] {strides = array<i32>} : memref<512xi32, #tpu.memory_space<vmem>>, vector<16xi32>,
        %dma_wait3A_2358 = arith.constant 1 : i32
        %dma_wait3A_2359 = arith.constant 0 : i32
        %dma_wait3A_2360 = arith.constant 1 : i32
        %dma_wait3A_2361 = arith.constant 0 : i32
        %dma_wait3A_2362 = arith.constant 0 : i32
        %dma_wait3A_2363 = tpu.memref_slice %arg11[%dma_wait3A_2358, %dma_wait3A_2359, %dma_wait3A_2361, %dma_wait3A_2362] : memref<4x2x32x128xf32, #tpu.memory_space<vmem>> -> memref<1x1x32x128xf32, #tpu.memory_space<vmem>>
        %dma_wait3A_2364 = tpu.memref_squeeze %dma_wait3A_2363 : memref<1x1x32x128xf32, #tpu.memory_space<vmem>> -> memref<32x128xf32, #tpu.memory_space<vmem>>
        %dma_wait3A_2365 = arith.constant 0 : i32
        %dma_wait3A_2366 = arith.constant 0 : i32
        %dma_wait3A_2367 = tpu.memref_slice %arg4[%dma_wait3A_2365, %dma_wait3A_2366] : memref<32x1000000xf32, #tpu.memory_space<hbm>> -> memref<32x128xf32, #tpu.memory_space<hbm>>
        %dma_wait3A_2368 = tpu.memref_slice %arg14[%dma_wait3A_2360] : memref<4x!tpu.dma_semaphore, #tpu.memory_space<semaphore_mem>> -> memref<1x!tpu.dma_semaphore, #tpu.memory_space<semaphore_mem>>
        %dma_wait3A_2369 = tpu.memref_squeeze %dma_wait3A_2368 : memref<1x!tpu.dma_semaphore, #tpu.memory_space<semaphore_mem>> -> memref<!tpu.dma_semaphore, #tpu.memory_space<semaphore_mem>>
        %dma_wait3A_2370 = arith.constant 0 : i32
        %dma_wait3A_2371 = arith.constant 0 : i32
        %dma_wait3A_2372 = tpu.memref_slice %arg11[%dma_wait3A_2358, %dma_wait3A_2359, %dma_wait3A_2370, %dma_wait3A_2371] : memref<4x2x32x128xf32, #tpu.memory_space<vmem>> -> memref<1x1x32x128xf32, #tpu.memory_space<vmem>>
        %dma_wait3A_2373 = tpu.memref_squeeze %dma_wait3A_2372 : memref<1x1x32x128xf32, #tpu.memory_space<vmem>> -> memref<32x128xf32, #tpu.memory_space<vmem>>
        %dma_wait3A_2374 = arith.constant 0 : i32
        %dma_wait3A_2375 = arith.constant 0 : i32
        %dma_wait3A_2376 = tpu.memref_slice %arg4[%dma_wait3A_2374, %dma_wait3A_2375] : memref<32x1000000xf32, #tpu.memory_space<hbm>> -> memref<32x128xf32, #tpu.memory_space<hbm>>
        tpu.wait_dma2 semaphore(%dma_wait3A_2369 : memref<!tpu.dma_semaphore, #tpu.memory_space<semaphore_mem>>) src(%dma_wait3A_2376 : memref<32x128xf32, #tpu.memory_space<hbm>>) dst(%dma_wait3A_2373 : memref<32x128xf32, #tpu.memory_space<vmem>>)
        %dma_wait3A_2377 = arith.constant 1 : i32
        %dma_wait3A_2378 = arith.constant 1 : i32
        %dma_wait3A_2379 = arith.constant 1 : i32
        %dma_wait3A_2380 = arith.constant 0 : i32
        %dma_wait3A_2381 = arith.constant 0 : i32
        %dma_wait3A_2382 = tpu.memref_slice %arg11[%dma_wait3A_2377, %dma_wait3A_2378, %dma_wait3A_2380, %dma_wait3A_2381] : memref<4x2x32x128xf32, #tpu.memory_space<vmem>> -> memref<1x1x32x128xf32, #tpu.memory_space<vmem>>
        %dma_wait3A_2383 = tpu.memref_squeeze %dma_wait3A_2382 : memref<1x1x32x128xf32, #tpu.memory_space<vmem>> -> memref<32x128xf32, #tpu.memory_space<vmem>>
        %dma_wait3A_2384 = arith.constant 0 : i32
        %dma_wait3A_2385 = arith.constant 0 : i32
        %dma_wait3A_2386 = tpu.memref_slice %arg4[%dma_wait3A_2384, %dma_wait3A_2385] : memref<32x1000000xf32, #tpu.memory_space<hbm>> -> memref<32x128xf32, #tpu.memory_space<hbm>>
        %dma_wait3A_2387 = tpu.memref_slice %arg14[%dma_wait3A_2379] : memref<4x!tpu.dma_semaphore, #tpu.memory_space<semaphore_mem>> -> memref<1x!tpu.dma_semaphore, #tpu.memory_space<semaphore_mem>>
        %dma_wait3A_2388 = tpu.memref_squeeze %dma_wait3A_2387 : memref<1x!tpu.dma_semaphore, #tpu.memory_space<semaphore_mem>> -> memref<!tpu.dma_semaphore, #tpu.memory_space<semaphore_mem>>
        %dma_wait3A_2389 = arith.constant 0 : i32
        %dma_wait3A_2390 = arith.constant 0 : i32
        %dma_wait3A_2391 = tpu.memref_slice %arg11[%dma_wait3A_2377, %dma_wait3A_2378, %dma_wait3A_2389, %dma_wait3A_2390] : memref<4x2x32x128xf32, #tpu.memory_space<vmem>> -> memref<1x1x32x128xf32, #tpu.memory_space<vmem>>
        %dma_wait3A_2392 = tpu.memref_squeeze %dma_wait3A_2391 : memref<1x1x32x128xf32, #tpu.memory_space<vmem>> -> memref<32x128xf32, #tpu.memory_space<vmem>>
        %dma_wait3A_2393 = arith.constant 0 : i32
        %dma_wait3A_2394 = arith.constant 0 : i32
        %dma_wait3A_2395 = tpu.memref_slice %arg4[%dma_wait3A_2393, %dma_wait3A_2394] : memref<32x1000000xf32, #tpu.memory_space<hbm>> -> memref<32x128xf32, #tpu.memory_space<hbm>>
        tpu.wait_dma2 semaphore(%dma_wait3A_2388 : memref<!tpu.dma_semaphore, #tpu.memory_space<semaphore_mem>>) src(%dma_wait3A_2395 : memref<32x128xf32, #tpu.memory_space<hbm>>) dst(%dma_wait3A_2392 : memref<32x128xf32, #tpu.memory_space<vmem>>)
        %broadcast_in_dim3A_2396 = arith.constant 1 : i32
        %broadcast_in_dim3A_2397 = vector.broadcast %broadcast_in_dim3A_2396 : i32 to vector<16xi32>
        %add3A_2398 = arith.constant 0 : i32
        %add3A_2399 = arith.addi %add3A_694, %add3A_2398 : i32
        %slice3A_2400 = vector.extract_strided_slice %get3A_2351 {offsets = [10], sizes = [1], strides = [1]} : vector<16xi32> to vector<1xi32>
        %squeeze3A_2401 = vector.extract %slice3A_2400[0] : i32 from vector<1xi32>
        %and3A_2402 = arith.constant 127 : i32
        %and3A_2403 = arith.andi %squeeze3A_2401, %and3A_2402 : i32
        %broadcast_in_dim3A_2404 = vector.broadcast %and3A_2403 : i32 to vector<16xi32>
        %broadcast_in_dim3A_2405 = arith.constant 0 : i32
        %broadcast_in_dim3A_2406 = vector.broadcast %broadcast_in_dim3A_2405 : i32 to vector<16xi32>
        %gather3A_2407 = tpu.vector_load_idx %arg11[%broadcast_in_dim3A_2397, %broadcast_in_dim3A_2406, %iota3A, %broadcast_in_dim3A_2404] : memref<4x2x32x128xf32, #tpu.memory_space<vmem>>[vector<16xi32>, vector<16xi32>, vector<16xi32>, vector<16xi32>], vector<16xf32>,
        %add3A_2408 = arith.constant 16 : i32
        %add3A_2409 = vector.broadcast %add3A_2408 : i32 to vector<16xi32>
        %add3A_2410 = arith.addi %add3A_2409, %iota3A : vector<16xi32>
        %gather3A_2411 = tpu.vector_load_idx %arg11[%broadcast_in_dim3A_2397, %broadcast_in_dim3A_2406, %add3A_2410, %broadcast_in_dim3A_2404] : memref<4x2x32x128xf32, #tpu.memory_space<vmem>>[vector<16xi32>, vector<16xi32>, vector<16xi32>, vector<16xi32>], vector<16xf32>,
        %mul3A_2412 = arith.constant 512 : i32
        %mul3A_2413 = vector.broadcast %mul3A_2412 : i32 to vector<16xi32>
        %mul3A_2414 = arith.muli %iota3A, %mul3A_2413 : vector<16xi32>
        %add3A_2415 = vector.broadcast %add3A_2399 : i32 to vector<16xi32>
        %add3A_2416 = arith.addi %mul3A_2414, %add3A_2415 : vector<16xi32>
        tpu.vector_store_idx %arg9[%add3A_2416], %gather3A_2407 : memref<16384xf32, #tpu.memory_space<vmem>>[vector<16xi32>], vector<16xf32>,
        %add3A_2417 = arith.constant 16 : i32
        %add3A_2418 = vector.broadcast %add3A_2417 : i32 to vector<16xi32>
        %add3A_2419 = arith.addi %add3A_2418, %iota3A : vector<16xi32>
        %mul3A_2420 = arith.constant 512 : i32
        %mul3A_2421 = vector.broadcast %mul3A_2420 : i32 to vector<16xi32>
        %mul3A_2422 = arith.muli %add3A_2419, %mul3A_2421 : vector<16xi32>
        %add3A_2423 = vector.broadcast %add3A_2399 : i32 to vector<16xi32>
        %add3A_2424 = arith.addi %mul3A_2422, %add3A_2423 : vector<16xi32>
        tpu.vector_store_idx %arg9[%add3A_2424], %gather3A_2411 : memref<16384xf32, #tpu.memory_space<vmem>>[vector<16xi32>], vector<16xf32>,
        %add3A_2425 = arith.constant 1 : i32
        %add3A_2426 = arith.addi %add3A_694, %add3A_2425 : i32
        %slice3A_2427 = vector.extract_strided_slice %get3A_2351 {offsets = [11], sizes = [1], strides = [1]} : vector<16xi32> to vector<1xi32>
        %squeeze3A_2428 = vector.extract %slice3A_2427[0] : i32 from vector<1xi32>
        %and3A_2429 = arith.constant 127 : i32
        %and3A_2430 = arith.andi %squeeze3A_2428, %and3A_2429 : i32
        %broadcast_in_dim3A_2431 = vector.broadcast %and3A_2430 : i32 to vector<16xi32>
        %broadcast_in_dim3A_2432 = arith.constant 1 : i32
        %broadcast_in_dim3A_2433 = vector.broadcast %broadcast_in_dim3A_2432 : i32 to vector<16xi32>
        %gather3A_2434 = tpu.vector_load_idx %arg11[%broadcast_in_dim3A_2397, %broadcast_in_dim3A_2433, %iota3A, %broadcast_in_dim3A_2431] : memref<4x2x32x128xf32, #tpu.memory_space<vmem>>[vector<16xi32>, vector<16xi32>, vector<16xi32>, vector<16xi32>], vector<16xf32>,
        %add3A_2435 = arith.constant 16 : i32
        %add3A_2436 = vector.broadcast %add3A_2435 : i32 to vector<16xi32>
        %add3A_2437 = arith.addi %add3A_2436, %iota3A : vector<16xi32>
        %gather3A_2438 = tpu.vector_load_idx %arg11[%broadcast_in_dim3A_2397, %broadcast_in_dim3A_2433, %add3A_2437, %broadcast_in_dim3A_2431] : memref<4x2x32x128xf32, #tpu.memory_space<vmem>>[vector<16xi32>, vector<16xi32>, vector<16xi32>, vector<16xi32>], vector<16xf32>,
        %mul3A_2439 = arith.constant 512 : i32
        %mul3A_2440 = vector.broadcast %mul3A_2439 : i32 to vector<16xi32>
        %mul3A_2441 = arith.muli %iota3A, %mul3A_2440 : vector<16xi32>
        %add3A_2442 = vector.broadcast %add3A_2426 : i32 to vector<16xi32>
        %add3A_2443 = arith.addi %mul3A_2441, %add3A_2442 : vector<16xi32>
        tpu.vector_store_idx %arg9[%add3A_2443], %gather3A_2434 : memref<16384xf32, #tpu.memory_space<vmem>>[vector<16xi32>], vector<16xf32>,
        %add3A_2444 = arith.constant 16 : i32
        %add3A_2445 = vector.broadcast %add3A_2444 : i32 to vector<16xi32>
        %add3A_2446 = arith.addi %add3A_2445, %iota3A : vector<16xi32>
        %mul3A_2447 = arith.constant 512 : i32
        %mul3A_2448 = vector.broadcast %mul3A_2447 : i32 to vector<16xi32>
        %mul3A_2449 = arith.muli %add3A_2446, %mul3A_2448 : vector<16xi32>
        %add3A_2450 = vector.broadcast %add3A_2426 : i32 to vector<16xi32>
        %add3A_2451 = arith.addi %mul3A_2449, %add3A_2450 : vector<16xi32>
        tpu.vector_store_idx %arg9[%add3A_2451], %gather3A_2438 : memref<16384xf32, #tpu.memory_space<vmem>>[vector<16xi32>], vector<16xf32>,
        %dma_wait3A_2452 = arith.constant 1 : i32
        %dma_wait3A_2453 = arith.constant 0 : i32
        %dma_wait3A_2454 = arith.constant 1 : i32
        %dma_wait3A_2455 = arith.constant 0 : i32
        %dma_wait3A_2456 = arith.constant 0 : i32
        %dma_wait3A_2457 = tpu.memref_slice %arg12[%dma_wait3A_2452, %dma_wait3A_2453, %dma_wait3A_2455, %dma_wait3A_2456] : memref<4x2x32x128xf32, #tpu.memory_space<vmem>> -> memref<1x1x32x128xf32, #tpu.memory_space<vmem>>
        %dma_wait3A_2458 = tpu.memref_squeeze %dma_wait3A_2457 : memref<1x1x32x128xf32, #tpu.memory_space<vmem>> -> memref<32x128xf32, #tpu.memory_space<vmem>>
        %dma_wait3A_2459 = arith.constant 0 : i32
        %dma_wait3A_2460 = arith.constant 0 : i32
        %dma_wait3A_2461 = tpu.memref_slice %arg5[%dma_wait3A_2459, %dma_wait3A_2460] : memref<32x1000000xf32, #tpu.memory_space<hbm>> -> memref<32x128xf32, #tpu.memory_space<hbm>>
        %dma_wait3A_2462 = tpu.memref_slice %arg15[%dma_wait3A_2454] : memref<4x!tpu.dma_semaphore, #tpu.memory_space<semaphore_mem>> -> memref<1x!tpu.dma_semaphore, #tpu.memory_space<semaphore_mem>>
        %dma_wait3A_2463 = tpu.memref_squeeze %dma_wait3A_2462 : memref<1x!tpu.dma_semaphore, #tpu.memory_space<semaphore_mem>> -> memref<!tpu.dma_semaphore, #tpu.memory_space<semaphore_mem>>
        %dma_wait3A_2464 = arith.constant 0 : i32
        %dma_wait3A_2465 = arith.constant 0 : i32
        %dma_wait3A_2466 = tpu.memref_slice %arg12[%dma_wait3A_2452, %dma_wait3A_2453, %dma_wait3A_2464, %dma_wait3A_2465] : memref<4x2x32x128xf32, #tpu.memory_space<vmem>> -> memref<1x1x32x128xf32, #tpu.memory_space<vmem>>
        %dma_wait3A_2467 = tpu.memref_squeeze %dma_wait3A_2466 : memref<1x1x32x128xf32, #tpu.memory_space<vmem>> -> memref<32x128xf32, #tpu.memory_space<vmem>>
        %dma_wait3A_2468 = arith.constant 0 : i32
        %dma_wait3A_2469 = arith.constant 0 : i32
        %dma_wait3A_2470 = tpu.memref_slice %arg5[%dma_wait3A_2468, %dma_wait3A_2469] : memref<32x1000000xf32, #tpu.memory_space<hbm>> -> memref<32x128xf32, #tpu.memory_space<hbm>>
        tpu.wait_dma2 semaphore(%dma_wait3A_2463 : memref<!tpu.dma_semaphore, #tpu.memory_space<semaphore_mem>>) src(%dma_wait3A_2470 : memref<32x128xf32, #tpu.memory_space<hbm>>) dst(%dma_wait3A_2467 : memref<32x128xf32, #tpu.memory_space<vmem>>)
        %dma_wait3A_2471 = arith.constant 1 : i32
        %dma_wait3A_2472 = arith.constant 1 : i32
        %dma_wait3A_2473 = arith.constant 1 : i32
        %dma_wait3A_2474 = arith.constant 0 : i32
        %dma_wait3A_2475 = arith.constant 0 : i32
        %dma_wait3A_2476 = tpu.memref_slice %arg12[%dma_wait3A_2471, %dma_wait3A_2472, %dma_wait3A_2474, %dma_wait3A_2475] : memref<4x2x32x128xf32, #tpu.memory_space<vmem>> -> memref<1x1x32x128xf32, #tpu.memory_space<vmem>>
        %dma_wait3A_2477 = tpu.memref_squeeze %dma_wait3A_2476 : memref<1x1x32x128xf32, #tpu.memory_space<vmem>> -> memref<32x128xf32, #tpu.memory_space<vmem>>
        %dma_wait3A_2478 = arith.constant 0 : i32
        %dma_wait3A_2479 = arith.constant 0 : i32
        %dma_wait3A_2480 = tpu.memref_slice %arg5[%dma_wait3A_2478, %dma_wait3A_2479] : memref<32x1000000xf32, #tpu.memory_space<hbm>> -> memref<32x128xf32, #tpu.memory_space<hbm>>
        %dma_wait3A_2481 = tpu.memref_slice %arg15[%dma_wait3A_2473] : memref<4x!tpu.dma_semaphore, #tpu.memory_space<semaphore_mem>> -> memref<1x!tpu.dma_semaphore, #tpu.memory_space<semaphore_mem>>
        %dma_wait3A_2482 = tpu.memref_squeeze %dma_wait3A_2481 : memref<1x!tpu.dma_semaphore, #tpu.memory_space<semaphore_mem>> -> memref<!tpu.dma_semaphore, #tpu.memory_space<semaphore_mem>>
        %dma_wait3A_2483 = arith.constant 0 : i32
        %dma_wait3A_2484 = arith.constant 0 : i32
        %dma_wait3A_2485 = tpu.memref_slice %arg12[%dma_wait3A_2471, %dma_wait3A_2472, %dma_wait3A_2483, %dma_wait3A_2484] : memref<4x2x32x128xf32, #tpu.memory_space<vmem>> -> memref<1x1x32x128xf32, #tpu.memory_space<vmem>>
        %dma_wait3A_2486 = tpu.memref_squeeze %dma_wait3A_2485 : memref<1x1x32x128xf32, #tpu.memory_space<vmem>> -> memref<32x128xf32, #tpu.memory_space<vmem>>
        %dma_wait3A_2487 = arith.constant 0 : i32
        %dma_wait3A_2488 = arith.constant 0 : i32
        %dma_wait3A_2489 = tpu.memref_slice %arg5[%dma_wait3A_2487, %dma_wait3A_2488] : memref<32x1000000xf32, #tpu.memory_space<hbm>> -> memref<32x128xf32, #tpu.memory_space<hbm>>
        tpu.wait_dma2 semaphore(%dma_wait3A_2482 : memref<!tpu.dma_semaphore, #tpu.memory_space<semaphore_mem>>) src(%dma_wait3A_2489 : memref<32x128xf32, #tpu.memory_space<hbm>>) dst(%dma_wait3A_2486 : memref<32x128xf32, #tpu.memory_space<vmem>>)
        %broadcast_in_dim3A_2490 = arith.constant 1 : i32
        %broadcast_in_dim3A_2491 = vector.broadcast %broadcast_in_dim3A_2490 : i32 to vector<16xi32>
        %add3A_2492 = arith.constant 0 : i32
        %add3A_2493 = arith.addi %add3A_694, %add3A_2492 : i32
        %slice3A_2494 = vector.extract_strided_slice %get3A_2357 {offsets = [10], sizes = [1], strides = [1]} : vector<16xi32> to vector<1xi32>
        %squeeze3A_2495 = vector.extract %slice3A_2494[0] : i32 from vector<1xi32>
        %and3A_2496 = arith.constant 127 : i32
        %and3A_2497 = arith.andi %squeeze3A_2495, %and3A_2496 : i32
        %broadcast_in_dim3A_2498 = vector.broadcast %and3A_2497 : i32 to vector<16xi32>
        %broadcast_in_dim3A_2499 = arith.constant 0 : i32
        %broadcast_in_dim3A_2500 = vector.broadcast %broadcast_in_dim3A_2499 : i32 to vector<16xi32>
        %gather3A_2501 = tpu.vector_load_idx %arg12[%broadcast_in_dim3A_2491, %broadcast_in_dim3A_2500, %iota3A, %broadcast_in_dim3A_2498] : memref<4x2x32x128xf32, #tpu.memory_space<vmem>>[vector<16xi32>, vector<16xi32>, vector<16xi32>, vector<16xi32>], vector<16xf32>,
        %add3A_2502 = arith.constant 16 : i32
        %add3A_2503 = vector.broadcast %add3A_2502 : i32 to vector<16xi32>
        %add3A_2504 = arith.addi %add3A_2503, %iota3A : vector<16xi32>
        %gather3A_2505 = tpu.vector_load_idx %arg12[%broadcast_in_dim3A_2491, %broadcast_in_dim3A_2500, %add3A_2504, %broadcast_in_dim3A_2498] : memref<4x2x32x128xf32, #tpu.memory_space<vmem>>[vector<16xi32>, vector<16xi32>, vector<16xi32>, vector<16xi32>], vector<16xf32>,
        %mul3A_2506 = arith.constant 512 : i32
        %mul3A_2507 = vector.broadcast %mul3A_2506 : i32 to vector<16xi32>
        %mul3A_2508 = arith.muli %iota3A, %mul3A_2507 : vector<16xi32>
        %add3A_2509 = vector.broadcast %add3A_2493 : i32 to vector<16xi32>
        %add3A_2510 = arith.addi %mul3A_2508, %add3A_2509 : vector<16xi32>
        tpu.vector_store_idx %arg10[%add3A_2510], %gather3A_2501 : memref<16384xf32, #tpu.memory_space<vmem>>[vector<16xi32>], vector<16xf32>,
        %add3A_2511 = arith.constant 16 : i32
        %add3A_2512 = vector.broadcast %add3A_2511 : i32 to vector<16xi32>
        %add3A_2513 = arith.addi %add3A_2512, %iota3A : vector<16xi32>
        %mul3A_2514 = arith.constant 512 : i32
        %mul3A_2515 = vector.broadcast %mul3A_2514 : i32 to vector<16xi32>
        %mul3A_2516 = arith.muli %add3A_2513, %mul3A_2515 : vector<16xi32>
        %add3A_2517 = vector.broadcast %add3A_2493 : i32 to vector<16xi32>
        %add3A_2518 = arith.addi %mul3A_2516, %add3A_2517 : vector<16xi32>
        tpu.vector_store_idx %arg10[%add3A_2518], %gather3A_2505 : memref<16384xf32, #tpu.memory_space<vmem>>[vector<16xi32>], vector<16xf32>,
        %add3A_2519 = arith.constant 1 : i32
        %add3A_2520 = arith.addi %add3A_694, %add3A_2519 : i32
        %slice3A_2521 = vector.extract_strided_slice %get3A_2357 {offsets = [11], sizes = [1], strides = [1]} : vector<16xi32> to vector<1xi32>
        %squeeze3A_2522 = vector.extract %slice3A_2521[0] : i32 from vector<1xi32>
        %and3A_2523 = arith.constant 127 : i32
        %and3A_2524 = arith.andi %squeeze3A_2522, %and3A_2523 : i32
        %broadcast_in_dim3A_2525 = vector.broadcast %and3A_2524 : i32 to vector<16xi32>
        %broadcast_in_dim3A_2526 = arith.constant 1 : i32
        %broadcast_in_dim3A_2527 = vector.broadcast %broadcast_in_dim3A_2526 : i32 to vector<16xi32>
        %gather3A_2528 = tpu.vector_load_idx %arg12[%broadcast_in_dim3A_2491, %broadcast_in_dim3A_2527, %iota3A, %broadcast_in_dim3A_2525] : memref<4x2x32x128xf32, #tpu.memory_space<vmem>>[vector<16xi32>, vector<16xi32>, vector<16xi32>, vector<16xi32>], vector<16xf32>,
        %add3A_2529 = arith.constant 16 : i32
        %add3A_2530 = vector.broadcast %add3A_2529 : i32 to vector<16xi32>
        %add3A_2531 = arith.addi %add3A_2530, %iota3A : vector<16xi32>
        %gather3A_2532 = tpu.vector_load_idx %arg12[%broadcast_in_dim3A_2491, %broadcast_in_dim3A_2527, %add3A_2531, %broadcast_in_dim3A_2525] : memref<4x2x32x128xf32, #tpu.memory_space<vmem>>[vector<16xi32>, vector<16xi32>, vector<16xi32>, vector<16xi32>], vector<16xf32>,
        %mul3A_2533 = arith.constant 512 : i32
        %mul3A_2534 = vector.broadcast %mul3A_2533 : i32 to vector<16xi32>
        %mul3A_2535 = arith.muli %iota3A, %mul3A_2534 : vector<16xi32>
        %add3A_2536 = vector.broadcast %add3A_2520 : i32 to vector<16xi32>
        %add3A_2537 = arith.addi %mul3A_2535, %add3A_2536 : vector<16xi32>
        tpu.vector_store_idx %arg10[%add3A_2537], %gather3A_2528 : memref<16384xf32, #tpu.memory_space<vmem>>[vector<16xi32>], vector<16xf32>,
        %add3A_2538 = arith.constant 16 : i32
        %add3A_2539 = vector.broadcast %add3A_2538 : i32 to vector<16xi32>
        %add3A_2540 = arith.addi %add3A_2539, %iota3A : vector<16xi32>
        %mul3A_2541 = arith.constant 512 : i32
        %mul3A_2542 = vector.broadcast %mul3A_2541 : i32 to vector<16xi32>
        %mul3A_2543 = arith.muli %add3A_2540, %mul3A_2542 : vector<16xi32>
        %add3A_2544 = vector.broadcast %add3A_2520 : i32 to vector<16xi32>
        %add3A_2545 = arith.addi %mul3A_2543, %add3A_2544 : vector<16xi32>
        tpu.vector_store_idx %arg10[%add3A_2545], %gather3A_2532 : memref<16384xf32, #tpu.memory_space<vmem>>[vector<16xi32>], vector<16xf32>,
      } else {
      }
      %slice3A_697 = vector.extract_strided_slice %get3A_592 {offsets = [2], sizes = [1], strides = [1]} : vector<16xi32> to vector<1xi32>
      %squeeze3A_698 = vector.extract %slice3A_697[0] : i32 from vector<1xi32>
      %shift_right_arithmetic3A_699 = arith.constant 7 : i32
      %shift_right_arithmetic3A_700 = arith.shrsi %squeeze3A_698, %shift_right_arithmetic3A_699 : i32
      %mul3A_701 = arith.constant 128 : i32
      %mul3A_702 = arith.muli %shift_right_arithmetic3A_700, %mul3A_701 : i32
      %multiple_of3A_703 = tpu.assume_multiple %mul3A_702, 128 : i32
      %dma_start3A_704 = arith.constant 1 : i32
      %dma_start3A_705 = arith.constant 0 : i32
      %dma_start3A_706 = arith.constant 1 : i32
      %dma_start3A_707 = arith.constant 0 : i32
      %dma_start3A_708 = arith.constant 0 : i32
      %dma_start3A_709 = tpu.memref_slice %arg11[%dma_start3A_704, %dma_start3A_705, %dma_start3A_707, %dma_start3A_708] : memref<4x2x32x128xf32, #tpu.memory_space<vmem>> -> memref<1x1x32x128xf32, #tpu.memory_space<vmem>>
      %dma_start3A_710 = tpu.memref_squeeze %dma_start3A_709 : memref<1x1x32x128xf32, #tpu.memory_space<vmem>> -> memref<32x128xf32, #tpu.memory_space<vmem>>
      %dma_start3A_711 = arith.constant 0 : i32
      %dma_start3A_712 = tpu.memref_slice %arg4[%dma_start3A_711, %multiple_of3A_703] : memref<32x1000000xf32, #tpu.memory_space<hbm>> -> memref<32x128xf32, #tpu.memory_space<hbm>>
      %dma_start3A_713 = tpu.memref_slice %arg14[%dma_start3A_706] : memref<4x!tpu.dma_semaphore, #tpu.memory_space<semaphore_mem>> -> memref<1x!tpu.dma_semaphore, #tpu.memory_space<semaphore_mem>>
      %dma_start3A_714 = tpu.memref_squeeze %dma_start3A_713 : memref<1x!tpu.dma_semaphore, #tpu.memory_space<semaphore_mem>> -> memref<!tpu.dma_semaphore, #tpu.memory_space<semaphore_mem>>
      %dma_start3A_715 = arith.constant 0 : i32
      %dma_start3A_716 = arith.constant 0 : i32
      %dma_start3A_717 = tpu.memref_slice %arg11[%dma_start3A_704, %dma_start3A_705, %dma_start3A_715, %dma_start3A_716] : memref<4x2x32x128xf32, #tpu.memory_space<vmem>> -> memref<1x1x32x128xf32, #tpu.memory_space<vmem>>
      %dma_start3A_718 = tpu.memref_squeeze %dma_start3A_717 : memref<1x1x32x128xf32, #tpu.memory_space<vmem>> -> memref<32x128xf32, #tpu.memory_space<vmem>>
      %dma_start3A_719 = arith.constant 0 : i32
      %dma_start3A_720 = tpu.memref_slice %arg4[%dma_start3A_719, %multiple_of3A_703] : memref<32x1000000xf32, #tpu.memory_space<hbm>> -> memref<32x128xf32, #tpu.memory_space<hbm>>
      tpu.enqueue_dma source(%dma_start3A_720 : memref<32x128xf32, #tpu.memory_space<hbm>>) target(%dma_start3A_718 : memref<32x128xf32, #tpu.memory_space<vmem>>) target_semaphore(%dma_start3A_714 : memref<!tpu.dma_semaphore, #tpu.memory_space<semaphore_mem>>)
      %slice3A_721 = vector.extract_strided_slice %get3A_592 {offsets = [3], sizes = [1], strides = [1]} : vector<16xi32> to vector<1xi32>
      %squeeze3A_722 = vector.extract %slice3A_721[0] : i32 from vector<1xi32>
      %shift_right_arithmetic3A_723 = arith.constant 7 : i32
      %shift_right_arithmetic3A_724 = arith.shrsi %squeeze3A_722, %shift_right_arithmetic3A_723 : i32
      %mul3A_725 = arith.constant 128 : i32
      %mul3A_726 = arith.muli %shift_right_arithmetic3A_724, %mul3A_725 : i32
      %multiple_of3A_727 = tpu.assume_multiple %mul3A_726, 128 : i32
      %dma_start3A_728 = arith.constant 1 : i32
      %dma_start3A_729 = arith.constant 1 : i32
      %dma_start3A_730 = arith.constant 1 : i32
      %dma_start3A_731 = arith.constant 0 : i32
      %dma_start3A_732 = arith.constant 0 : i32
      %dma_start3A_733 = tpu.memref_slice %arg11[%dma_start3A_728, %dma_start3A_729, %dma_start3A_731, %dma_start3A_732] : memref<4x2x32x128xf32, #tpu.memory_space<vmem>> -> memref<1x1x32x128xf32, #tpu.memory_space<vmem>>
      %dma_start3A_734 = tpu.memref_squeeze %dma_start3A_733 : memref<1x1x32x128xf32, #tpu.memory_space<vmem>> -> memref<32x128xf32, #tpu.memory_space<vmem>>
      %dma_start3A_735 = arith.constant 0 : i32
      %dma_start3A_736 = tpu.memref_slice %arg4[%dma_start3A_735, %multiple_of3A_727] : memref<32x1000000xf32, #tpu.memory_space<hbm>> -> memref<32x128xf32, #tpu.memory_space<hbm>>
      %dma_start3A_737 = tpu.memref_slice %arg14[%dma_start3A_730] : memref<4x!tpu.dma_semaphore, #tpu.memory_space<semaphore_mem>> -> memref<1x!tpu.dma_semaphore, #tpu.memory_space<semaphore_mem>>
      %dma_start3A_738 = tpu.memref_squeeze %dma_start3A_737 : memref<1x!tpu.dma_semaphore, #tpu.memory_space<semaphore_mem>> -> memref<!tpu.dma_semaphore, #tpu.memory_space<semaphore_mem>>
      %dma_start3A_739 = arith.constant 0 : i32
      %dma_start3A_740 = arith.constant 0 : i32
      %dma_start3A_741 = tpu.memref_slice %arg11[%dma_start3A_728, %dma_start3A_729, %dma_start3A_739, %dma_start3A_740] : memref<4x2x32x128xf32, #tpu.memory_space<vmem>> -> memref<1x1x32x128xf32, #tpu.memory_space<vmem>>
      %dma_start3A_742 = tpu.memref_squeeze %dma_start3A_741 : memref<1x1x32x128xf32, #tpu.memory_space<vmem>> -> memref<32x128xf32, #tpu.memory_space<vmem>>
      %dma_start3A_743 = arith.constant 0 : i32
      %dma_start3A_744 = tpu.memref_slice %arg4[%dma_start3A_743, %multiple_of3A_727] : memref<32x1000000xf32, #tpu.memory_space<hbm>> -> memref<32x128xf32, #tpu.memory_space<hbm>>
      tpu.enqueue_dma source(%dma_start3A_744 : memref<32x128xf32, #tpu.memory_space<hbm>>) target(%dma_start3A_742 : memref<32x128xf32, #tpu.memory_space<vmem>>) target_semaphore(%dma_start3A_738 : memref<!tpu.dma_semaphore, #tpu.memory_space<semaphore_mem>>)
      %slice3A_745 = vector.extract_strided_slice %get3A_596 {offsets = [2], sizes = [1], strides = [1]} : vector<16xi32> to vector<1xi32>
      %squeeze3A_746 = vector.extract %slice3A_745[0] : i32 from vector<1xi32>
      %shift_right_arithmetic3A_747 = arith.constant 7 : i32
      %shift_right_arithmetic3A_748 = arith.shrsi %squeeze3A_746, %shift_right_arithmetic3A_747 : i32
      %mul3A_749 = arith.constant 128 : i32
      %mul3A_750 = arith.muli %shift_right_arithmetic3A_748, %mul3A_749 : i32
      %multiple_of3A_751 = tpu.assume_multiple %mul3A_750, 128 : i32
      %dma_start3A_752 = arith.constant 1 : i32
      %dma_start3A_753 = arith.constant 0 : i32
      %dma_start3A_754 = arith.constant 1 : i32
      %dma_start3A_755 = arith.constant 0 : i32
      %dma_start3A_756 = arith.constant 0 : i32
      %dma_start3A_757 = tpu.memref_slice %arg12[%dma_start3A_752, %dma_start3A_753, %dma_start3A_755, %dma_start3A_756] : memref<4x2x32x128xf32, #tpu.memory_space<vmem>> -> memref<1x1x32x128xf32, #tpu.memory_space<vmem>>
      %dma_start3A_758 = tpu.memref_squeeze %dma_start3A_757 : memref<1x1x32x128xf32, #tpu.memory_space<vmem>> -> memref<32x128xf32, #tpu.memory_space<vmem>>
      %dma_start3A_759 = arith.constant 0 : i32
      %dma_start3A_760 = tpu.memref_slice %arg5[%dma_start3A_759, %multiple_of3A_751] : memref<32x1000000xf32, #tpu.memory_space<hbm>> -> memref<32x128xf32, #tpu.memory_space<hbm>>
      %dma_start3A_761 = tpu.memref_slice %arg15[%dma_start3A_754] : memref<4x!tpu.dma_semaphore, #tpu.memory_space<semaphore_mem>> -> memref<1x!tpu.dma_semaphore, #tpu.memory_space<semaphore_mem>>
      %dma_start3A_762 = tpu.memref_squeeze %dma_start3A_761 : memref<1x!tpu.dma_semaphore, #tpu.memory_space<semaphore_mem>> -> memref<!tpu.dma_semaphore, #tpu.memory_space<semaphore_mem>>
      %dma_start3A_763 = arith.constant 0 : i32
      %dma_start3A_764 = arith.constant 0 : i32
      %dma_start3A_765 = tpu.memref_slice %arg12[%dma_start3A_752, %dma_start3A_753, %dma_start3A_763, %dma_start3A_764] : memref<4x2x32x128xf32, #tpu.memory_space<vmem>> -> memref<1x1x32x128xf32, #tpu.memory_space<vmem>>
      %dma_start3A_766 = tpu.memref_squeeze %dma_start3A_765 : memref<1x1x32x128xf32, #tpu.memory_space<vmem>> -> memref<32x128xf32, #tpu.memory_space<vmem>>
      %dma_start3A_767 = arith.constant 0 : i32
      %dma_start3A_768 = tpu.memref_slice %arg5[%dma_start3A_767, %multiple_of3A_751] : memref<32x1000000xf32, #tpu.memory_space<hbm>> -> memref<32x128xf32, #tpu.memory_space<hbm>>
      tpu.enqueue_dma source(%dma_start3A_768 : memref<32x128xf32, #tpu.memory_space<hbm>>) target(%dma_start3A_766 : memref<32x128xf32, #tpu.memory_space<vmem>>) target_semaphore(%dma_start3A_762 : memref<!tpu.dma_semaphore, #tpu.memory_space<semaphore_mem>>)
      %slice3A_769 = vector.extract_strided_slice %get3A_596 {offsets = [3], sizes = [1], strides = [1]} : vector<16xi32> to vector<1xi32>
      %squeeze3A_770 = vector.extract %slice3A_769[0] : i32 from vector<1xi32>
      %shift_right_arithmetic3A_771 = arith.constant 7 : i32
      %shift_right_arithmetic3A_772 = arith.shrsi %squeeze3A_770, %shift_right_arithmetic3A_771 : i32
      %mul3A_773 = arith.constant 128 : i32
      %mul3A_774 = arith.muli %shift_right_arithmetic3A_772, %mul3A_773 : i32
      %multiple_of3A_775 = tpu.assume_multiple %mul3A_774, 128 : i32
      %dma_start3A_776 = arith.constant 1 : i32
      %dma_start3A_777 = arith.constant 1 : i32
      %dma_start3A_778 = arith.constant 1 : i32
      %dma_start3A_779 = arith.constant 0 : i32
      %dma_start3A_780 = arith.constant 0 : i32
      %dma_start3A_781 = tpu.memref_slice %arg12[%dma_start3A_776, %dma_start3A_777, %dma_start3A_779, %dma_start3A_780] : memref<4x2x32x128xf32, #tpu.memory_space<vmem>> -> memref<1x1x32x128xf32, #tpu.memory_space<vmem>>
      %dma_start3A_782 = tpu.memref_squeeze %dma_start3A_781 : memref<1x1x32x128xf32, #tpu.memory_space<vmem>> -> memref<32x128xf32, #tpu.memory_space<vmem>>
      %dma_start3A_783 = arith.constant 0 : i32
      %dma_start3A_784 = tpu.memref_slice %arg5[%dma_start3A_783, %multiple_of3A_775] : memref<32x1000000xf32, #tpu.memory_space<hbm>> -> memref<32x128xf32, #tpu.memory_space<hbm>>
      %dma_start3A_785 = tpu.memref_slice %arg15[%dma_start3A_778] : memref<4x!tpu.dma_semaphore, #tpu.memory_space<semaphore_mem>> -> memref<1x!tpu.dma_semaphore, #tpu.memory_space<semaphore_mem>>
      %dma_start3A_786 = tpu.memref_squeeze %dma_start3A_785 : memref<1x!tpu.dma_semaphore, #tpu.memory_space<semaphore_mem>> -> memref<!tpu.dma_semaphore, #tpu.memory_space<semaphore_mem>>
      %dma_start3A_787 = arith.constant 0 : i32
      %dma_start3A_788 = arith.constant 0 : i32
      %dma_start3A_789 = tpu.memref_slice %arg12[%dma_start3A_776, %dma_start3A_777, %dma_start3A_787, %dma_start3A_788] : memref<4x2x32x128xf32, #tpu.memory_space<vmem>> -> memref<1x1x32x128xf32, #tpu.memory_space<vmem>>
      %dma_start3A_790 = tpu.memref_squeeze %dma_start3A_789 : memref<1x1x32x128xf32, #tpu.memory_space<vmem>> -> memref<32x128xf32, #tpu.memory_space<vmem>>
      %dma_start3A_791 = arith.constant 0 : i32
      %dma_start3A_792 = tpu.memref_slice %arg5[%dma_start3A_791, %multiple_of3A_775] : memref<32x1000000xf32, #tpu.memory_space<hbm>> -> memref<32x128xf32, #tpu.memory_space<hbm>>
      tpu.enqueue_dma source(%dma_start3A_792 : memref<32x128xf32, #tpu.memory_space<hbm>>) target(%dma_start3A_790 : memref<32x128xf32, #tpu.memory_space<vmem>>) target_semaphore(%dma_start3A_786 : memref<!tpu.dma_semaphore, #tpu.memory_space<semaphore_mem>>)
      %mul3A_793 = arith.constant 16 : i32
      %mul3A_794 = arith.muli %add3A_588, %mul3A_793 : i32
      %add3A_795 = arith.constant -4 : i32
      %add3A_796 = arith.addi %mul3A_794, %add3A_795 : i32
      %gt3A_797 = arith.constant 0 : i32
      %gt3A_798 = arith.cmpi sgt, %add3A_588, %gt3A_797 : i32
      %convert_element_type3A_799 = arith.extui %gt3A_798 : i1 to i32
      %cond3A_800 = arith.constant 0 : i32
      %cond3A_801 = arith.cmpi ne, %convert_element_type3A_799, %cond3A_800 : i32
      scf.if %cond3A_801 {
        %sub3A = arith.constant 1 : i32
        %sub3A_2347 = arith.subi %add3A_588, %sub3A : i32
        %mul3A_2348 = arith.constant 16 : i32
        %mul3A_2349 = arith.muli %sub3A_2347, %mul3A_2348 : i32
        %get3A_2350 = arith.index_cast %mul3A_2349 : i32 to index
        %get3A_2351 = tpu.vector_load %arg7[%get3A_2350] {strides = array<i32>} : memref<512xi32, #tpu.memory_space<vmem>>, vector<16xi32>,
        %sub3A_2352 = arith.constant 1 : i32
        %sub3A_2353 = arith.subi %add3A_588, %sub3A_2352 : i32
        %mul3A_2354 = arith.constant 16 : i32
        %mul3A_2355 = arith.muli %sub3A_2353, %mul3A_2354 : i32
        %get3A_2356 = arith.index_cast %mul3A_2355 : i32 to index
        %get3A_2357 = tpu.vector_load %arg8[%get3A_2356] {strides = array<i32>} : memref<512xi32, #tpu.memory_space<vmem>>, vector<16xi32>,
        %dma_wait3A_2358 = arith.constant 2 : i32
        %dma_wait3A_2359 = arith.constant 0 : i32
        %dma_wait3A_2360 = arith.constant 2 : i32
        %dma_wait3A_2361 = arith.constant 0 : i32
        %dma_wait3A_2362 = arith.constant 0 : i32
        %dma_wait3A_2363 = tpu.memref_slice %arg11[%dma_wait3A_2358, %dma_wait3A_2359, %dma_wait3A_2361, %dma_wait3A_2362] : memref<4x2x32x128xf32, #tpu.memory_space<vmem>> -> memref<1x1x32x128xf32, #tpu.memory_space<vmem>>
        %dma_wait3A_2364 = tpu.memref_squeeze %dma_wait3A_2363 : memref<1x1x32x128xf32, #tpu.memory_space<vmem>> -> memref<32x128xf32, #tpu.memory_space<vmem>>
        %dma_wait3A_2365 = arith.constant 0 : i32
        %dma_wait3A_2366 = arith.constant 0 : i32
        %dma_wait3A_2367 = tpu.memref_slice %arg4[%dma_wait3A_2365, %dma_wait3A_2366] : memref<32x1000000xf32, #tpu.memory_space<hbm>> -> memref<32x128xf32, #tpu.memory_space<hbm>>
        %dma_wait3A_2368 = tpu.memref_slice %arg14[%dma_wait3A_2360] : memref<4x!tpu.dma_semaphore, #tpu.memory_space<semaphore_mem>> -> memref<1x!tpu.dma_semaphore, #tpu.memory_space<semaphore_mem>>
        %dma_wait3A_2369 = tpu.memref_squeeze %dma_wait3A_2368 : memref<1x!tpu.dma_semaphore, #tpu.memory_space<semaphore_mem>> -> memref<!tpu.dma_semaphore, #tpu.memory_space<semaphore_mem>>
        %dma_wait3A_2370 = arith.constant 0 : i32
        %dma_wait3A_2371 = arith.constant 0 : i32
        %dma_wait3A_2372 = tpu.memref_slice %arg11[%dma_wait3A_2358, %dma_wait3A_2359, %dma_wait3A_2370, %dma_wait3A_2371] : memref<4x2x32x128xf32, #tpu.memory_space<vmem>> -> memref<1x1x32x128xf32, #tpu.memory_space<vmem>>
        %dma_wait3A_2373 = tpu.memref_squeeze %dma_wait3A_2372 : memref<1x1x32x128xf32, #tpu.memory_space<vmem>> -> memref<32x128xf32, #tpu.memory_space<vmem>>
        %dma_wait3A_2374 = arith.constant 0 : i32
        %dma_wait3A_2375 = arith.constant 0 : i32
        %dma_wait3A_2376 = tpu.memref_slice %arg4[%dma_wait3A_2374, %dma_wait3A_2375] : memref<32x1000000xf32, #tpu.memory_space<hbm>> -> memref<32x128xf32, #tpu.memory_space<hbm>>
        tpu.wait_dma2 semaphore(%dma_wait3A_2369 : memref<!tpu.dma_semaphore, #tpu.memory_space<semaphore_mem>>) src(%dma_wait3A_2376 : memref<32x128xf32, #tpu.memory_space<hbm>>) dst(%dma_wait3A_2373 : memref<32x128xf32, #tpu.memory_space<vmem>>)
        %dma_wait3A_2377 = arith.constant 2 : i32
        %dma_wait3A_2378 = arith.constant 1 : i32
        %dma_wait3A_2379 = arith.constant 2 : i32
        %dma_wait3A_2380 = arith.constant 0 : i32
        %dma_wait3A_2381 = arith.constant 0 : i32
        %dma_wait3A_2382 = tpu.memref_slice %arg11[%dma_wait3A_2377, %dma_wait3A_2378, %dma_wait3A_2380, %dma_wait3A_2381] : memref<4x2x32x128xf32, #tpu.memory_space<vmem>> -> memref<1x1x32x128xf32, #tpu.memory_space<vmem>>
        %dma_wait3A_2383 = tpu.memref_squeeze %dma_wait3A_2382 : memref<1x1x32x128xf32, #tpu.memory_space<vmem>> -> memref<32x128xf32, #tpu.memory_space<vmem>>
        %dma_wait3A_2384 = arith.constant 0 : i32
        %dma_wait3A_2385 = arith.constant 0 : i32
        %dma_wait3A_2386 = tpu.memref_slice %arg4[%dma_wait3A_2384, %dma_wait3A_2385] : memref<32x1000000xf32, #tpu.memory_space<hbm>> -> memref<32x128xf32, #tpu.memory_space<hbm>>
        %dma_wait3A_2387 = tpu.memref_slice %arg14[%dma_wait3A_2379] : memref<4x!tpu.dma_semaphore, #tpu.memory_space<semaphore_mem>> -> memref<1x!tpu.dma_semaphore, #tpu.memory_space<semaphore_mem>>
        %dma_wait3A_2388 = tpu.memref_squeeze %dma_wait3A_2387 : memref<1x!tpu.dma_semaphore, #tpu.memory_space<semaphore_mem>> -> memref<!tpu.dma_semaphore, #tpu.memory_space<semaphore_mem>>
        %dma_wait3A_2389 = arith.constant 0 : i32
        %dma_wait3A_2390 = arith.constant 0 : i32
        %dma_wait3A_2391 = tpu.memref_slice %arg11[%dma_wait3A_2377, %dma_wait3A_2378, %dma_wait3A_2389, %dma_wait3A_2390] : memref<4x2x32x128xf32, #tpu.memory_space<vmem>> -> memref<1x1x32x128xf32, #tpu.memory_space<vmem>>
        %dma_wait3A_2392 = tpu.memref_squeeze %dma_wait3A_2391 : memref<1x1x32x128xf32, #tpu.memory_space<vmem>> -> memref<32x128xf32, #tpu.memory_space<vmem>>
        %dma_wait3A_2393 = arith.constant 0 : i32
        %dma_wait3A_2394 = arith.constant 0 : i32
        %dma_wait3A_2395 = tpu.memref_slice %arg4[%dma_wait3A_2393, %dma_wait3A_2394] : memref<32x1000000xf32, #tpu.memory_space<hbm>> -> memref<32x128xf32, #tpu.memory_space<hbm>>
        tpu.wait_dma2 semaphore(%dma_wait3A_2388 : memref<!tpu.dma_semaphore, #tpu.memory_space<semaphore_mem>>) src(%dma_wait3A_2395 : memref<32x128xf32, #tpu.memory_space<hbm>>) dst(%dma_wait3A_2392 : memref<32x128xf32, #tpu.memory_space<vmem>>)
        %broadcast_in_dim3A_2396 = arith.constant 2 : i32
        %broadcast_in_dim3A_2397 = vector.broadcast %broadcast_in_dim3A_2396 : i32 to vector<16xi32>
        %add3A_2398 = arith.constant 0 : i32
        %add3A_2399 = arith.addi %add3A_796, %add3A_2398 : i32
        %slice3A_2400 = vector.extract_strided_slice %get3A_2351 {offsets = [12], sizes = [1], strides = [1]} : vector<16xi32> to vector<1xi32>
        %squeeze3A_2401 = vector.extract %slice3A_2400[0] : i32 from vector<1xi32>
        %and3A_2402 = arith.constant 127 : i32
        %and3A_2403 = arith.andi %squeeze3A_2401, %and3A_2402 : i32
        %broadcast_in_dim3A_2404 = vector.broadcast %and3A_2403 : i32 to vector<16xi32>
        %broadcast_in_dim3A_2405 = arith.constant 0 : i32
        %broadcast_in_dim3A_2406 = vector.broadcast %broadcast_in_dim3A_2405 : i32 to vector<16xi32>
        %gather3A_2407 = tpu.vector_load_idx %arg11[%broadcast_in_dim3A_2397, %broadcast_in_dim3A_2406, %iota3A, %broadcast_in_dim3A_2404] : memref<4x2x32x128xf32, #tpu.memory_space<vmem>>[vector<16xi32>, vector<16xi32>, vector<16xi32>, vector<16xi32>], vector<16xf32>,
        %add3A_2408 = arith.constant 16 : i32
        %add3A_2409 = vector.broadcast %add3A_2408 : i32 to vector<16xi32>
        %add3A_2410 = arith.addi %add3A_2409, %iota3A : vector<16xi32>
        %gather3A_2411 = tpu.vector_load_idx %arg11[%broadcast_in_dim3A_2397, %broadcast_in_dim3A_2406, %add3A_2410, %broadcast_in_dim3A_2404] : memref<4x2x32x128xf32, #tpu.memory_space<vmem>>[vector<16xi32>, vector<16xi32>, vector<16xi32>, vector<16xi32>], vector<16xf32>,
        %mul3A_2412 = arith.constant 512 : i32
        %mul3A_2413 = vector.broadcast %mul3A_2412 : i32 to vector<16xi32>
        %mul3A_2414 = arith.muli %iota3A, %mul3A_2413 : vector<16xi32>
        %add3A_2415 = vector.broadcast %add3A_2399 : i32 to vector<16xi32>
        %add3A_2416 = arith.addi %mul3A_2414, %add3A_2415 : vector<16xi32>
        tpu.vector_store_idx %arg9[%add3A_2416], %gather3A_2407 : memref<16384xf32, #tpu.memory_space<vmem>>[vector<16xi32>], vector<16xf32>,
        %add3A_2417 = arith.constant 16 : i32
        %add3A_2418 = vector.broadcast %add3A_2417 : i32 to vector<16xi32>
        %add3A_2419 = arith.addi %add3A_2418, %iota3A : vector<16xi32>
        %mul3A_2420 = arith.constant 512 : i32
        %mul3A_2421 = vector.broadcast %mul3A_2420 : i32 to vector<16xi32>
        %mul3A_2422 = arith.muli %add3A_2419, %mul3A_2421 : vector<16xi32>
        %add3A_2423 = vector.broadcast %add3A_2399 : i32 to vector<16xi32>
        %add3A_2424 = arith.addi %mul3A_2422, %add3A_2423 : vector<16xi32>
        tpu.vector_store_idx %arg9[%add3A_2424], %gather3A_2411 : memref<16384xf32, #tpu.memory_space<vmem>>[vector<16xi32>], vector<16xf32>,
        %add3A_2425 = arith.constant 1 : i32
        %add3A_2426 = arith.addi %add3A_796, %add3A_2425 : i32
        %slice3A_2427 = vector.extract_strided_slice %get3A_2351 {offsets = [13], sizes = [1], strides = [1]} : vector<16xi32> to vector<1xi32>
        %squeeze3A_2428 = vector.extract %slice3A_2427[0] : i32 from vector<1xi32>
        %and3A_2429 = arith.constant 127 : i32
        %and3A_2430 = arith.andi %squeeze3A_2428, %and3A_2429 : i32
        %broadcast_in_dim3A_2431 = vector.broadcast %and3A_2430 : i32 to vector<16xi32>
        %broadcast_in_dim3A_2432 = arith.constant 1 : i32
        %broadcast_in_dim3A_2433 = vector.broadcast %broadcast_in_dim3A_2432 : i32 to vector<16xi32>
        %gather3A_2434 = tpu.vector_load_idx %arg11[%broadcast_in_dim3A_2397, %broadcast_in_dim3A_2433, %iota3A, %broadcast_in_dim3A_2431] : memref<4x2x32x128xf32, #tpu.memory_space<vmem>>[vector<16xi32>, vector<16xi32>, vector<16xi32>, vector<16xi32>], vector<16xf32>,
        %add3A_2435 = arith.constant 16 : i32
        %add3A_2436 = vector.broadcast %add3A_2435 : i32 to vector<16xi32>
        %add3A_2437 = arith.addi %add3A_2436, %iota3A : vector<16xi32>
        %gather3A_2438 = tpu.vector_load_idx %arg11[%broadcast_in_dim3A_2397, %broadcast_in_dim3A_2433, %add3A_2437, %broadcast_in_dim3A_2431] : memref<4x2x32x128xf32, #tpu.memory_space<vmem>>[vector<16xi32>, vector<16xi32>, vector<16xi32>, vector<16xi32>], vector<16xf32>,
        %mul3A_2439 = arith.constant 512 : i32
        %mul3A_2440 = vector.broadcast %mul3A_2439 : i32 to vector<16xi32>
        %mul3A_2441 = arith.muli %iota3A, %mul3A_2440 : vector<16xi32>
        %add3A_2442 = vector.broadcast %add3A_2426 : i32 to vector<16xi32>
        %add3A_2443 = arith.addi %mul3A_2441, %add3A_2442 : vector<16xi32>
        tpu.vector_store_idx %arg9[%add3A_2443], %gather3A_2434 : memref<16384xf32, #tpu.memory_space<vmem>>[vector<16xi32>], vector<16xf32>,
        %add3A_2444 = arith.constant 16 : i32
        %add3A_2445 = vector.broadcast %add3A_2444 : i32 to vector<16xi32>
        %add3A_2446 = arith.addi %add3A_2445, %iota3A : vector<16xi32>
        %mul3A_2447 = arith.constant 512 : i32
        %mul3A_2448 = vector.broadcast %mul3A_2447 : i32 to vector<16xi32>
        %mul3A_2449 = arith.muli %add3A_2446, %mul3A_2448 : vector<16xi32>
        %add3A_2450 = vector.broadcast %add3A_2426 : i32 to vector<16xi32>
        %add3A_2451 = arith.addi %mul3A_2449, %add3A_2450 : vector<16xi32>
        tpu.vector_store_idx %arg9[%add3A_2451], %gather3A_2438 : memref<16384xf32, #tpu.memory_space<vmem>>[vector<16xi32>], vector<16xf32>,
        %dma_wait3A_2452 = arith.constant 2 : i32
        %dma_wait3A_2453 = arith.constant 0 : i32
        %dma_wait3A_2454 = arith.constant 2 : i32
        %dma_wait3A_2455 = arith.constant 0 : i32
        %dma_wait3A_2456 = arith.constant 0 : i32
        %dma_wait3A_2457 = tpu.memref_slice %arg12[%dma_wait3A_2452, %dma_wait3A_2453, %dma_wait3A_2455, %dma_wait3A_2456] : memref<4x2x32x128xf32, #tpu.memory_space<vmem>> -> memref<1x1x32x128xf32, #tpu.memory_space<vmem>>
        %dma_wait3A_2458 = tpu.memref_squeeze %dma_wait3A_2457 : memref<1x1x32x128xf32, #tpu.memory_space<vmem>> -> memref<32x128xf32, #tpu.memory_space<vmem>>
        %dma_wait3A_2459 = arith.constant 0 : i32
        %dma_wait3A_2460 = arith.constant 0 : i32
        %dma_wait3A_2461 = tpu.memref_slice %arg5[%dma_wait3A_2459, %dma_wait3A_2460] : memref<32x1000000xf32, #tpu.memory_space<hbm>> -> memref<32x128xf32, #tpu.memory_space<hbm>>
        %dma_wait3A_2462 = tpu.memref_slice %arg15[%dma_wait3A_2454] : memref<4x!tpu.dma_semaphore, #tpu.memory_space<semaphore_mem>> -> memref<1x!tpu.dma_semaphore, #tpu.memory_space<semaphore_mem>>
        %dma_wait3A_2463 = tpu.memref_squeeze %dma_wait3A_2462 : memref<1x!tpu.dma_semaphore, #tpu.memory_space<semaphore_mem>> -> memref<!tpu.dma_semaphore, #tpu.memory_space<semaphore_mem>>
        %dma_wait3A_2464 = arith.constant 0 : i32
        %dma_wait3A_2465 = arith.constant 0 : i32
        %dma_wait3A_2466 = tpu.memref_slice %arg12[%dma_wait3A_2452, %dma_wait3A_2453, %dma_wait3A_2464, %dma_wait3A_2465] : memref<4x2x32x128xf32, #tpu.memory_space<vmem>> -> memref<1x1x32x128xf32, #tpu.memory_space<vmem>>
        %dma_wait3A_2467 = tpu.memref_squeeze %dma_wait3A_2466 : memref<1x1x32x128xf32, #tpu.memory_space<vmem>> -> memref<32x128xf32, #tpu.memory_space<vmem>>
        %dma_wait3A_2468 = arith.constant 0 : i32
        %dma_wait3A_2469 = arith.constant 0 : i32
        %dma_wait3A_2470 = tpu.memref_slice %arg5[%dma_wait3A_2468, %dma_wait3A_2469] : memref<32x1000000xf32, #tpu.memory_space<hbm>> -> memref<32x128xf32, #tpu.memory_space<hbm>>
        tpu.wait_dma2 semaphore(%dma_wait3A_2463 : memref<!tpu.dma_semaphore, #tpu.memory_space<semaphore_mem>>) src(%dma_wait3A_2470 : memref<32x128xf32, #tpu.memory_space<hbm>>) dst(%dma_wait3A_2467 : memref<32x128xf32, #tpu.memory_space<vmem>>)
        %dma_wait3A_2471 = arith.constant 2 : i32
        %dma_wait3A_2472 = arith.constant 1 : i32
        %dma_wait3A_2473 = arith.constant 2 : i32
        %dma_wait3A_2474 = arith.constant 0 : i32
        %dma_wait3A_2475 = arith.constant 0 : i32
        %dma_wait3A_2476 = tpu.memref_slice %arg12[%dma_wait3A_2471, %dma_wait3A_2472, %dma_wait3A_2474, %dma_wait3A_2475] : memref<4x2x32x128xf32, #tpu.memory_space<vmem>> -> memref<1x1x32x128xf32, #tpu.memory_space<vmem>>
        %dma_wait3A_2477 = tpu.memref_squeeze %dma_wait3A_2476 : memref<1x1x32x128xf32, #tpu.memory_space<vmem>> -> memref<32x128xf32, #tpu.memory_space<vmem>>
        %dma_wait3A_2478 = arith.constant 0 : i32
        %dma_wait3A_2479 = arith.constant 0 : i32
        %dma_wait3A_2480 = tpu.memref_slice %arg5[%dma_wait3A_2478, %dma_wait3A_2479] : memref<32x1000000xf32, #tpu.memory_space<hbm>> -> memref<32x128xf32, #tpu.memory_space<hbm>>
        %dma_wait3A_2481 = tpu.memref_slice %arg15[%dma_wait3A_2473] : memref<4x!tpu.dma_semaphore, #tpu.memory_space<semaphore_mem>> -> memref<1x!tpu.dma_semaphore, #tpu.memory_space<semaphore_mem>>
        %dma_wait3A_2482 = tpu.memref_squeeze %dma_wait3A_2481 : memref<1x!tpu.dma_semaphore, #tpu.memory_space<semaphore_mem>> -> memref<!tpu.dma_semaphore, #tpu.memory_space<semaphore_mem>>
        %dma_wait3A_2483 = arith.constant 0 : i32
        %dma_wait3A_2484 = arith.constant 0 : i32
        %dma_wait3A_2485 = tpu.memref_slice %arg12[%dma_wait3A_2471, %dma_wait3A_2472, %dma_wait3A_2483, %dma_wait3A_2484] : memref<4x2x32x128xf32, #tpu.memory_space<vmem>> -> memref<1x1x32x128xf32, #tpu.memory_space<vmem>>
        %dma_wait3A_2486 = tpu.memref_squeeze %dma_wait3A_2485 : memref<1x1x32x128xf32, #tpu.memory_space<vmem>> -> memref<32x128xf32, #tpu.memory_space<vmem>>
        %dma_wait3A_2487 = arith.constant 0 : i32
        %dma_wait3A_2488 = arith.constant 0 : i32
        %dma_wait3A_2489 = tpu.memref_slice %arg5[%dma_wait3A_2487, %dma_wait3A_2488] : memref<32x1000000xf32, #tpu.memory_space<hbm>> -> memref<32x128xf32, #tpu.memory_space<hbm>>
        tpu.wait_dma2 semaphore(%dma_wait3A_2482 : memref<!tpu.dma_semaphore, #tpu.memory_space<semaphore_mem>>) src(%dma_wait3A_2489 : memref<32x128xf32, #tpu.memory_space<hbm>>) dst(%dma_wait3A_2486 : memref<32x128xf32, #tpu.memory_space<vmem>>)
        %broadcast_in_dim3A_2490 = arith.constant 2 : i32
        %broadcast_in_dim3A_2491 = vector.broadcast %broadcast_in_dim3A_2490 : i32 to vector<16xi32>
        %add3A_2492 = arith.constant 0 : i32
        %add3A_2493 = arith.addi %add3A_796, %add3A_2492 : i32
        %slice3A_2494 = vector.extract_strided_slice %get3A_2357 {offsets = [12], sizes = [1], strides = [1]} : vector<16xi32> to vector<1xi32>
        %squeeze3A_2495 = vector.extract %slice3A_2494[0] : i32 from vector<1xi32>
        %and3A_2496 = arith.constant 127 : i32
        %and3A_2497 = arith.andi %squeeze3A_2495, %and3A_2496 : i32
        %broadcast_in_dim3A_2498 = vector.broadcast %and3A_2497 : i32 to vector<16xi32>
        %broadcast_in_dim3A_2499 = arith.constant 0 : i32
        %broadcast_in_dim3A_2500 = vector.broadcast %broadcast_in_dim3A_2499 : i32 to vector<16xi32>
        %gather3A_2501 = tpu.vector_load_idx %arg12[%broadcast_in_dim3A_2491, %broadcast_in_dim3A_2500, %iota3A, %broadcast_in_dim3A_2498] : memref<4x2x32x128xf32, #tpu.memory_space<vmem>>[vector<16xi32>, vector<16xi32>, vector<16xi32>, vector<16xi32>], vector<16xf32>,
        %add3A_2502 = arith.constant 16 : i32
        %add3A_2503 = vector.broadcast %add3A_2502 : i32 to vector<16xi32>
        %add3A_2504 = arith.addi %add3A_2503, %iota3A : vector<16xi32>
        %gather3A_2505 = tpu.vector_load_idx %arg12[%broadcast_in_dim3A_2491, %broadcast_in_dim3A_2500, %add3A_2504, %broadcast_in_dim3A_2498] : memref<4x2x32x128xf32, #tpu.memory_space<vmem>>[vector<16xi32>, vector<16xi32>, vector<16xi32>, vector<16xi32>], vector<16xf32>,
        %mul3A_2506 = arith.constant 512 : i32
        %mul3A_2507 = vector.broadcast %mul3A_2506 : i32 to vector<16xi32>
        %mul3A_2508 = arith.muli %iota3A, %mul3A_2507 : vector<16xi32>
        %add3A_2509 = vector.broadcast %add3A_2493 : i32 to vector<16xi32>
        %add3A_2510 = arith.addi %mul3A_2508, %add3A_2509 : vector<16xi32>
        tpu.vector_store_idx %arg10[%add3A_2510], %gather3A_2501 : memref<16384xf32, #tpu.memory_space<vmem>>[vector<16xi32>], vector<16xf32>,
        %add3A_2511 = arith.constant 16 : i32
        %add3A_2512 = vector.broadcast %add3A_2511 : i32 to vector<16xi32>
        %add3A_2513 = arith.addi %add3A_2512, %iota3A : vector<16xi32>
        %mul3A_2514 = arith.constant 512 : i32
        %mul3A_2515 = vector.broadcast %mul3A_2514 : i32 to vector<16xi32>
        %mul3A_2516 = arith.muli %add3A_2513, %mul3A_2515 : vector<16xi32>
        %add3A_2517 = vector.broadcast %add3A_2493 : i32 to vector<16xi32>
        %add3A_2518 = arith.addi %mul3A_2516, %add3A_2517 : vector<16xi32>
        tpu.vector_store_idx %arg10[%add3A_2518], %gather3A_2505 : memref<16384xf32, #tpu.memory_space<vmem>>[vector<16xi32>], vector<16xf32>,
        %add3A_2519 = arith.constant 1 : i32
        %add3A_2520 = arith.addi %add3A_796, %add3A_2519 : i32
        %slice3A_2521 = vector.extract_strided_slice %get3A_2357 {offsets = [13], sizes = [1], strides = [1]} : vector<16xi32> to vector<1xi32>
        %squeeze3A_2522 = vector.extract %slice3A_2521[0] : i32 from vector<1xi32>
        %and3A_2523 = arith.constant 127 : i32
        %and3A_2524 = arith.andi %squeeze3A_2522, %and3A_2523 : i32
        %broadcast_in_dim3A_2525 = vector.broadcast %and3A_2524 : i32 to vector<16xi32>
        %broadcast_in_dim3A_2526 = arith.constant 1 : i32
        %broadcast_in_dim3A_2527 = vector.broadcast %broadcast_in_dim3A_2526 : i32 to vector<16xi32>
        %gather3A_2528 = tpu.vector_load_idx %arg12[%broadcast_in_dim3A_2491, %broadcast_in_dim3A_2527, %iota3A, %broadcast_in_dim3A_2525] : memref<4x2x32x128xf32, #tpu.memory_space<vmem>>[vector<16xi32>, vector<16xi32>, vector<16xi32>, vector<16xi32>], vector<16xf32>,
        %add3A_2529 = arith.constant 16 : i32
        %add3A_2530 = vector.broadcast %add3A_2529 : i32 to vector<16xi32>
        %add3A_2531 = arith.addi %add3A_2530, %iota3A : vector<16xi32>
        %gather3A_2532 = tpu.vector_load_idx %arg12[%broadcast_in_dim3A_2491, %broadcast_in_dim3A_2527, %add3A_2531, %broadcast_in_dim3A_2525] : memref<4x2x32x128xf32, #tpu.memory_space<vmem>>[vector<16xi32>, vector<16xi32>, vector<16xi32>, vector<16xi32>], vector<16xf32>,
        %mul3A_2533 = arith.constant 512 : i32
        %mul3A_2534 = vector.broadcast %mul3A_2533 : i32 to vector<16xi32>
        %mul3A_2535 = arith.muli %iota3A, %mul3A_2534 : vector<16xi32>
        %add3A_2536 = vector.broadcast %add3A_2520 : i32 to vector<16xi32>
        %add3A_2537 = arith.addi %mul3A_2535, %add3A_2536 : vector<16xi32>
        tpu.vector_store_idx %arg10[%add3A_2537], %gather3A_2528 : memref<16384xf32, #tpu.memory_space<vmem>>[vector<16xi32>], vector<16xf32>,
        %add3A_2538 = arith.constant 16 : i32
        %add3A_2539 = vector.broadcast %add3A_2538 : i32 to vector<16xi32>
        %add3A_2540 = arith.addi %add3A_2539, %iota3A : vector<16xi32>
        %mul3A_2541 = arith.constant 512 : i32
        %mul3A_2542 = vector.broadcast %mul3A_2541 : i32 to vector<16xi32>
        %mul3A_2543 = arith.muli %add3A_2540, %mul3A_2542 : vector<16xi32>
        %add3A_2544 = vector.broadcast %add3A_2520 : i32 to vector<16xi32>
        %add3A_2545 = arith.addi %mul3A_2543, %add3A_2544 : vector<16xi32>
        tpu.vector_store_idx %arg10[%add3A_2545], %gather3A_2532 : memref<16384xf32, #tpu.memory_space<vmem>>[vector<16xi32>], vector<16xf32>,
      } else {
      }
      %slice3A_802 = vector.extract_strided_slice %get3A_592 {offsets = [4], sizes = [1], strides = [1]} : vector<16xi32> to vector<1xi32>
      %squeeze3A_803 = vector.extract %slice3A_802[0] : i32 from vector<1xi32>
      %shift_right_arithmetic3A_804 = arith.constant 7 : i32
      %shift_right_arithmetic3A_805 = arith.shrsi %squeeze3A_803, %shift_right_arithmetic3A_804 : i32
      %mul3A_806 = arith.constant 128 : i32
      %mul3A_807 = arith.muli %shift_right_arithmetic3A_805, %mul3A_806 : i32
      %multiple_of3A_808 = tpu.assume_multiple %mul3A_807, 128 : i32
      %dma_start3A_809 = arith.constant 2 : i32
      %dma_start3A_810 = arith.constant 0 : i32
      %dma_start3A_811 = arith.constant 2 : i32
      %dma_start3A_812 = arith.constant 0 : i32
      %dma_start3A_813 = arith.constant 0 : i32
      %dma_start3A_814 = tpu.memref_slice %arg11[%dma_start3A_809, %dma_start3A_810, %dma_start3A_812, %dma_start3A_813] : memref<4x2x32x128xf32, #tpu.memory_space<vmem>> -> memref<1x1x32x128xf32, #tpu.memory_space<vmem>>
      %dma_start3A_815 = tpu.memref_squeeze %dma_start3A_814 : memref<1x1x32x128xf32, #tpu.memory_space<vmem>> -> memref<32x128xf32, #tpu.memory_space<vmem>>
      %dma_start3A_816 = arith.constant 0 : i32
      %dma_start3A_817 = tpu.memref_slice %arg4[%dma_start3A_816, %multiple_of3A_808] : memref<32x1000000xf32, #tpu.memory_space<hbm>> -> memref<32x128xf32, #tpu.memory_space<hbm>>
      %dma_start3A_818 = tpu.memref_slice %arg14[%dma_start3A_811] : memref<4x!tpu.dma_semaphore, #tpu.memory_space<semaphore_mem>> -> memref<1x!tpu.dma_semaphore, #tpu.memory_space<semaphore_mem>>
      %dma_start3A_819 = tpu.memref_squeeze %dma_start3A_818 : memref<1x!tpu.dma_semaphore, #tpu.memory_space<semaphore_mem>> -> memref<!tpu.dma_semaphore, #tpu.memory_space<semaphore_mem>>
      %dma_start3A_820 = arith.constant 0 : i32
      %dma_start3A_821 = arith.constant 0 : i32
      %dma_start3A_822 = tpu.memref_slice %arg11[%dma_start3A_809, %dma_start3A_810, %dma_start3A_820, %dma_start3A_821] : memref<4x2x32x128xf32, #tpu.memory_space<vmem>> -> memref<1x1x32x128xf32, #tpu.memory_space<vmem>>
      %dma_start3A_823 = tpu.memref_squeeze %dma_start3A_822 : memref<1x1x32x128xf32, #tpu.memory_space<vmem>> -> memref<32x128xf32, #tpu.memory_space<vmem>>
      %dma_start3A_824 = arith.constant 0 : i32
      %dma_start3A_825 = tpu.memref_slice %arg4[%dma_start3A_824, %multiple_of3A_808] : memref<32x1000000xf32, #tpu.memory_space<hbm>> -> memref<32x128xf32, #tpu.memory_space<hbm>>
      tpu.enqueue_dma source(%dma_start3A_825 : memref<32x128xf32, #tpu.memory_space<hbm>>) target(%dma_start3A_823 : memref<32x128xf32, #tpu.memory_space<vmem>>) target_semaphore(%dma_start3A_819 : memref<!tpu.dma_semaphore, #tpu.memory_space<semaphore_mem>>)
      %slice3A_826 = vector.extract_strided_slice %get3A_592 {offsets = [5], sizes = [1], strides = [1]} : vector<16xi32> to vector<1xi32>
      %squeeze3A_827 = vector.extract %slice3A_826[0] : i32 from vector<1xi32>
      %shift_right_arithmetic3A_828 = arith.constant 7 : i32
      %shift_right_arithmetic3A_829 = arith.shrsi %squeeze3A_827, %shift_right_arithmetic3A_828 : i32
      %mul3A_830 = arith.constant 128 : i32
      %mul3A_831 = arith.muli %shift_right_arithmetic3A_829, %mul3A_830 : i32
      %multiple_of3A_832 = tpu.assume_multiple %mul3A_831, 128 : i32
      %dma_start3A_833 = arith.constant 2 : i32
      %dma_start3A_834 = arith.constant 1 : i32
      %dma_start3A_835 = arith.constant 2 : i32
      %dma_start3A_836 = arith.constant 0 : i32
      %dma_start3A_837 = arith.constant 0 : i32
      %dma_start3A_838 = tpu.memref_slice %arg11[%dma_start3A_833, %dma_start3A_834, %dma_start3A_836, %dma_start3A_837] : memref<4x2x32x128xf32, #tpu.memory_space<vmem>> -> memref<1x1x32x128xf32, #tpu.memory_space<vmem>>
      %dma_start3A_839 = tpu.memref_squeeze %dma_start3A_838 : memref<1x1x32x128xf32, #tpu.memory_space<vmem>> -> memref<32x128xf32, #tpu.memory_space<vmem>>
      %dma_start3A_840 = arith.constant 0 : i32
      %dma_start3A_841 = tpu.memref_slice %arg4[%dma_start3A_840, %multiple_of3A_832] : memref<32x1000000xf32, #tpu.memory_space<hbm>> -> memref<32x128xf32, #tpu.memory_space<hbm>>
      %dma_start3A_842 = tpu.memref_slice %arg14[%dma_start3A_835] : memref<4x!tpu.dma_semaphore, #tpu.memory_space<semaphore_mem>> -> memref<1x!tpu.dma_semaphore, #tpu.memory_space<semaphore_mem>>
      %dma_start3A_843 = tpu.memref_squeeze %dma_start3A_842 : memref<1x!tpu.dma_semaphore, #tpu.memory_space<semaphore_mem>> -> memref<!tpu.dma_semaphore, #tpu.memory_space<semaphore_mem>>
      %dma_start3A_844 = arith.constant 0 : i32
      %dma_start3A_845 = arith.constant 0 : i32
      %dma_start3A_846 = tpu.memref_slice %arg11[%dma_start3A_833, %dma_start3A_834, %dma_start3A_844, %dma_start3A_845] : memref<4x2x32x128xf32, #tpu.memory_space<vmem>> -> memref<1x1x32x128xf32, #tpu.memory_space<vmem>>
      %dma_start3A_847 = tpu.memref_squeeze %dma_start3A_846 : memref<1x1x32x128xf32, #tpu.memory_space<vmem>> -> memref<32x128xf32, #tpu.memory_space<vmem>>
      %dma_start3A_848 = arith.constant 0 : i32
      %dma_start3A_849 = tpu.memref_slice %arg4[%dma_start3A_848, %multiple_of3A_832] : memref<32x1000000xf32, #tpu.memory_space<hbm>> -> memref<32x128xf32, #tpu.memory_space<hbm>>
      tpu.enqueue_dma source(%dma_start3A_849 : memref<32x128xf32, #tpu.memory_space<hbm>>) target(%dma_start3A_847 : memref<32x128xf32, #tpu.memory_space<vmem>>) target_semaphore(%dma_start3A_843 : memref<!tpu.dma_semaphore, #tpu.memory_space<semaphore_mem>>)
      %slice3A_850 = vector.extract_strided_slice %get3A_596 {offsets = [4], sizes = [1], strides = [1]} : vector<16xi32> to vector<1xi32>
      %squeeze3A_851 = vector.extract %slice3A_850[0] : i32 from vector<1xi32>
      %shift_right_arithmetic3A_852 = arith.constant 7 : i32
      %shift_right_arithmetic3A_853 = arith.shrsi %squeeze3A_851, %shift_right_arithmetic3A_852 : i32
      %mul3A_854 = arith.constant 128 : i32
      %mul3A_855 = arith.muli %shift_right_arithmetic3A_853, %mul3A_854 : i32
      %multiple_of3A_856 = tpu.assume_multiple %mul3A_855, 128 : i32
      %dma_start3A_857 = arith.constant 2 : i32
      %dma_start3A_858 = arith.constant 0 : i32
      %dma_start3A_859 = arith.constant 2 : i32
      %dma_start3A_860 = arith.constant 0 : i32
      %dma_start3A_861 = arith.constant 0 : i32
      %dma_start3A_862 = tpu.memref_slice %arg12[%dma_start3A_857, %dma_start3A_858, %dma_start3A_860, %dma_start3A_861] : memref<4x2x32x128xf32, #tpu.memory_space<vmem>> -> memref<1x1x32x128xf32, #tpu.memory_space<vmem>>
      %dma_start3A_863 = tpu.memref_squeeze %dma_start3A_862 : memref<1x1x32x128xf32, #tpu.memory_space<vmem>> -> memref<32x128xf32, #tpu.memory_space<vmem>>
      %dma_start3A_864 = arith.constant 0 : i32
      %dma_start3A_865 = tpu.memref_slice %arg5[%dma_start3A_864, %multiple_of3A_856] : memref<32x1000000xf32, #tpu.memory_space<hbm>> -> memref<32x128xf32, #tpu.memory_space<hbm>>
      %dma_start3A_866 = tpu.memref_slice %arg15[%dma_start3A_859] : memref<4x!tpu.dma_semaphore, #tpu.memory_space<semaphore_mem>> -> memref<1x!tpu.dma_semaphore, #tpu.memory_space<semaphore_mem>>
      %dma_start3A_867 = tpu.memref_squeeze %dma_start3A_866 : memref<1x!tpu.dma_semaphore, #tpu.memory_space<semaphore_mem>> -> memref<!tpu.dma_semaphore, #tpu.memory_space<semaphore_mem>>
      %dma_start3A_868 = arith.constant 0 : i32
      %dma_start3A_869 = arith.constant 0 : i32
      %dma_start3A_870 = tpu.memref_slice %arg12[%dma_start3A_857, %dma_start3A_858, %dma_start3A_868, %dma_start3A_869] : memref<4x2x32x128xf32, #tpu.memory_space<vmem>> -> memref<1x1x32x128xf32, #tpu.memory_space<vmem>>
      %dma_start3A_871 = tpu.memref_squeeze %dma_start3A_870 : memref<1x1x32x128xf32, #tpu.memory_space<vmem>> -> memref<32x128xf32, #tpu.memory_space<vmem>>
      %dma_start3A_872 = arith.constant 0 : i32
      %dma_start3A_873 = tpu.memref_slice %arg5[%dma_start3A_872, %multiple_of3A_856] : memref<32x1000000xf32, #tpu.memory_space<hbm>> -> memref<32x128xf32, #tpu.memory_space<hbm>>
      tpu.enqueue_dma source(%dma_start3A_873 : memref<32x128xf32, #tpu.memory_space<hbm>>) target(%dma_start3A_871 : memref<32x128xf32, #tpu.memory_space<vmem>>) target_semaphore(%dma_start3A_867 : memref<!tpu.dma_semaphore, #tpu.memory_space<semaphore_mem>>)
      %slice3A_874 = vector.extract_strided_slice %get3A_596 {offsets = [5], sizes = [1], strides = [1]} : vector<16xi32> to vector<1xi32>
      %squeeze3A_875 = vector.extract %slice3A_874[0] : i32 from vector<1xi32>
      %shift_right_arithmetic3A_876 = arith.constant 7 : i32
      %shift_right_arithmetic3A_877 = arith.shrsi %squeeze3A_875, %shift_right_arithmetic3A_876 : i32
      %mul3A_878 = arith.constant 128 : i32
      %mul3A_879 = arith.muli %shift_right_arithmetic3A_877, %mul3A_878 : i32
      %multiple_of3A_880 = tpu.assume_multiple %mul3A_879, 128 : i32
      %dma_start3A_881 = arith.constant 2 : i32
      %dma_start3A_882 = arith.constant 1 : i32
      %dma_start3A_883 = arith.constant 2 : i32
      %dma_start3A_884 = arith.constant 0 : i32
      %dma_start3A_885 = arith.constant 0 : i32
      %dma_start3A_886 = tpu.memref_slice %arg12[%dma_start3A_881, %dma_start3A_882, %dma_start3A_884, %dma_start3A_885] : memref<4x2x32x128xf32, #tpu.memory_space<vmem>> -> memref<1x1x32x128xf32, #tpu.memory_space<vmem>>
      %dma_start3A_887 = tpu.memref_squeeze %dma_start3A_886 : memref<1x1x32x128xf32, #tpu.memory_space<vmem>> -> memref<32x128xf32, #tpu.memory_space<vmem>>
      %dma_start3A_888 = arith.constant 0 : i32
      %dma_start3A_889 = tpu.memref_slice %arg5[%dma_start3A_888, %multiple_of3A_880] : memref<32x1000000xf32, #tpu.memory_space<hbm>> -> memref<32x128xf32, #tpu.memory_space<hbm>>
      %dma_start3A_890 = tpu.memref_slice %arg15[%dma_start3A_883] : memref<4x!tpu.dma_semaphore, #tpu.memory_space<semaphore_mem>> -> memref<1x!tpu.dma_semaphore, #tpu.memory_space<semaphore_mem>>
      %dma_start3A_891 = tpu.memref_squeeze %dma_start3A_890 : memref<1x!tpu.dma_semaphore, #tpu.memory_space<semaphore_mem>> -> memref<!tpu.dma_semaphore, #tpu.memory_space<semaphore_mem>>
      %dma_start3A_892 = arith.constant 0 : i32
      %dma_start3A_893 = arith.constant 0 : i32
      %dma_start3A_894 = tpu.memref_slice %arg12[%dma_start3A_881, %dma_start3A_882, %dma_start3A_892, %dma_start3A_893] : memref<4x2x32x128xf32, #tpu.memory_space<vmem>> -> memref<1x1x32x128xf32, #tpu.memory_space<vmem>>
      %dma_start3A_895 = tpu.memref_squeeze %dma_start3A_894 : memref<1x1x32x128xf32, #tpu.memory_space<vmem>> -> memref<32x128xf32, #tpu.memory_space<vmem>>
      %dma_start3A_896 = arith.constant 0 : i32
      %dma_start3A_897 = tpu.memref_slice %arg5[%dma_start3A_896, %multiple_of3A_880] : memref<32x1000000xf32, #tpu.memory_space<hbm>> -> memref<32x128xf32, #tpu.memory_space<hbm>>
      tpu.enqueue_dma source(%dma_start3A_897 : memref<32x128xf32, #tpu.memory_space<hbm>>) target(%dma_start3A_895 : memref<32x128xf32, #tpu.memory_space<vmem>>) target_semaphore(%dma_start3A_891 : memref<!tpu.dma_semaphore, #tpu.memory_space<semaphore_mem>>)
      %mul3A_898 = arith.constant 16 : i32
      %mul3A_899 = arith.muli %add3A_588, %mul3A_898 : i32
      %add3A_900 = arith.constant -2 : i32
      %add3A_901 = arith.addi %mul3A_899, %add3A_900 : i32
      %gt3A_902 = arith.constant 0 : i32
      %gt3A_903 = arith.cmpi sgt, %add3A_588, %gt3A_902 : i32
      %convert_element_type3A_904 = arith.extui %gt3A_903 : i1 to i32
      %cond3A_905 = arith.constant 0 : i32
      %cond3A_906 = arith.cmpi ne, %convert_element_type3A_904, %cond3A_905 : i32
      scf.if %cond3A_906 {
        %sub3A = arith.constant 1 : i32
        %sub3A_2347 = arith.subi %add3A_588, %sub3A : i32
        %mul3A_2348 = arith.constant 16 : i32
        %mul3A_2349 = arith.muli %sub3A_2347, %mul3A_2348 : i32
        %get3A_2350 = arith.index_cast %mul3A_2349 : i32 to index
        %get3A_2351 = tpu.vector_load %arg7[%get3A_2350] {strides = array<i32>} : memref<512xi32, #tpu.memory_space<vmem>>, vector<16xi32>,
        %sub3A_2352 = arith.constant 1 : i32
        %sub3A_2353 = arith.subi %add3A_588, %sub3A_2352 : i32
        %mul3A_2354 = arith.constant 16 : i32
        %mul3A_2355 = arith.muli %sub3A_2353, %mul3A_2354 : i32
        %get3A_2356 = arith.index_cast %mul3A_2355 : i32 to index
        %get3A_2357 = tpu.vector_load %arg8[%get3A_2356] {strides = array<i32>} : memref<512xi32, #tpu.memory_space<vmem>>, vector<16xi32>,
        %dma_wait3A_2358 = arith.constant 3 : i32
        %dma_wait3A_2359 = arith.constant 0 : i32
        %dma_wait3A_2360 = arith.constant 3 : i32
        %dma_wait3A_2361 = arith.constant 0 : i32
        %dma_wait3A_2362 = arith.constant 0 : i32
        %dma_wait3A_2363 = tpu.memref_slice %arg11[%dma_wait3A_2358, %dma_wait3A_2359, %dma_wait3A_2361, %dma_wait3A_2362] : memref<4x2x32x128xf32, #tpu.memory_space<vmem>> -> memref<1x1x32x128xf32, #tpu.memory_space<vmem>>
        %dma_wait3A_2364 = tpu.memref_squeeze %dma_wait3A_2363 : memref<1x1x32x128xf32, #tpu.memory_space<vmem>> -> memref<32x128xf32, #tpu.memory_space<vmem>>
        %dma_wait3A_2365 = arith.constant 0 : i32
        %dma_wait3A_2366 = arith.constant 0 : i32
        %dma_wait3A_2367 = tpu.memref_slice %arg4[%dma_wait3A_2365, %dma_wait3A_2366] : memref<32x1000000xf32, #tpu.memory_space<hbm>> -> memref<32x128xf32, #tpu.memory_space<hbm>>
        %dma_wait3A_2368 = tpu.memref_slice %arg14[%dma_wait3A_2360] : memref<4x!tpu.dma_semaphore, #tpu.memory_space<semaphore_mem>> -> memref<1x!tpu.dma_semaphore, #tpu.memory_space<semaphore_mem>>
        %dma_wait3A_2369 = tpu.memref_squeeze %dma_wait3A_2368 : memref<1x!tpu.dma_semaphore, #tpu.memory_space<semaphore_mem>> -> memref<!tpu.dma_semaphore, #tpu.memory_space<semaphore_mem>>
        %dma_wait3A_2370 = arith.constant 0 : i32
        %dma_wait3A_2371 = arith.constant 0 : i32
        %dma_wait3A_2372 = tpu.memref_slice %arg11[%dma_wait3A_2358, %dma_wait3A_2359, %dma_wait3A_2370, %dma_wait3A_2371] : memref<4x2x32x128xf32, #tpu.memory_space<vmem>> -> memref<1x1x32x128xf32, #tpu.memory_space<vmem>>
        %dma_wait3A_2373 = tpu.memref_squeeze %dma_wait3A_2372 : memref<1x1x32x128xf32, #tpu.memory_space<vmem>> -> memref<32x128xf32, #tpu.memory_space<vmem>>
        %dma_wait3A_2374 = arith.constant 0 : i32
        %dma_wait3A_2375 = arith.constant 0 : i32
        %dma_wait3A_2376 = tpu.memref_slice %arg4[%dma_wait3A_2374, %dma_wait3A_2375] : memref<32x1000000xf32, #tpu.memory_space<hbm>> -> memref<32x128xf32, #tpu.memory_space<hbm>>
        tpu.wait_dma2 semaphore(%dma_wait3A_2369 : memref<!tpu.dma_semaphore, #tpu.memory_space<semaphore_mem>>) src(%dma_wait3A_2376 : memref<32x128xf32, #tpu.memory_space<hbm>>) dst(%dma_wait3A_2373 : memref<32x128xf32, #tpu.memory_space<vmem>>)
        %dma_wait3A_2377 = arith.constant 3 : i32
        %dma_wait3A_2378 = arith.constant 1 : i32
        %dma_wait3A_2379 = arith.constant 3 : i32
        %dma_wait3A_2380 = arith.constant 0 : i32
        %dma_wait3A_2381 = arith.constant 0 : i32
        %dma_wait3A_2382 = tpu.memref_slice %arg11[%dma_wait3A_2377, %dma_wait3A_2378, %dma_wait3A_2380, %dma_wait3A_2381] : memref<4x2x32x128xf32, #tpu.memory_space<vmem>> -> memref<1x1x32x128xf32, #tpu.memory_space<vmem>>
        %dma_wait3A_2383 = tpu.memref_squeeze %dma_wait3A_2382 : memref<1x1x32x128xf32, #tpu.memory_space<vmem>> -> memref<32x128xf32, #tpu.memory_space<vmem>>
        %dma_wait3A_2384 = arith.constant 0 : i32
        %dma_wait3A_2385 = arith.constant 0 : i32
        %dma_wait3A_2386 = tpu.memref_slice %arg4[%dma_wait3A_2384, %dma_wait3A_2385] : memref<32x1000000xf32, #tpu.memory_space<hbm>> -> memref<32x128xf32, #tpu.memory_space<hbm>>
        %dma_wait3A_2387 = tpu.memref_slice %arg14[%dma_wait3A_2379] : memref<4x!tpu.dma_semaphore, #tpu.memory_space<semaphore_mem>> -> memref<1x!tpu.dma_semaphore, #tpu.memory_space<semaphore_mem>>
        %dma_wait3A_2388 = tpu.memref_squeeze %dma_wait3A_2387 : memref<1x!tpu.dma_semaphore, #tpu.memory_space<semaphore_mem>> -> memref<!tpu.dma_semaphore, #tpu.memory_space<semaphore_mem>>
        %dma_wait3A_2389 = arith.constant 0 : i32
        %dma_wait3A_2390 = arith.constant 0 : i32
        %dma_wait3A_2391 = tpu.memref_slice %arg11[%dma_wait3A_2377, %dma_wait3A_2378, %dma_wait3A_2389, %dma_wait3A_2390] : memref<4x2x32x128xf32, #tpu.memory_space<vmem>> -> memref<1x1x32x128xf32, #tpu.memory_space<vmem>>
        %dma_wait3A_2392 = tpu.memref_squeeze %dma_wait3A_2391 : memref<1x1x32x128xf32, #tpu.memory_space<vmem>> -> memref<32x128xf32, #tpu.memory_space<vmem>>
        %dma_wait3A_2393 = arith.constant 0 : i32
        %dma_wait3A_2394 = arith.constant 0 : i32
        %dma_wait3A_2395 = tpu.memref_slice %arg4[%dma_wait3A_2393, %dma_wait3A_2394] : memref<32x1000000xf32, #tpu.memory_space<hbm>> -> memref<32x128xf32, #tpu.memory_space<hbm>>
        tpu.wait_dma2 semaphore(%dma_wait3A_2388 : memref<!tpu.dma_semaphore, #tpu.memory_space<semaphore_mem>>) src(%dma_wait3A_2395 : memref<32x128xf32, #tpu.memory_space<hbm>>) dst(%dma_wait3A_2392 : memref<32x128xf32, #tpu.memory_space<vmem>>)
        %broadcast_in_dim3A_2396 = arith.constant 3 : i32
        %broadcast_in_dim3A_2397 = vector.broadcast %broadcast_in_dim3A_2396 : i32 to vector<16xi32>
        %add3A_2398 = arith.constant 0 : i32
        %add3A_2399 = arith.addi %add3A_901, %add3A_2398 : i32
        %slice3A_2400 = vector.extract_strided_slice %get3A_2351 {offsets = [14], sizes = [1], strides = [1]} : vector<16xi32> to vector<1xi32>
        %squeeze3A_2401 = vector.extract %slice3A_2400[0] : i32 from vector<1xi32>
        %and3A_2402 = arith.constant 127 : i32
        %and3A_2403 = arith.andi %squeeze3A_2401, %and3A_2402 : i32
        %broadcast_in_dim3A_2404 = vector.broadcast %and3A_2403 : i32 to vector<16xi32>
        %broadcast_in_dim3A_2405 = arith.constant 0 : i32
        %broadcast_in_dim3A_2406 = vector.broadcast %broadcast_in_dim3A_2405 : i32 to vector<16xi32>
        %gather3A_2407 = tpu.vector_load_idx %arg11[%broadcast_in_dim3A_2397, %broadcast_in_dim3A_2406, %iota3A, %broadcast_in_dim3A_2404] : memref<4x2x32x128xf32, #tpu.memory_space<vmem>>[vector<16xi32>, vector<16xi32>, vector<16xi32>, vector<16xi32>], vector<16xf32>,
        %add3A_2408 = arith.constant 16 : i32
        %add3A_2409 = vector.broadcast %add3A_2408 : i32 to vector<16xi32>
        %add3A_2410 = arith.addi %add3A_2409, %iota3A : vector<16xi32>
        %gather3A_2411 = tpu.vector_load_idx %arg11[%broadcast_in_dim3A_2397, %broadcast_in_dim3A_2406, %add3A_2410, %broadcast_in_dim3A_2404] : memref<4x2x32x128xf32, #tpu.memory_space<vmem>>[vector<16xi32>, vector<16xi32>, vector<16xi32>, vector<16xi32>], vector<16xf32>,
        %mul3A_2412 = arith.constant 512 : i32
        %mul3A_2413 = vector.broadcast %mul3A_2412 : i32 to vector<16xi32>
        %mul3A_2414 = arith.muli %iota3A, %mul3A_2413 : vector<16xi32>
        %add3A_2415 = vector.broadcast %add3A_2399 : i32 to vector<16xi32>
        %add3A_2416 = arith.addi %mul3A_2414, %add3A_2415 : vector<16xi32>
        tpu.vector_store_idx %arg9[%add3A_2416], %gather3A_2407 : memref<16384xf32, #tpu.memory_space<vmem>>[vector<16xi32>], vector<16xf32>,
        %add3A_2417 = arith.constant 16 : i32
        %add3A_2418 = vector.broadcast %add3A_2417 : i32 to vector<16xi32>
        %add3A_2419 = arith.addi %add3A_2418, %iota3A : vector<16xi32>
        %mul3A_2420 = arith.constant 512 : i32
        %mul3A_2421 = vector.broadcast %mul3A_2420 : i32 to vector<16xi32>
        %mul3A_2422 = arith.muli %add3A_2419, %mul3A_2421 : vector<16xi32>
        %add3A_2423 = vector.broadcast %add3A_2399 : i32 to vector<16xi32>
        %add3A_2424 = arith.addi %mul3A_2422, %add3A_2423 : vector<16xi32>
        tpu.vector_store_idx %arg9[%add3A_2424], %gather3A_2411 : memref<16384xf32, #tpu.memory_space<vmem>>[vector<16xi32>], vector<16xf32>,
        %add3A_2425 = arith.constant 1 : i32
        %add3A_2426 = arith.addi %add3A_901, %add3A_2425 : i32
        %slice3A_2427 = vector.extract_strided_slice %get3A_2351 {offsets = [15], sizes = [1], strides = [1]} : vector<16xi32> to vector<1xi32>
        %squeeze3A_2428 = vector.extract %slice3A_2427[0] : i32 from vector<1xi32>
        %and3A_2429 = arith.constant 127 : i32
        %and3A_2430 = arith.andi %squeeze3A_2428, %and3A_2429 : i32
        %broadcast_in_dim3A_2431 = vector.broadcast %and3A_2430 : i32 to vector<16xi32>
        %broadcast_in_dim3A_2432 = arith.constant 1 : i32
        %broadcast_in_dim3A_2433 = vector.broadcast %broadcast_in_dim3A_2432 : i32 to vector<16xi32>
        %gather3A_2434 = tpu.vector_load_idx %arg11[%broadcast_in_dim3A_2397, %broadcast_in_dim3A_2433, %iota3A, %broadcast_in_dim3A_2431] : memref<4x2x32x128xf32, #tpu.memory_space<vmem>>[vector<16xi32>, vector<16xi32>, vector<16xi32>, vector<16xi32>], vector<16xf32>,
        %add3A_2435 = arith.constant 16 : i32
        %add3A_2436 = vector.broadcast %add3A_2435 : i32 to vector<16xi32>
        %add3A_2437 = arith.addi %add3A_2436, %iota3A : vector<16xi32>
        %gather3A_2438 = tpu.vector_load_idx %arg11[%broadcast_in_dim3A_2397, %broadcast_in_dim3A_2433, %add3A_2437, %broadcast_in_dim3A_2431] : memref<4x2x32x128xf32, #tpu.memory_space<vmem>>[vector<16xi32>, vector<16xi32>, vector<16xi32>, vector<16xi32>], vector<16xf32>,
        %mul3A_2439 = arith.constant 512 : i32
        %mul3A_2440 = vector.broadcast %mul3A_2439 : i32 to vector<16xi32>
        %mul3A_2441 = arith.muli %iota3A, %mul3A_2440 : vector<16xi32>
        %add3A_2442 = vector.broadcast %add3A_2426 : i32 to vector<16xi32>
        %add3A_2443 = arith.addi %mul3A_2441, %add3A_2442 : vector<16xi32>
        tpu.vector_store_idx %arg9[%add3A_2443], %gather3A_2434 : memref<16384xf32, #tpu.memory_space<vmem>>[vector<16xi32>], vector<16xf32>,
        %add3A_2444 = arith.constant 16 : i32
        %add3A_2445 = vector.broadcast %add3A_2444 : i32 to vector<16xi32>
        %add3A_2446 = arith.addi %add3A_2445, %iota3A : vector<16xi32>
        %mul3A_2447 = arith.constant 512 : i32
        %mul3A_2448 = vector.broadcast %mul3A_2447 : i32 to vector<16xi32>
        %mul3A_2449 = arith.muli %add3A_2446, %mul3A_2448 : vector<16xi32>
        %add3A_2450 = vector.broadcast %add3A_2426 : i32 to vector<16xi32>
        %add3A_2451 = arith.addi %mul3A_2449, %add3A_2450 : vector<16xi32>
        tpu.vector_store_idx %arg9[%add3A_2451], %gather3A_2438 : memref<16384xf32, #tpu.memory_space<vmem>>[vector<16xi32>], vector<16xf32>,
        %dma_wait3A_2452 = arith.constant 3 : i32
        %dma_wait3A_2453 = arith.constant 0 : i32
        %dma_wait3A_2454 = arith.constant 3 : i32
        %dma_wait3A_2455 = arith.constant 0 : i32
        %dma_wait3A_2456 = arith.constant 0 : i32
        %dma_wait3A_2457 = tpu.memref_slice %arg12[%dma_wait3A_2452, %dma_wait3A_2453, %dma_wait3A_2455, %dma_wait3A_2456] : memref<4x2x32x128xf32, #tpu.memory_space<vmem>> -> memref<1x1x32x128xf32, #tpu.memory_space<vmem>>
        %dma_wait3A_2458 = tpu.memref_squeeze %dma_wait3A_2457 : memref<1x1x32x128xf32, #tpu.memory_space<vmem>> -> memref<32x128xf32, #tpu.memory_space<vmem>>
        %dma_wait3A_2459 = arith.constant 0 : i32
        %dma_wait3A_2460 = arith.constant 0 : i32
        %dma_wait3A_2461 = tpu.memref_slice %arg5[%dma_wait3A_2459, %dma_wait3A_2460] : memref<32x1000000xf32, #tpu.memory_space<hbm>> -> memref<32x128xf32, #tpu.memory_space<hbm>>
        %dma_wait3A_2462 = tpu.memref_slice %arg15[%dma_wait3A_2454] : memref<4x!tpu.dma_semaphore, #tpu.memory_space<semaphore_mem>> -> memref<1x!tpu.dma_semaphore, #tpu.memory_space<semaphore_mem>>
        %dma_wait3A_2463 = tpu.memref_squeeze %dma_wait3A_2462 : memref<1x!tpu.dma_semaphore, #tpu.memory_space<semaphore_mem>> -> memref<!tpu.dma_semaphore, #tpu.memory_space<semaphore_mem>>
        %dma_wait3A_2464 = arith.constant 0 : i32
        %dma_wait3A_2465 = arith.constant 0 : i32
        %dma_wait3A_2466 = tpu.memref_slice %arg12[%dma_wait3A_2452, %dma_wait3A_2453, %dma_wait3A_2464, %dma_wait3A_2465] : memref<4x2x32x128xf32, #tpu.memory_space<vmem>> -> memref<1x1x32x128xf32, #tpu.memory_space<vmem>>
        %dma_wait3A_2467 = tpu.memref_squeeze %dma_wait3A_2466 : memref<1x1x32x128xf32, #tpu.memory_space<vmem>> -> memref<32x128xf32, #tpu.memory_space<vmem>>
        %dma_wait3A_2468 = arith.constant 0 : i32
        %dma_wait3A_2469 = arith.constant 0 : i32
        %dma_wait3A_2470 = tpu.memref_slice %arg5[%dma_wait3A_2468, %dma_wait3A_2469] : memref<32x1000000xf32, #tpu.memory_space<hbm>> -> memref<32x128xf32, #tpu.memory_space<hbm>>
        tpu.wait_dma2 semaphore(%dma_wait3A_2463 : memref<!tpu.dma_semaphore, #tpu.memory_space<semaphore_mem>>) src(%dma_wait3A_2470 : memref<32x128xf32, #tpu.memory_space<hbm>>) dst(%dma_wait3A_2467 : memref<32x128xf32, #tpu.memory_space<vmem>>)
        %dma_wait3A_2471 = arith.constant 3 : i32
        %dma_wait3A_2472 = arith.constant 1 : i32
        %dma_wait3A_2473 = arith.constant 3 : i32
        %dma_wait3A_2474 = arith.constant 0 : i32
        %dma_wait3A_2475 = arith.constant 0 : i32
        %dma_wait3A_2476 = tpu.memref_slice %arg12[%dma_wait3A_2471, %dma_wait3A_2472, %dma_wait3A_2474, %dma_wait3A_2475] : memref<4x2x32x128xf32, #tpu.memory_space<vmem>> -> memref<1x1x32x128xf32, #tpu.memory_space<vmem>>
        %dma_wait3A_2477 = tpu.memref_squeeze %dma_wait3A_2476 : memref<1x1x32x128xf32, #tpu.memory_space<vmem>> -> memref<32x128xf32, #tpu.memory_space<vmem>>
        %dma_wait3A_2478 = arith.constant 0 : i32
        %dma_wait3A_2479 = arith.constant 0 : i32
        %dma_wait3A_2480 = tpu.memref_slice %arg5[%dma_wait3A_2478, %dma_wait3A_2479] : memref<32x1000000xf32, #tpu.memory_space<hbm>> -> memref<32x128xf32, #tpu.memory_space<hbm>>
        %dma_wait3A_2481 = tpu.memref_slice %arg15[%dma_wait3A_2473] : memref<4x!tpu.dma_semaphore, #tpu.memory_space<semaphore_mem>> -> memref<1x!tpu.dma_semaphore, #tpu.memory_space<semaphore_mem>>
        %dma_wait3A_2482 = tpu.memref_squeeze %dma_wait3A_2481 : memref<1x!tpu.dma_semaphore, #tpu.memory_space<semaphore_mem>> -> memref<!tpu.dma_semaphore, #tpu.memory_space<semaphore_mem>>
        %dma_wait3A_2483 = arith.constant 0 : i32
        %dma_wait3A_2484 = arith.constant 0 : i32
        %dma_wait3A_2485 = tpu.memref_slice %arg12[%dma_wait3A_2471, %dma_wait3A_2472, %dma_wait3A_2483, %dma_wait3A_2484] : memref<4x2x32x128xf32, #tpu.memory_space<vmem>> -> memref<1x1x32x128xf32, #tpu.memory_space<vmem>>
        %dma_wait3A_2486 = tpu.memref_squeeze %dma_wait3A_2485 : memref<1x1x32x128xf32, #tpu.memory_space<vmem>> -> memref<32x128xf32, #tpu.memory_space<vmem>>
        %dma_wait3A_2487 = arith.constant 0 : i32
        %dma_wait3A_2488 = arith.constant 0 : i32
        %dma_wait3A_2489 = tpu.memref_slice %arg5[%dma_wait3A_2487, %dma_wait3A_2488] : memref<32x1000000xf32, #tpu.memory_space<hbm>> -> memref<32x128xf32, #tpu.memory_space<hbm>>
        tpu.wait_dma2 semaphore(%dma_wait3A_2482 : memref<!tpu.dma_semaphore, #tpu.memory_space<semaphore_mem>>) src(%dma_wait3A_2489 : memref<32x128xf32, #tpu.memory_space<hbm>>) dst(%dma_wait3A_2486 : memref<32x128xf32, #tpu.memory_space<vmem>>)
        %broadcast_in_dim3A_2490 = arith.constant 3 : i32
        %broadcast_in_dim3A_2491 = vector.broadcast %broadcast_in_dim3A_2490 : i32 to vector<16xi32>
        %add3A_2492 = arith.constant 0 : i32
        %add3A_2493 = arith.addi %add3A_901, %add3A_2492 : i32
        %slice3A_2494 = vector.extract_strided_slice %get3A_2357 {offsets = [14], sizes = [1], strides = [1]} : vector<16xi32> to vector<1xi32>
        %squeeze3A_2495 = vector.extract %slice3A_2494[0] : i32 from vector<1xi32>
        %and3A_2496 = arith.constant 127 : i32
        %and3A_2497 = arith.andi %squeeze3A_2495, %and3A_2496 : i32
        %broadcast_in_dim3A_2498 = vector.broadcast %and3A_2497 : i32 to vector<16xi32>
        %broadcast_in_dim3A_2499 = arith.constant 0 : i32
        %broadcast_in_dim3A_2500 = vector.broadcast %broadcast_in_dim3A_2499 : i32 to vector<16xi32>
        %gather3A_2501 = tpu.vector_load_idx %arg12[%broadcast_in_dim3A_2491, %broadcast_in_dim3A_2500, %iota3A, %broadcast_in_dim3A_2498] : memref<4x2x32x128xf32, #tpu.memory_space<vmem>>[vector<16xi32>, vector<16xi32>, vector<16xi32>, vector<16xi32>], vector<16xf32>,
        %add3A_2502 = arith.constant 16 : i32
        %add3A_2503 = vector.broadcast %add3A_2502 : i32 to vector<16xi32>
        %add3A_2504 = arith.addi %add3A_2503, %iota3A : vector<16xi32>
        %gather3A_2505 = tpu.vector_load_idx %arg12[%broadcast_in_dim3A_2491, %broadcast_in_dim3A_2500, %add3A_2504, %broadcast_in_dim3A_2498] : memref<4x2x32x128xf32, #tpu.memory_space<vmem>>[vector<16xi32>, vector<16xi32>, vector<16xi32>, vector<16xi32>], vector<16xf32>,
        %mul3A_2506 = arith.constant 512 : i32
        %mul3A_2507 = vector.broadcast %mul3A_2506 : i32 to vector<16xi32>
        %mul3A_2508 = arith.muli %iota3A, %mul3A_2507 : vector<16xi32>
        %add3A_2509 = vector.broadcast %add3A_2493 : i32 to vector<16xi32>
        %add3A_2510 = arith.addi %mul3A_2508, %add3A_2509 : vector<16xi32>
        tpu.vector_store_idx %arg10[%add3A_2510], %gather3A_2501 : memref<16384xf32, #tpu.memory_space<vmem>>[vector<16xi32>], vector<16xf32>,
        %add3A_2511 = arith.constant 16 : i32
        %add3A_2512 = vector.broadcast %add3A_2511 : i32 to vector<16xi32>
        %add3A_2513 = arith.addi %add3A_2512, %iota3A : vector<16xi32>
        %mul3A_2514 = arith.constant 512 : i32
        %mul3A_2515 = vector.broadcast %mul3A_2514 : i32 to vector<16xi32>
        %mul3A_2516 = arith.muli %add3A_2513, %mul3A_2515 : vector<16xi32>
        %add3A_2517 = vector.broadcast %add3A_2493 : i32 to vector<16xi32>
        %add3A_2518 = arith.addi %mul3A_2516, %add3A_2517 : vector<16xi32>
        tpu.vector_store_idx %arg10[%add3A_2518], %gather3A_2505 : memref<16384xf32, #tpu.memory_space<vmem>>[vector<16xi32>], vector<16xf32>,
        %add3A_2519 = arith.constant 1 : i32
        %add3A_2520 = arith.addi %add3A_901, %add3A_2519 : i32
        %slice3A_2521 = vector.extract_strided_slice %get3A_2357 {offsets = [15], sizes = [1], strides = [1]} : vector<16xi32> to vector<1xi32>
        %squeeze3A_2522 = vector.extract %slice3A_2521[0] : i32 from vector<1xi32>
        %and3A_2523 = arith.constant 127 : i32
        %and3A_2524 = arith.andi %squeeze3A_2522, %and3A_2523 : i32
        %broadcast_in_dim3A_2525 = vector.broadcast %and3A_2524 : i32 to vector<16xi32>
        %broadcast_in_dim3A_2526 = arith.constant 1 : i32
        %broadcast_in_dim3A_2527 = vector.broadcast %broadcast_in_dim3A_2526 : i32 to vector<16xi32>
        %gather3A_2528 = tpu.vector_load_idx %arg12[%broadcast_in_dim3A_2491, %broadcast_in_dim3A_2527, %iota3A, %broadcast_in_dim3A_2525] : memref<4x2x32x128xf32, #tpu.memory_space<vmem>>[vector<16xi32>, vector<16xi32>, vector<16xi32>, vector<16xi32>], vector<16xf32>,
        %add3A_2529 = arith.constant 16 : i32
        %add3A_2530 = vector.broadcast %add3A_2529 : i32 to vector<16xi32>
        %add3A_2531 = arith.addi %add3A_2530, %iota3A : vector<16xi32>
        %gather3A_2532 = tpu.vector_load_idx %arg12[%broadcast_in_dim3A_2491, %broadcast_in_dim3A_2527, %add3A_2531, %broadcast_in_dim3A_2525] : memref<4x2x32x128xf32, #tpu.memory_space<vmem>>[vector<16xi32>, vector<16xi32>, vector<16xi32>, vector<16xi32>], vector<16xf32>,
        %mul3A_2533 = arith.constant 512 : i32
        %mul3A_2534 = vector.broadcast %mul3A_2533 : i32 to vector<16xi32>
        %mul3A_2535 = arith.muli %iota3A, %mul3A_2534 : vector<16xi32>
        %add3A_2536 = vector.broadcast %add3A_2520 : i32 to vector<16xi32>
        %add3A_2537 = arith.addi %mul3A_2535, %add3A_2536 : vector<16xi32>
        tpu.vector_store_idx %arg10[%add3A_2537], %gather3A_2528 : memref<16384xf32, #tpu.memory_space<vmem>>[vector<16xi32>], vector<16xf32>,
        %add3A_2538 = arith.constant 16 : i32
        %add3A_2539 = vector.broadcast %add3A_2538 : i32 to vector<16xi32>
        %add3A_2540 = arith.addi %add3A_2539, %iota3A : vector<16xi32>
        %mul3A_2541 = arith.constant 512 : i32
        %mul3A_2542 = vector.broadcast %mul3A_2541 : i32 to vector<16xi32>
        %mul3A_2543 = arith.muli %add3A_2540, %mul3A_2542 : vector<16xi32>
        %add3A_2544 = vector.broadcast %add3A_2520 : i32 to vector<16xi32>
        %add3A_2545 = arith.addi %mul3A_2543, %add3A_2544 : vector<16xi32>
        tpu.vector_store_idx %arg10[%add3A_2545], %gather3A_2532 : memref<16384xf32, #tpu.memory_space<vmem>>[vector<16xi32>], vector<16xf32>,
      } else {
      }
      %slice3A_907 = vector.extract_strided_slice %get3A_592 {offsets = [6], sizes = [1], strides = [1]} : vector<16xi32> to vector<1xi32>
      %squeeze3A_908 = vector.extract %slice3A_907[0] : i32 from vector<1xi32>
      %shift_right_arithmetic3A_909 = arith.constant 7 : i32
      %shift_right_arithmetic3A_910 = arith.shrsi %squeeze3A_908, %shift_right_arithmetic3A_909 : i32
      %mul3A_911 = arith.constant 128 : i32
      %mul3A_912 = arith.muli %shift_right_arithmetic3A_910, %mul3A_911 : i32
      %multiple_of3A_913 = tpu.assume_multiple %mul3A_912, 128 : i32
      %dma_start3A_914 = arith.constant 3 : i32
      %dma_start3A_915 = arith.constant 0 : i32
      %dma_start3A_916 = arith.constant 3 : i32
      %dma_start3A_917 = arith.constant 0 : i32
      %dma_start3A_918 = arith.constant 0 : i32
      %dma_start3A_919 = tpu.memref_slice %arg11[%dma_start3A_914, %dma_start3A_915, %dma_start3A_917, %dma_start3A_918] : memref<4x2x32x128xf32, #tpu.memory_space<vmem>> -> memref<1x1x32x128xf32, #tpu.memory_space<vmem>>
      %dma_start3A_920 = tpu.memref_squeeze %dma_start3A_919 : memref<1x1x32x128xf32, #tpu.memory_space<vmem>> -> memref<32x128xf32, #tpu.memory_space<vmem>>
      %dma_start3A_921 = arith.constant 0 : i32
      %dma_start3A_922 = tpu.memref_slice %arg4[%dma_start3A_921, %multiple_of3A_913] : memref<32x1000000xf32, #tpu.memory_space<hbm>> -> memref<32x128xf32, #tpu.memory_space<hbm>>
      %dma_start3A_923 = tpu.memref_slice %arg14[%dma_start3A_916] : memref<4x!tpu.dma_semaphore, #tpu.memory_space<semaphore_mem>> -> memref<1x!tpu.dma_semaphore, #tpu.memory_space<semaphore_mem>>
      %dma_start3A_924 = tpu.memref_squeeze %dma_start3A_923 : memref<1x!tpu.dma_semaphore, #tpu.memory_space<semaphore_mem>> -> memref<!tpu.dma_semaphore, #tpu.memory_space<semaphore_mem>>
      %dma_start3A_925 = arith.constant 0 : i32
      %dma_start3A_926 = arith.constant 0 : i32
      %dma_start3A_927 = tpu.memref_slice %arg11[%dma_start3A_914, %dma_start3A_915, %dma_start3A_925, %dma_start3A_926] : memref<4x2x32x128xf32, #tpu.memory_space<vmem>> -> memref<1x1x32x128xf32, #tpu.memory_space<vmem>>
      %dma_start3A_928 = tpu.memref_squeeze %dma_start3A_927 : memref<1x1x32x128xf32, #tpu.memory_space<vmem>> -> memref<32x128xf32, #tpu.memory_space<vmem>>
      %dma_start3A_929 = arith.constant 0 : i32
      %dma_start3A_930 = tpu.memref_slice %arg4[%dma_start3A_929, %multiple_of3A_913] : memref<32x1000000xf32, #tpu.memory_space<hbm>> -> memref<32x128xf32, #tpu.memory_space<hbm>>
      tpu.enqueue_dma source(%dma_start3A_930 : memref<32x128xf32, #tpu.memory_space<hbm>>) target(%dma_start3A_928 : memref<32x128xf32, #tpu.memory_space<vmem>>) target_semaphore(%dma_start3A_924 : memref<!tpu.dma_semaphore, #tpu.memory_space<semaphore_mem>>)
      %slice3A_931 = vector.extract_strided_slice %get3A_592 {offsets = [7], sizes = [1], strides = [1]} : vector<16xi32> to vector<1xi32>
      %squeeze3A_932 = vector.extract %slice3A_931[0] : i32 from vector<1xi32>
      %shift_right_arithmetic3A_933 = arith.constant 7 : i32
      %shift_right_arithmetic3A_934 = arith.shrsi %squeeze3A_932, %shift_right_arithmetic3A_933 : i32
      %mul3A_935 = arith.constant 128 : i32
      %mul3A_936 = arith.muli %shift_right_arithmetic3A_934, %mul3A_935 : i32
      %multiple_of3A_937 = tpu.assume_multiple %mul3A_936, 128 : i32
      %dma_start3A_938 = arith.constant 3 : i32
      %dma_start3A_939 = arith.constant 1 : i32
      %dma_start3A_940 = arith.constant 3 : i32
      %dma_start3A_941 = arith.constant 0 : i32
      %dma_start3A_942 = arith.constant 0 : i32
      %dma_start3A_943 = tpu.memref_slice %arg11[%dma_start3A_938, %dma_start3A_939, %dma_start3A_941, %dma_start3A_942] : memref<4x2x32x128xf32, #tpu.memory_space<vmem>> -> memref<1x1x32x128xf32, #tpu.memory_space<vmem>>
      %dma_start3A_944 = tpu.memref_squeeze %dma_start3A_943 : memref<1x1x32x128xf32, #tpu.memory_space<vmem>> -> memref<32x128xf32, #tpu.memory_space<vmem>>
      %dma_start3A_945 = arith.constant 0 : i32
      %dma_start3A_946 = tpu.memref_slice %arg4[%dma_start3A_945, %multiple_of3A_937] : memref<32x1000000xf32, #tpu.memory_space<hbm>> -> memref<32x128xf32, #tpu.memory_space<hbm>>
      %dma_start3A_947 = tpu.memref_slice %arg14[%dma_start3A_940] : memref<4x!tpu.dma_semaphore, #tpu.memory_space<semaphore_mem>> -> memref<1x!tpu.dma_semaphore, #tpu.memory_space<semaphore_mem>>
      %dma_start3A_948 = tpu.memref_squeeze %dma_start3A_947 : memref<1x!tpu.dma_semaphore, #tpu.memory_space<semaphore_mem>> -> memref<!tpu.dma_semaphore, #tpu.memory_space<semaphore_mem>>
      %dma_start3A_949 = arith.constant 0 : i32
      %dma_start3A_950 = arith.constant 0 : i32
      %dma_start3A_951 = tpu.memref_slice %arg11[%dma_start3A_938, %dma_start3A_939, %dma_start3A_949, %dma_start3A_950] : memref<4x2x32x128xf32, #tpu.memory_space<vmem>> -> memref<1x1x32x128xf32, #tpu.memory_space<vmem>>
      %dma_start3A_952 = tpu.memref_squeeze %dma_start3A_951 : memref<1x1x32x128xf32, #tpu.memory_space<vmem>> -> memref<32x128xf32, #tpu.memory_space<vmem>>
      %dma_start3A_953 = arith.constant 0 : i32
      %dma_start3A_954 = tpu.memref_slice %arg4[%dma_start3A_953, %multiple_of3A_937] : memref<32x1000000xf32, #tpu.memory_space<hbm>> -> memref<32x128xf32, #tpu.memory_space<hbm>>
      tpu.enqueue_dma source(%dma_start3A_954 : memref<32x128xf32, #tpu.memory_space<hbm>>) target(%dma_start3A_952 : memref<32x128xf32, #tpu.memory_space<vmem>>) target_semaphore(%dma_start3A_948 : memref<!tpu.dma_semaphore, #tpu.memory_space<semaphore_mem>>)
      %slice3A_955 = vector.extract_strided_slice %get3A_596 {offsets = [6], sizes = [1], strides = [1]} : vector<16xi32> to vector<1xi32>
      %squeeze3A_956 = vector.extract %slice3A_955[0] : i32 from vector<1xi32>
      %shift_right_arithmetic3A_957 = arith.constant 7 : i32
      %shift_right_arithmetic3A_958 = arith.shrsi %squeeze3A_956, %shift_right_arithmetic3A_957 : i32
      %mul3A_959 = arith.constant 128 : i32
      %mul3A_960 = arith.muli %shift_right_arithmetic3A_958, %mul3A_959 : i32
      %multiple_of3A_961 = tpu.assume_multiple %mul3A_960, 128 : i32
      %dma_start3A_962 = arith.constant 3 : i32
      %dma_start3A_963 = arith.constant 0 : i32
      %dma_start3A_964 = arith.constant 3 : i32
      %dma_start3A_965 = arith.constant 0 : i32
      %dma_start3A_966 = arith.constant 0 : i32
      %dma_start3A_967 = tpu.memref_slice %arg12[%dma_start3A_962, %dma_start3A_963, %dma_start3A_965, %dma_start3A_966] : memref<4x2x32x128xf32, #tpu.memory_space<vmem>> -> memref<1x1x32x128xf32, #tpu.memory_space<vmem>>
      %dma_start3A_968 = tpu.memref_squeeze %dma_start3A_967 : memref<1x1x32x128xf32, #tpu.memory_space<vmem>> -> memref<32x128xf32, #tpu.memory_space<vmem>>
      %dma_start3A_969 = arith.constant 0 : i32
      %dma_start3A_970 = tpu.memref_slice %arg5[%dma_start3A_969, %multiple_of3A_961] : memref<32x1000000xf32, #tpu.memory_space<hbm>> -> memref<32x128xf32, #tpu.memory_space<hbm>>
      %dma_start3A_971 = tpu.memref_slice %arg15[%dma_start3A_964] : memref<4x!tpu.dma_semaphore, #tpu.memory_space<semaphore_mem>> -> memref<1x!tpu.dma_semaphore, #tpu.memory_space<semaphore_mem>>
      %dma_start3A_972 = tpu.memref_squeeze %dma_start3A_971 : memref<1x!tpu.dma_semaphore, #tpu.memory_space<semaphore_mem>> -> memref<!tpu.dma_semaphore, #tpu.memory_space<semaphore_mem>>
      %dma_start3A_973 = arith.constant 0 : i32
      %dma_start3A_974 = arith.constant 0 : i32
      %dma_start3A_975 = tpu.memref_slice %arg12[%dma_start3A_962, %dma_start3A_963, %dma_start3A_973, %dma_start3A_974] : memref<4x2x32x128xf32, #tpu.memory_space<vmem>> -> memref<1x1x32x128xf32, #tpu.memory_space<vmem>>
      %dma_start3A_976 = tpu.memref_squeeze %dma_start3A_975 : memref<1x1x32x128xf32, #tpu.memory_space<vmem>> -> memref<32x128xf32, #tpu.memory_space<vmem>>
      %dma_start3A_977 = arith.constant 0 : i32
      %dma_start3A_978 = tpu.memref_slice %arg5[%dma_start3A_977, %multiple_of3A_961] : memref<32x1000000xf32, #tpu.memory_space<hbm>> -> memref<32x128xf32, #tpu.memory_space<hbm>>
      tpu.enqueue_dma source(%dma_start3A_978 : memref<32x128xf32, #tpu.memory_space<hbm>>) target(%dma_start3A_976 : memref<32x128xf32, #tpu.memory_space<vmem>>) target_semaphore(%dma_start3A_972 : memref<!tpu.dma_semaphore, #tpu.memory_space<semaphore_mem>>)
      %slice3A_979 = vector.extract_strided_slice %get3A_596 {offsets = [7], sizes = [1], strides = [1]} : vector<16xi32> to vector<1xi32>
      %squeeze3A_980 = vector.extract %slice3A_979[0] : i32 from vector<1xi32>
      %shift_right_arithmetic3A_981 = arith.constant 7 : i32
      %shift_right_arithmetic3A_982 = arith.shrsi %squeeze3A_980, %shift_right_arithmetic3A_981 : i32
      %mul3A_983 = arith.constant 128 : i32
      %mul3A_984 = arith.muli %shift_right_arithmetic3A_982, %mul3A_983 : i32
      %multiple_of3A_985 = tpu.assume_multiple %mul3A_984, 128 : i32
      %dma_start3A_986 = arith.constant 3 : i32
      %dma_start3A_987 = arith.constant 1 : i32
      %dma_start3A_988 = arith.constant 3 : i32
      %dma_start3A_989 = arith.constant 0 : i32
      %dma_start3A_990 = arith.constant 0 : i32
      %dma_start3A_991 = tpu.memref_slice %arg12[%dma_start3A_986, %dma_start3A_987, %dma_start3A_989, %dma_start3A_990] : memref<4x2x32x128xf32, #tpu.memory_space<vmem>> -> memref<1x1x32x128xf32, #tpu.memory_space<vmem>>
      %dma_start3A_992 = tpu.memref_squeeze %dma_start3A_991 : memref<1x1x32x128xf32, #tpu.memory_space<vmem>> -> memref<32x128xf32, #tpu.memory_space<vmem>>
      %dma_start3A_993 = arith.constant 0 : i32
      %dma_start3A_994 = tpu.memref_slice %arg5[%dma_start3A_993, %multiple_of3A_985] : memref<32x1000000xf32, #tpu.memory_space<hbm>> -> memref<32x128xf32, #tpu.memory_space<hbm>>
      %dma_start3A_995 = tpu.memref_slice %arg15[%dma_start3A_988] : memref<4x!tpu.dma_semaphore, #tpu.memory_space<semaphore_mem>> -> memref<1x!tpu.dma_semaphore, #tpu.memory_space<semaphore_mem>>
      %dma_start3A_996 = tpu.memref_squeeze %dma_start3A_995 : memref<1x!tpu.dma_semaphore, #tpu.memory_space<semaphore_mem>> -> memref<!tpu.dma_semaphore, #tpu.memory_space<semaphore_mem>>
      %dma_start3A_997 = arith.constant 0 : i32
      %dma_start3A_998 = arith.constant 0 : i32
      %dma_start3A_999 = tpu.memref_slice %arg12[%dma_start3A_986, %dma_start3A_987, %dma_start3A_997, %dma_start3A_998] : memref<4x2x32x128xf32, #tpu.memory_space<vmem>> -> memref<1x1x32x128xf32, #tpu.memory_space<vmem>>
      %dma_start3A_1000 = tpu.memref_squeeze %dma_start3A_999 : memref<1x1x32x128xf32, #tpu.memory_space<vmem>> -> memref<32x128xf32, #tpu.memory_space<vmem>>
      %dma_start3A_1001 = arith.constant 0 : i32
      %dma_start3A_1002 = tpu.memref_slice %arg5[%dma_start3A_1001, %multiple_of3A_985] : memref<32x1000000xf32, #tpu.memory_space<hbm>> -> memref<32x128xf32, #tpu.memory_space<hbm>>
      tpu.enqueue_dma source(%dma_start3A_1002 : memref<32x128xf32, #tpu.memory_space<hbm>>) target(%dma_start3A_1000 : memref<32x128xf32, #tpu.memory_space<vmem>>) target_semaphore(%dma_start3A_996 : memref<!tpu.dma_semaphore, #tpu.memory_space<semaphore_mem>>)
      %mul3A_1003 = arith.constant 16 : i32
      %mul3A_1004 = arith.muli %add3A_588, %mul3A_1003 : i32
      %add3A_1005 = arith.constant 0 : i32
      %add3A_1006 = arith.addi %mul3A_1004, %add3A_1005 : i32
      %dma_wait3A_1007 = arith.constant 0 : i32
      %dma_wait3A_1008 = arith.constant 0 : i32
      %dma_wait3A_1009 = arith.constant 0 : i32
      %dma_wait3A_1010 = arith.constant 0 : i32
      %dma_wait3A_1011 = arith.constant 0 : i32
      %dma_wait3A_1012 = tpu.memref_slice %arg11[%dma_wait3A_1007, %dma_wait3A_1008, %dma_wait3A_1010, %dma_wait3A_1011] : memref<4x2x32x128xf32, #tpu.memory_space<vmem>> -> memref<1x1x32x128xf32, #tpu.memory_space<vmem>>
      %dma_wait3A_1013 = tpu.memref_squeeze %dma_wait3A_1012 : memref<1x1x32x128xf32, #tpu.memory_space<vmem>> -> memref<32x128xf32, #tpu.memory_space<vmem>>
      %dma_wait3A_1014 = arith.constant 0 : i32
      %dma_wait3A_1015 = arith.constant 0 : i32
      %dma_wait3A_1016 = tpu.memref_slice %arg4[%dma_wait3A_1014, %dma_wait3A_1015] : memref<32x1000000xf32, #tpu.memory_space<hbm>> -> memref<32x128xf32, #tpu.memory_space<hbm>>
      %dma_wait3A_1017 = tpu.memref_slice %arg14[%dma_wait3A_1009] : memref<4x!tpu.dma_semaphore, #tpu.memory_space<semaphore_mem>> -> memref<1x!tpu.dma_semaphore, #tpu.memory_space<semaphore_mem>>
      %dma_wait3A_1018 = tpu.memref_squeeze %dma_wait3A_1017 : memref<1x!tpu.dma_semaphore, #tpu.memory_space<semaphore_mem>> -> memref<!tpu.dma_semaphore, #tpu.memory_space<semaphore_mem>>
      %dma_wait3A_1019 = arith.constant 0 : i32
      %dma_wait3A_1020 = arith.constant 0 : i32
      %dma_wait3A_1021 = tpu.memref_slice %arg11[%dma_wait3A_1007, %dma_wait3A_1008, %dma_wait3A_1019, %dma_wait3A_1020] : memref<4x2x32x128xf32, #tpu.memory_space<vmem>> -> memref<1x1x32x128xf32, #tpu.memory_space<vmem>>
      %dma_wait3A_1022 = tpu.memref_squeeze %dma_wait3A_1021 : memref<1x1x32x128xf32, #tpu.memory_space<vmem>> -> memref<32x128xf32, #tpu.memory_space<vmem>>
      %dma_wait3A_1023 = arith.constant 0 : i32
      %dma_wait3A_1024 = arith.constant 0 : i32
      %dma_wait3A_1025 = tpu.memref_slice %arg4[%dma_wait3A_1023, %dma_wait3A_1024] : memref<32x1000000xf32, #tpu.memory_space<hbm>> -> memref<32x128xf32, #tpu.memory_space<hbm>>
      tpu.wait_dma2 semaphore(%dma_wait3A_1018 : memref<!tpu.dma_semaphore, #tpu.memory_space<semaphore_mem>>) src(%dma_wait3A_1025 : memref<32x128xf32, #tpu.memory_space<hbm>>) dst(%dma_wait3A_1022 : memref<32x128xf32, #tpu.memory_space<vmem>>)
      %dma_wait3A_1026 = arith.constant 0 : i32
      %dma_wait3A_1027 = arith.constant 1 : i32
      %dma_wait3A_1028 = arith.constant 0 : i32
      %dma_wait3A_1029 = arith.constant 0 : i32
      %dma_wait3A_1030 = arith.constant 0 : i32
      %dma_wait3A_1031 = tpu.memref_slice %arg11[%dma_wait3A_1026, %dma_wait3A_1027, %dma_wait3A_1029, %dma_wait3A_1030] : memref<4x2x32x128xf32, #tpu.memory_space<vmem>> -> memref<1x1x32x128xf32, #tpu.memory_space<vmem>>
      %dma_wait3A_1032 = tpu.memref_squeeze %dma_wait3A_1031 : memref<1x1x32x128xf32, #tpu.memory_space<vmem>> -> memref<32x128xf32, #tpu.memory_space<vmem>>
      %dma_wait3A_1033 = arith.constant 0 : i32
      %dma_wait3A_1034 = arith.constant 0 : i32
      %dma_wait3A_1035 = tpu.memref_slice %arg4[%dma_wait3A_1033, %dma_wait3A_1034] : memref<32x1000000xf32, #tpu.memory_space<hbm>> -> memref<32x128xf32, #tpu.memory_space<hbm>>
      %dma_wait3A_1036 = tpu.memref_slice %arg14[%dma_wait3A_1028] : memref<4x!tpu.dma_semaphore, #tpu.memory_space<semaphore_mem>> -> memref<1x!tpu.dma_semaphore, #tpu.memory_space<semaphore_mem>>
      %dma_wait3A_1037 = tpu.memref_squeeze %dma_wait3A_1036 : memref<1x!tpu.dma_semaphore, #tpu.memory_space<semaphore_mem>> -> memref<!tpu.dma_semaphore, #tpu.memory_space<semaphore_mem>>
      %dma_wait3A_1038 = arith.constant 0 : i32
      %dma_wait3A_1039 = arith.constant 0 : i32
      %dma_wait3A_1040 = tpu.memref_slice %arg11[%dma_wait3A_1026, %dma_wait3A_1027, %dma_wait3A_1038, %dma_wait3A_1039] : memref<4x2x32x128xf32, #tpu.memory_space<vmem>> -> memref<1x1x32x128xf32, #tpu.memory_space<vmem>>
      %dma_wait3A_1041 = tpu.memref_squeeze %dma_wait3A_1040 : memref<1x1x32x128xf32, #tpu.memory_space<vmem>> -> memref<32x128xf32, #tpu.memory_space<vmem>>
      %dma_wait3A_1042 = arith.constant 0 : i32
      %dma_wait3A_1043 = arith.constant 0 : i32
      %dma_wait3A_1044 = tpu.memref_slice %arg4[%dma_wait3A_1042, %dma_wait3A_1043] : memref<32x1000000xf32, #tpu.memory_space<hbm>> -> memref<32x128xf32, #tpu.memory_space<hbm>>
      tpu.wait_dma2 semaphore(%dma_wait3A_1037 : memref<!tpu.dma_semaphore, #tpu.memory_space<semaphore_mem>>) src(%dma_wait3A_1044 : memref<32x128xf32, #tpu.memory_space<hbm>>) dst(%dma_wait3A_1041 : memref<32x128xf32, #tpu.memory_space<vmem>>)
      %broadcast_in_dim3A_1045 = arith.constant 0 : i32
      %broadcast_in_dim3A_1046 = vector.broadcast %broadcast_in_dim3A_1045 : i32 to vector<16xi32>
      %add3A_1047 = arith.constant 0 : i32
      %add3A_1048 = arith.addi %add3A_1006, %add3A_1047 : i32
      %slice3A_1049 = vector.extract_strided_slice %get3A_592 {offsets = [0], sizes = [1], strides = [1]} : vector<16xi32> to vector<1xi32>
      %squeeze3A_1050 = vector.extract %slice3A_1049[0] : i32 from vector<1xi32>
      %and3A_1051 = arith.constant 127 : i32
      %and3A_1052 = arith.andi %squeeze3A_1050, %and3A_1051 : i32
      %broadcast_in_dim3A_1053 = vector.broadcast %and3A_1052 : i32 to vector<16xi32>
      %broadcast_in_dim3A_1054 = arith.constant 0 : i32
      %broadcast_in_dim3A_1055 = vector.broadcast %broadcast_in_dim3A_1054 : i32 to vector<16xi32>
      %gather3A_1056 = tpu.vector_load_idx %arg11[%broadcast_in_dim3A_1046, %broadcast_in_dim3A_1055, %iota3A, %broadcast_in_dim3A_1053] : memref<4x2x32x128xf32, #tpu.memory_space<vmem>>[vector<16xi32>, vector<16xi32>, vector<16xi32>, vector<16xi32>], vector<16xf32>,
      %add3A_1057 = arith.constant 16 : i32
      %add3A_1058 = vector.broadcast %add3A_1057 : i32 to vector<16xi32>
      %add3A_1059 = arith.addi %add3A_1058, %iota3A : vector<16xi32>
      %gather3A_1060 = tpu.vector_load_idx %arg11[%broadcast_in_dim3A_1046, %broadcast_in_dim3A_1055, %add3A_1059, %broadcast_in_dim3A_1053] : memref<4x2x32x128xf32, #tpu.memory_space<vmem>>[vector<16xi32>, vector<16xi32>, vector<16xi32>, vector<16xi32>], vector<16xf32>,
      %mul3A_1061 = arith.constant 512 : i32
      %mul3A_1062 = vector.broadcast %mul3A_1061 : i32 to vector<16xi32>
      %mul3A_1063 = arith.muli %iota3A, %mul3A_1062 : vector<16xi32>
      %add3A_1064 = vector.broadcast %add3A_1048 : i32 to vector<16xi32>
      %add3A_1065 = arith.addi %mul3A_1063, %add3A_1064 : vector<16xi32>
      tpu.vector_store_idx %arg9[%add3A_1065], %gather3A_1056 : memref<16384xf32, #tpu.memory_space<vmem>>[vector<16xi32>], vector<16xf32>,
      %add3A_1066 = arith.constant 16 : i32
      %add3A_1067 = vector.broadcast %add3A_1066 : i32 to vector<16xi32>
      %add3A_1068 = arith.addi %add3A_1067, %iota3A : vector<16xi32>
      %mul3A_1069 = arith.constant 512 : i32
      %mul3A_1070 = vector.broadcast %mul3A_1069 : i32 to vector<16xi32>
      %mul3A_1071 = arith.muli %add3A_1068, %mul3A_1070 : vector<16xi32>
      %add3A_1072 = vector.broadcast %add3A_1048 : i32 to vector<16xi32>
      %add3A_1073 = arith.addi %mul3A_1071, %add3A_1072 : vector<16xi32>
      tpu.vector_store_idx %arg9[%add3A_1073], %gather3A_1060 : memref<16384xf32, #tpu.memory_space<vmem>>[vector<16xi32>], vector<16xf32>,
      %add3A_1074 = arith.constant 1 : i32
      %add3A_1075 = arith.addi %add3A_1006, %add3A_1074 : i32
      %slice3A_1076 = vector.extract_strided_slice %get3A_592 {offsets = [1], sizes = [1], strides = [1]} : vector<16xi32> to vector<1xi32>
      %squeeze3A_1077 = vector.extract %slice3A_1076[0] : i32 from vector<1xi32>
      %and3A_1078 = arith.constant 127 : i32
      %and3A_1079 = arith.andi %squeeze3A_1077, %and3A_1078 : i32
      %broadcast_in_dim3A_1080 = vector.broadcast %and3A_1079 : i32 to vector<16xi32>
      %broadcast_in_dim3A_1081 = arith.constant 1 : i32
      %broadcast_in_dim3A_1082 = vector.broadcast %broadcast_in_dim3A_1081 : i32 to vector<16xi32>
      %gather3A_1083 = tpu.vector_load_idx %arg11[%broadcast_in_dim3A_1046, %broadcast_in_dim3A_1082, %iota3A, %broadcast_in_dim3A_1080] : memref<4x2x32x128xf32, #tpu.memory_space<vmem>>[vector<16xi32>, vector<16xi32>, vector<16xi32>, vector<16xi32>], vector<16xf32>,
      %add3A_1084 = arith.constant 16 : i32
      %add3A_1085 = vector.broadcast %add3A_1084 : i32 to vector<16xi32>
      %add3A_1086 = arith.addi %add3A_1085, %iota3A : vector<16xi32>
      %gather3A_1087 = tpu.vector_load_idx %arg11[%broadcast_in_dim3A_1046, %broadcast_in_dim3A_1082, %add3A_1086, %broadcast_in_dim3A_1080] : memref<4x2x32x128xf32, #tpu.memory_space<vmem>>[vector<16xi32>, vector<16xi32>, vector<16xi32>, vector<16xi32>], vector<16xf32>,
      %mul3A_1088 = arith.constant 512 : i32
      %mul3A_1089 = vector.broadcast %mul3A_1088 : i32 to vector<16xi32>
      %mul3A_1090 = arith.muli %iota3A, %mul3A_1089 : vector<16xi32>
      %add3A_1091 = vector.broadcast %add3A_1075 : i32 to vector<16xi32>
      %add3A_1092 = arith.addi %mul3A_1090, %add3A_1091 : vector<16xi32>
      tpu.vector_store_idx %arg9[%add3A_1092], %gather3A_1083 : memref<16384xf32, #tpu.memory_space<vmem>>[vector<16xi32>], vector<16xf32>,
      %add3A_1093 = arith.constant 16 : i32
      %add3A_1094 = vector.broadcast %add3A_1093 : i32 to vector<16xi32>
      %add3A_1095 = arith.addi %add3A_1094, %iota3A : vector<16xi32>
      %mul3A_1096 = arith.constant 512 : i32
      %mul3A_1097 = vector.broadcast %mul3A_1096 : i32 to vector<16xi32>
      %mul3A_1098 = arith.muli %add3A_1095, %mul3A_1097 : vector<16xi32>
      %add3A_1099 = vector.broadcast %add3A_1075 : i32 to vector<16xi32>
      %add3A_1100 = arith.addi %mul3A_1098, %add3A_1099 : vector<16xi32>
      tpu.vector_store_idx %arg9[%add3A_1100], %gather3A_1087 : memref<16384xf32, #tpu.memory_space<vmem>>[vector<16xi32>], vector<16xf32>,
      %dma_wait3A_1101 = arith.constant 0 : i32
      %dma_wait3A_1102 = arith.constant 0 : i32
      %dma_wait3A_1103 = arith.constant 0 : i32
      %dma_wait3A_1104 = arith.constant 0 : i32
      %dma_wait3A_1105 = arith.constant 0 : i32
      %dma_wait3A_1106 = tpu.memref_slice %arg12[%dma_wait3A_1101, %dma_wait3A_1102, %dma_wait3A_1104, %dma_wait3A_1105] : memref<4x2x32x128xf32, #tpu.memory_space<vmem>> -> memref<1x1x32x128xf32, #tpu.memory_space<vmem>>
      %dma_wait3A_1107 = tpu.memref_squeeze %dma_wait3A_1106 : memref<1x1x32x128xf32, #tpu.memory_space<vmem>> -> memref<32x128xf32, #tpu.memory_space<vmem>>
      %dma_wait3A_1108 = arith.constant 0 : i32
      %dma_wait3A_1109 = arith.constant 0 : i32
      %dma_wait3A_1110 = tpu.memref_slice %arg5[%dma_wait3A_1108, %dma_wait3A_1109] : memref<32x1000000xf32, #tpu.memory_space<hbm>> -> memref<32x128xf32, #tpu.memory_space<hbm>>
      %dma_wait3A_1111 = tpu.memref_slice %arg15[%dma_wait3A_1103] : memref<4x!tpu.dma_semaphore, #tpu.memory_space<semaphore_mem>> -> memref<1x!tpu.dma_semaphore, #tpu.memory_space<semaphore_mem>>
      %dma_wait3A_1112 = tpu.memref_squeeze %dma_wait3A_1111 : memref<1x!tpu.dma_semaphore, #tpu.memory_space<semaphore_mem>> -> memref<!tpu.dma_semaphore, #tpu.memory_space<semaphore_mem>>
      %dma_wait3A_1113 = arith.constant 0 : i32
      %dma_wait3A_1114 = arith.constant 0 : i32
      %dma_wait3A_1115 = tpu.memref_slice %arg12[%dma_wait3A_1101, %dma_wait3A_1102, %dma_wait3A_1113, %dma_wait3A_1114] : memref<4x2x32x128xf32, #tpu.memory_space<vmem>> -> memref<1x1x32x128xf32, #tpu.memory_space<vmem>>
      %dma_wait3A_1116 = tpu.memref_squeeze %dma_wait3A_1115 : memref<1x1x32x128xf32, #tpu.memory_space<vmem>> -> memref<32x128xf32, #tpu.memory_space<vmem>>
      %dma_wait3A_1117 = arith.constant 0 : i32
      %dma_wait3A_1118 = arith.constant 0 : i32
      %dma_wait3A_1119 = tpu.memref_slice %arg5[%dma_wait3A_1117, %dma_wait3A_1118] : memref<32x1000000xf32, #tpu.memory_space<hbm>> -> memref<32x128xf32, #tpu.memory_space<hbm>>
      tpu.wait_dma2 semaphore(%dma_wait3A_1112 : memref<!tpu.dma_semaphore, #tpu.memory_space<semaphore_mem>>) src(%dma_wait3A_1119 : memref<32x128xf32, #tpu.memory_space<hbm>>) dst(%dma_wait3A_1116 : memref<32x128xf32, #tpu.memory_space<vmem>>)
      %dma_wait3A_1120 = arith.constant 0 : i32
      %dma_wait3A_1121 = arith.constant 1 : i32
      %dma_wait3A_1122 = arith.constant 0 : i32
      %dma_wait3A_1123 = arith.constant 0 : i32
      %dma_wait3A_1124 = arith.constant 0 : i32
      %dma_wait3A_1125 = tpu.memref_slice %arg12[%dma_wait3A_1120, %dma_wait3A_1121, %dma_wait3A_1123, %dma_wait3A_1124] : memref<4x2x32x128xf32, #tpu.memory_space<vmem>> -> memref<1x1x32x128xf32, #tpu.memory_space<vmem>>
      %dma_wait3A_1126 = tpu.memref_squeeze %dma_wait3A_1125 : memref<1x1x32x128xf32, #tpu.memory_space<vmem>> -> memref<32x128xf32, #tpu.memory_space<vmem>>
      %dma_wait3A_1127 = arith.constant 0 : i32
      %dma_wait3A_1128 = arith.constant 0 : i32
      %dma_wait3A_1129 = tpu.memref_slice %arg5[%dma_wait3A_1127, %dma_wait3A_1128] : memref<32x1000000xf32, #tpu.memory_space<hbm>> -> memref<32x128xf32, #tpu.memory_space<hbm>>
      %dma_wait3A_1130 = tpu.memref_slice %arg15[%dma_wait3A_1122] : memref<4x!tpu.dma_semaphore, #tpu.memory_space<semaphore_mem>> -> memref<1x!tpu.dma_semaphore, #tpu.memory_space<semaphore_mem>>
      %dma_wait3A_1131 = tpu.memref_squeeze %dma_wait3A_1130 : memref<1x!tpu.dma_semaphore, #tpu.memory_space<semaphore_mem>> -> memref<!tpu.dma_semaphore, #tpu.memory_space<semaphore_mem>>
      %dma_wait3A_1132 = arith.constant 0 : i32
      %dma_wait3A_1133 = arith.constant 0 : i32
      %dma_wait3A_1134 = tpu.memref_slice %arg12[%dma_wait3A_1120, %dma_wait3A_1121, %dma_wait3A_1132, %dma_wait3A_1133] : memref<4x2x32x128xf32, #tpu.memory_space<vmem>> -> memref<1x1x32x128xf32, #tpu.memory_space<vmem>>
      %dma_wait3A_1135 = tpu.memref_squeeze %dma_wait3A_1134 : memref<1x1x32x128xf32, #tpu.memory_space<vmem>> -> memref<32x128xf32, #tpu.memory_space<vmem>>
      %dma_wait3A_1136 = arith.constant 0 : i32
      %dma_wait3A_1137 = arith.constant 0 : i32
      %dma_wait3A_1138 = tpu.memref_slice %arg5[%dma_wait3A_1136, %dma_wait3A_1137] : memref<32x1000000xf32, #tpu.memory_space<hbm>> -> memref<32x128xf32, #tpu.memory_space<hbm>>
      tpu.wait_dma2 semaphore(%dma_wait3A_1131 : memref<!tpu.dma_semaphore, #tpu.memory_space<semaphore_mem>>) src(%dma_wait3A_1138 : memref<32x128xf32, #tpu.memory_space<hbm>>) dst(%dma_wait3A_1135 : memref<32x128xf32, #tpu.memory_space<vmem>>)
      %broadcast_in_dim3A_1139 = arith.constant 0 : i32
      %broadcast_in_dim3A_1140 = vector.broadcast %broadcast_in_dim3A_1139 : i32 to vector<16xi32>
      %add3A_1141 = arith.constant 0 : i32
      %add3A_1142 = arith.addi %add3A_1006, %add3A_1141 : i32
      %slice3A_1143 = vector.extract_strided_slice %get3A_596 {offsets = [0], sizes = [1], strides = [1]} : vector<16xi32> to vector<1xi32>
      %squeeze3A_1144 = vector.extract %slice3A_1143[0] : i32 from vector<1xi32>
      %and3A_1145 = arith.constant 127 : i32
      %and3A_1146 = arith.andi %squeeze3A_1144, %and3A_1145 : i32
      %broadcast_in_dim3A_1147 = vector.broadcast %and3A_1146 : i32 to vector<16xi32>
      %broadcast_in_dim3A_1148 = arith.constant 0 : i32
      %broadcast_in_dim3A_1149 = vector.broadcast %broadcast_in_dim3A_1148 : i32 to vector<16xi32>
      %gather3A_1150 = tpu.vector_load_idx %arg12[%broadcast_in_dim3A_1140, %broadcast_in_dim3A_1149, %iota3A, %broadcast_in_dim3A_1147] : memref<4x2x32x128xf32, #tpu.memory_space<vmem>>[vector<16xi32>, vector<16xi32>, vector<16xi32>, vector<16xi32>], vector<16xf32>,
      %add3A_1151 = arith.constant 16 : i32
      %add3A_1152 = vector.broadcast %add3A_1151 : i32 to vector<16xi32>
      %add3A_1153 = arith.addi %add3A_1152, %iota3A : vector<16xi32>
      %gather3A_1154 = tpu.vector_load_idx %arg12[%broadcast_in_dim3A_1140, %broadcast_in_dim3A_1149, %add3A_1153, %broadcast_in_dim3A_1147] : memref<4x2x32x128xf32, #tpu.memory_space<vmem>>[vector<16xi32>, vector<16xi32>, vector<16xi32>, vector<16xi32>], vector<16xf32>,
      %mul3A_1155 = arith.constant 512 : i32
      %mul3A_1156 = vector.broadcast %mul3A_1155 : i32 to vector<16xi32>
      %mul3A_1157 = arith.muli %iota3A, %mul3A_1156 : vector<16xi32>
      %add3A_1158 = vector.broadcast %add3A_1142 : i32 to vector<16xi32>
      %add3A_1159 = arith.addi %mul3A_1157, %add3A_1158 : vector<16xi32>
      tpu.vector_store_idx %arg10[%add3A_1159], %gather3A_1150 : memref<16384xf32, #tpu.memory_space<vmem>>[vector<16xi32>], vector<16xf32>,
      %add3A_1160 = arith.constant 16 : i32
      %add3A_1161 = vector.broadcast %add3A_1160 : i32 to vector<16xi32>
      %add3A_1162 = arith.addi %add3A_1161, %iota3A : vector<16xi32>
      %mul3A_1163 = arith.constant 512 : i32
      %mul3A_1164 = vector.broadcast %mul3A_1163 : i32 to vector<16xi32>
      %mul3A_1165 = arith.muli %add3A_1162, %mul3A_1164 : vector<16xi32>
      %add3A_1166 = vector.broadcast %add3A_1142 : i32 to vector<16xi32>
      %add3A_1167 = arith.addi %mul3A_1165, %add3A_1166 : vector<16xi32>
      tpu.vector_store_idx %arg10[%add3A_1167], %gather3A_1154 : memref<16384xf32, #tpu.memory_space<vmem>>[vector<16xi32>], vector<16xf32>,
      %add3A_1168 = arith.constant 1 : i32
      %add3A_1169 = arith.addi %add3A_1006, %add3A_1168 : i32
      %slice3A_1170 = vector.extract_strided_slice %get3A_596 {offsets = [1], sizes = [1], strides = [1]} : vector<16xi32> to vector<1xi32>
      %squeeze3A_1171 = vector.extract %slice3A_1170[0] : i32 from vector<1xi32>
      %and3A_1172 = arith.constant 127 : i32
      %and3A_1173 = arith.andi %squeeze3A_1171, %and3A_1172 : i32
      %broadcast_in_dim3A_1174 = vector.broadcast %and3A_1173 : i32 to vector<16xi32>
      %broadcast_in_dim3A_1175 = arith.constant 1 : i32
      %broadcast_in_dim3A_1176 = vector.broadcast %broadcast_in_dim3A_1175 : i32 to vector<16xi32>
      %gather3A_1177 = tpu.vector_load_idx %arg12[%broadcast_in_dim3A_1140, %broadcast_in_dim3A_1176, %iota3A, %broadcast_in_dim3A_1174] : memref<4x2x32x128xf32, #tpu.memory_space<vmem>>[vector<16xi32>, vector<16xi32>, vector<16xi32>, vector<16xi32>], vector<16xf32>,
      %add3A_1178 = arith.constant 16 : i32
      %add3A_1179 = vector.broadcast %add3A_1178 : i32 to vector<16xi32>
      %add3A_1180 = arith.addi %add3A_1179, %iota3A : vector<16xi32>
      %gather3A_1181 = tpu.vector_load_idx %arg12[%broadcast_in_dim3A_1140, %broadcast_in_dim3A_1176, %add3A_1180, %broadcast_in_dim3A_1174] : memref<4x2x32x128xf32, #tpu.memory_space<vmem>>[vector<16xi32>, vector<16xi32>, vector<16xi32>, vector<16xi32>], vector<16xf32>,
      %mul3A_1182 = arith.constant 512 : i32
      %mul3A_1183 = vector.broadcast %mul3A_1182 : i32 to vector<16xi32>
      %mul3A_1184 = arith.muli %iota3A, %mul3A_1183 : vector<16xi32>
      %add3A_1185 = vector.broadcast %add3A_1169 : i32 to vector<16xi32>
      %add3A_1186 = arith.addi %mul3A_1184, %add3A_1185 : vector<16xi32>
      tpu.vector_store_idx %arg10[%add3A_1186], %gather3A_1177 : memref<16384xf32, #tpu.memory_space<vmem>>[vector<16xi32>], vector<16xf32>,
      %add3A_1187 = arith.constant 16 : i32
      %add3A_1188 = vector.broadcast %add3A_1187 : i32 to vector<16xi32>
      %add3A_1189 = arith.addi %add3A_1188, %iota3A : vector<16xi32>
      %mul3A_1190 = arith.constant 512 : i32
      %mul3A_1191 = vector.broadcast %mul3A_1190 : i32 to vector<16xi32>
      %mul3A_1192 = arith.muli %add3A_1189, %mul3A_1191 : vector<16xi32>
      %add3A_1193 = vector.broadcast %add3A_1169 : i32 to vector<16xi32>
      %add3A_1194 = arith.addi %mul3A_1192, %add3A_1193 : vector<16xi32>
      tpu.vector_store_idx %arg10[%add3A_1194], %gather3A_1181 : memref<16384xf32, #tpu.memory_space<vmem>>[vector<16xi32>], vector<16xf32>,
      %slice3A_1195 = vector.extract_strided_slice %get3A_592 {offsets = [8], sizes = [1], strides = [1]} : vector<16xi32> to vector<1xi32>
      %squeeze3A_1196 = vector.extract %slice3A_1195[0] : i32 from vector<1xi32>
      %shift_right_arithmetic3A_1197 = arith.constant 7 : i32
      %shift_right_arithmetic3A_1198 = arith.shrsi %squeeze3A_1196, %shift_right_arithmetic3A_1197 : i32
      %mul3A_1199 = arith.constant 128 : i32
      %mul3A_1200 = arith.muli %shift_right_arithmetic3A_1198, %mul3A_1199 : i32
      %multiple_of3A_1201 = tpu.assume_multiple %mul3A_1200, 128 : i32
      %dma_start3A_1202 = arith.constant 0 : i32
      %dma_start3A_1203 = arith.constant 0 : i32
      %dma_start3A_1204 = arith.constant 0 : i32
      %dma_start3A_1205 = arith.constant 0 : i32
      %dma_start3A_1206 = arith.constant 0 : i32
      %dma_start3A_1207 = tpu.memref_slice %arg11[%dma_start3A_1202, %dma_start3A_1203, %dma_start3A_1205, %dma_start3A_1206] : memref<4x2x32x128xf32, #tpu.memory_space<vmem>> -> memref<1x1x32x128xf32, #tpu.memory_space<vmem>>
      %dma_start3A_1208 = tpu.memref_squeeze %dma_start3A_1207 : memref<1x1x32x128xf32, #tpu.memory_space<vmem>> -> memref<32x128xf32, #tpu.memory_space<vmem>>
      %dma_start3A_1209 = arith.constant 0 : i32
      %dma_start3A_1210 = tpu.memref_slice %arg4[%dma_start3A_1209, %multiple_of3A_1201] : memref<32x1000000xf32, #tpu.memory_space<hbm>> -> memref<32x128xf32, #tpu.memory_space<hbm>>
      %dma_start3A_1211 = tpu.memref_slice %arg14[%dma_start3A_1204] : memref<4x!tpu.dma_semaphore, #tpu.memory_space<semaphore_mem>> -> memref<1x!tpu.dma_semaphore, #tpu.memory_space<semaphore_mem>>
      %dma_start3A_1212 = tpu.memref_squeeze %dma_start3A_1211 : memref<1x!tpu.dma_semaphore, #tpu.memory_space<semaphore_mem>> -> memref<!tpu.dma_semaphore, #tpu.memory_space<semaphore_mem>>
      %dma_start3A_1213 = arith.constant 0 : i32
      %dma_start3A_1214 = arith.constant 0 : i32
      %dma_start3A_1215 = tpu.memref_slice %arg11[%dma_start3A_1202, %dma_start3A_1203, %dma_start3A_1213, %dma_start3A_1214] : memref<4x2x32x128xf32, #tpu.memory_space<vmem>> -> memref<1x1x32x128xf32, #tpu.memory_space<vmem>>
      %dma_start3A_1216 = tpu.memref_squeeze %dma_start3A_1215 : memref<1x1x32x128xf32, #tpu.memory_space<vmem>> -> memref<32x128xf32, #tpu.memory_space<vmem>>
      %dma_start3A_1217 = arith.constant 0 : i32
      %dma_start3A_1218 = tpu.memref_slice %arg4[%dma_start3A_1217, %multiple_of3A_1201] : memref<32x1000000xf32, #tpu.memory_space<hbm>> -> memref<32x128xf32, #tpu.memory_space<hbm>>
      tpu.enqueue_dma source(%dma_start3A_1218 : memref<32x128xf32, #tpu.memory_space<hbm>>) target(%dma_start3A_1216 : memref<32x128xf32, #tpu.memory_space<vmem>>) target_semaphore(%dma_start3A_1212 : memref<!tpu.dma_semaphore, #tpu.memory_space<semaphore_mem>>)
      %slice3A_1219 = vector.extract_strided_slice %get3A_592 {offsets = [9], sizes = [1], strides = [1]} : vector<16xi32> to vector<1xi32>
      %squeeze3A_1220 = vector.extract %slice3A_1219[0] : i32 from vector<1xi32>
      %shift_right_arithmetic3A_1221 = arith.constant 7 : i32
      %shift_right_arithmetic3A_1222 = arith.shrsi %squeeze3A_1220, %shift_right_arithmetic3A_1221 : i32
      %mul3A_1223 = arith.constant 128 : i32
      %mul3A_1224 = arith.muli %shift_right_arithmetic3A_1222, %mul3A_1223 : i32
      %multiple_of3A_1225 = tpu.assume_multiple %mul3A_1224, 128 : i32
      %dma_start3A_1226 = arith.constant 0 : i32
      %dma_start3A_1227 = arith.constant 1 : i32
      %dma_start3A_1228 = arith.constant 0 : i32
      %dma_start3A_1229 = arith.constant 0 : i32
      %dma_start3A_1230 = arith.constant 0 : i32
      %dma_start3A_1231 = tpu.memref_slice %arg11[%dma_start3A_1226, %dma_start3A_1227, %dma_start3A_1229, %dma_start3A_1230] : memref<4x2x32x128xf32, #tpu.memory_space<vmem>> -> memref<1x1x32x128xf32, #tpu.memory_space<vmem>>
      %dma_start3A_1232 = tpu.memref_squeeze %dma_start3A_1231 : memref<1x1x32x128xf32, #tpu.memory_space<vmem>> -> memref<32x128xf32, #tpu.memory_space<vmem>>
      %dma_start3A_1233 = arith.constant 0 : i32
      %dma_start3A_1234 = tpu.memref_slice %arg4[%dma_start3A_1233, %multiple_of3A_1225] : memref<32x1000000xf32, #tpu.memory_space<hbm>> -> memref<32x128xf32, #tpu.memory_space<hbm>>
      %dma_start3A_1235 = tpu.memref_slice %arg14[%dma_start3A_1228] : memref<4x!tpu.dma_semaphore, #tpu.memory_space<semaphore_mem>> -> memref<1x!tpu.dma_semaphore, #tpu.memory_space<semaphore_mem>>
      %dma_start3A_1236 = tpu.memref_squeeze %dma_start3A_1235 : memref<1x!tpu.dma_semaphore, #tpu.memory_space<semaphore_mem>> -> memref<!tpu.dma_semaphore, #tpu.memory_space<semaphore_mem>>
      %dma_start3A_1237 = arith.constant 0 : i32
      %dma_start3A_1238 = arith.constant 0 : i32
      %dma_start3A_1239 = tpu.memref_slice %arg11[%dma_start3A_1226, %dma_start3A_1227, %dma_start3A_1237, %dma_start3A_1238] : memref<4x2x32x128xf32, #tpu.memory_space<vmem>> -> memref<1x1x32x128xf32, #tpu.memory_space<vmem>>
      %dma_start3A_1240 = tpu.memref_squeeze %dma_start3A_1239 : memref<1x1x32x128xf32, #tpu.memory_space<vmem>> -> memref<32x128xf32, #tpu.memory_space<vmem>>
      %dma_start3A_1241 = arith.constant 0 : i32
      %dma_start3A_1242 = tpu.memref_slice %arg4[%dma_start3A_1241, %multiple_of3A_1225] : memref<32x1000000xf32, #tpu.memory_space<hbm>> -> memref<32x128xf32, #tpu.memory_space<hbm>>
      tpu.enqueue_dma source(%dma_start3A_1242 : memref<32x128xf32, #tpu.memory_space<hbm>>) target(%dma_start3A_1240 : memref<32x128xf32, #tpu.memory_space<vmem>>) target_semaphore(%dma_start3A_1236 : memref<!tpu.dma_semaphore, #tpu.memory_space<semaphore_mem>>)
      %slice3A_1243 = vector.extract_strided_slice %get3A_596 {offsets = [8], sizes = [1], strides = [1]} : vector<16xi32> to vector<1xi32>
      %squeeze3A_1244 = vector.extract %slice3A_1243[0] : i32 from vector<1xi32>
      %shift_right_arithmetic3A_1245 = arith.constant 7 : i32
      %shift_right_arithmetic3A_1246 = arith.shrsi %squeeze3A_1244, %shift_right_arithmetic3A_1245 : i32
      %mul3A_1247 = arith.constant 128 : i32
      %mul3A_1248 = arith.muli %shift_right_arithmetic3A_1246, %mul3A_1247 : i32
      %multiple_of3A_1249 = tpu.assume_multiple %mul3A_1248, 128 : i32
      %dma_start3A_1250 = arith.constant 0 : i32
      %dma_start3A_1251 = arith.constant 0 : i32
      %dma_start3A_1252 = arith.constant 0 : i32
      %dma_start3A_1253 = arith.constant 0 : i32
      %dma_start3A_1254 = arith.constant 0 : i32
      %dma_start3A_1255 = tpu.memref_slice %arg12[%dma_start3A_1250, %dma_start3A_1251, %dma_start3A_1253, %dma_start3A_1254] : memref<4x2x32x128xf32, #tpu.memory_space<vmem>> -> memref<1x1x32x128xf32, #tpu.memory_space<vmem>>
      %dma_start3A_1256 = tpu.memref_squeeze %dma_start3A_1255 : memref<1x1x32x128xf32, #tpu.memory_space<vmem>> -> memref<32x128xf32, #tpu.memory_space<vmem>>
      %dma_start3A_1257 = arith.constant 0 : i32
      %dma_start3A_1258 = tpu.memref_slice %arg5[%dma_start3A_1257, %multiple_of3A_1249] : memref<32x1000000xf32, #tpu.memory_space<hbm>> -> memref<32x128xf32, #tpu.memory_space<hbm>>
      %dma_start3A_1259 = tpu.memref_slice %arg15[%dma_start3A_1252] : memref<4x!tpu.dma_semaphore, #tpu.memory_space<semaphore_mem>> -> memref<1x!tpu.dma_semaphore, #tpu.memory_space<semaphore_mem>>
      %dma_start3A_1260 = tpu.memref_squeeze %dma_start3A_1259 : memref<1x!tpu.dma_semaphore, #tpu.memory_space<semaphore_mem>> -> memref<!tpu.dma_semaphore, #tpu.memory_space<semaphore_mem>>
      %dma_start3A_1261 = arith.constant 0 : i32
      %dma_start3A_1262 = arith.constant 0 : i32
      %dma_start3A_1263 = tpu.memref_slice %arg12[%dma_start3A_1250, %dma_start3A_1251, %dma_start3A_1261, %dma_start3A_1262] : memref<4x2x32x128xf32, #tpu.memory_space<vmem>> -> memref<1x1x32x128xf32, #tpu.memory_space<vmem>>
      %dma_start3A_1264 = tpu.memref_squeeze %dma_start3A_1263 : memref<1x1x32x128xf32, #tpu.memory_space<vmem>> -> memref<32x128xf32, #tpu.memory_space<vmem>>
      %dma_start3A_1265 = arith.constant 0 : i32
      %dma_start3A_1266 = tpu.memref_slice %arg5[%dma_start3A_1265, %multiple_of3A_1249] : memref<32x1000000xf32, #tpu.memory_space<hbm>> -> memref<32x128xf32, #tpu.memory_space<hbm>>
      tpu.enqueue_dma source(%dma_start3A_1266 : memref<32x128xf32, #tpu.memory_space<hbm>>) target(%dma_start3A_1264 : memref<32x128xf32, #tpu.memory_space<vmem>>) target_semaphore(%dma_start3A_1260 : memref<!tpu.dma_semaphore, #tpu.memory_space<semaphore_mem>>)
      %slice3A_1267 = vector.extract_strided_slice %get3A_596 {offsets = [9], sizes = [1], strides = [1]} : vector<16xi32> to vector<1xi32>
      %squeeze3A_1268 = vector.extract %slice3A_1267[0] : i32 from vector<1xi32>
      %shift_right_arithmetic3A_1269 = arith.constant 7 : i32
      %shift_right_arithmetic3A_1270 = arith.shrsi %squeeze3A_1268, %shift_right_arithmetic3A_1269 : i32
      %mul3A_1271 = arith.constant 128 : i32
      %mul3A_1272 = arith.muli %shift_right_arithmetic3A_1270, %mul3A_1271 : i32
      %multiple_of3A_1273 = tpu.assume_multiple %mul3A_1272, 128 : i32
      %dma_start3A_1274 = arith.constant 0 : i32
      %dma_start3A_1275 = arith.constant 1 : i32
      %dma_start3A_1276 = arith.constant 0 : i32
      %dma_start3A_1277 = arith.constant 0 : i32
      %dma_start3A_1278 = arith.constant 0 : i32
      %dma_start3A_1279 = tpu.memref_slice %arg12[%dma_start3A_1274, %dma_start3A_1275, %dma_start3A_1277, %dma_start3A_1278] : memref<4x2x32x128xf32, #tpu.memory_space<vmem>> -> memref<1x1x32x128xf32, #tpu.memory_space<vmem>>
      %dma_start3A_1280 = tpu.memref_squeeze %dma_start3A_1279 : memref<1x1x32x128xf32, #tpu.memory_space<vmem>> -> memref<32x128xf32, #tpu.memory_space<vmem>>
      %dma_start3A_1281 = arith.constant 0 : i32
      %dma_start3A_1282 = tpu.memref_slice %arg5[%dma_start3A_1281, %multiple_of3A_1273] : memref<32x1000000xf32, #tpu.memory_space<hbm>> -> memref<32x128xf32, #tpu.memory_space<hbm>>
      %dma_start3A_1283 = tpu.memref_slice %arg15[%dma_start3A_1276] : memref<4x!tpu.dma_semaphore, #tpu.memory_space<semaphore_mem>> -> memref<1x!tpu.dma_semaphore, #tpu.memory_space<semaphore_mem>>
      %dma_start3A_1284 = tpu.memref_squeeze %dma_start3A_1283 : memref<1x!tpu.dma_semaphore, #tpu.memory_space<semaphore_mem>> -> memref<!tpu.dma_semaphore, #tpu.memory_space<semaphore_mem>>
      %dma_start3A_1285 = arith.constant 0 : i32
      %dma_start3A_1286 = arith.constant 0 : i32
      %dma_start3A_1287 = tpu.memref_slice %arg12[%dma_start3A_1274, %dma_start3A_1275, %dma_start3A_1285, %dma_start3A_1286] : memref<4x2x32x128xf32, #tpu.memory_space<vmem>> -> memref<1x1x32x128xf32, #tpu.memory_space<vmem>>
      %dma_start3A_1288 = tpu.memref_squeeze %dma_start3A_1287 : memref<1x1x32x128xf32, #tpu.memory_space<vmem>> -> memref<32x128xf32, #tpu.memory_space<vmem>>
      %dma_start3A_1289 = arith.constant 0 : i32
      %dma_start3A_1290 = tpu.memref_slice %arg5[%dma_start3A_1289, %multiple_of3A_1273] : memref<32x1000000xf32, #tpu.memory_space<hbm>> -> memref<32x128xf32, #tpu.memory_space<hbm>>
      tpu.enqueue_dma source(%dma_start3A_1290 : memref<32x128xf32, #tpu.memory_space<hbm>>) target(%dma_start3A_1288 : memref<32x128xf32, #tpu.memory_space<vmem>>) target_semaphore(%dma_start3A_1284 : memref<!tpu.dma_semaphore, #tpu.memory_space<semaphore_mem>>)
      %mul3A_1291 = arith.constant 16 : i32
      %mul3A_1292 = arith.muli %add3A_588, %mul3A_1291 : i32
      %add3A_1293 = arith.constant 2 : i32
      %add3A_1294 = arith.addi %mul3A_1292, %add3A_1293 : i32
      %dma_wait3A_1295 = arith.constant 1 : i32
      %dma_wait3A_1296 = arith.constant 0 : i32
      %dma_wait3A_1297 = arith.constant 1 : i32
      %dma_wait3A_1298 = arith.constant 0 : i32
      %dma_wait3A_1299 = arith.constant 0 : i32
      %dma_wait3A_1300 = tpu.memref_slice %arg11[%dma_wait3A_1295, %dma_wait3A_1296, %dma_wait3A_1298, %dma_wait3A_1299] : memref<4x2x32x128xf32, #tpu.memory_space<vmem>> -> memref<1x1x32x128xf32, #tpu.memory_space<vmem>>
      %dma_wait3A_1301 = tpu.memref_squeeze %dma_wait3A_1300 : memref<1x1x32x128xf32, #tpu.memory_space<vmem>> -> memref<32x128xf32, #tpu.memory_space<vmem>>
      %dma_wait3A_1302 = arith.constant 0 : i32
      %dma_wait3A_1303 = arith.constant 0 : i32
      %dma_wait3A_1304 = tpu.memref_slice %arg4[%dma_wait3A_1302, %dma_wait3A_1303] : memref<32x1000000xf32, #tpu.memory_space<hbm>> -> memref<32x128xf32, #tpu.memory_space<hbm>>
      %dma_wait3A_1305 = tpu.memref_slice %arg14[%dma_wait3A_1297] : memref<4x!tpu.dma_semaphore, #tpu.memory_space<semaphore_mem>> -> memref<1x!tpu.dma_semaphore, #tpu.memory_space<semaphore_mem>>
      %dma_wait3A_1306 = tpu.memref_squeeze %dma_wait3A_1305 : memref<1x!tpu.dma_semaphore, #tpu.memory_space<semaphore_mem>> -> memref<!tpu.dma_semaphore, #tpu.memory_space<semaphore_mem>>
      %dma_wait3A_1307 = arith.constant 0 : i32
      %dma_wait3A_1308 = arith.constant 0 : i32
      %dma_wait3A_1309 = tpu.memref_slice %arg11[%dma_wait3A_1295, %dma_wait3A_1296, %dma_wait3A_1307, %dma_wait3A_1308] : memref<4x2x32x128xf32, #tpu.memory_space<vmem>> -> memref<1x1x32x128xf32, #tpu.memory_space<vmem>>
      %dma_wait3A_1310 = tpu.memref_squeeze %dma_wait3A_1309 : memref<1x1x32x128xf32, #tpu.memory_space<vmem>> -> memref<32x128xf32, #tpu.memory_space<vmem>>
      %dma_wait3A_1311 = arith.constant 0 : i32
      %dma_wait3A_1312 = arith.constant 0 : i32
      %dma_wait3A_1313 = tpu.memref_slice %arg4[%dma_wait3A_1311, %dma_wait3A_1312] : memref<32x1000000xf32, #tpu.memory_space<hbm>> -> memref<32x128xf32, #tpu.memory_space<hbm>>
      tpu.wait_dma2 semaphore(%dma_wait3A_1306 : memref<!tpu.dma_semaphore, #tpu.memory_space<semaphore_mem>>) src(%dma_wait3A_1313 : memref<32x128xf32, #tpu.memory_space<hbm>>) dst(%dma_wait3A_1310 : memref<32x128xf32, #tpu.memory_space<vmem>>)
      %dma_wait3A_1314 = arith.constant 1 : i32
      %dma_wait3A_1315 = arith.constant 1 : i32
      %dma_wait3A_1316 = arith.constant 1 : i32
      %dma_wait3A_1317 = arith.constant 0 : i32
      %dma_wait3A_1318 = arith.constant 0 : i32
      %dma_wait3A_1319 = tpu.memref_slice %arg11[%dma_wait3A_1314, %dma_wait3A_1315, %dma_wait3A_1317, %dma_wait3A_1318] : memref<4x2x32x128xf32, #tpu.memory_space<vmem>> -> memref<1x1x32x128xf32, #tpu.memory_space<vmem>>
      %dma_wait3A_1320 = tpu.memref_squeeze %dma_wait3A_1319 : memref<1x1x32x128xf32, #tpu.memory_space<vmem>> -> memref<32x128xf32, #tpu.memory_space<vmem>>
      %dma_wait3A_1321 = arith.constant 0 : i32
      %dma_wait3A_1322 = arith.constant 0 : i32
      %dma_wait3A_1323 = tpu.memref_slice %arg4[%dma_wait3A_1321, %dma_wait3A_1322] : memref<32x1000000xf32, #tpu.memory_space<hbm>> -> memref<32x128xf32, #tpu.memory_space<hbm>>
      %dma_wait3A_1324 = tpu.memref_slice %arg14[%dma_wait3A_1316] : memref<4x!tpu.dma_semaphore, #tpu.memory_space<semaphore_mem>> -> memref<1x!tpu.dma_semaphore, #tpu.memory_space<semaphore_mem>>
      %dma_wait3A_1325 = tpu.memref_squeeze %dma_wait3A_1324 : memref<1x!tpu.dma_semaphore, #tpu.memory_space<semaphore_mem>> -> memref<!tpu.dma_semaphore, #tpu.memory_space<semaphore_mem>>
      %dma_wait3A_1326 = arith.constant 0 : i32
      %dma_wait3A_1327 = arith.constant 0 : i32
      %dma_wait3A_1328 = tpu.memref_slice %arg11[%dma_wait3A_1314, %dma_wait3A_1315, %dma_wait3A_1326, %dma_wait3A_1327] : memref<4x2x32x128xf32, #tpu.memory_space<vmem>> -> memref<1x1x32x128xf32, #tpu.memory_space<vmem>>
      %dma_wait3A_1329 = tpu.memref_squeeze %dma_wait3A_1328 : memref<1x1x32x128xf32, #tpu.memory_space<vmem>> -> memref<32x128xf32, #tpu.memory_space<vmem>>
      %dma_wait3A_1330 = arith.constant 0 : i32
      %dma_wait3A_1331 = arith.constant 0 : i32
      %dma_wait3A_1332 = tpu.memref_slice %arg4[%dma_wait3A_1330, %dma_wait3A_1331] : memref<32x1000000xf32, #tpu.memory_space<hbm>> -> memref<32x128xf32, #tpu.memory_space<hbm>>
      tpu.wait_dma2 semaphore(%dma_wait3A_1325 : memref<!tpu.dma_semaphore, #tpu.memory_space<semaphore_mem>>) src(%dma_wait3A_1332 : memref<32x128xf32, #tpu.memory_space<hbm>>) dst(%dma_wait3A_1329 : memref<32x128xf32, #tpu.memory_space<vmem>>)
      %broadcast_in_dim3A_1333 = arith.constant 1 : i32
      %broadcast_in_dim3A_1334 = vector.broadcast %broadcast_in_dim3A_1333 : i32 to vector<16xi32>
      %add3A_1335 = arith.constant 0 : i32
      %add3A_1336 = arith.addi %add3A_1294, %add3A_1335 : i32
      %slice3A_1337 = vector.extract_strided_slice %get3A_592 {offsets = [2], sizes = [1], strides = [1]} : vector<16xi32> to vector<1xi32>
      %squeeze3A_1338 = vector.extract %slice3A_1337[0] : i32 from vector<1xi32>
      %and3A_1339 = arith.constant 127 : i32
      %and3A_1340 = arith.andi %squeeze3A_1338, %and3A_1339 : i32
      %broadcast_in_dim3A_1341 = vector.broadcast %and3A_1340 : i32 to vector<16xi32>
      %broadcast_in_dim3A_1342 = arith.constant 0 : i32
      %broadcast_in_dim3A_1343 = vector.broadcast %broadcast_in_dim3A_1342 : i32 to vector<16xi32>
      %gather3A_1344 = tpu.vector_load_idx %arg11[%broadcast_in_dim3A_1334, %broadcast_in_dim3A_1343, %iota3A, %broadcast_in_dim3A_1341] : memref<4x2x32x128xf32, #tpu.memory_space<vmem>>[vector<16xi32>, vector<16xi32>, vector<16xi32>, vector<16xi32>], vector<16xf32>,
      %add3A_1345 = arith.constant 16 : i32
      %add3A_1346 = vector.broadcast %add3A_1345 : i32 to vector<16xi32>
      %add3A_1347 = arith.addi %add3A_1346, %iota3A : vector<16xi32>
      %gather3A_1348 = tpu.vector_load_idx %arg11[%broadcast_in_dim3A_1334, %broadcast_in_dim3A_1343, %add3A_1347, %broadcast_in_dim3A_1341] : memref<4x2x32x128xf32, #tpu.memory_space<vmem>>[vector<16xi32>, vector<16xi32>, vector<16xi32>, vector<16xi32>], vector<16xf32>,
      %mul3A_1349 = arith.constant 512 : i32
      %mul3A_1350 = vector.broadcast %mul3A_1349 : i32 to vector<16xi32>
      %mul3A_1351 = arith.muli %iota3A, %mul3A_1350 : vector<16xi32>
      %add3A_1352 = vector.broadcast %add3A_1336 : i32 to vector<16xi32>
      %add3A_1353 = arith.addi %mul3A_1351, %add3A_1352 : vector<16xi32>
      tpu.vector_store_idx %arg9[%add3A_1353], %gather3A_1344 : memref<16384xf32, #tpu.memory_space<vmem>>[vector<16xi32>], vector<16xf32>,
      %add3A_1354 = arith.constant 16 : i32
      %add3A_1355 = vector.broadcast %add3A_1354 : i32 to vector<16xi32>
      %add3A_1356 = arith.addi %add3A_1355, %iota3A : vector<16xi32>
      %mul3A_1357 = arith.constant 512 : i32
      %mul3A_1358 = vector.broadcast %mul3A_1357 : i32 to vector<16xi32>
      %mul3A_1359 = arith.muli %add3A_1356, %mul3A_1358 : vector<16xi32>
      %add3A_1360 = vector.broadcast %add3A_1336 : i32 to vector<16xi32>
      %add3A_1361 = arith.addi %mul3A_1359, %add3A_1360 : vector<16xi32>
      tpu.vector_store_idx %arg9[%add3A_1361], %gather3A_1348 : memref<16384xf32, #tpu.memory_space<vmem>>[vector<16xi32>], vector<16xf32>,
      %add3A_1362 = arith.constant 1 : i32
      %add3A_1363 = arith.addi %add3A_1294, %add3A_1362 : i32
      %slice3A_1364 = vector.extract_strided_slice %get3A_592 {offsets = [3], sizes = [1], strides = [1]} : vector<16xi32> to vector<1xi32>
      %squeeze3A_1365 = vector.extract %slice3A_1364[0] : i32 from vector<1xi32>
      %and3A_1366 = arith.constant 127 : i32
      %and3A_1367 = arith.andi %squeeze3A_1365, %and3A_1366 : i32
      %broadcast_in_dim3A_1368 = vector.broadcast %and3A_1367 : i32 to vector<16xi32>
      %broadcast_in_dim3A_1369 = arith.constant 1 : i32
      %broadcast_in_dim3A_1370 = vector.broadcast %broadcast_in_dim3A_1369 : i32 to vector<16xi32>
      %gather3A_1371 = tpu.vector_load_idx %arg11[%broadcast_in_dim3A_1334, %broadcast_in_dim3A_1370, %iota3A, %broadcast_in_dim3A_1368] : memref<4x2x32x128xf32, #tpu.memory_space<vmem>>[vector<16xi32>, vector<16xi32>, vector<16xi32>, vector<16xi32>], vector<16xf32>,
      %add3A_1372 = arith.constant 16 : i32
      %add3A_1373 = vector.broadcast %add3A_1372 : i32 to vector<16xi32>
      %add3A_1374 = arith.addi %add3A_1373, %iota3A : vector<16xi32>
      %gather3A_1375 = tpu.vector_load_idx %arg11[%broadcast_in_dim3A_1334, %broadcast_in_dim3A_1370, %add3A_1374, %broadcast_in_dim3A_1368] : memref<4x2x32x128xf32, #tpu.memory_space<vmem>>[vector<16xi32>, vector<16xi32>, vector<16xi32>, vector<16xi32>], vector<16xf32>,
      %mul3A_1376 = arith.constant 512 : i32
      %mul3A_1377 = vector.broadcast %mul3A_1376 : i32 to vector<16xi32>
      %mul3A_1378 = arith.muli %iota3A, %mul3A_1377 : vector<16xi32>
      %add3A_1379 = vector.broadcast %add3A_1363 : i32 to vector<16xi32>
      %add3A_1380 = arith.addi %mul3A_1378, %add3A_1379 : vector<16xi32>
      tpu.vector_store_idx %arg9[%add3A_1380], %gather3A_1371 : memref<16384xf32, #tpu.memory_space<vmem>>[vector<16xi32>], vector<16xf32>,
      %add3A_1381 = arith.constant 16 : i32
      %add3A_1382 = vector.broadcast %add3A_1381 : i32 to vector<16xi32>
      %add3A_1383 = arith.addi %add3A_1382, %iota3A : vector<16xi32>
      %mul3A_1384 = arith.constant 512 : i32
      %mul3A_1385 = vector.broadcast %mul3A_1384 : i32 to vector<16xi32>
      %mul3A_1386 = arith.muli %add3A_1383, %mul3A_1385 : vector<16xi32>
      %add3A_1387 = vector.broadcast %add3A_1363 : i32 to vector<16xi32>
      %add3A_1388 = arith.addi %mul3A_1386, %add3A_1387 : vector<16xi32>
      tpu.vector_store_idx %arg9[%add3A_1388], %gather3A_1375 : memref<16384xf32, #tpu.memory_space<vmem>>[vector<16xi32>], vector<16xf32>,
      %dma_wait3A_1389 = arith.constant 1 : i32
      %dma_wait3A_1390 = arith.constant 0 : i32
      %dma_wait3A_1391 = arith.constant 1 : i32
      %dma_wait3A_1392 = arith.constant 0 : i32
      %dma_wait3A_1393 = arith.constant 0 : i32
      %dma_wait3A_1394 = tpu.memref_slice %arg12[%dma_wait3A_1389, %dma_wait3A_1390, %dma_wait3A_1392, %dma_wait3A_1393] : memref<4x2x32x128xf32, #tpu.memory_space<vmem>> -> memref<1x1x32x128xf32, #tpu.memory_space<vmem>>
      %dma_wait3A_1395 = tpu.memref_squeeze %dma_wait3A_1394 : memref<1x1x32x128xf32, #tpu.memory_space<vmem>> -> memref<32x128xf32, #tpu.memory_space<vmem>>
      %dma_wait3A_1396 = arith.constant 0 : i32
      %dma_wait3A_1397 = arith.constant 0 : i32
      %dma_wait3A_1398 = tpu.memref_slice %arg5[%dma_wait3A_1396, %dma_wait3A_1397] : memref<32x1000000xf32, #tpu.memory_space<hbm>> -> memref<32x128xf32, #tpu.memory_space<hbm>>
      %dma_wait3A_1399 = tpu.memref_slice %arg15[%dma_wait3A_1391] : memref<4x!tpu.dma_semaphore, #tpu.memory_space<semaphore_mem>> -> memref<1x!tpu.dma_semaphore, #tpu.memory_space<semaphore_mem>>
      %dma_wait3A_1400 = tpu.memref_squeeze %dma_wait3A_1399 : memref<1x!tpu.dma_semaphore, #tpu.memory_space<semaphore_mem>> -> memref<!tpu.dma_semaphore, #tpu.memory_space<semaphore_mem>>
      %dma_wait3A_1401 = arith.constant 0 : i32
      %dma_wait3A_1402 = arith.constant 0 : i32
      %dma_wait3A_1403 = tpu.memref_slice %arg12[%dma_wait3A_1389, %dma_wait3A_1390, %dma_wait3A_1401, %dma_wait3A_1402] : memref<4x2x32x128xf32, #tpu.memory_space<vmem>> -> memref<1x1x32x128xf32, #tpu.memory_space<vmem>>
      %dma_wait3A_1404 = tpu.memref_squeeze %dma_wait3A_1403 : memref<1x1x32x128xf32, #tpu.memory_space<vmem>> -> memref<32x128xf32, #tpu.memory_space<vmem>>
      %dma_wait3A_1405 = arith.constant 0 : i32
      %dma_wait3A_1406 = arith.constant 0 : i32
      %dma_wait3A_1407 = tpu.memref_slice %arg5[%dma_wait3A_1405, %dma_wait3A_1406] : memref<32x1000000xf32, #tpu.memory_space<hbm>> -> memref<32x128xf32, #tpu.memory_space<hbm>>
      tpu.wait_dma2 semaphore(%dma_wait3A_1400 : memref<!tpu.dma_semaphore, #tpu.memory_space<semaphore_mem>>) src(%dma_wait3A_1407 : memref<32x128xf32, #tpu.memory_space<hbm>>) dst(%dma_wait3A_1404 : memref<32x128xf32, #tpu.memory_space<vmem>>)
      %dma_wait3A_1408 = arith.constant 1 : i32
      %dma_wait3A_1409 = arith.constant 1 : i32
      %dma_wait3A_1410 = arith.constant 1 : i32
      %dma_wait3A_1411 = arith.constant 0 : i32
      %dma_wait3A_1412 = arith.constant 0 : i32
      %dma_wait3A_1413 = tpu.memref_slice %arg12[%dma_wait3A_1408, %dma_wait3A_1409, %dma_wait3A_1411, %dma_wait3A_1412] : memref<4x2x32x128xf32, #tpu.memory_space<vmem>> -> memref<1x1x32x128xf32, #tpu.memory_space<vmem>>
      %dma_wait3A_1414 = tpu.memref_squeeze %dma_wait3A_1413 : memref<1x1x32x128xf32, #tpu.memory_space<vmem>> -> memref<32x128xf32, #tpu.memory_space<vmem>>
      %dma_wait3A_1415 = arith.constant 0 : i32
      %dma_wait3A_1416 = arith.constant 0 : i32
      %dma_wait3A_1417 = tpu.memref_slice %arg5[%dma_wait3A_1415, %dma_wait3A_1416] : memref<32x1000000xf32, #tpu.memory_space<hbm>> -> memref<32x128xf32, #tpu.memory_space<hbm>>
      %dma_wait3A_1418 = tpu.memref_slice %arg15[%dma_wait3A_1410] : memref<4x!tpu.dma_semaphore, #tpu.memory_space<semaphore_mem>> -> memref<1x!tpu.dma_semaphore, #tpu.memory_space<semaphore_mem>>
      %dma_wait3A_1419 = tpu.memref_squeeze %dma_wait3A_1418 : memref<1x!tpu.dma_semaphore, #tpu.memory_space<semaphore_mem>> -> memref<!tpu.dma_semaphore, #tpu.memory_space<semaphore_mem>>
      %dma_wait3A_1420 = arith.constant 0 : i32
      %dma_wait3A_1421 = arith.constant 0 : i32
      %dma_wait3A_1422 = tpu.memref_slice %arg12[%dma_wait3A_1408, %dma_wait3A_1409, %dma_wait3A_1420, %dma_wait3A_1421] : memref<4x2x32x128xf32, #tpu.memory_space<vmem>> -> memref<1x1x32x128xf32, #tpu.memory_space<vmem>>
      %dma_wait3A_1423 = tpu.memref_squeeze %dma_wait3A_1422 : memref<1x1x32x128xf32, #tpu.memory_space<vmem>> -> memref<32x128xf32, #tpu.memory_space<vmem>>
      %dma_wait3A_1424 = arith.constant 0 : i32
      %dma_wait3A_1425 = arith.constant 0 : i32
      %dma_wait3A_1426 = tpu.memref_slice %arg5[%dma_wait3A_1424, %dma_wait3A_1425] : memref<32x1000000xf32, #tpu.memory_space<hbm>> -> memref<32x128xf32, #tpu.memory_space<hbm>>
      tpu.wait_dma2 semaphore(%dma_wait3A_1419 : memref<!tpu.dma_semaphore, #tpu.memory_space<semaphore_mem>>) src(%dma_wait3A_1426 : memref<32x128xf32, #tpu.memory_space<hbm>>) dst(%dma_wait3A_1423 : memref<32x128xf32, #tpu.memory_space<vmem>>)
      %broadcast_in_dim3A_1427 = arith.constant 1 : i32
      %broadcast_in_dim3A_1428 = vector.broadcast %broadcast_in_dim3A_1427 : i32 to vector<16xi32>
      %add3A_1429 = arith.constant 0 : i32
      %add3A_1430 = arith.addi %add3A_1294, %add3A_1429 : i32
      %slice3A_1431 = vector.extract_strided_slice %get3A_596 {offsets = [2], sizes = [1], strides = [1]} : vector<16xi32> to vector<1xi32>
      %squeeze3A_1432 = vector.extract %slice3A_1431[0] : i32 from vector<1xi32>
      %and3A_1433 = arith.constant 127 : i32
      %and3A_1434 = arith.andi %squeeze3A_1432, %and3A_1433 : i32
      %broadcast_in_dim3A_1435 = vector.broadcast %and3A_1434 : i32 to vector<16xi32>
      %broadcast_in_dim3A_1436 = arith.constant 0 : i32
      %broadcast_in_dim3A_1437 = vector.broadcast %broadcast_in_dim3A_1436 : i32 to vector<16xi32>
      %gather3A_1438 = tpu.vector_load_idx %arg12[%broadcast_in_dim3A_1428, %broadcast_in_dim3A_1437, %iota3A, %broadcast_in_dim3A_1435] : memref<4x2x32x128xf32, #tpu.memory_space<vmem>>[vector<16xi32>, vector<16xi32>, vector<16xi32>, vector<16xi32>], vector<16xf32>,
      %add3A_1439 = arith.constant 16 : i32
      %add3A_1440 = vector.broadcast %add3A_1439 : i32 to vector<16xi32>
      %add3A_1441 = arith.addi %add3A_1440, %iota3A : vector<16xi32>
      %gather3A_1442 = tpu.vector_load_idx %arg12[%broadcast_in_dim3A_1428, %broadcast_in_dim3A_1437, %add3A_1441, %broadcast_in_dim3A_1435] : memref<4x2x32x128xf32, #tpu.memory_space<vmem>>[vector<16xi32>, vector<16xi32>, vector<16xi32>, vector<16xi32>], vector<16xf32>,
      %mul3A_1443 = arith.constant 512 : i32
      %mul3A_1444 = vector.broadcast %mul3A_1443 : i32 to vector<16xi32>
      %mul3A_1445 = arith.muli %iota3A, %mul3A_1444 : vector<16xi32>
      %add3A_1446 = vector.broadcast %add3A_1430 : i32 to vector<16xi32>
      %add3A_1447 = arith.addi %mul3A_1445, %add3A_1446 : vector<16xi32>
      tpu.vector_store_idx %arg10[%add3A_1447], %gather3A_1438 : memref<16384xf32, #tpu.memory_space<vmem>>[vector<16xi32>], vector<16xf32>,
      %add3A_1448 = arith.constant 16 : i32
      %add3A_1449 = vector.broadcast %add3A_1448 : i32 to vector<16xi32>
      %add3A_1450 = arith.addi %add3A_1449, %iota3A : vector<16xi32>
      %mul3A_1451 = arith.constant 512 : i32
      %mul3A_1452 = vector.broadcast %mul3A_1451 : i32 to vector<16xi32>
      %mul3A_1453 = arith.muli %add3A_1450, %mul3A_1452 : vector<16xi32>
      %add3A_1454 = vector.broadcast %add3A_1430 : i32 to vector<16xi32>
      %add3A_1455 = arith.addi %mul3A_1453, %add3A_1454 : vector<16xi32>
      tpu.vector_store_idx %arg10[%add3A_1455], %gather3A_1442 : memref<16384xf32, #tpu.memory_space<vmem>>[vector<16xi32>], vector<16xf32>,
      %add3A_1456 = arith.constant 1 : i32
      %add3A_1457 = arith.addi %add3A_1294, %add3A_1456 : i32
      %slice3A_1458 = vector.extract_strided_slice %get3A_596 {offsets = [3], sizes = [1], strides = [1]} : vector<16xi32> to vector<1xi32>
      %squeeze3A_1459 = vector.extract %slice3A_1458[0] : i32 from vector<1xi32>
      %and3A_1460 = arith.constant 127 : i32
      %and3A_1461 = arith.andi %squeeze3A_1459, %and3A_1460 : i32
      %broadcast_in_dim3A_1462 = vector.broadcast %and3A_1461 : i32 to vector<16xi32>
      %broadcast_in_dim3A_1463 = arith.constant 1 : i32
      %broadcast_in_dim3A_1464 = vector.broadcast %broadcast_in_dim3A_1463 : i32 to vector<16xi32>
      %gather3A_1465 = tpu.vector_load_idx %arg12[%broadcast_in_dim3A_1428, %broadcast_in_dim3A_1464, %iota3A, %broadcast_in_dim3A_1462] : memref<4x2x32x128xf32, #tpu.memory_space<vmem>>[vector<16xi32>, vector<16xi32>, vector<16xi32>, vector<16xi32>], vector<16xf32>,
      %add3A_1466 = arith.constant 16 : i32
      %add3A_1467 = vector.broadcast %add3A_1466 : i32 to vector<16xi32>
      %add3A_1468 = arith.addi %add3A_1467, %iota3A : vector<16xi32>
      %gather3A_1469 = tpu.vector_load_idx %arg12[%broadcast_in_dim3A_1428, %broadcast_in_dim3A_1464, %add3A_1468, %broadcast_in_dim3A_1462] : memref<4x2x32x128xf32, #tpu.memory_space<vmem>>[vector<16xi32>, vector<16xi32>, vector<16xi32>, vector<16xi32>], vector<16xf32>,
      %mul3A_1470 = arith.constant 512 : i32
      %mul3A_1471 = vector.broadcast %mul3A_1470 : i32 to vector<16xi32>
      %mul3A_1472 = arith.muli %iota3A, %mul3A_1471 : vector<16xi32>
      %add3A_1473 = vector.broadcast %add3A_1457 : i32 to vector<16xi32>
      %add3A_1474 = arith.addi %mul3A_1472, %add3A_1473 : vector<16xi32>
      tpu.vector_store_idx %arg10[%add3A_1474], %gather3A_1465 : memref<16384xf32, #tpu.memory_space<vmem>>[vector<16xi32>], vector<16xf32>,
      %add3A_1475 = arith.constant 16 : i32
      %add3A_1476 = vector.broadcast %add3A_1475 : i32 to vector<16xi32>
      %add3A_1477 = arith.addi %add3A_1476, %iota3A : vector<16xi32>
      %mul3A_1478 = arith.constant 512 : i32
      %mul3A_1479 = vector.broadcast %mul3A_1478 : i32 to vector<16xi32>
      %mul3A_1480 = arith.muli %add3A_1477, %mul3A_1479 : vector<16xi32>
      %add3A_1481 = vector.broadcast %add3A_1457 : i32 to vector<16xi32>
      %add3A_1482 = arith.addi %mul3A_1480, %add3A_1481 : vector<16xi32>
      tpu.vector_store_idx %arg10[%add3A_1482], %gather3A_1469 : memref<16384xf32, #tpu.memory_space<vmem>>[vector<16xi32>], vector<16xf32>,
      %slice3A_1483 = vector.extract_strided_slice %get3A_592 {offsets = [10], sizes = [1], strides = [1]} : vector<16xi32> to vector<1xi32>
      %squeeze3A_1484 = vector.extract %slice3A_1483[0] : i32 from vector<1xi32>
      %shift_right_arithmetic3A_1485 = arith.constant 7 : i32
      %shift_right_arithmetic3A_1486 = arith.shrsi %squeeze3A_1484, %shift_right_arithmetic3A_1485 : i32
      %mul3A_1487 = arith.constant 128 : i32
      %mul3A_1488 = arith.muli %shift_right_arithmetic3A_1486, %mul3A_1487 : i32
      %multiple_of3A_1489 = tpu.assume_multiple %mul3A_1488, 128 : i32
      %dma_start3A_1490 = arith.constant 1 : i32
      %dma_start3A_1491 = arith.constant 0 : i32
      %dma_start3A_1492 = arith.constant 1 : i32
      %dma_start3A_1493 = arith.constant 0 : i32
      %dma_start3A_1494 = arith.constant 0 : i32
      %dma_start3A_1495 = tpu.memref_slice %arg11[%dma_start3A_1490, %dma_start3A_1491, %dma_start3A_1493, %dma_start3A_1494] : memref<4x2x32x128xf32, #tpu.memory_space<vmem>> -> memref<1x1x32x128xf32, #tpu.memory_space<vmem>>
      %dma_start3A_1496 = tpu.memref_squeeze %dma_start3A_1495 : memref<1x1x32x128xf32, #tpu.memory_space<vmem>> -> memref<32x128xf32, #tpu.memory_space<vmem>>
      %dma_start3A_1497 = arith.constant 0 : i32
      %dma_start3A_1498 = tpu.memref_slice %arg4[%dma_start3A_1497, %multiple_of3A_1489] : memref<32x1000000xf32, #tpu.memory_space<hbm>> -> memref<32x128xf32, #tpu.memory_space<hbm>>
      %dma_start3A_1499 = tpu.memref_slice %arg14[%dma_start3A_1492] : memref<4x!tpu.dma_semaphore, #tpu.memory_space<semaphore_mem>> -> memref<1x!tpu.dma_semaphore, #tpu.memory_space<semaphore_mem>>
      %dma_start3A_1500 = tpu.memref_squeeze %dma_start3A_1499 : memref<1x!tpu.dma_semaphore, #tpu.memory_space<semaphore_mem>> -> memref<!tpu.dma_semaphore, #tpu.memory_space<semaphore_mem>>
      %dma_start3A_1501 = arith.constant 0 : i32
      %dma_start3A_1502 = arith.constant 0 : i32
      %dma_start3A_1503 = tpu.memref_slice %arg11[%dma_start3A_1490, %dma_start3A_1491, %dma_start3A_1501, %dma_start3A_1502] : memref<4x2x32x128xf32, #tpu.memory_space<vmem>> -> memref<1x1x32x128xf32, #tpu.memory_space<vmem>>
      %dma_start3A_1504 = tpu.memref_squeeze %dma_start3A_1503 : memref<1x1x32x128xf32, #tpu.memory_space<vmem>> -> memref<32x128xf32, #tpu.memory_space<vmem>>
      %dma_start3A_1505 = arith.constant 0 : i32
      %dma_start3A_1506 = tpu.memref_slice %arg4[%dma_start3A_1505, %multiple_of3A_1489] : memref<32x1000000xf32, #tpu.memory_space<hbm>> -> memref<32x128xf32, #tpu.memory_space<hbm>>
      tpu.enqueue_dma source(%dma_start3A_1506 : memref<32x128xf32, #tpu.memory_space<hbm>>) target(%dma_start3A_1504 : memref<32x128xf32, #tpu.memory_space<vmem>>) target_semaphore(%dma_start3A_1500 : memref<!tpu.dma_semaphore, #tpu.memory_space<semaphore_mem>>)
      %slice3A_1507 = vector.extract_strided_slice %get3A_592 {offsets = [11], sizes = [1], strides = [1]} : vector<16xi32> to vector<1xi32>
      %squeeze3A_1508 = vector.extract %slice3A_1507[0] : i32 from vector<1xi32>
      %shift_right_arithmetic3A_1509 = arith.constant 7 : i32
      %shift_right_arithmetic3A_1510 = arith.shrsi %squeeze3A_1508, %shift_right_arithmetic3A_1509 : i32
      %mul3A_1511 = arith.constant 128 : i32
      %mul3A_1512 = arith.muli %shift_right_arithmetic3A_1510, %mul3A_1511 : i32
      %multiple_of3A_1513 = tpu.assume_multiple %mul3A_1512, 128 : i32
      %dma_start3A_1514 = arith.constant 1 : i32
      %dma_start3A_1515 = arith.constant 1 : i32
      %dma_start3A_1516 = arith.constant 1 : i32
      %dma_start3A_1517 = arith.constant 0 : i32
      %dma_start3A_1518 = arith.constant 0 : i32
      %dma_start3A_1519 = tpu.memref_slice %arg11[%dma_start3A_1514, %dma_start3A_1515, %dma_start3A_1517, %dma_start3A_1518] : memref<4x2x32x128xf32, #tpu.memory_space<vmem>> -> memref<1x1x32x128xf32, #tpu.memory_space<vmem>>
      %dma_start3A_1520 = tpu.memref_squeeze %dma_start3A_1519 : memref<1x1x32x128xf32, #tpu.memory_space<vmem>> -> memref<32x128xf32, #tpu.memory_space<vmem>>
      %dma_start3A_1521 = arith.constant 0 : i32
      %dma_start3A_1522 = tpu.memref_slice %arg4[%dma_start3A_1521, %multiple_of3A_1513] : memref<32x1000000xf32, #tpu.memory_space<hbm>> -> memref<32x128xf32, #tpu.memory_space<hbm>>
      %dma_start3A_1523 = tpu.memref_slice %arg14[%dma_start3A_1516] : memref<4x!tpu.dma_semaphore, #tpu.memory_space<semaphore_mem>> -> memref<1x!tpu.dma_semaphore, #tpu.memory_space<semaphore_mem>>
      %dma_start3A_1524 = tpu.memref_squeeze %dma_start3A_1523 : memref<1x!tpu.dma_semaphore, #tpu.memory_space<semaphore_mem>> -> memref<!tpu.dma_semaphore, #tpu.memory_space<semaphore_mem>>
      %dma_start3A_1525 = arith.constant 0 : i32
      %dma_start3A_1526 = arith.constant 0 : i32
      %dma_start3A_1527 = tpu.memref_slice %arg11[%dma_start3A_1514, %dma_start3A_1515, %dma_start3A_1525, %dma_start3A_1526] : memref<4x2x32x128xf32, #tpu.memory_space<vmem>> -> memref<1x1x32x128xf32, #tpu.memory_space<vmem>>
      %dma_start3A_1528 = tpu.memref_squeeze %dma_start3A_1527 : memref<1x1x32x128xf32, #tpu.memory_space<vmem>> -> memref<32x128xf32, #tpu.memory_space<vmem>>
      %dma_start3A_1529 = arith.constant 0 : i32
      %dma_start3A_1530 = tpu.memref_slice %arg4[%dma_start3A_1529, %multiple_of3A_1513] : memref<32x1000000xf32, #tpu.memory_space<hbm>> -> memref<32x128xf32, #tpu.memory_space<hbm>>
      tpu.enqueue_dma source(%dma_start3A_1530 : memref<32x128xf32, #tpu.memory_space<hbm>>) target(%dma_start3A_1528 : memref<32x128xf32, #tpu.memory_space<vmem>>) target_semaphore(%dma_start3A_1524 : memref<!tpu.dma_semaphore, #tpu.memory_space<semaphore_mem>>)
      %slice3A_1531 = vector.extract_strided_slice %get3A_596 {offsets = [10], sizes = [1], strides = [1]} : vector<16xi32> to vector<1xi32>
      %squeeze3A_1532 = vector.extract %slice3A_1531[0] : i32 from vector<1xi32>
      %shift_right_arithmetic3A_1533 = arith.constant 7 : i32
      %shift_right_arithmetic3A_1534 = arith.shrsi %squeeze3A_1532, %shift_right_arithmetic3A_1533 : i32
      %mul3A_1535 = arith.constant 128 : i32
      %mul3A_1536 = arith.muli %shift_right_arithmetic3A_1534, %mul3A_1535 : i32
      %multiple_of3A_1537 = tpu.assume_multiple %mul3A_1536, 128 : i32
      %dma_start3A_1538 = arith.constant 1 : i32
      %dma_start3A_1539 = arith.constant 0 : i32
      %dma_start3A_1540 = arith.constant 1 : i32
      %dma_start3A_1541 = arith.constant 0 : i32
      %dma_start3A_1542 = arith.constant 0 : i32
      %dma_start3A_1543 = tpu.memref_slice %arg12[%dma_start3A_1538, %dma_start3A_1539, %dma_start3A_1541, %dma_start3A_1542] : memref<4x2x32x128xf32, #tpu.memory_space<vmem>> -> memref<1x1x32x128xf32, #tpu.memory_space<vmem>>
      %dma_start3A_1544 = tpu.memref_squeeze %dma_start3A_1543 : memref<1x1x32x128xf32, #tpu.memory_space<vmem>> -> memref<32x128xf32, #tpu.memory_space<vmem>>
      %dma_start3A_1545 = arith.constant 0 : i32
      %dma_start3A_1546 = tpu.memref_slice %arg5[%dma_start3A_1545, %multiple_of3A_1537] : memref<32x1000000xf32, #tpu.memory_space<hbm>> -> memref<32x128xf32, #tpu.memory_space<hbm>>
      %dma_start3A_1547 = tpu.memref_slice %arg15[%dma_start3A_1540] : memref<4x!tpu.dma_semaphore, #tpu.memory_space<semaphore_mem>> -> memref<1x!tpu.dma_semaphore, #tpu.memory_space<semaphore_mem>>
      %dma_start3A_1548 = tpu.memref_squeeze %dma_start3A_1547 : memref<1x!tpu.dma_semaphore, #tpu.memory_space<semaphore_mem>> -> memref<!tpu.dma_semaphore, #tpu.memory_space<semaphore_mem>>
      %dma_start3A_1549 = arith.constant 0 : i32
      %dma_start3A_1550 = arith.constant 0 : i32
      %dma_start3A_1551 = tpu.memref_slice %arg12[%dma_start3A_1538, %dma_start3A_1539, %dma_start3A_1549, %dma_start3A_1550] : memref<4x2x32x128xf32, #tpu.memory_space<vmem>> -> memref<1x1x32x128xf32, #tpu.memory_space<vmem>>
      %dma_start3A_1552 = tpu.memref_squeeze %dma_start3A_1551 : memref<1x1x32x128xf32, #tpu.memory_space<vmem>> -> memref<32x128xf32, #tpu.memory_space<vmem>>
      %dma_start3A_1553 = arith.constant 0 : i32
      %dma_start3A_1554 = tpu.memref_slice %arg5[%dma_start3A_1553, %multiple_of3A_1537] : memref<32x1000000xf32, #tpu.memory_space<hbm>> -> memref<32x128xf32, #tpu.memory_space<hbm>>
      tpu.enqueue_dma source(%dma_start3A_1554 : memref<32x128xf32, #tpu.memory_space<hbm>>) target(%dma_start3A_1552 : memref<32x128xf32, #tpu.memory_space<vmem>>) target_semaphore(%dma_start3A_1548 : memref<!tpu.dma_semaphore, #tpu.memory_space<semaphore_mem>>)
      %slice3A_1555 = vector.extract_strided_slice %get3A_596 {offsets = [11], sizes = [1], strides = [1]} : vector<16xi32> to vector<1xi32>
      %squeeze3A_1556 = vector.extract %slice3A_1555[0] : i32 from vector<1xi32>
      %shift_right_arithmetic3A_1557 = arith.constant 7 : i32
      %shift_right_arithmetic3A_1558 = arith.shrsi %squeeze3A_1556, %shift_right_arithmetic3A_1557 : i32
      %mul3A_1559 = arith.constant 128 : i32
      %mul3A_1560 = arith.muli %shift_right_arithmetic3A_1558, %mul3A_1559 : i32
      %multiple_of3A_1561 = tpu.assume_multiple %mul3A_1560, 128 : i32
      %dma_start3A_1562 = arith.constant 1 : i32
      %dma_start3A_1563 = arith.constant 1 : i32
      %dma_start3A_1564 = arith.constant 1 : i32
      %dma_start3A_1565 = arith.constant 0 : i32
      %dma_start3A_1566 = arith.constant 0 : i32
      %dma_start3A_1567 = tpu.memref_slice %arg12[%dma_start3A_1562, %dma_start3A_1563, %dma_start3A_1565, %dma_start3A_1566] : memref<4x2x32x128xf32, #tpu.memory_space<vmem>> -> memref<1x1x32x128xf32, #tpu.memory_space<vmem>>
      %dma_start3A_1568 = tpu.memref_squeeze %dma_start3A_1567 : memref<1x1x32x128xf32, #tpu.memory_space<vmem>> -> memref<32x128xf32, #tpu.memory_space<vmem>>
      %dma_start3A_1569 = arith.constant 0 : i32
      %dma_start3A_1570 = tpu.memref_slice %arg5[%dma_start3A_1569, %multiple_of3A_1561] : memref<32x1000000xf32, #tpu.memory_space<hbm>> -> memref<32x128xf32, #tpu.memory_space<hbm>>
      %dma_start3A_1571 = tpu.memref_slice %arg15[%dma_start3A_1564] : memref<4x!tpu.dma_semaphore, #tpu.memory_space<semaphore_mem>> -> memref<1x!tpu.dma_semaphore, #tpu.memory_space<semaphore_mem>>
      %dma_start3A_1572 = tpu.memref_squeeze %dma_start3A_1571 : memref<1x!tpu.dma_semaphore, #tpu.memory_space<semaphore_mem>> -> memref<!tpu.dma_semaphore, #tpu.memory_space<semaphore_mem>>
      %dma_start3A_1573 = arith.constant 0 : i32
      %dma_start3A_1574 = arith.constant 0 : i32
      %dma_start3A_1575 = tpu.memref_slice %arg12[%dma_start3A_1562, %dma_start3A_1563, %dma_start3A_1573, %dma_start3A_1574] : memref<4x2x32x128xf32, #tpu.memory_space<vmem>> -> memref<1x1x32x128xf32, #tpu.memory_space<vmem>>
      %dma_start3A_1576 = tpu.memref_squeeze %dma_start3A_1575 : memref<1x1x32x128xf32, #tpu.memory_space<vmem>> -> memref<32x128xf32, #tpu.memory_space<vmem>>
      %dma_start3A_1577 = arith.constant 0 : i32
      %dma_start3A_1578 = tpu.memref_slice %arg5[%dma_start3A_1577, %multiple_of3A_1561] : memref<32x1000000xf32, #tpu.memory_space<hbm>> -> memref<32x128xf32, #tpu.memory_space<hbm>>
      tpu.enqueue_dma source(%dma_start3A_1578 : memref<32x128xf32, #tpu.memory_space<hbm>>) target(%dma_start3A_1576 : memref<32x128xf32, #tpu.memory_space<vmem>>) target_semaphore(%dma_start3A_1572 : memref<!tpu.dma_semaphore, #tpu.memory_space<semaphore_mem>>)
      %mul3A_1579 = arith.constant 16 : i32
      %mul3A_1580 = arith.muli %add3A_588, %mul3A_1579 : i32
      %add3A_1581 = arith.constant 4 : i32
      %add3A_1582 = arith.addi %mul3A_1580, %add3A_1581 : i32
      %dma_wait3A_1583 = arith.constant 2 : i32
      %dma_wait3A_1584 = arith.constant 0 : i32
      %dma_wait3A_1585 = arith.constant 2 : i32
      %dma_wait3A_1586 = arith.constant 0 : i32
      %dma_wait3A_1587 = arith.constant 0 : i32
      %dma_wait3A_1588 = tpu.memref_slice %arg11[%dma_wait3A_1583, %dma_wait3A_1584, %dma_wait3A_1586, %dma_wait3A_1587] : memref<4x2x32x128xf32, #tpu.memory_space<vmem>> -> memref<1x1x32x128xf32, #tpu.memory_space<vmem>>
      %dma_wait3A_1589 = tpu.memref_squeeze %dma_wait3A_1588 : memref<1x1x32x128xf32, #tpu.memory_space<vmem>> -> memref<32x128xf32, #tpu.memory_space<vmem>>
      %dma_wait3A_1590 = arith.constant 0 : i32
      %dma_wait3A_1591 = arith.constant 0 : i32
      %dma_wait3A_1592 = tpu.memref_slice %arg4[%dma_wait3A_1590, %dma_wait3A_1591] : memref<32x1000000xf32, #tpu.memory_space<hbm>> -> memref<32x128xf32, #tpu.memory_space<hbm>>
      %dma_wait3A_1593 = tpu.memref_slice %arg14[%dma_wait3A_1585] : memref<4x!tpu.dma_semaphore, #tpu.memory_space<semaphore_mem>> -> memref<1x!tpu.dma_semaphore, #tpu.memory_space<semaphore_mem>>
      %dma_wait3A_1594 = tpu.memref_squeeze %dma_wait3A_1593 : memref<1x!tpu.dma_semaphore, #tpu.memory_space<semaphore_mem>> -> memref<!tpu.dma_semaphore, #tpu.memory_space<semaphore_mem>>
      %dma_wait3A_1595 = arith.constant 0 : i32
      %dma_wait3A_1596 = arith.constant 0 : i32
      %dma_wait3A_1597 = tpu.memref_slice %arg11[%dma_wait3A_1583, %dma_wait3A_1584, %dma_wait3A_1595, %dma_wait3A_1596] : memref<4x2x32x128xf32, #tpu.memory_space<vmem>> -> memref<1x1x32x128xf32, #tpu.memory_space<vmem>>
      %dma_wait3A_1598 = tpu.memref_squeeze %dma_wait3A_1597 : memref<1x1x32x128xf32, #tpu.memory_space<vmem>> -> memref<32x128xf32, #tpu.memory_space<vmem>>
      %dma_wait3A_1599 = arith.constant 0 : i32
      %dma_wait3A_1600 = arith.constant 0 : i32
      %dma_wait3A_1601 = tpu.memref_slice %arg4[%dma_wait3A_1599, %dma_wait3A_1600] : memref<32x1000000xf32, #tpu.memory_space<hbm>> -> memref<32x128xf32, #tpu.memory_space<hbm>>
      tpu.wait_dma2 semaphore(%dma_wait3A_1594 : memref<!tpu.dma_semaphore, #tpu.memory_space<semaphore_mem>>) src(%dma_wait3A_1601 : memref<32x128xf32, #tpu.memory_space<hbm>>) dst(%dma_wait3A_1598 : memref<32x128xf32, #tpu.memory_space<vmem>>)
      %dma_wait3A_1602 = arith.constant 2 : i32
      %dma_wait3A_1603 = arith.constant 1 : i32
      %dma_wait3A_1604 = arith.constant 2 : i32
      %dma_wait3A_1605 = arith.constant 0 : i32
      %dma_wait3A_1606 = arith.constant 0 : i32
      %dma_wait3A_1607 = tpu.memref_slice %arg11[%dma_wait3A_1602, %dma_wait3A_1603, %dma_wait3A_1605, %dma_wait3A_1606] : memref<4x2x32x128xf32, #tpu.memory_space<vmem>> -> memref<1x1x32x128xf32, #tpu.memory_space<vmem>>
      %dma_wait3A_1608 = tpu.memref_squeeze %dma_wait3A_1607 : memref<1x1x32x128xf32, #tpu.memory_space<vmem>> -> memref<32x128xf32, #tpu.memory_space<vmem>>
      %dma_wait3A_1609 = arith.constant 0 : i32
      %dma_wait3A_1610 = arith.constant 0 : i32
      %dma_wait3A_1611 = tpu.memref_slice %arg4[%dma_wait3A_1609, %dma_wait3A_1610] : memref<32x1000000xf32, #tpu.memory_space<hbm>> -> memref<32x128xf32, #tpu.memory_space<hbm>>
      %dma_wait3A_1612 = tpu.memref_slice %arg14[%dma_wait3A_1604] : memref<4x!tpu.dma_semaphore, #tpu.memory_space<semaphore_mem>> -> memref<1x!tpu.dma_semaphore, #tpu.memory_space<semaphore_mem>>
      %dma_wait3A_1613 = tpu.memref_squeeze %dma_wait3A_1612 : memref<1x!tpu.dma_semaphore, #tpu.memory_space<semaphore_mem>> -> memref<!tpu.dma_semaphore, #tpu.memory_space<semaphore_mem>>
      %dma_wait3A_1614 = arith.constant 0 : i32
      %dma_wait3A_1615 = arith.constant 0 : i32
      %dma_wait3A_1616 = tpu.memref_slice %arg11[%dma_wait3A_1602, %dma_wait3A_1603, %dma_wait3A_1614, %dma_wait3A_1615] : memref<4x2x32x128xf32, #tpu.memory_space<vmem>> -> memref<1x1x32x128xf32, #tpu.memory_space<vmem>>
      %dma_wait3A_1617 = tpu.memref_squeeze %dma_wait3A_1616 : memref<1x1x32x128xf32, #tpu.memory_space<vmem>> -> memref<32x128xf32, #tpu.memory_space<vmem>>
      %dma_wait3A_1618 = arith.constant 0 : i32
      %dma_wait3A_1619 = arith.constant 0 : i32
      %dma_wait3A_1620 = tpu.memref_slice %arg4[%dma_wait3A_1618, %dma_wait3A_1619] : memref<32x1000000xf32, #tpu.memory_space<hbm>> -> memref<32x128xf32, #tpu.memory_space<hbm>>
      tpu.wait_dma2 semaphore(%dma_wait3A_1613 : memref<!tpu.dma_semaphore, #tpu.memory_space<semaphore_mem>>) src(%dma_wait3A_1620 : memref<32x128xf32, #tpu.memory_space<hbm>>) dst(%dma_wait3A_1617 : memref<32x128xf32, #tpu.memory_space<vmem>>)
      %broadcast_in_dim3A_1621 = arith.constant 2 : i32
      %broadcast_in_dim3A_1622 = vector.broadcast %broadcast_in_dim3A_1621 : i32 to vector<16xi32>
      %add3A_1623 = arith.constant 0 : i32
      %add3A_1624 = arith.addi %add3A_1582, %add3A_1623 : i32
      %slice3A_1625 = vector.extract_strided_slice %get3A_592 {offsets = [4], sizes = [1], strides = [1]} : vector<16xi32> to vector<1xi32>
      %squeeze3A_1626 = vector.extract %slice3A_1625[0] : i32 from vector<1xi32>
      %and3A_1627 = arith.constant 127 : i32
      %and3A_1628 = arith.andi %squeeze3A_1626, %and3A_1627 : i32
      %broadcast_in_dim3A_1629 = vector.broadcast %and3A_1628 : i32 to vector<16xi32>
      %broadcast_in_dim3A_1630 = arith.constant 0 : i32
      %broadcast_in_dim3A_1631 = vector.broadcast %broadcast_in_dim3A_1630 : i32 to vector<16xi32>
      %gather3A_1632 = tpu.vector_load_idx %arg11[%broadcast_in_dim3A_1622, %broadcast_in_dim3A_1631, %iota3A, %broadcast_in_dim3A_1629] : memref<4x2x32x128xf32, #tpu.memory_space<vmem>>[vector<16xi32>, vector<16xi32>, vector<16xi32>, vector<16xi32>], vector<16xf32>,
      %add3A_1633 = arith.constant 16 : i32
      %add3A_1634 = vector.broadcast %add3A_1633 : i32 to vector<16xi32>
      %add3A_1635 = arith.addi %add3A_1634, %iota3A : vector<16xi32>
      %gather3A_1636 = tpu.vector_load_idx %arg11[%broadcast_in_dim3A_1622, %broadcast_in_dim3A_1631, %add3A_1635, %broadcast_in_dim3A_1629] : memref<4x2x32x128xf32, #tpu.memory_space<vmem>>[vector<16xi32>, vector<16xi32>, vector<16xi32>, vector<16xi32>], vector<16xf32>,
      %mul3A_1637 = arith.constant 512 : i32
      %mul3A_1638 = vector.broadcast %mul3A_1637 : i32 to vector<16xi32>
      %mul3A_1639 = arith.muli %iota3A, %mul3A_1638 : vector<16xi32>
      %add3A_1640 = vector.broadcast %add3A_1624 : i32 to vector<16xi32>
      %add3A_1641 = arith.addi %mul3A_1639, %add3A_1640 : vector<16xi32>
      tpu.vector_store_idx %arg9[%add3A_1641], %gather3A_1632 : memref<16384xf32, #tpu.memory_space<vmem>>[vector<16xi32>], vector<16xf32>,
      %add3A_1642 = arith.constant 16 : i32
      %add3A_1643 = vector.broadcast %add3A_1642 : i32 to vector<16xi32>
      %add3A_1644 = arith.addi %add3A_1643, %iota3A : vector<16xi32>
      %mul3A_1645 = arith.constant 512 : i32
      %mul3A_1646 = vector.broadcast %mul3A_1645 : i32 to vector<16xi32>
      %mul3A_1647 = arith.muli %add3A_1644, %mul3A_1646 : vector<16xi32>
      %add3A_1648 = vector.broadcast %add3A_1624 : i32 to vector<16xi32>
      %add3A_1649 = arith.addi %mul3A_1647, %add3A_1648 : vector<16xi32>
      tpu.vector_store_idx %arg9[%add3A_1649], %gather3A_1636 : memref<16384xf32, #tpu.memory_space<vmem>>[vector<16xi32>], vector<16xf32>,
      %add3A_1650 = arith.constant 1 : i32
      %add3A_1651 = arith.addi %add3A_1582, %add3A_1650 : i32
      %slice3A_1652 = vector.extract_strided_slice %get3A_592 {offsets = [5], sizes = [1], strides = [1]} : vector<16xi32> to vector<1xi32>
      %squeeze3A_1653 = vector.extract %slice3A_1652[0] : i32 from vector<1xi32>
      %and3A_1654 = arith.constant 127 : i32
      %and3A_1655 = arith.andi %squeeze3A_1653, %and3A_1654 : i32
      %broadcast_in_dim3A_1656 = vector.broadcast %and3A_1655 : i32 to vector<16xi32>
      %broadcast_in_dim3A_1657 = arith.constant 1 : i32
      %broadcast_in_dim3A_1658 = vector.broadcast %broadcast_in_dim3A_1657 : i32 to vector<16xi32>
      %gather3A_1659 = tpu.vector_load_idx %arg11[%broadcast_in_dim3A_1622, %broadcast_in_dim3A_1658, %iota3A, %broadcast_in_dim3A_1656] : memref<4x2x32x128xf32, #tpu.memory_space<vmem>>[vector<16xi32>, vector<16xi32>, vector<16xi32>, vector<16xi32>], vector<16xf32>,
      %add3A_1660 = arith.constant 16 : i32
      %add3A_1661 = vector.broadcast %add3A_1660 : i32 to vector<16xi32>
      %add3A_1662 = arith.addi %add3A_1661, %iota3A : vector<16xi32>
      %gather3A_1663 = tpu.vector_load_idx %arg11[%broadcast_in_dim3A_1622, %broadcast_in_dim3A_1658, %add3A_1662, %broadcast_in_dim3A_1656] : memref<4x2x32x128xf32, #tpu.memory_space<vmem>>[vector<16xi32>, vector<16xi32>, vector<16xi32>, vector<16xi32>], vector<16xf32>,
      %mul3A_1664 = arith.constant 512 : i32
      %mul3A_1665 = vector.broadcast %mul3A_1664 : i32 to vector<16xi32>
      %mul3A_1666 = arith.muli %iota3A, %mul3A_1665 : vector<16xi32>
      %add3A_1667 = vector.broadcast %add3A_1651 : i32 to vector<16xi32>
      %add3A_1668 = arith.addi %mul3A_1666, %add3A_1667 : vector<16xi32>
      tpu.vector_store_idx %arg9[%add3A_1668], %gather3A_1659 : memref<16384xf32, #tpu.memory_space<vmem>>[vector<16xi32>], vector<16xf32>,
      %add3A_1669 = arith.constant 16 : i32
      %add3A_1670 = vector.broadcast %add3A_1669 : i32 to vector<16xi32>
      %add3A_1671 = arith.addi %add3A_1670, %iota3A : vector<16xi32>
      %mul3A_1672 = arith.constant 512 : i32
      %mul3A_1673 = vector.broadcast %mul3A_1672 : i32 to vector<16xi32>
      %mul3A_1674 = arith.muli %add3A_1671, %mul3A_1673 : vector<16xi32>
      %add3A_1675 = vector.broadcast %add3A_1651 : i32 to vector<16xi32>
      %add3A_1676 = arith.addi %mul3A_1674, %add3A_1675 : vector<16xi32>
      tpu.vector_store_idx %arg9[%add3A_1676], %gather3A_1663 : memref<16384xf32, #tpu.memory_space<vmem>>[vector<16xi32>], vector<16xf32>,
      %dma_wait3A_1677 = arith.constant 2 : i32
      %dma_wait3A_1678 = arith.constant 0 : i32
      %dma_wait3A_1679 = arith.constant 2 : i32
      %dma_wait3A_1680 = arith.constant 0 : i32
      %dma_wait3A_1681 = arith.constant 0 : i32
      %dma_wait3A_1682 = tpu.memref_slice %arg12[%dma_wait3A_1677, %dma_wait3A_1678, %dma_wait3A_1680, %dma_wait3A_1681] : memref<4x2x32x128xf32, #tpu.memory_space<vmem>> -> memref<1x1x32x128xf32, #tpu.memory_space<vmem>>
      %dma_wait3A_1683 = tpu.memref_squeeze %dma_wait3A_1682 : memref<1x1x32x128xf32, #tpu.memory_space<vmem>> -> memref<32x128xf32, #tpu.memory_space<vmem>>
      %dma_wait3A_1684 = arith.constant 0 : i32
      %dma_wait3A_1685 = arith.constant 0 : i32
      %dma_wait3A_1686 = tpu.memref_slice %arg5[%dma_wait3A_1684, %dma_wait3A_1685] : memref<32x1000000xf32, #tpu.memory_space<hbm>> -> memref<32x128xf32, #tpu.memory_space<hbm>>
      %dma_wait3A_1687 = tpu.memref_slice %arg15[%dma_wait3A_1679] : memref<4x!tpu.dma_semaphore, #tpu.memory_space<semaphore_mem>> -> memref<1x!tpu.dma_semaphore, #tpu.memory_space<semaphore_mem>>
      %dma_wait3A_1688 = tpu.memref_squeeze %dma_wait3A_1687 : memref<1x!tpu.dma_semaphore, #tpu.memory_space<semaphore_mem>> -> memref<!tpu.dma_semaphore, #tpu.memory_space<semaphore_mem>>
      %dma_wait3A_1689 = arith.constant 0 : i32
      %dma_wait3A_1690 = arith.constant 0 : i32
      %dma_wait3A_1691 = tpu.memref_slice %arg12[%dma_wait3A_1677, %dma_wait3A_1678, %dma_wait3A_1689, %dma_wait3A_1690] : memref<4x2x32x128xf32, #tpu.memory_space<vmem>> -> memref<1x1x32x128xf32, #tpu.memory_space<vmem>>
      %dma_wait3A_1692 = tpu.memref_squeeze %dma_wait3A_1691 : memref<1x1x32x128xf32, #tpu.memory_space<vmem>> -> memref<32x128xf32, #tpu.memory_space<vmem>>
      %dma_wait3A_1693 = arith.constant 0 : i32
      %dma_wait3A_1694 = arith.constant 0 : i32
      %dma_wait3A_1695 = tpu.memref_slice %arg5[%dma_wait3A_1693, %dma_wait3A_1694] : memref<32x1000000xf32, #tpu.memory_space<hbm>> -> memref<32x128xf32, #tpu.memory_space<hbm>>
      tpu.wait_dma2 semaphore(%dma_wait3A_1688 : memref<!tpu.dma_semaphore, #tpu.memory_space<semaphore_mem>>) src(%dma_wait3A_1695 : memref<32x128xf32, #tpu.memory_space<hbm>>) dst(%dma_wait3A_1692 : memref<32x128xf32, #tpu.memory_space<vmem>>)
      %dma_wait3A_1696 = arith.constant 2 : i32
      %dma_wait3A_1697 = arith.constant 1 : i32
      %dma_wait3A_1698 = arith.constant 2 : i32
      %dma_wait3A_1699 = arith.constant 0 : i32
      %dma_wait3A_1700 = arith.constant 0 : i32
      %dma_wait3A_1701 = tpu.memref_slice %arg12[%dma_wait3A_1696, %dma_wait3A_1697, %dma_wait3A_1699, %dma_wait3A_1700] : memref<4x2x32x128xf32, #tpu.memory_space<vmem>> -> memref<1x1x32x128xf32, #tpu.memory_space<vmem>>
      %dma_wait3A_1702 = tpu.memref_squeeze %dma_wait3A_1701 : memref<1x1x32x128xf32, #tpu.memory_space<vmem>> -> memref<32x128xf32, #tpu.memory_space<vmem>>
      %dma_wait3A_1703 = arith.constant 0 : i32
      %dma_wait3A_1704 = arith.constant 0 : i32
      %dma_wait3A_1705 = tpu.memref_slice %arg5[%dma_wait3A_1703, %dma_wait3A_1704] : memref<32x1000000xf32, #tpu.memory_space<hbm>> -> memref<32x128xf32, #tpu.memory_space<hbm>>
      %dma_wait3A_1706 = tpu.memref_slice %arg15[%dma_wait3A_1698] : memref<4x!tpu.dma_semaphore, #tpu.memory_space<semaphore_mem>> -> memref<1x!tpu.dma_semaphore, #tpu.memory_space<semaphore_mem>>
      %dma_wait3A_1707 = tpu.memref_squeeze %dma_wait3A_1706 : memref<1x!tpu.dma_semaphore, #tpu.memory_space<semaphore_mem>> -> memref<!tpu.dma_semaphore, #tpu.memory_space<semaphore_mem>>
      %dma_wait3A_1708 = arith.constant 0 : i32
      %dma_wait3A_1709 = arith.constant 0 : i32
      %dma_wait3A_1710 = tpu.memref_slice %arg12[%dma_wait3A_1696, %dma_wait3A_1697, %dma_wait3A_1708, %dma_wait3A_1709] : memref<4x2x32x128xf32, #tpu.memory_space<vmem>> -> memref<1x1x32x128xf32, #tpu.memory_space<vmem>>
      %dma_wait3A_1711 = tpu.memref_squeeze %dma_wait3A_1710 : memref<1x1x32x128xf32, #tpu.memory_space<vmem>> -> memref<32x128xf32, #tpu.memory_space<vmem>>
      %dma_wait3A_1712 = arith.constant 0 : i32
      %dma_wait3A_1713 = arith.constant 0 : i32
      %dma_wait3A_1714 = tpu.memref_slice %arg5[%dma_wait3A_1712, %dma_wait3A_1713] : memref<32x1000000xf32, #tpu.memory_space<hbm>> -> memref<32x128xf32, #tpu.memory_space<hbm>>
      tpu.wait_dma2 semaphore(%dma_wait3A_1707 : memref<!tpu.dma_semaphore, #tpu.memory_space<semaphore_mem>>) src(%dma_wait3A_1714 : memref<32x128xf32, #tpu.memory_space<hbm>>) dst(%dma_wait3A_1711 : memref<32x128xf32, #tpu.memory_space<vmem>>)
      %broadcast_in_dim3A_1715 = arith.constant 2 : i32
      %broadcast_in_dim3A_1716 = vector.broadcast %broadcast_in_dim3A_1715 : i32 to vector<16xi32>
      %add3A_1717 = arith.constant 0 : i32
      %add3A_1718 = arith.addi %add3A_1582, %add3A_1717 : i32
      %slice3A_1719 = vector.extract_strided_slice %get3A_596 {offsets = [4], sizes = [1], strides = [1]} : vector<16xi32> to vector<1xi32>
      %squeeze3A_1720 = vector.extract %slice3A_1719[0] : i32 from vector<1xi32>
      %and3A_1721 = arith.constant 127 : i32
      %and3A_1722 = arith.andi %squeeze3A_1720, %and3A_1721 : i32
      %broadcast_in_dim3A_1723 = vector.broadcast %and3A_1722 : i32 to vector<16xi32>
      %broadcast_in_dim3A_1724 = arith.constant 0 : i32
      %broadcast_in_dim3A_1725 = vector.broadcast %broadcast_in_dim3A_1724 : i32 to vector<16xi32>
      %gather3A_1726 = tpu.vector_load_idx %arg12[%broadcast_in_dim3A_1716, %broadcast_in_dim3A_1725, %iota3A, %broadcast_in_dim3A_1723] : memref<4x2x32x128xf32, #tpu.memory_space<vmem>>[vector<16xi32>, vector<16xi32>, vector<16xi32>, vector<16xi32>], vector<16xf32>,
      %add3A_1727 = arith.constant 16 : i32
      %add3A_1728 = vector.broadcast %add3A_1727 : i32 to vector<16xi32>
      %add3A_1729 = arith.addi %add3A_1728, %iota3A : vector<16xi32>
      %gather3A_1730 = tpu.vector_load_idx %arg12[%broadcast_in_dim3A_1716, %broadcast_in_dim3A_1725, %add3A_1729, %broadcast_in_dim3A_1723] : memref<4x2x32x128xf32, #tpu.memory_space<vmem>>[vector<16xi32>, vector<16xi32>, vector<16xi32>, vector<16xi32>], vector<16xf32>,
      %mul3A_1731 = arith.constant 512 : i32
      %mul3A_1732 = vector.broadcast %mul3A_1731 : i32 to vector<16xi32>
      %mul3A_1733 = arith.muli %iota3A, %mul3A_1732 : vector<16xi32>
      %add3A_1734 = vector.broadcast %add3A_1718 : i32 to vector<16xi32>
      %add3A_1735 = arith.addi %mul3A_1733, %add3A_1734 : vector<16xi32>
      tpu.vector_store_idx %arg10[%add3A_1735], %gather3A_1726 : memref<16384xf32, #tpu.memory_space<vmem>>[vector<16xi32>], vector<16xf32>,
      %add3A_1736 = arith.constant 16 : i32
      %add3A_1737 = vector.broadcast %add3A_1736 : i32 to vector<16xi32>
      %add3A_1738 = arith.addi %add3A_1737, %iota3A : vector<16xi32>
      %mul3A_1739 = arith.constant 512 : i32
      %mul3A_1740 = vector.broadcast %mul3A_1739 : i32 to vector<16xi32>
      %mul3A_1741 = arith.muli %add3A_1738, %mul3A_1740 : vector<16xi32>
      %add3A_1742 = vector.broadcast %add3A_1718 : i32 to vector<16xi32>
      %add3A_1743 = arith.addi %mul3A_1741, %add3A_1742 : vector<16xi32>
      tpu.vector_store_idx %arg10[%add3A_1743], %gather3A_1730 : memref<16384xf32, #tpu.memory_space<vmem>>[vector<16xi32>], vector<16xf32>,
      %add3A_1744 = arith.constant 1 : i32
      %add3A_1745 = arith.addi %add3A_1582, %add3A_1744 : i32
      %slice3A_1746 = vector.extract_strided_slice %get3A_596 {offsets = [5], sizes = [1], strides = [1]} : vector<16xi32> to vector<1xi32>
      %squeeze3A_1747 = vector.extract %slice3A_1746[0] : i32 from vector<1xi32>
      %and3A_1748 = arith.constant 127 : i32
      %and3A_1749 = arith.andi %squeeze3A_1747, %and3A_1748 : i32
      %broadcast_in_dim3A_1750 = vector.broadcast %and3A_1749 : i32 to vector<16xi32>
      %broadcast_in_dim3A_1751 = arith.constant 1 : i32
      %broadcast_in_dim3A_1752 = vector.broadcast %broadcast_in_dim3A_1751 : i32 to vector<16xi32>
      %gather3A_1753 = tpu.vector_load_idx %arg12[%broadcast_in_dim3A_1716, %broadcast_in_dim3A_1752, %iota3A, %broadcast_in_dim3A_1750] : memref<4x2x32x128xf32, #tpu.memory_space<vmem>>[vector<16xi32>, vector<16xi32>, vector<16xi32>, vector<16xi32>], vector<16xf32>,
      %add3A_1754 = arith.constant 16 : i32
      %add3A_1755 = vector.broadcast %add3A_1754 : i32 to vector<16xi32>
      %add3A_1756 = arith.addi %add3A_1755, %iota3A : vector<16xi32>
      %gather3A_1757 = tpu.vector_load_idx %arg12[%broadcast_in_dim3A_1716, %broadcast_in_dim3A_1752, %add3A_1756, %broadcast_in_dim3A_1750] : memref<4x2x32x128xf32, #tpu.memory_space<vmem>>[vector<16xi32>, vector<16xi32>, vector<16xi32>, vector<16xi32>], vector<16xf32>,
      %mul3A_1758 = arith.constant 512 : i32
      %mul3A_1759 = vector.broadcast %mul3A_1758 : i32 to vector<16xi32>
      %mul3A_1760 = arith.muli %iota3A, %mul3A_1759 : vector<16xi32>
      %add3A_1761 = vector.broadcast %add3A_1745 : i32 to vector<16xi32>
      %add3A_1762 = arith.addi %mul3A_1760, %add3A_1761 : vector<16xi32>
      tpu.vector_store_idx %arg10[%add3A_1762], %gather3A_1753 : memref<16384xf32, #tpu.memory_space<vmem>>[vector<16xi32>], vector<16xf32>,
      %add3A_1763 = arith.constant 16 : i32
      %add3A_1764 = vector.broadcast %add3A_1763 : i32 to vector<16xi32>
      %add3A_1765 = arith.addi %add3A_1764, %iota3A : vector<16xi32>
      %mul3A_1766 = arith.constant 512 : i32
      %mul3A_1767 = vector.broadcast %mul3A_1766 : i32 to vector<16xi32>
      %mul3A_1768 = arith.muli %add3A_1765, %mul3A_1767 : vector<16xi32>
      %add3A_1769 = vector.broadcast %add3A_1745 : i32 to vector<16xi32>
      %add3A_1770 = arith.addi %mul3A_1768, %add3A_1769 : vector<16xi32>
      tpu.vector_store_idx %arg10[%add3A_1770], %gather3A_1757 : memref<16384xf32, #tpu.memory_space<vmem>>[vector<16xi32>], vector<16xf32>,
      %slice3A_1771 = vector.extract_strided_slice %get3A_592 {offsets = [12], sizes = [1], strides = [1]} : vector<16xi32> to vector<1xi32>
      %squeeze3A_1772 = vector.extract %slice3A_1771[0] : i32 from vector<1xi32>
      %shift_right_arithmetic3A_1773 = arith.constant 7 : i32
      %shift_right_arithmetic3A_1774 = arith.shrsi %squeeze3A_1772, %shift_right_arithmetic3A_1773 : i32
      %mul3A_1775 = arith.constant 128 : i32
      %mul3A_1776 = arith.muli %shift_right_arithmetic3A_1774, %mul3A_1775 : i32
      %multiple_of3A_1777 = tpu.assume_multiple %mul3A_1776, 128 : i32
      %dma_start3A_1778 = arith.constant 2 : i32
      %dma_start3A_1779 = arith.constant 0 : i32
      %dma_start3A_1780 = arith.constant 2 : i32
      %dma_start3A_1781 = arith.constant 0 : i32
      %dma_start3A_1782 = arith.constant 0 : i32
      %dma_start3A_1783 = tpu.memref_slice %arg11[%dma_start3A_1778, %dma_start3A_1779, %dma_start3A_1781, %dma_start3A_1782] : memref<4x2x32x128xf32, #tpu.memory_space<vmem>> -> memref<1x1x32x128xf32, #tpu.memory_space<vmem>>
      %dma_start3A_1784 = tpu.memref_squeeze %dma_start3A_1783 : memref<1x1x32x128xf32, #tpu.memory_space<vmem>> -> memref<32x128xf32, #tpu.memory_space<vmem>>
      %dma_start3A_1785 = arith.constant 0 : i32
      %dma_start3A_1786 = tpu.memref_slice %arg4[%dma_start3A_1785, %multiple_of3A_1777] : memref<32x1000000xf32, #tpu.memory_space<hbm>> -> memref<32x128xf32, #tpu.memory_space<hbm>>
      %dma_start3A_1787 = tpu.memref_slice %arg14[%dma_start3A_1780] : memref<4x!tpu.dma_semaphore, #tpu.memory_space<semaphore_mem>> -> memref<1x!tpu.dma_semaphore, #tpu.memory_space<semaphore_mem>>
      %dma_start3A_1788 = tpu.memref_squeeze %dma_start3A_1787 : memref<1x!tpu.dma_semaphore, #tpu.memory_space<semaphore_mem>> -> memref<!tpu.dma_semaphore, #tpu.memory_space<semaphore_mem>>
      %dma_start3A_1789 = arith.constant 0 : i32
      %dma_start3A_1790 = arith.constant 0 : i32
      %dma_start3A_1791 = tpu.memref_slice %arg11[%dma_start3A_1778, %dma_start3A_1779, %dma_start3A_1789, %dma_start3A_1790] : memref<4x2x32x128xf32, #tpu.memory_space<vmem>> -> memref<1x1x32x128xf32, #tpu.memory_space<vmem>>
      %dma_start3A_1792 = tpu.memref_squeeze %dma_start3A_1791 : memref<1x1x32x128xf32, #tpu.memory_space<vmem>> -> memref<32x128xf32, #tpu.memory_space<vmem>>
      %dma_start3A_1793 = arith.constant 0 : i32
      %dma_start3A_1794 = tpu.memref_slice %arg4[%dma_start3A_1793, %multiple_of3A_1777] : memref<32x1000000xf32, #tpu.memory_space<hbm>> -> memref<32x128xf32, #tpu.memory_space<hbm>>
      tpu.enqueue_dma source(%dma_start3A_1794 : memref<32x128xf32, #tpu.memory_space<hbm>>) target(%dma_start3A_1792 : memref<32x128xf32, #tpu.memory_space<vmem>>) target_semaphore(%dma_start3A_1788 : memref<!tpu.dma_semaphore, #tpu.memory_space<semaphore_mem>>)
      %slice3A_1795 = vector.extract_strided_slice %get3A_592 {offsets = [13], sizes = [1], strides = [1]} : vector<16xi32> to vector<1xi32>
      %squeeze3A_1796 = vector.extract %slice3A_1795[0] : i32 from vector<1xi32>
      %shift_right_arithmetic3A_1797 = arith.constant 7 : i32
      %shift_right_arithmetic3A_1798 = arith.shrsi %squeeze3A_1796, %shift_right_arithmetic3A_1797 : i32
      %mul3A_1799 = arith.constant 128 : i32
      %mul3A_1800 = arith.muli %shift_right_arithmetic3A_1798, %mul3A_1799 : i32
      %multiple_of3A_1801 = tpu.assume_multiple %mul3A_1800, 128 : i32
      %dma_start3A_1802 = arith.constant 2 : i32
      %dma_start3A_1803 = arith.constant 1 : i32
      %dma_start3A_1804 = arith.constant 2 : i32
      %dma_start3A_1805 = arith.constant 0 : i32
      %dma_start3A_1806 = arith.constant 0 : i32
      %dma_start3A_1807 = tpu.memref_slice %arg11[%dma_start3A_1802, %dma_start3A_1803, %dma_start3A_1805, %dma_start3A_1806] : memref<4x2x32x128xf32, #tpu.memory_space<vmem>> -> memref<1x1x32x128xf32, #tpu.memory_space<vmem>>
      %dma_start3A_1808 = tpu.memref_squeeze %dma_start3A_1807 : memref<1x1x32x128xf32, #tpu.memory_space<vmem>> -> memref<32x128xf32, #tpu.memory_space<vmem>>
      %dma_start3A_1809 = arith.constant 0 : i32
      %dma_start3A_1810 = tpu.memref_slice %arg4[%dma_start3A_1809, %multiple_of3A_1801] : memref<32x1000000xf32, #tpu.memory_space<hbm>> -> memref<32x128xf32, #tpu.memory_space<hbm>>
      %dma_start3A_1811 = tpu.memref_slice %arg14[%dma_start3A_1804] : memref<4x!tpu.dma_semaphore, #tpu.memory_space<semaphore_mem>> -> memref<1x!tpu.dma_semaphore, #tpu.memory_space<semaphore_mem>>
      %dma_start3A_1812 = tpu.memref_squeeze %dma_start3A_1811 : memref<1x!tpu.dma_semaphore, #tpu.memory_space<semaphore_mem>> -> memref<!tpu.dma_semaphore, #tpu.memory_space<semaphore_mem>>
      %dma_start3A_1813 = arith.constant 0 : i32
      %dma_start3A_1814 = arith.constant 0 : i32
      %dma_start3A_1815 = tpu.memref_slice %arg11[%dma_start3A_1802, %dma_start3A_1803, %dma_start3A_1813, %dma_start3A_1814] : memref<4x2x32x128xf32, #tpu.memory_space<vmem>> -> memref<1x1x32x128xf32, #tpu.memory_space<vmem>>
      %dma_start3A_1816 = tpu.memref_squeeze %dma_start3A_1815 : memref<1x1x32x128xf32, #tpu.memory_space<vmem>> -> memref<32x128xf32, #tpu.memory_space<vmem>>
      %dma_start3A_1817 = arith.constant 0 : i32
      %dma_start3A_1818 = tpu.memref_slice %arg4[%dma_start3A_1817, %multiple_of3A_1801] : memref<32x1000000xf32, #tpu.memory_space<hbm>> -> memref<32x128xf32, #tpu.memory_space<hbm>>
      tpu.enqueue_dma source(%dma_start3A_1818 : memref<32x128xf32, #tpu.memory_space<hbm>>) target(%dma_start3A_1816 : memref<32x128xf32, #tpu.memory_space<vmem>>) target_semaphore(%dma_start3A_1812 : memref<!tpu.dma_semaphore, #tpu.memory_space<semaphore_mem>>)
      %slice3A_1819 = vector.extract_strided_slice %get3A_596 {offsets = [12], sizes = [1], strides = [1]} : vector<16xi32> to vector<1xi32>
      %squeeze3A_1820 = vector.extract %slice3A_1819[0] : i32 from vector<1xi32>
      %shift_right_arithmetic3A_1821 = arith.constant 7 : i32
      %shift_right_arithmetic3A_1822 = arith.shrsi %squeeze3A_1820, %shift_right_arithmetic3A_1821 : i32
      %mul3A_1823 = arith.constant 128 : i32
      %mul3A_1824 = arith.muli %shift_right_arithmetic3A_1822, %mul3A_1823 : i32
      %multiple_of3A_1825 = tpu.assume_multiple %mul3A_1824, 128 : i32
      %dma_start3A_1826 = arith.constant 2 : i32
      %dma_start3A_1827 = arith.constant 0 : i32
      %dma_start3A_1828 = arith.constant 2 : i32
      %dma_start3A_1829 = arith.constant 0 : i32
      %dma_start3A_1830 = arith.constant 0 : i32
      %dma_start3A_1831 = tpu.memref_slice %arg12[%dma_start3A_1826, %dma_start3A_1827, %dma_start3A_1829, %dma_start3A_1830] : memref<4x2x32x128xf32, #tpu.memory_space<vmem>> -> memref<1x1x32x128xf32, #tpu.memory_space<vmem>>
      %dma_start3A_1832 = tpu.memref_squeeze %dma_start3A_1831 : memref<1x1x32x128xf32, #tpu.memory_space<vmem>> -> memref<32x128xf32, #tpu.memory_space<vmem>>
      %dma_start3A_1833 = arith.constant 0 : i32
      %dma_start3A_1834 = tpu.memref_slice %arg5[%dma_start3A_1833, %multiple_of3A_1825] : memref<32x1000000xf32, #tpu.memory_space<hbm>> -> memref<32x128xf32, #tpu.memory_space<hbm>>
      %dma_start3A_1835 = tpu.memref_slice %arg15[%dma_start3A_1828] : memref<4x!tpu.dma_semaphore, #tpu.memory_space<semaphore_mem>> -> memref<1x!tpu.dma_semaphore, #tpu.memory_space<semaphore_mem>>
      %dma_start3A_1836 = tpu.memref_squeeze %dma_start3A_1835 : memref<1x!tpu.dma_semaphore, #tpu.memory_space<semaphore_mem>> -> memref<!tpu.dma_semaphore, #tpu.memory_space<semaphore_mem>>
      %dma_start3A_1837 = arith.constant 0 : i32
      %dma_start3A_1838 = arith.constant 0 : i32
      %dma_start3A_1839 = tpu.memref_slice %arg12[%dma_start3A_1826, %dma_start3A_1827, %dma_start3A_1837, %dma_start3A_1838] : memref<4x2x32x128xf32, #tpu.memory_space<vmem>> -> memref<1x1x32x128xf32, #tpu.memory_space<vmem>>
      %dma_start3A_1840 = tpu.memref_squeeze %dma_start3A_1839 : memref<1x1x32x128xf32, #tpu.memory_space<vmem>> -> memref<32x128xf32, #tpu.memory_space<vmem>>
      %dma_start3A_1841 = arith.constant 0 : i32
      %dma_start3A_1842 = tpu.memref_slice %arg5[%dma_start3A_1841, %multiple_of3A_1825] : memref<32x1000000xf32, #tpu.memory_space<hbm>> -> memref<32x128xf32, #tpu.memory_space<hbm>>
      tpu.enqueue_dma source(%dma_start3A_1842 : memref<32x128xf32, #tpu.memory_space<hbm>>) target(%dma_start3A_1840 : memref<32x128xf32, #tpu.memory_space<vmem>>) target_semaphore(%dma_start3A_1836 : memref<!tpu.dma_semaphore, #tpu.memory_space<semaphore_mem>>)
      %slice3A_1843 = vector.extract_strided_slice %get3A_596 {offsets = [13], sizes = [1], strides = [1]} : vector<16xi32> to vector<1xi32>
      %squeeze3A_1844 = vector.extract %slice3A_1843[0] : i32 from vector<1xi32>
      %shift_right_arithmetic3A_1845 = arith.constant 7 : i32
      %shift_right_arithmetic3A_1846 = arith.shrsi %squeeze3A_1844, %shift_right_arithmetic3A_1845 : i32
      %mul3A_1847 = arith.constant 128 : i32
      %mul3A_1848 = arith.muli %shift_right_arithmetic3A_1846, %mul3A_1847 : i32
      %multiple_of3A_1849 = tpu.assume_multiple %mul3A_1848, 128 : i32
      %dma_start3A_1850 = arith.constant 2 : i32
      %dma_start3A_1851 = arith.constant 1 : i32
      %dma_start3A_1852 = arith.constant 2 : i32
      %dma_start3A_1853 = arith.constant 0 : i32
      %dma_start3A_1854 = arith.constant 0 : i32
      %dma_start3A_1855 = tpu.memref_slice %arg12[%dma_start3A_1850, %dma_start3A_1851, %dma_start3A_1853, %dma_start3A_1854] : memref<4x2x32x128xf32, #tpu.memory_space<vmem>> -> memref<1x1x32x128xf32, #tpu.memory_space<vmem>>
      %dma_start3A_1856 = tpu.memref_squeeze %dma_start3A_1855 : memref<1x1x32x128xf32, #tpu.memory_space<vmem>> -> memref<32x128xf32, #tpu.memory_space<vmem>>
      %dma_start3A_1857 = arith.constant 0 : i32
      %dma_start3A_1858 = tpu.memref_slice %arg5[%dma_start3A_1857, %multiple_of3A_1849] : memref<32x1000000xf32, #tpu.memory_space<hbm>> -> memref<32x128xf32, #tpu.memory_space<hbm>>
      %dma_start3A_1859 = tpu.memref_slice %arg15[%dma_start3A_1852] : memref<4x!tpu.dma_semaphore, #tpu.memory_space<semaphore_mem>> -> memref<1x!tpu.dma_semaphore, #tpu.memory_space<semaphore_mem>>
      %dma_start3A_1860 = tpu.memref_squeeze %dma_start3A_1859 : memref<1x!tpu.dma_semaphore, #tpu.memory_space<semaphore_mem>> -> memref<!tpu.dma_semaphore, #tpu.memory_space<semaphore_mem>>
      %dma_start3A_1861 = arith.constant 0 : i32
      %dma_start3A_1862 = arith.constant 0 : i32
      %dma_start3A_1863 = tpu.memref_slice %arg12[%dma_start3A_1850, %dma_start3A_1851, %dma_start3A_1861, %dma_start3A_1862] : memref<4x2x32x128xf32, #tpu.memory_space<vmem>> -> memref<1x1x32x128xf32, #tpu.memory_space<vmem>>
      %dma_start3A_1864 = tpu.memref_squeeze %dma_start3A_1863 : memref<1x1x32x128xf32, #tpu.memory_space<vmem>> -> memref<32x128xf32, #tpu.memory_space<vmem>>
      %dma_start3A_1865 = arith.constant 0 : i32
      %dma_start3A_1866 = tpu.memref_slice %arg5[%dma_start3A_1865, %multiple_of3A_1849] : memref<32x1000000xf32, #tpu.memory_space<hbm>> -> memref<32x128xf32, #tpu.memory_space<hbm>>
      tpu.enqueue_dma source(%dma_start3A_1866 : memref<32x128xf32, #tpu.memory_space<hbm>>) target(%dma_start3A_1864 : memref<32x128xf32, #tpu.memory_space<vmem>>) target_semaphore(%dma_start3A_1860 : memref<!tpu.dma_semaphore, #tpu.memory_space<semaphore_mem>>)
      %mul3A_1867 = arith.constant 16 : i32
      %mul3A_1868 = arith.muli %add3A_588, %mul3A_1867 : i32
      %add3A_1869 = arith.constant 6 : i32
      %add3A_1870 = arith.addi %mul3A_1868, %add3A_1869 : i32
      %dma_wait3A_1871 = arith.constant 3 : i32
      %dma_wait3A_1872 = arith.constant 0 : i32
      %dma_wait3A_1873 = arith.constant 3 : i32
      %dma_wait3A_1874 = arith.constant 0 : i32
      %dma_wait3A_1875 = arith.constant 0 : i32
      %dma_wait3A_1876 = tpu.memref_slice %arg11[%dma_wait3A_1871, %dma_wait3A_1872, %dma_wait3A_1874, %dma_wait3A_1875] : memref<4x2x32x128xf32, #tpu.memory_space<vmem>> -> memref<1x1x32x128xf32, #tpu.memory_space<vmem>>
      %dma_wait3A_1877 = tpu.memref_squeeze %dma_wait3A_1876 : memref<1x1x32x128xf32, #tpu.memory_space<vmem>> -> memref<32x128xf32, #tpu.memory_space<vmem>>
      %dma_wait3A_1878 = arith.constant 0 : i32
      %dma_wait3A_1879 = arith.constant 0 : i32
      %dma_wait3A_1880 = tpu.memref_slice %arg4[%dma_wait3A_1878, %dma_wait3A_1879] : memref<32x1000000xf32, #tpu.memory_space<hbm>> -> memref<32x128xf32, #tpu.memory_space<hbm>>
      %dma_wait3A_1881 = tpu.memref_slice %arg14[%dma_wait3A_1873] : memref<4x!tpu.dma_semaphore, #tpu.memory_space<semaphore_mem>> -> memref<1x!tpu.dma_semaphore, #tpu.memory_space<semaphore_mem>>
      %dma_wait3A_1882 = tpu.memref_squeeze %dma_wait3A_1881 : memref<1x!tpu.dma_semaphore, #tpu.memory_space<semaphore_mem>> -> memref<!tpu.dma_semaphore, #tpu.memory_space<semaphore_mem>>
      %dma_wait3A_1883 = arith.constant 0 : i32
      %dma_wait3A_1884 = arith.constant 0 : i32
      %dma_wait3A_1885 = tpu.memref_slice %arg11[%dma_wait3A_1871, %dma_wait3A_1872, %dma_wait3A_1883, %dma_wait3A_1884] : memref<4x2x32x128xf32, #tpu.memory_space<vmem>> -> memref<1x1x32x128xf32, #tpu.memory_space<vmem>>
      %dma_wait3A_1886 = tpu.memref_squeeze %dma_wait3A_1885 : memref<1x1x32x128xf32, #tpu.memory_space<vmem>> -> memref<32x128xf32, #tpu.memory_space<vmem>>
      %dma_wait3A_1887 = arith.constant 0 : i32
      %dma_wait3A_1888 = arith.constant 0 : i32
      %dma_wait3A_1889 = tpu.memref_slice %arg4[%dma_wait3A_1887, %dma_wait3A_1888] : memref<32x1000000xf32, #tpu.memory_space<hbm>> -> memref<32x128xf32, #tpu.memory_space<hbm>>
      tpu.wait_dma2 semaphore(%dma_wait3A_1882 : memref<!tpu.dma_semaphore, #tpu.memory_space<semaphore_mem>>) src(%dma_wait3A_1889 : memref<32x128xf32, #tpu.memory_space<hbm>>) dst(%dma_wait3A_1886 : memref<32x128xf32, #tpu.memory_space<vmem>>)
      %dma_wait3A_1890 = arith.constant 3 : i32
      %dma_wait3A_1891 = arith.constant 1 : i32
      %dma_wait3A_1892 = arith.constant 3 : i32
      %dma_wait3A_1893 = arith.constant 0 : i32
      %dma_wait3A_1894 = arith.constant 0 : i32
      %dma_wait3A_1895 = tpu.memref_slice %arg11[%dma_wait3A_1890, %dma_wait3A_1891, %dma_wait3A_1893, %dma_wait3A_1894] : memref<4x2x32x128xf32, #tpu.memory_space<vmem>> -> memref<1x1x32x128xf32, #tpu.memory_space<vmem>>
      %dma_wait3A_1896 = tpu.memref_squeeze %dma_wait3A_1895 : memref<1x1x32x128xf32, #tpu.memory_space<vmem>> -> memref<32x128xf32, #tpu.memory_space<vmem>>
      %dma_wait3A_1897 = arith.constant 0 : i32
      %dma_wait3A_1898 = arith.constant 0 : i32
      %dma_wait3A_1899 = tpu.memref_slice %arg4[%dma_wait3A_1897, %dma_wait3A_1898] : memref<32x1000000xf32, #tpu.memory_space<hbm>> -> memref<32x128xf32, #tpu.memory_space<hbm>>
      %dma_wait3A_1900 = tpu.memref_slice %arg14[%dma_wait3A_1892] : memref<4x!tpu.dma_semaphore, #tpu.memory_space<semaphore_mem>> -> memref<1x!tpu.dma_semaphore, #tpu.memory_space<semaphore_mem>>
      %dma_wait3A_1901 = tpu.memref_squeeze %dma_wait3A_1900 : memref<1x!tpu.dma_semaphore, #tpu.memory_space<semaphore_mem>> -> memref<!tpu.dma_semaphore, #tpu.memory_space<semaphore_mem>>
      %dma_wait3A_1902 = arith.constant 0 : i32
      %dma_wait3A_1903 = arith.constant 0 : i32
      %dma_wait3A_1904 = tpu.memref_slice %arg11[%dma_wait3A_1890, %dma_wait3A_1891, %dma_wait3A_1902, %dma_wait3A_1903] : memref<4x2x32x128xf32, #tpu.memory_space<vmem>> -> memref<1x1x32x128xf32, #tpu.memory_space<vmem>>
      %dma_wait3A_1905 = tpu.memref_squeeze %dma_wait3A_1904 : memref<1x1x32x128xf32, #tpu.memory_space<vmem>> -> memref<32x128xf32, #tpu.memory_space<vmem>>
      %dma_wait3A_1906 = arith.constant 0 : i32
      %dma_wait3A_1907 = arith.constant 0 : i32
      %dma_wait3A_1908 = tpu.memref_slice %arg4[%dma_wait3A_1906, %dma_wait3A_1907] : memref<32x1000000xf32, #tpu.memory_space<hbm>> -> memref<32x128xf32, #tpu.memory_space<hbm>>
      tpu.wait_dma2 semaphore(%dma_wait3A_1901 : memref<!tpu.dma_semaphore, #tpu.memory_space<semaphore_mem>>) src(%dma_wait3A_1908 : memref<32x128xf32, #tpu.memory_space<hbm>>) dst(%dma_wait3A_1905 : memref<32x128xf32, #tpu.memory_space<vmem>>)
      %broadcast_in_dim3A_1909 = arith.constant 3 : i32
      %broadcast_in_dim3A_1910 = vector.broadcast %broadcast_in_dim3A_1909 : i32 to vector<16xi32>
      %add3A_1911 = arith.constant 0 : i32
      %add3A_1912 = arith.addi %add3A_1870, %add3A_1911 : i32
      %slice3A_1913 = vector.extract_strided_slice %get3A_592 {offsets = [6], sizes = [1], strides = [1]} : vector<16xi32> to vector<1xi32>
      %squeeze3A_1914 = vector.extract %slice3A_1913[0] : i32 from vector<1xi32>
      %and3A_1915 = arith.constant 127 : i32
      %and3A_1916 = arith.andi %squeeze3A_1914, %and3A_1915 : i32
      %broadcast_in_dim3A_1917 = vector.broadcast %and3A_1916 : i32 to vector<16xi32>
      %broadcast_in_dim3A_1918 = arith.constant 0 : i32
      %broadcast_in_dim3A_1919 = vector.broadcast %broadcast_in_dim3A_1918 : i32 to vector<16xi32>
      %gather3A_1920 = tpu.vector_load_idx %arg11[%broadcast_in_dim3A_1910, %broadcast_in_dim3A_1919, %iota3A, %broadcast_in_dim3A_1917] : memref<4x2x32x128xf32, #tpu.memory_space<vmem>>[vector<16xi32>, vector<16xi32>, vector<16xi32>, vector<16xi32>], vector<16xf32>,
      %add3A_1921 = arith.constant 16 : i32
      %add3A_1922 = vector.broadcast %add3A_1921 : i32 to vector<16xi32>
      %add3A_1923 = arith.addi %add3A_1922, %iota3A : vector<16xi32>
      %gather3A_1924 = tpu.vector_load_idx %arg11[%broadcast_in_dim3A_1910, %broadcast_in_dim3A_1919, %add3A_1923, %broadcast_in_dim3A_1917] : memref<4x2x32x128xf32, #tpu.memory_space<vmem>>[vector<16xi32>, vector<16xi32>, vector<16xi32>, vector<16xi32>], vector<16xf32>,
      %mul3A_1925 = arith.constant 512 : i32
      %mul3A_1926 = vector.broadcast %mul3A_1925 : i32 to vector<16xi32>
      %mul3A_1927 = arith.muli %iota3A, %mul3A_1926 : vector<16xi32>
      %add3A_1928 = vector.broadcast %add3A_1912 : i32 to vector<16xi32>
      %add3A_1929 = arith.addi %mul3A_1927, %add3A_1928 : vector<16xi32>
      tpu.vector_store_idx %arg9[%add3A_1929], %gather3A_1920 : memref<16384xf32, #tpu.memory_space<vmem>>[vector<16xi32>], vector<16xf32>,
      %add3A_1930 = arith.constant 16 : i32
      %add3A_1931 = vector.broadcast %add3A_1930 : i32 to vector<16xi32>
      %add3A_1932 = arith.addi %add3A_1931, %iota3A : vector<16xi32>
      %mul3A_1933 = arith.constant 512 : i32
      %mul3A_1934 = vector.broadcast %mul3A_1933 : i32 to vector<16xi32>
      %mul3A_1935 = arith.muli %add3A_1932, %mul3A_1934 : vector<16xi32>
      %add3A_1936 = vector.broadcast %add3A_1912 : i32 to vector<16xi32>
      %add3A_1937 = arith.addi %mul3A_1935, %add3A_1936 : vector<16xi32>
      tpu.vector_store_idx %arg9[%add3A_1937], %gather3A_1924 : memref<16384xf32, #tpu.memory_space<vmem>>[vector<16xi32>], vector<16xf32>,
      %add3A_1938 = arith.constant 1 : i32
      %add3A_1939 = arith.addi %add3A_1870, %add3A_1938 : i32
      %slice3A_1940 = vector.extract_strided_slice %get3A_592 {offsets = [7], sizes = [1], strides = [1]} : vector<16xi32> to vector<1xi32>
      %squeeze3A_1941 = vector.extract %slice3A_1940[0] : i32 from vector<1xi32>
      %and3A_1942 = arith.constant 127 : i32
      %and3A_1943 = arith.andi %squeeze3A_1941, %and3A_1942 : i32
      %broadcast_in_dim3A_1944 = vector.broadcast %and3A_1943 : i32 to vector<16xi32>
      %broadcast_in_dim3A_1945 = arith.constant 1 : i32
      %broadcast_in_dim3A_1946 = vector.broadcast %broadcast_in_dim3A_1945 : i32 to vector<16xi32>
      %gather3A_1947 = tpu.vector_load_idx %arg11[%broadcast_in_dim3A_1910, %broadcast_in_dim3A_1946, %iota3A, %broadcast_in_dim3A_1944] : memref<4x2x32x128xf32, #tpu.memory_space<vmem>>[vector<16xi32>, vector<16xi32>, vector<16xi32>, vector<16xi32>], vector<16xf32>,
      %add3A_1948 = arith.constant 16 : i32
      %add3A_1949 = vector.broadcast %add3A_1948 : i32 to vector<16xi32>
      %add3A_1950 = arith.addi %add3A_1949, %iota3A : vector<16xi32>
      %gather3A_1951 = tpu.vector_load_idx %arg11[%broadcast_in_dim3A_1910, %broadcast_in_dim3A_1946, %add3A_1950, %broadcast_in_dim3A_1944] : memref<4x2x32x128xf32, #tpu.memory_space<vmem>>[vector<16xi32>, vector<16xi32>, vector<16xi32>, vector<16xi32>], vector<16xf32>,
      %mul3A_1952 = arith.constant 512 : i32
      %mul3A_1953 = vector.broadcast %mul3A_1952 : i32 to vector<16xi32>
      %mul3A_1954 = arith.muli %iota3A, %mul3A_1953 : vector<16xi32>
      %add3A_1955 = vector.broadcast %add3A_1939 : i32 to vector<16xi32>
      %add3A_1956 = arith.addi %mul3A_1954, %add3A_1955 : vector<16xi32>
      tpu.vector_store_idx %arg9[%add3A_1956], %gather3A_1947 : memref<16384xf32, #tpu.memory_space<vmem>>[vector<16xi32>], vector<16xf32>,
      %add3A_1957 = arith.constant 16 : i32
      %add3A_1958 = vector.broadcast %add3A_1957 : i32 to vector<16xi32>
      %add3A_1959 = arith.addi %add3A_1958, %iota3A : vector<16xi32>
      %mul3A_1960 = arith.constant 512 : i32
      %mul3A_1961 = vector.broadcast %mul3A_1960 : i32 to vector<16xi32>
      %mul3A_1962 = arith.muli %add3A_1959, %mul3A_1961 : vector<16xi32>
      %add3A_1963 = vector.broadcast %add3A_1939 : i32 to vector<16xi32>
      %add3A_1964 = arith.addi %mul3A_1962, %add3A_1963 : vector<16xi32>
      tpu.vector_store_idx %arg9[%add3A_1964], %gather3A_1951 : memref<16384xf32, #tpu.memory_space<vmem>>[vector<16xi32>], vector<16xf32>,
      %dma_wait3A_1965 = arith.constant 3 : i32
      %dma_wait3A_1966 = arith.constant 0 : i32
      %dma_wait3A_1967 = arith.constant 3 : i32
      %dma_wait3A_1968 = arith.constant 0 : i32
      %dma_wait3A_1969 = arith.constant 0 : i32
      %dma_wait3A_1970 = tpu.memref_slice %arg12[%dma_wait3A_1965, %dma_wait3A_1966, %dma_wait3A_1968, %dma_wait3A_1969] : memref<4x2x32x128xf32, #tpu.memory_space<vmem>> -> memref<1x1x32x128xf32, #tpu.memory_space<vmem>>
      %dma_wait3A_1971 = tpu.memref_squeeze %dma_wait3A_1970 : memref<1x1x32x128xf32, #tpu.memory_space<vmem>> -> memref<32x128xf32, #tpu.memory_space<vmem>>
      %dma_wait3A_1972 = arith.constant 0 : i32
      %dma_wait3A_1973 = arith.constant 0 : i32
      %dma_wait3A_1974 = tpu.memref_slice %arg5[%dma_wait3A_1972, %dma_wait3A_1973] : memref<32x1000000xf32, #tpu.memory_space<hbm>> -> memref<32x128xf32, #tpu.memory_space<hbm>>
      %dma_wait3A_1975 = tpu.memref_slice %arg15[%dma_wait3A_1967] : memref<4x!tpu.dma_semaphore, #tpu.memory_space<semaphore_mem>> -> memref<1x!tpu.dma_semaphore, #tpu.memory_space<semaphore_mem>>
      %dma_wait3A_1976 = tpu.memref_squeeze %dma_wait3A_1975 : memref<1x!tpu.dma_semaphore, #tpu.memory_space<semaphore_mem>> -> memref<!tpu.dma_semaphore, #tpu.memory_space<semaphore_mem>>
      %dma_wait3A_1977 = arith.constant 0 : i32
      %dma_wait3A_1978 = arith.constant 0 : i32
      %dma_wait3A_1979 = tpu.memref_slice %arg12[%dma_wait3A_1965, %dma_wait3A_1966, %dma_wait3A_1977, %dma_wait3A_1978] : memref<4x2x32x128xf32, #tpu.memory_space<vmem>> -> memref<1x1x32x128xf32, #tpu.memory_space<vmem>>
      %dma_wait3A_1980 = tpu.memref_squeeze %dma_wait3A_1979 : memref<1x1x32x128xf32, #tpu.memory_space<vmem>> -> memref<32x128xf32, #tpu.memory_space<vmem>>
      %dma_wait3A_1981 = arith.constant 0 : i32
      %dma_wait3A_1982 = arith.constant 0 : i32
      %dma_wait3A_1983 = tpu.memref_slice %arg5[%dma_wait3A_1981, %dma_wait3A_1982] : memref<32x1000000xf32, #tpu.memory_space<hbm>> -> memref<32x128xf32, #tpu.memory_space<hbm>>
      tpu.wait_dma2 semaphore(%dma_wait3A_1976 : memref<!tpu.dma_semaphore, #tpu.memory_space<semaphore_mem>>) src(%dma_wait3A_1983 : memref<32x128xf32, #tpu.memory_space<hbm>>) dst(%dma_wait3A_1980 : memref<32x128xf32, #tpu.memory_space<vmem>>)
      %dma_wait3A_1984 = arith.constant 3 : i32
      %dma_wait3A_1985 = arith.constant 1 : i32
      %dma_wait3A_1986 = arith.constant 3 : i32
      %dma_wait3A_1987 = arith.constant 0 : i32
      %dma_wait3A_1988 = arith.constant 0 : i32
      %dma_wait3A_1989 = tpu.memref_slice %arg12[%dma_wait3A_1984, %dma_wait3A_1985, %dma_wait3A_1987, %dma_wait3A_1988] : memref<4x2x32x128xf32, #tpu.memory_space<vmem>> -> memref<1x1x32x128xf32, #tpu.memory_space<vmem>>
      %dma_wait3A_1990 = tpu.memref_squeeze %dma_wait3A_1989 : memref<1x1x32x128xf32, #tpu.memory_space<vmem>> -> memref<32x128xf32, #tpu.memory_space<vmem>>
      %dma_wait3A_1991 = arith.constant 0 : i32
      %dma_wait3A_1992 = arith.constant 0 : i32
      %dma_wait3A_1993 = tpu.memref_slice %arg5[%dma_wait3A_1991, %dma_wait3A_1992] : memref<32x1000000xf32, #tpu.memory_space<hbm>> -> memref<32x128xf32, #tpu.memory_space<hbm>>
      %dma_wait3A_1994 = tpu.memref_slice %arg15[%dma_wait3A_1986] : memref<4x!tpu.dma_semaphore, #tpu.memory_space<semaphore_mem>> -> memref<1x!tpu.dma_semaphore, #tpu.memory_space<semaphore_mem>>
      %dma_wait3A_1995 = tpu.memref_squeeze %dma_wait3A_1994 : memref<1x!tpu.dma_semaphore, #tpu.memory_space<semaphore_mem>> -> memref<!tpu.dma_semaphore, #tpu.memory_space<semaphore_mem>>
      %dma_wait3A_1996 = arith.constant 0 : i32
      %dma_wait3A_1997 = arith.constant 0 : i32
      %dma_wait3A_1998 = tpu.memref_slice %arg12[%dma_wait3A_1984, %dma_wait3A_1985, %dma_wait3A_1996, %dma_wait3A_1997] : memref<4x2x32x128xf32, #tpu.memory_space<vmem>> -> memref<1x1x32x128xf32, #tpu.memory_space<vmem>>
      %dma_wait3A_1999 = tpu.memref_squeeze %dma_wait3A_1998 : memref<1x1x32x128xf32, #tpu.memory_space<vmem>> -> memref<32x128xf32, #tpu.memory_space<vmem>>
      %dma_wait3A_2000 = arith.constant 0 : i32
      %dma_wait3A_2001 = arith.constant 0 : i32
      %dma_wait3A_2002 = tpu.memref_slice %arg5[%dma_wait3A_2000, %dma_wait3A_2001] : memref<32x1000000xf32, #tpu.memory_space<hbm>> -> memref<32x128xf32, #tpu.memory_space<hbm>>
      tpu.wait_dma2 semaphore(%dma_wait3A_1995 : memref<!tpu.dma_semaphore, #tpu.memory_space<semaphore_mem>>) src(%dma_wait3A_2002 : memref<32x128xf32, #tpu.memory_space<hbm>>) dst(%dma_wait3A_1999 : memref<32x128xf32, #tpu.memory_space<vmem>>)
      %broadcast_in_dim3A_2003 = arith.constant 3 : i32
      %broadcast_in_dim3A_2004 = vector.broadcast %broadcast_in_dim3A_2003 : i32 to vector<16xi32>
      %add3A_2005 = arith.constant 0 : i32
      %add3A_2006 = arith.addi %add3A_1870, %add3A_2005 : i32
      %slice3A_2007 = vector.extract_strided_slice %get3A_596 {offsets = [6], sizes = [1], strides = [1]} : vector<16xi32> to vector<1xi32>
      %squeeze3A_2008 = vector.extract %slice3A_2007[0] : i32 from vector<1xi32>
      %and3A_2009 = arith.constant 127 : i32
      %and3A_2010 = arith.andi %squeeze3A_2008, %and3A_2009 : i32
      %broadcast_in_dim3A_2011 = vector.broadcast %and3A_2010 : i32 to vector<16xi32>
      %broadcast_in_dim3A_2012 = arith.constant 0 : i32
      %broadcast_in_dim3A_2013 = vector.broadcast %broadcast_in_dim3A_2012 : i32 to vector<16xi32>
      %gather3A_2014 = tpu.vector_load_idx %arg12[%broadcast_in_dim3A_2004, %broadcast_in_dim3A_2013, %iota3A, %broadcast_in_dim3A_2011] : memref<4x2x32x128xf32, #tpu.memory_space<vmem>>[vector<16xi32>, vector<16xi32>, vector<16xi32>, vector<16xi32>], vector<16xf32>,
      %add3A_2015 = arith.constant 16 : i32
      %add3A_2016 = vector.broadcast %add3A_2015 : i32 to vector<16xi32>
      %add3A_2017 = arith.addi %add3A_2016, %iota3A : vector<16xi32>
      %gather3A_2018 = tpu.vector_load_idx %arg12[%broadcast_in_dim3A_2004, %broadcast_in_dim3A_2013, %add3A_2017, %broadcast_in_dim3A_2011] : memref<4x2x32x128xf32, #tpu.memory_space<vmem>>[vector<16xi32>, vector<16xi32>, vector<16xi32>, vector<16xi32>], vector<16xf32>,
      %mul3A_2019 = arith.constant 512 : i32
      %mul3A_2020 = vector.broadcast %mul3A_2019 : i32 to vector<16xi32>
      %mul3A_2021 = arith.muli %iota3A, %mul3A_2020 : vector<16xi32>
      %add3A_2022 = vector.broadcast %add3A_2006 : i32 to vector<16xi32>
      %add3A_2023 = arith.addi %mul3A_2021, %add3A_2022 : vector<16xi32>
      tpu.vector_store_idx %arg10[%add3A_2023], %gather3A_2014 : memref<16384xf32, #tpu.memory_space<vmem>>[vector<16xi32>], vector<16xf32>,
      %add3A_2024 = arith.constant 16 : i32
      %add3A_2025 = vector.broadcast %add3A_2024 : i32 to vector<16xi32>
      %add3A_2026 = arith.addi %add3A_2025, %iota3A : vector<16xi32>
      %mul3A_2027 = arith.constant 512 : i32
      %mul3A_2028 = vector.broadcast %mul3A_2027 : i32 to vector<16xi32>
      %mul3A_2029 = arith.muli %add3A_2026, %mul3A_2028 : vector<16xi32>
      %add3A_2030 = vector.broadcast %add3A_2006 : i32 to vector<16xi32>
      %add3A_2031 = arith.addi %mul3A_2029, %add3A_2030 : vector<16xi32>
      tpu.vector_store_idx %arg10[%add3A_2031], %gather3A_2018 : memref<16384xf32, #tpu.memory_space<vmem>>[vector<16xi32>], vector<16xf32>,
      %add3A_2032 = arith.constant 1 : i32
      %add3A_2033 = arith.addi %add3A_1870, %add3A_2032 : i32
      %slice3A_2034 = vector.extract_strided_slice %get3A_596 {offsets = [7], sizes = [1], strides = [1]} : vector<16xi32> to vector<1xi32>
      %squeeze3A_2035 = vector.extract %slice3A_2034[0] : i32 from vector<1xi32>
      %and3A_2036 = arith.constant 127 : i32
      %and3A_2037 = arith.andi %squeeze3A_2035, %and3A_2036 : i32
      %broadcast_in_dim3A_2038 = vector.broadcast %and3A_2037 : i32 to vector<16xi32>
      %broadcast_in_dim3A_2039 = arith.constant 1 : i32
      %broadcast_in_dim3A_2040 = vector.broadcast %broadcast_in_dim3A_2039 : i32 to vector<16xi32>
      %gather3A_2041 = tpu.vector_load_idx %arg12[%broadcast_in_dim3A_2004, %broadcast_in_dim3A_2040, %iota3A, %broadcast_in_dim3A_2038] : memref<4x2x32x128xf32, #tpu.memory_space<vmem>>[vector<16xi32>, vector<16xi32>, vector<16xi32>, vector<16xi32>], vector<16xf32>,
      %add3A_2042 = arith.constant 16 : i32
      %add3A_2043 = vector.broadcast %add3A_2042 : i32 to vector<16xi32>
      %add3A_2044 = arith.addi %add3A_2043, %iota3A : vector<16xi32>
      %gather3A_2045 = tpu.vector_load_idx %arg12[%broadcast_in_dim3A_2004, %broadcast_in_dim3A_2040, %add3A_2044, %broadcast_in_dim3A_2038] : memref<4x2x32x128xf32, #tpu.memory_space<vmem>>[vector<16xi32>, vector<16xi32>, vector<16xi32>, vector<16xi32>], vector<16xf32>,
      %mul3A_2046 = arith.constant 512 : i32
      %mul3A_2047 = vector.broadcast %mul3A_2046 : i32 to vector<16xi32>
      %mul3A_2048 = arith.muli %iota3A, %mul3A_2047 : vector<16xi32>
      %add3A_2049 = vector.broadcast %add3A_2033 : i32 to vector<16xi32>
      %add3A_2050 = arith.addi %mul3A_2048, %add3A_2049 : vector<16xi32>
      tpu.vector_store_idx %arg10[%add3A_2050], %gather3A_2041 : memref<16384xf32, #tpu.memory_space<vmem>>[vector<16xi32>], vector<16xf32>,
      %add3A_2051 = arith.constant 16 : i32
      %add3A_2052 = vector.broadcast %add3A_2051 : i32 to vector<16xi32>
      %add3A_2053 = arith.addi %add3A_2052, %iota3A : vector<16xi32>
      %mul3A_2054 = arith.constant 512 : i32
      %mul3A_2055 = vector.broadcast %mul3A_2054 : i32 to vector<16xi32>
      %mul3A_2056 = arith.muli %add3A_2053, %mul3A_2055 : vector<16xi32>
      %add3A_2057 = vector.broadcast %add3A_2033 : i32 to vector<16xi32>
      %add3A_2058 = arith.addi %mul3A_2056, %add3A_2057 : vector<16xi32>
      tpu.vector_store_idx %arg10[%add3A_2058], %gather3A_2045 : memref<16384xf32, #tpu.memory_space<vmem>>[vector<16xi32>], vector<16xf32>,
      %slice3A_2059 = vector.extract_strided_slice %get3A_592 {offsets = [14], sizes = [1], strides = [1]} : vector<16xi32> to vector<1xi32>
      %squeeze3A_2060 = vector.extract %slice3A_2059[0] : i32 from vector<1xi32>
      %shift_right_arithmetic3A_2061 = arith.constant 7 : i32
      %shift_right_arithmetic3A_2062 = arith.shrsi %squeeze3A_2060, %shift_right_arithmetic3A_2061 : i32
      %mul3A_2063 = arith.constant 128 : i32
      %mul3A_2064 = arith.muli %shift_right_arithmetic3A_2062, %mul3A_2063 : i32
      %multiple_of3A_2065 = tpu.assume_multiple %mul3A_2064, 128 : i32
      %dma_start3A_2066 = arith.constant 3 : i32
      %dma_start3A_2067 = arith.constant 0 : i32
      %dma_start3A_2068 = arith.constant 3 : i32
      %dma_start3A_2069 = arith.constant 0 : i32
      %dma_start3A_2070 = arith.constant 0 : i32
      %dma_start3A_2071 = tpu.memref_slice %arg11[%dma_start3A_2066, %dma_start3A_2067, %dma_start3A_2069, %dma_start3A_2070] : memref<4x2x32x128xf32, #tpu.memory_space<vmem>> -> memref<1x1x32x128xf32, #tpu.memory_space<vmem>>
      %dma_start3A_2072 = tpu.memref_squeeze %dma_start3A_2071 : memref<1x1x32x128xf32, #tpu.memory_space<vmem>> -> memref<32x128xf32, #tpu.memory_space<vmem>>
      %dma_start3A_2073 = arith.constant 0 : i32
      %dma_start3A_2074 = tpu.memref_slice %arg4[%dma_start3A_2073, %multiple_of3A_2065] : memref<32x1000000xf32, #tpu.memory_space<hbm>> -> memref<32x128xf32, #tpu.memory_space<hbm>>
      %dma_start3A_2075 = tpu.memref_slice %arg14[%dma_start3A_2068] : memref<4x!tpu.dma_semaphore, #tpu.memory_space<semaphore_mem>> -> memref<1x!tpu.dma_semaphore, #tpu.memory_space<semaphore_mem>>
      %dma_start3A_2076 = tpu.memref_squeeze %dma_start3A_2075 : memref<1x!tpu.dma_semaphore, #tpu.memory_space<semaphore_mem>> -> memref<!tpu.dma_semaphore, #tpu.memory_space<semaphore_mem>>
      %dma_start3A_2077 = arith.constant 0 : i32
      %dma_start3A_2078 = arith.constant 0 : i32
      %dma_start3A_2079 = tpu.memref_slice %arg11[%dma_start3A_2066, %dma_start3A_2067, %dma_start3A_2077, %dma_start3A_2078] : memref<4x2x32x128xf32, #tpu.memory_space<vmem>> -> memref<1x1x32x128xf32, #tpu.memory_space<vmem>>
      %dma_start3A_2080 = tpu.memref_squeeze %dma_start3A_2079 : memref<1x1x32x128xf32, #tpu.memory_space<vmem>> -> memref<32x128xf32, #tpu.memory_space<vmem>>
      %dma_start3A_2081 = arith.constant 0 : i32
      %dma_start3A_2082 = tpu.memref_slice %arg4[%dma_start3A_2081, %multiple_of3A_2065] : memref<32x1000000xf32, #tpu.memory_space<hbm>> -> memref<32x128xf32, #tpu.memory_space<hbm>>
      tpu.enqueue_dma source(%dma_start3A_2082 : memref<32x128xf32, #tpu.memory_space<hbm>>) target(%dma_start3A_2080 : memref<32x128xf32, #tpu.memory_space<vmem>>) target_semaphore(%dma_start3A_2076 : memref<!tpu.dma_semaphore, #tpu.memory_space<semaphore_mem>>)
      %slice3A_2083 = vector.extract_strided_slice %get3A_592 {offsets = [15], sizes = [1], strides = [1]} : vector<16xi32> to vector<1xi32>
      %squeeze3A_2084 = vector.extract %slice3A_2083[0] : i32 from vector<1xi32>
      %shift_right_arithmetic3A_2085 = arith.constant 7 : i32
      %shift_right_arithmetic3A_2086 = arith.shrsi %squeeze3A_2084, %shift_right_arithmetic3A_2085 : i32
      %mul3A_2087 = arith.constant 128 : i32
      %mul3A_2088 = arith.muli %shift_right_arithmetic3A_2086, %mul3A_2087 : i32
      %multiple_of3A_2089 = tpu.assume_multiple %mul3A_2088, 128 : i32
      %dma_start3A_2090 = arith.constant 3 : i32
      %dma_start3A_2091 = arith.constant 1 : i32
      %dma_start3A_2092 = arith.constant 3 : i32
      %dma_start3A_2093 = arith.constant 0 : i32
      %dma_start3A_2094 = arith.constant 0 : i32
      %dma_start3A_2095 = tpu.memref_slice %arg11[%dma_start3A_2090, %dma_start3A_2091, %dma_start3A_2093, %dma_start3A_2094] : memref<4x2x32x128xf32, #tpu.memory_space<vmem>> -> memref<1x1x32x128xf32, #tpu.memory_space<vmem>>
      %dma_start3A_2096 = tpu.memref_squeeze %dma_start3A_2095 : memref<1x1x32x128xf32, #tpu.memory_space<vmem>> -> memref<32x128xf32, #tpu.memory_space<vmem>>
      %dma_start3A_2097 = arith.constant 0 : i32
      %dma_start3A_2098 = tpu.memref_slice %arg4[%dma_start3A_2097, %multiple_of3A_2089] : memref<32x1000000xf32, #tpu.memory_space<hbm>> -> memref<32x128xf32, #tpu.memory_space<hbm>>
      %dma_start3A_2099 = tpu.memref_slice %arg14[%dma_start3A_2092] : memref<4x!tpu.dma_semaphore, #tpu.memory_space<semaphore_mem>> -> memref<1x!tpu.dma_semaphore, #tpu.memory_space<semaphore_mem>>
      %dma_start3A_2100 = tpu.memref_squeeze %dma_start3A_2099 : memref<1x!tpu.dma_semaphore, #tpu.memory_space<semaphore_mem>> -> memref<!tpu.dma_semaphore, #tpu.memory_space<semaphore_mem>>
      %dma_start3A_2101 = arith.constant 0 : i32
      %dma_start3A_2102 = arith.constant 0 : i32
      %dma_start3A_2103 = tpu.memref_slice %arg11[%dma_start3A_2090, %dma_start3A_2091, %dma_start3A_2101, %dma_start3A_2102] : memref<4x2x32x128xf32, #tpu.memory_space<vmem>> -> memref<1x1x32x128xf32, #tpu.memory_space<vmem>>
      %dma_start3A_2104 = tpu.memref_squeeze %dma_start3A_2103 : memref<1x1x32x128xf32, #tpu.memory_space<vmem>> -> memref<32x128xf32, #tpu.memory_space<vmem>>
      %dma_start3A_2105 = arith.constant 0 : i32
      %dma_start3A_2106 = tpu.memref_slice %arg4[%dma_start3A_2105, %multiple_of3A_2089] : memref<32x1000000xf32, #tpu.memory_space<hbm>> -> memref<32x128xf32, #tpu.memory_space<hbm>>
      tpu.enqueue_dma source(%dma_start3A_2106 : memref<32x128xf32, #tpu.memory_space<hbm>>) target(%dma_start3A_2104 : memref<32x128xf32, #tpu.memory_space<vmem>>) target_semaphore(%dma_start3A_2100 : memref<!tpu.dma_semaphore, #tpu.memory_space<semaphore_mem>>)
      %slice3A_2107 = vector.extract_strided_slice %get3A_596 {offsets = [14], sizes = [1], strides = [1]} : vector<16xi32> to vector<1xi32>
      %squeeze3A_2108 = vector.extract %slice3A_2107[0] : i32 from vector<1xi32>
      %shift_right_arithmetic3A_2109 = arith.constant 7 : i32
      %shift_right_arithmetic3A_2110 = arith.shrsi %squeeze3A_2108, %shift_right_arithmetic3A_2109 : i32
      %mul3A_2111 = arith.constant 128 : i32
      %mul3A_2112 = arith.muli %shift_right_arithmetic3A_2110, %mul3A_2111 : i32
      %multiple_of3A_2113 = tpu.assume_multiple %mul3A_2112, 128 : i32
      %dma_start3A_2114 = arith.constant 3 : i32
      %dma_start3A_2115 = arith.constant 0 : i32
      %dma_start3A_2116 = arith.constant 3 : i32
      %dma_start3A_2117 = arith.constant 0 : i32
      %dma_start3A_2118 = arith.constant 0 : i32
      %dma_start3A_2119 = tpu.memref_slice %arg12[%dma_start3A_2114, %dma_start3A_2115, %dma_start3A_2117, %dma_start3A_2118] : memref<4x2x32x128xf32, #tpu.memory_space<vmem>> -> memref<1x1x32x128xf32, #tpu.memory_space<vmem>>
      %dma_start3A_2120 = tpu.memref_squeeze %dma_start3A_2119 : memref<1x1x32x128xf32, #tpu.memory_space<vmem>> -> memref<32x128xf32, #tpu.memory_space<vmem>>
      %dma_start3A_2121 = arith.constant 0 : i32
      %dma_start3A_2122 = tpu.memref_slice %arg5[%dma_start3A_2121, %multiple_of3A_2113] : memref<32x1000000xf32, #tpu.memory_space<hbm>> -> memref<32x128xf32, #tpu.memory_space<hbm>>
      %dma_start3A_2123 = tpu.memref_slice %arg15[%dma_start3A_2116] : memref<4x!tpu.dma_semaphore, #tpu.memory_space<semaphore_mem>> -> memref<1x!tpu.dma_semaphore, #tpu.memory_space<semaphore_mem>>
      %dma_start3A_2124 = tpu.memref_squeeze %dma_start3A_2123 : memref<1x!tpu.dma_semaphore, #tpu.memory_space<semaphore_mem>> -> memref<!tpu.dma_semaphore, #tpu.memory_space<semaphore_mem>>
      %dma_start3A_2125 = arith.constant 0 : i32
      %dma_start3A_2126 = arith.constant 0 : i32
      %dma_start3A_2127 = tpu.memref_slice %arg12[%dma_start3A_2114, %dma_start3A_2115, %dma_start3A_2125, %dma_start3A_2126] : memref<4x2x32x128xf32, #tpu.memory_space<vmem>> -> memref<1x1x32x128xf32, #tpu.memory_space<vmem>>
      %dma_start3A_2128 = tpu.memref_squeeze %dma_start3A_2127 : memref<1x1x32x128xf32, #tpu.memory_space<vmem>> -> memref<32x128xf32, #tpu.memory_space<vmem>>
      %dma_start3A_2129 = arith.constant 0 : i32
      %dma_start3A_2130 = tpu.memref_slice %arg5[%dma_start3A_2129, %multiple_of3A_2113] : memref<32x1000000xf32, #tpu.memory_space<hbm>> -> memref<32x128xf32, #tpu.memory_space<hbm>>
      tpu.enqueue_dma source(%dma_start3A_2130 : memref<32x128xf32, #tpu.memory_space<hbm>>) target(%dma_start3A_2128 : memref<32x128xf32, #tpu.memory_space<vmem>>) target_semaphore(%dma_start3A_2124 : memref<!tpu.dma_semaphore, #tpu.memory_space<semaphore_mem>>)
      %slice3A_2131 = vector.extract_strided_slice %get3A_596 {offsets = [15], sizes = [1], strides = [1]} : vector<16xi32> to vector<1xi32>
      %squeeze3A_2132 = vector.extract %slice3A_2131[0] : i32 from vector<1xi32>
      %shift_right_arithmetic3A_2133 = arith.constant 7 : i32
      %shift_right_arithmetic3A_2134 = arith.shrsi %squeeze3A_2132, %shift_right_arithmetic3A_2133 : i32
      %mul3A_2135 = arith.constant 128 : i32
      %mul3A_2136 = arith.muli %shift_right_arithmetic3A_2134, %mul3A_2135 : i32
      %multiple_of3A_2137 = tpu.assume_multiple %mul3A_2136, 128 : i32
      %dma_start3A_2138 = arith.constant 3 : i32
      %dma_start3A_2139 = arith.constant 1 : i32
      %dma_start3A_2140 = arith.constant 3 : i32
      %dma_start3A_2141 = arith.constant 0 : i32
      %dma_start3A_2142 = arith.constant 0 : i32
      %dma_start3A_2143 = tpu.memref_slice %arg12[%dma_start3A_2138, %dma_start3A_2139, %dma_start3A_2141, %dma_start3A_2142] : memref<4x2x32x128xf32, #tpu.memory_space<vmem>> -> memref<1x1x32x128xf32, #tpu.memory_space<vmem>>
      %dma_start3A_2144 = tpu.memref_squeeze %dma_start3A_2143 : memref<1x1x32x128xf32, #tpu.memory_space<vmem>> -> memref<32x128xf32, #tpu.memory_space<vmem>>
      %dma_start3A_2145 = arith.constant 0 : i32
      %dma_start3A_2146 = tpu.memref_slice %arg5[%dma_start3A_2145, %multiple_of3A_2137] : memref<32x1000000xf32, #tpu.memory_space<hbm>> -> memref<32x128xf32, #tpu.memory_space<hbm>>
      %dma_start3A_2147 = tpu.memref_slice %arg15[%dma_start3A_2140] : memref<4x!tpu.dma_semaphore, #tpu.memory_space<semaphore_mem>> -> memref<1x!tpu.dma_semaphore, #tpu.memory_space<semaphore_mem>>
      %dma_start3A_2148 = tpu.memref_squeeze %dma_start3A_2147 : memref<1x!tpu.dma_semaphore, #tpu.memory_space<semaphore_mem>> -> memref<!tpu.dma_semaphore, #tpu.memory_space<semaphore_mem>>
      %dma_start3A_2149 = arith.constant 0 : i32
      %dma_start3A_2150 = arith.constant 0 : i32
      %dma_start3A_2151 = tpu.memref_slice %arg12[%dma_start3A_2138, %dma_start3A_2139, %dma_start3A_2149, %dma_start3A_2150] : memref<4x2x32x128xf32, #tpu.memory_space<vmem>> -> memref<1x1x32x128xf32, #tpu.memory_space<vmem>>
      %dma_start3A_2152 = tpu.memref_squeeze %dma_start3A_2151 : memref<1x1x32x128xf32, #tpu.memory_space<vmem>> -> memref<32x128xf32, #tpu.memory_space<vmem>>
      %dma_start3A_2153 = arith.constant 0 : i32
      %dma_start3A_2154 = tpu.memref_slice %arg5[%dma_start3A_2153, %multiple_of3A_2137] : memref<32x1000000xf32, #tpu.memory_space<hbm>> -> memref<32x128xf32, #tpu.memory_space<hbm>>
      tpu.enqueue_dma source(%dma_start3A_2154 : memref<32x128xf32, #tpu.memory_space<hbm>>) target(%dma_start3A_2152 : memref<32x128xf32, #tpu.memory_space<vmem>>) target_semaphore(%dma_start3A_2148 : memref<!tpu.dma_semaphore, #tpu.memory_space<semaphore_mem>>)
      %mul3A_2155 = arith.constant 16 : i32
      %mul3A_2156 = arith.muli %add3A_588, %mul3A_2155 : i32
      %add3A_2157 = arith.constant 8 : i32
      %add3A_2158 = arith.addi %mul3A_2156, %add3A_2157 : i32
      %dma_wait3A_2159 = arith.constant 0 : i32
      %dma_wait3A_2160 = arith.constant 0 : i32
      %dma_wait3A_2161 = arith.constant 0 : i32
      %dma_wait3A_2162 = arith.constant 0 : i32
      %dma_wait3A_2163 = arith.constant 0 : i32
      %dma_wait3A_2164 = tpu.memref_slice %arg11[%dma_wait3A_2159, %dma_wait3A_2160, %dma_wait3A_2162, %dma_wait3A_2163] : memref<4x2x32x128xf32, #tpu.memory_space<vmem>> -> memref<1x1x32x128xf32, #tpu.memory_space<vmem>>
      %dma_wait3A_2165 = tpu.memref_squeeze %dma_wait3A_2164 : memref<1x1x32x128xf32, #tpu.memory_space<vmem>> -> memref<32x128xf32, #tpu.memory_space<vmem>>
      %dma_wait3A_2166 = arith.constant 0 : i32
      %dma_wait3A_2167 = arith.constant 0 : i32
      %dma_wait3A_2168 = tpu.memref_slice %arg4[%dma_wait3A_2166, %dma_wait3A_2167] : memref<32x1000000xf32, #tpu.memory_space<hbm>> -> memref<32x128xf32, #tpu.memory_space<hbm>>
      %dma_wait3A_2169 = tpu.memref_slice %arg14[%dma_wait3A_2161] : memref<4x!tpu.dma_semaphore, #tpu.memory_space<semaphore_mem>> -> memref<1x!tpu.dma_semaphore, #tpu.memory_space<semaphore_mem>>
      %dma_wait3A_2170 = tpu.memref_squeeze %dma_wait3A_2169 : memref<1x!tpu.dma_semaphore, #tpu.memory_space<semaphore_mem>> -> memref<!tpu.dma_semaphore, #tpu.memory_space<semaphore_mem>>
      %dma_wait3A_2171 = arith.constant 0 : i32
      %dma_wait3A_2172 = arith.constant 0 : i32
      %dma_wait3A_2173 = tpu.memref_slice %arg11[%dma_wait3A_2159, %dma_wait3A_2160, %dma_wait3A_2171, %dma_wait3A_2172] : memref<4x2x32x128xf32, #tpu.memory_space<vmem>> -> memref<1x1x32x128xf32, #tpu.memory_space<vmem>>
      %dma_wait3A_2174 = tpu.memref_squeeze %dma_wait3A_2173 : memref<1x1x32x128xf32, #tpu.memory_space<vmem>> -> memref<32x128xf32, #tpu.memory_space<vmem>>
      %dma_wait3A_2175 = arith.constant 0 : i32
      %dma_wait3A_2176 = arith.constant 0 : i32
      %dma_wait3A_2177 = tpu.memref_slice %arg4[%dma_wait3A_2175, %dma_wait3A_2176] : memref<32x1000000xf32, #tpu.memory_space<hbm>> -> memref<32x128xf32, #tpu.memory_space<hbm>>
      tpu.wait_dma2 semaphore(%dma_wait3A_2170 : memref<!tpu.dma_semaphore, #tpu.memory_space<semaphore_mem>>) src(%dma_wait3A_2177 : memref<32x128xf32, #tpu.memory_space<hbm>>) dst(%dma_wait3A_2174 : memref<32x128xf32, #tpu.memory_space<vmem>>)
      %dma_wait3A_2178 = arith.constant 0 : i32
      %dma_wait3A_2179 = arith.constant 1 : i32
      %dma_wait3A_2180 = arith.constant 0 : i32
      %dma_wait3A_2181 = arith.constant 0 : i32
      %dma_wait3A_2182 = arith.constant 0 : i32
      %dma_wait3A_2183 = tpu.memref_slice %arg11[%dma_wait3A_2178, %dma_wait3A_2179, %dma_wait3A_2181, %dma_wait3A_2182] : memref<4x2x32x128xf32, #tpu.memory_space<vmem>> -> memref<1x1x32x128xf32, #tpu.memory_space<vmem>>
      %dma_wait3A_2184 = tpu.memref_squeeze %dma_wait3A_2183 : memref<1x1x32x128xf32, #tpu.memory_space<vmem>> -> memref<32x128xf32, #tpu.memory_space<vmem>>
      %dma_wait3A_2185 = arith.constant 0 : i32
      %dma_wait3A_2186 = arith.constant 0 : i32
      %dma_wait3A_2187 = tpu.memref_slice %arg4[%dma_wait3A_2185, %dma_wait3A_2186] : memref<32x1000000xf32, #tpu.memory_space<hbm>> -> memref<32x128xf32, #tpu.memory_space<hbm>>
      %dma_wait3A_2188 = tpu.memref_slice %arg14[%dma_wait3A_2180] : memref<4x!tpu.dma_semaphore, #tpu.memory_space<semaphore_mem>> -> memref<1x!tpu.dma_semaphore, #tpu.memory_space<semaphore_mem>>
      %dma_wait3A_2189 = tpu.memref_squeeze %dma_wait3A_2188 : memref<1x!tpu.dma_semaphore, #tpu.memory_space<semaphore_mem>> -> memref<!tpu.dma_semaphore, #tpu.memory_space<semaphore_mem>>
      %dma_wait3A_2190 = arith.constant 0 : i32
      %dma_wait3A_2191 = arith.constant 0 : i32
      %dma_wait3A_2192 = tpu.memref_slice %arg11[%dma_wait3A_2178, %dma_wait3A_2179, %dma_wait3A_2190, %dma_wait3A_2191] : memref<4x2x32x128xf32, #tpu.memory_space<vmem>> -> memref<1x1x32x128xf32, #tpu.memory_space<vmem>>
      %dma_wait3A_2193 = tpu.memref_squeeze %dma_wait3A_2192 : memref<1x1x32x128xf32, #tpu.memory_space<vmem>> -> memref<32x128xf32, #tpu.memory_space<vmem>>
      %dma_wait3A_2194 = arith.constant 0 : i32
      %dma_wait3A_2195 = arith.constant 0 : i32
      %dma_wait3A_2196 = tpu.memref_slice %arg4[%dma_wait3A_2194, %dma_wait3A_2195] : memref<32x1000000xf32, #tpu.memory_space<hbm>> -> memref<32x128xf32, #tpu.memory_space<hbm>>
      tpu.wait_dma2 semaphore(%dma_wait3A_2189 : memref<!tpu.dma_semaphore, #tpu.memory_space<semaphore_mem>>) src(%dma_wait3A_2196 : memref<32x128xf32, #tpu.memory_space<hbm>>) dst(%dma_wait3A_2193 : memref<32x128xf32, #tpu.memory_space<vmem>>)
      %broadcast_in_dim3A_2197 = arith.constant 0 : i32
      %broadcast_in_dim3A_2198 = vector.broadcast %broadcast_in_dim3A_2197 : i32 to vector<16xi32>
      %add3A_2199 = arith.constant 0 : i32
      %add3A_2200 = arith.addi %add3A_2158, %add3A_2199 : i32
      %slice3A_2201 = vector.extract_strided_slice %get3A_592 {offsets = [8], sizes = [1], strides = [1]} : vector<16xi32> to vector<1xi32>
      %squeeze3A_2202 = vector.extract %slice3A_2201[0] : i32 from vector<1xi32>
      %and3A_2203 = arith.constant 127 : i32
      %and3A_2204 = arith.andi %squeeze3A_2202, %and3A_2203 : i32
      %broadcast_in_dim3A_2205 = vector.broadcast %and3A_2204 : i32 to vector<16xi32>
      %broadcast_in_dim3A_2206 = arith.constant 0 : i32
      %broadcast_in_dim3A_2207 = vector.broadcast %broadcast_in_dim3A_2206 : i32 to vector<16xi32>
      %gather3A_2208 = tpu.vector_load_idx %arg11[%broadcast_in_dim3A_2198, %broadcast_in_dim3A_2207, %iota3A, %broadcast_in_dim3A_2205] : memref<4x2x32x128xf32, #tpu.memory_space<vmem>>[vector<16xi32>, vector<16xi32>, vector<16xi32>, vector<16xi32>], vector<16xf32>,
      %add3A_2209 = arith.constant 16 : i32
      %add3A_2210 = vector.broadcast %add3A_2209 : i32 to vector<16xi32>
      %add3A_2211 = arith.addi %add3A_2210, %iota3A : vector<16xi32>
      %gather3A_2212 = tpu.vector_load_idx %arg11[%broadcast_in_dim3A_2198, %broadcast_in_dim3A_2207, %add3A_2211, %broadcast_in_dim3A_2205] : memref<4x2x32x128xf32, #tpu.memory_space<vmem>>[vector<16xi32>, vector<16xi32>, vector<16xi32>, vector<16xi32>], vector<16xf32>,
      %mul3A_2213 = arith.constant 512 : i32
      %mul3A_2214 = vector.broadcast %mul3A_2213 : i32 to vector<16xi32>
      %mul3A_2215 = arith.muli %iota3A, %mul3A_2214 : vector<16xi32>
      %add3A_2216 = vector.broadcast %add3A_2200 : i32 to vector<16xi32>
      %add3A_2217 = arith.addi %mul3A_2215, %add3A_2216 : vector<16xi32>
      tpu.vector_store_idx %arg9[%add3A_2217], %gather3A_2208 : memref<16384xf32, #tpu.memory_space<vmem>>[vector<16xi32>], vector<16xf32>,
      %add3A_2218 = arith.constant 16 : i32
      %add3A_2219 = vector.broadcast %add3A_2218 : i32 to vector<16xi32>
      %add3A_2220 = arith.addi %add3A_2219, %iota3A : vector<16xi32>
      %mul3A_2221 = arith.constant 512 : i32
      %mul3A_2222 = vector.broadcast %mul3A_2221 : i32 to vector<16xi32>
      %mul3A_2223 = arith.muli %add3A_2220, %mul3A_2222 : vector<16xi32>
      %add3A_2224 = vector.broadcast %add3A_2200 : i32 to vector<16xi32>
      %add3A_2225 = arith.addi %mul3A_2223, %add3A_2224 : vector<16xi32>
      tpu.vector_store_idx %arg9[%add3A_2225], %gather3A_2212 : memref<16384xf32, #tpu.memory_space<vmem>>[vector<16xi32>], vector<16xf32>,
      %add3A_2226 = arith.constant 1 : i32
      %add3A_2227 = arith.addi %add3A_2158, %add3A_2226 : i32
      %slice3A_2228 = vector.extract_strided_slice %get3A_592 {offsets = [9], sizes = [1], strides = [1]} : vector<16xi32> to vector<1xi32>
      %squeeze3A_2229 = vector.extract %slice3A_2228[0] : i32 from vector<1xi32>
      %and3A_2230 = arith.constant 127 : i32
      %and3A_2231 = arith.andi %squeeze3A_2229, %and3A_2230 : i32
      %broadcast_in_dim3A_2232 = vector.broadcast %and3A_2231 : i32 to vector<16xi32>
      %broadcast_in_dim3A_2233 = arith.constant 1 : i32
      %broadcast_in_dim3A_2234 = vector.broadcast %broadcast_in_dim3A_2233 : i32 to vector<16xi32>
      %gather3A_2235 = tpu.vector_load_idx %arg11[%broadcast_in_dim3A_2198, %broadcast_in_dim3A_2234, %iota3A, %broadcast_in_dim3A_2232] : memref<4x2x32x128xf32, #tpu.memory_space<vmem>>[vector<16xi32>, vector<16xi32>, vector<16xi32>, vector<16xi32>], vector<16xf32>,
      %add3A_2236 = arith.constant 16 : i32
      %add3A_2237 = vector.broadcast %add3A_2236 : i32 to vector<16xi32>
      %add3A_2238 = arith.addi %add3A_2237, %iota3A : vector<16xi32>
      %gather3A_2239 = tpu.vector_load_idx %arg11[%broadcast_in_dim3A_2198, %broadcast_in_dim3A_2234, %add3A_2238, %broadcast_in_dim3A_2232] : memref<4x2x32x128xf32, #tpu.memory_space<vmem>>[vector<16xi32>, vector<16xi32>, vector<16xi32>, vector<16xi32>], vector<16xf32>,
      %mul3A_2240 = arith.constant 512 : i32
      %mul3A_2241 = vector.broadcast %mul3A_2240 : i32 to vector<16xi32>
      %mul3A_2242 = arith.muli %iota3A, %mul3A_2241 : vector<16xi32>
      %add3A_2243 = vector.broadcast %add3A_2227 : i32 to vector<16xi32>
      %add3A_2244 = arith.addi %mul3A_2242, %add3A_2243 : vector<16xi32>
      tpu.vector_store_idx %arg9[%add3A_2244], %gather3A_2235 : memref<16384xf32, #tpu.memory_space<vmem>>[vector<16xi32>], vector<16xf32>,
      %add3A_2245 = arith.constant 16 : i32
      %add3A_2246 = vector.broadcast %add3A_2245 : i32 to vector<16xi32>
      %add3A_2247 = arith.addi %add3A_2246, %iota3A : vector<16xi32>
      %mul3A_2248 = arith.constant 512 : i32
      %mul3A_2249 = vector.broadcast %mul3A_2248 : i32 to vector<16xi32>
      %mul3A_2250 = arith.muli %add3A_2247, %mul3A_2249 : vector<16xi32>
      %add3A_2251 = vector.broadcast %add3A_2227 : i32 to vector<16xi32>
      %add3A_2252 = arith.addi %mul3A_2250, %add3A_2251 : vector<16xi32>
      tpu.vector_store_idx %arg9[%add3A_2252], %gather3A_2239 : memref<16384xf32, #tpu.memory_space<vmem>>[vector<16xi32>], vector<16xf32>,
      %dma_wait3A_2253 = arith.constant 0 : i32
      %dma_wait3A_2254 = arith.constant 0 : i32
      %dma_wait3A_2255 = arith.constant 0 : i32
      %dma_wait3A_2256 = arith.constant 0 : i32
      %dma_wait3A_2257 = arith.constant 0 : i32
      %dma_wait3A_2258 = tpu.memref_slice %arg12[%dma_wait3A_2253, %dma_wait3A_2254, %dma_wait3A_2256, %dma_wait3A_2257] : memref<4x2x32x128xf32, #tpu.memory_space<vmem>> -> memref<1x1x32x128xf32, #tpu.memory_space<vmem>>
      %dma_wait3A_2259 = tpu.memref_squeeze %dma_wait3A_2258 : memref<1x1x32x128xf32, #tpu.memory_space<vmem>> -> memref<32x128xf32, #tpu.memory_space<vmem>>
      %dma_wait3A_2260 = arith.constant 0 : i32
      %dma_wait3A_2261 = arith.constant 0 : i32
      %dma_wait3A_2262 = tpu.memref_slice %arg5[%dma_wait3A_2260, %dma_wait3A_2261] : memref<32x1000000xf32, #tpu.memory_space<hbm>> -> memref<32x128xf32, #tpu.memory_space<hbm>>
      %dma_wait3A_2263 = tpu.memref_slice %arg15[%dma_wait3A_2255] : memref<4x!tpu.dma_semaphore, #tpu.memory_space<semaphore_mem>> -> memref<1x!tpu.dma_semaphore, #tpu.memory_space<semaphore_mem>>
      %dma_wait3A_2264 = tpu.memref_squeeze %dma_wait3A_2263 : memref<1x!tpu.dma_semaphore, #tpu.memory_space<semaphore_mem>> -> memref<!tpu.dma_semaphore, #tpu.memory_space<semaphore_mem>>
      %dma_wait3A_2265 = arith.constant 0 : i32
      %dma_wait3A_2266 = arith.constant 0 : i32
      %dma_wait3A_2267 = tpu.memref_slice %arg12[%dma_wait3A_2253, %dma_wait3A_2254, %dma_wait3A_2265, %dma_wait3A_2266] : memref<4x2x32x128xf32, #tpu.memory_space<vmem>> -> memref<1x1x32x128xf32, #tpu.memory_space<vmem>>
      %dma_wait3A_2268 = tpu.memref_squeeze %dma_wait3A_2267 : memref<1x1x32x128xf32, #tpu.memory_space<vmem>> -> memref<32x128xf32, #tpu.memory_space<vmem>>
      %dma_wait3A_2269 = arith.constant 0 : i32
      %dma_wait3A_2270 = arith.constant 0 : i32
      %dma_wait3A_2271 = tpu.memref_slice %arg5[%dma_wait3A_2269, %dma_wait3A_2270] : memref<32x1000000xf32, #tpu.memory_space<hbm>> -> memref<32x128xf32, #tpu.memory_space<hbm>>
      tpu.wait_dma2 semaphore(%dma_wait3A_2264 : memref<!tpu.dma_semaphore, #tpu.memory_space<semaphore_mem>>) src(%dma_wait3A_2271 : memref<32x128xf32, #tpu.memory_space<hbm>>) dst(%dma_wait3A_2268 : memref<32x128xf32, #tpu.memory_space<vmem>>)
      %dma_wait3A_2272 = arith.constant 0 : i32
      %dma_wait3A_2273 = arith.constant 1 : i32
      %dma_wait3A_2274 = arith.constant 0 : i32
      %dma_wait3A_2275 = arith.constant 0 : i32
      %dma_wait3A_2276 = arith.constant 0 : i32
      %dma_wait3A_2277 = tpu.memref_slice %arg12[%dma_wait3A_2272, %dma_wait3A_2273, %dma_wait3A_2275, %dma_wait3A_2276] : memref<4x2x32x128xf32, #tpu.memory_space<vmem>> -> memref<1x1x32x128xf32, #tpu.memory_space<vmem>>
      %dma_wait3A_2278 = tpu.memref_squeeze %dma_wait3A_2277 : memref<1x1x32x128xf32, #tpu.memory_space<vmem>> -> memref<32x128xf32, #tpu.memory_space<vmem>>
      %dma_wait3A_2279 = arith.constant 0 : i32
      %dma_wait3A_2280 = arith.constant 0 : i32
      %dma_wait3A_2281 = tpu.memref_slice %arg5[%dma_wait3A_2279, %dma_wait3A_2280] : memref<32x1000000xf32, #tpu.memory_space<hbm>> -> memref<32x128xf32, #tpu.memory_space<hbm>>
      %dma_wait3A_2282 = tpu.memref_slice %arg15[%dma_wait3A_2274] : memref<4x!tpu.dma_semaphore, #tpu.memory_space<semaphore_mem>> -> memref<1x!tpu.dma_semaphore, #tpu.memory_space<semaphore_mem>>
      %dma_wait3A_2283 = tpu.memref_squeeze %dma_wait3A_2282 : memref<1x!tpu.dma_semaphore, #tpu.memory_space<semaphore_mem>> -> memref<!tpu.dma_semaphore, #tpu.memory_space<semaphore_mem>>
      %dma_wait3A_2284 = arith.constant 0 : i32
      %dma_wait3A_2285 = arith.constant 0 : i32
      %dma_wait3A_2286 = tpu.memref_slice %arg12[%dma_wait3A_2272, %dma_wait3A_2273, %dma_wait3A_2284, %dma_wait3A_2285] : memref<4x2x32x128xf32, #tpu.memory_space<vmem>> -> memref<1x1x32x128xf32, #tpu.memory_space<vmem>>
      %dma_wait3A_2287 = tpu.memref_squeeze %dma_wait3A_2286 : memref<1x1x32x128xf32, #tpu.memory_space<vmem>> -> memref<32x128xf32, #tpu.memory_space<vmem>>
      %dma_wait3A_2288 = arith.constant 0 : i32
      %dma_wait3A_2289 = arith.constant 0 : i32
      %dma_wait3A_2290 = tpu.memref_slice %arg5[%dma_wait3A_2288, %dma_wait3A_2289] : memref<32x1000000xf32, #tpu.memory_space<hbm>> -> memref<32x128xf32, #tpu.memory_space<hbm>>
      tpu.wait_dma2 semaphore(%dma_wait3A_2283 : memref<!tpu.dma_semaphore, #tpu.memory_space<semaphore_mem>>) src(%dma_wait3A_2290 : memref<32x128xf32, #tpu.memory_space<hbm>>) dst(%dma_wait3A_2287 : memref<32x128xf32, #tpu.memory_space<vmem>>)
      %broadcast_in_dim3A_2291 = arith.constant 0 : i32
      %broadcast_in_dim3A_2292 = vector.broadcast %broadcast_in_dim3A_2291 : i32 to vector<16xi32>
      %add3A_2293 = arith.constant 0 : i32
      %add3A_2294 = arith.addi %add3A_2158, %add3A_2293 : i32
      %slice3A_2295 = vector.extract_strided_slice %get3A_596 {offsets = [8], sizes = [1], strides = [1]} : vector<16xi32> to vector<1xi32>
      %squeeze3A_2296 = vector.extract %slice3A_2295[0] : i32 from vector<1xi32>
      %and3A_2297 = arith.constant 127 : i32
      %and3A_2298 = arith.andi %squeeze3A_2296, %and3A_2297 : i32
      %broadcast_in_dim3A_2299 = vector.broadcast %and3A_2298 : i32 to vector<16xi32>
      %broadcast_in_dim3A_2300 = arith.constant 0 : i32
      %broadcast_in_dim3A_2301 = vector.broadcast %broadcast_in_dim3A_2300 : i32 to vector<16xi32>
      %gather3A_2302 = tpu.vector_load_idx %arg12[%broadcast_in_dim3A_2292, %broadcast_in_dim3A_2301, %iota3A, %broadcast_in_dim3A_2299] : memref<4x2x32x128xf32, #tpu.memory_space<vmem>>[vector<16xi32>, vector<16xi32>, vector<16xi32>, vector<16xi32>], vector<16xf32>,
      %add3A_2303 = arith.constant 16 : i32
      %add3A_2304 = vector.broadcast %add3A_2303 : i32 to vector<16xi32>
      %add3A_2305 = arith.addi %add3A_2304, %iota3A : vector<16xi32>
      %gather3A_2306 = tpu.vector_load_idx %arg12[%broadcast_in_dim3A_2292, %broadcast_in_dim3A_2301, %add3A_2305, %broadcast_in_dim3A_2299] : memref<4x2x32x128xf32, #tpu.memory_space<vmem>>[vector<16xi32>, vector<16xi32>, vector<16xi32>, vector<16xi32>], vector<16xf32>,
      %mul3A_2307 = arith.constant 512 : i32
      %mul3A_2308 = vector.broadcast %mul3A_2307 : i32 to vector<16xi32>
      %mul3A_2309 = arith.muli %iota3A, %mul3A_2308 : vector<16xi32>
      %add3A_2310 = vector.broadcast %add3A_2294 : i32 to vector<16xi32>
      %add3A_2311 = arith.addi %mul3A_2309, %add3A_2310 : vector<16xi32>
      tpu.vector_store_idx %arg10[%add3A_2311], %gather3A_2302 : memref<16384xf32, #tpu.memory_space<vmem>>[vector<16xi32>], vector<16xf32>,
      %add3A_2312 = arith.constant 16 : i32
      %add3A_2313 = vector.broadcast %add3A_2312 : i32 to vector<16xi32>
      %add3A_2314 = arith.addi %add3A_2313, %iota3A : vector<16xi32>
      %mul3A_2315 = arith.constant 512 : i32
      %mul3A_2316 = vector.broadcast %mul3A_2315 : i32 to vector<16xi32>
      %mul3A_2317 = arith.muli %add3A_2314, %mul3A_2316 : vector<16xi32>
      %add3A_2318 = vector.broadcast %add3A_2294 : i32 to vector<16xi32>
      %add3A_2319 = arith.addi %mul3A_2317, %add3A_2318 : vector<16xi32>
      tpu.vector_store_idx %arg10[%add3A_2319], %gather3A_2306 : memref<16384xf32, #tpu.memory_space<vmem>>[vector<16xi32>], vector<16xf32>,
      %add3A_2320 = arith.constant 1 : i32
      %add3A_2321 = arith.addi %add3A_2158, %add3A_2320 : i32
      %slice3A_2322 = vector.extract_strided_slice %get3A_596 {offsets = [9], sizes = [1], strides = [1]} : vector<16xi32> to vector<1xi32>
      %squeeze3A_2323 = vector.extract %slice3A_2322[0] : i32 from vector<1xi32>
      %and3A_2324 = arith.constant 127 : i32
      %and3A_2325 = arith.andi %squeeze3A_2323, %and3A_2324 : i32
      %broadcast_in_dim3A_2326 = vector.broadcast %and3A_2325 : i32 to vector<16xi32>
      %broadcast_in_dim3A_2327 = arith.constant 1 : i32
      %broadcast_in_dim3A_2328 = vector.broadcast %broadcast_in_dim3A_2327 : i32 to vector<16xi32>
      %gather3A_2329 = tpu.vector_load_idx %arg12[%broadcast_in_dim3A_2292, %broadcast_in_dim3A_2328, %iota3A, %broadcast_in_dim3A_2326] : memref<4x2x32x128xf32, #tpu.memory_space<vmem>>[vector<16xi32>, vector<16xi32>, vector<16xi32>, vector<16xi32>], vector<16xf32>,
      %add3A_2330 = arith.constant 16 : i32
      %add3A_2331 = vector.broadcast %add3A_2330 : i32 to vector<16xi32>
      %add3A_2332 = arith.addi %add3A_2331, %iota3A : vector<16xi32>
      %gather3A_2333 = tpu.vector_load_idx %arg12[%broadcast_in_dim3A_2292, %broadcast_in_dim3A_2328, %add3A_2332, %broadcast_in_dim3A_2326] : memref<4x2x32x128xf32, #tpu.memory_space<vmem>>[vector<16xi32>, vector<16xi32>, vector<16xi32>, vector<16xi32>], vector<16xf32>,
      %mul3A_2334 = arith.constant 512 : i32
      %mul3A_2335 = vector.broadcast %mul3A_2334 : i32 to vector<16xi32>
      %mul3A_2336 = arith.muli %iota3A, %mul3A_2335 : vector<16xi32>
      %add3A_2337 = vector.broadcast %add3A_2321 : i32 to vector<16xi32>
      %add3A_2338 = arith.addi %mul3A_2336, %add3A_2337 : vector<16xi32>
      tpu.vector_store_idx %arg10[%add3A_2338], %gather3A_2329 : memref<16384xf32, #tpu.memory_space<vmem>>[vector<16xi32>], vector<16xf32>,
      %add3A_2339 = arith.constant 16 : i32
      %add3A_2340 = vector.broadcast %add3A_2339 : i32 to vector<16xi32>
      %add3A_2341 = arith.addi %add3A_2340, %iota3A : vector<16xi32>
      %mul3A_2342 = arith.constant 512 : i32
      %mul3A_2343 = vector.broadcast %mul3A_2342 : i32 to vector<16xi32>
      %mul3A_2344 = arith.muli %add3A_2341, %mul3A_2343 : vector<16xi32>
      %add3A_2345 = vector.broadcast %add3A_2321 : i32 to vector<16xi32>
      %add3A_2346 = arith.addi %mul3A_2344, %add3A_2345 : vector<16xi32>
      tpu.vector_store_idx %arg10[%add3A_2346], %gather3A_2333 : memref<16384xf32, #tpu.memory_space<vmem>>[vector<16xi32>], vector<16xf32>,
    }
    %scan3A_12 = arith.constant 32 : i32
    %get3A = arith.constant 496 : index
    %get3A_13 = tpu.vector_load %arg7[%get3A] {strides = array<i32>} : memref<512xi32, #tpu.memory_space<vmem>>, vector<16xi32>,
    %get3A_14 = arith.constant 496 : index
    %get3A_15 = tpu.vector_load %arg8[%get3A_14] {strides = array<i32>} : memref<512xi32, #tpu.memory_space<vmem>>, vector<16xi32>,
    %dma_wait3A_16 = arith.constant 1 : i32
    %dma_wait3A_17 = arith.constant 0 : i32
    %dma_wait3A_18 = arith.constant 1 : i32
    %dma_wait3A_19 = arith.constant 0 : i32
    %dma_wait3A_20 = arith.constant 0 : i32
    %dma_wait3A_21 = tpu.memref_slice %arg11[%dma_wait3A_16, %dma_wait3A_17, %dma_wait3A_19, %dma_wait3A_20] : memref<4x2x32x128xf32, #tpu.memory_space<vmem>> -> memref<1x1x32x128xf32, #tpu.memory_space<vmem>>
    %dma_wait3A_22 = tpu.memref_squeeze %dma_wait3A_21 : memref<1x1x32x128xf32, #tpu.memory_space<vmem>> -> memref<32x128xf32, #tpu.memory_space<vmem>>
    %dma_wait3A_23 = arith.constant 0 : i32
    %dma_wait3A_24 = arith.constant 0 : i32
    %dma_wait3A_25 = tpu.memref_slice %arg4[%dma_wait3A_23, %dma_wait3A_24] : memref<32x1000000xf32, #tpu.memory_space<hbm>> -> memref<32x128xf32, #tpu.memory_space<hbm>>
    %dma_wait3A_26 = tpu.memref_slice %arg14[%dma_wait3A_18] : memref<4x!tpu.dma_semaphore, #tpu.memory_space<semaphore_mem>> -> memref<1x!tpu.dma_semaphore, #tpu.memory_space<semaphore_mem>>
    %dma_wait3A_27 = tpu.memref_squeeze %dma_wait3A_26 : memref<1x!tpu.dma_semaphore, #tpu.memory_space<semaphore_mem>> -> memref<!tpu.dma_semaphore, #tpu.memory_space<semaphore_mem>>
    %dma_wait3A_28 = arith.constant 0 : i32
    %dma_wait3A_29 = arith.constant 0 : i32
    %dma_wait3A_30 = tpu.memref_slice %arg11[%dma_wait3A_16, %dma_wait3A_17, %dma_wait3A_28, %dma_wait3A_29] : memref<4x2x32x128xf32, #tpu.memory_space<vmem>> -> memref<1x1x32x128xf32, #tpu.memory_space<vmem>>
    %dma_wait3A_31 = tpu.memref_squeeze %dma_wait3A_30 : memref<1x1x32x128xf32, #tpu.memory_space<vmem>> -> memref<32x128xf32, #tpu.memory_space<vmem>>
    %dma_wait3A_32 = arith.constant 0 : i32
    %dma_wait3A_33 = arith.constant 0 : i32
    %dma_wait3A_34 = tpu.memref_slice %arg4[%dma_wait3A_32, %dma_wait3A_33] : memref<32x1000000xf32, #tpu.memory_space<hbm>> -> memref<32x128xf32, #tpu.memory_space<hbm>>
    tpu.wait_dma2 semaphore(%dma_wait3A_27 : memref<!tpu.dma_semaphore, #tpu.memory_space<semaphore_mem>>) src(%dma_wait3A_34 : memref<32x128xf32, #tpu.memory_space<hbm>>) dst(%dma_wait3A_31 : memref<32x128xf32, #tpu.memory_space<vmem>>)
    %dma_wait3A_35 = arith.constant 1 : i32
    %dma_wait3A_36 = arith.constant 1 : i32
    %dma_wait3A_37 = arith.constant 1 : i32
    %dma_wait3A_38 = arith.constant 0 : i32
    %dma_wait3A_39 = arith.constant 0 : i32
    %dma_wait3A_40 = tpu.memref_slice %arg11[%dma_wait3A_35, %dma_wait3A_36, %dma_wait3A_38, %dma_wait3A_39] : memref<4x2x32x128xf32, #tpu.memory_space<vmem>> -> memref<1x1x32x128xf32, #tpu.memory_space<vmem>>
    %dma_wait3A_41 = tpu.memref_squeeze %dma_wait3A_40 : memref<1x1x32x128xf32, #tpu.memory_space<vmem>> -> memref<32x128xf32, #tpu.memory_space<vmem>>
    %dma_wait3A_42 = arith.constant 0 : i32
    %dma_wait3A_43 = arith.constant 0 : i32
    %dma_wait3A_44 = tpu.memref_slice %arg4[%dma_wait3A_42, %dma_wait3A_43] : memref<32x1000000xf32, #tpu.memory_space<hbm>> -> memref<32x128xf32, #tpu.memory_space<hbm>>
    %dma_wait3A_45 = tpu.memref_slice %arg14[%dma_wait3A_37] : memref<4x!tpu.dma_semaphore, #tpu.memory_space<semaphore_mem>> -> memref<1x!tpu.dma_semaphore, #tpu.memory_space<semaphore_mem>>
    %dma_wait3A_46 = tpu.memref_squeeze %dma_wait3A_45 : memref<1x!tpu.dma_semaphore, #tpu.memory_space<semaphore_mem>> -> memref<!tpu.dma_semaphore, #tpu.memory_space<semaphore_mem>>
    %dma_wait3A_47 = arith.constant 0 : i32
    %dma_wait3A_48 = arith.constant 0 : i32
    %dma_wait3A_49 = tpu.memref_slice %arg11[%dma_wait3A_35, %dma_wait3A_36, %dma_wait3A_47, %dma_wait3A_48] : memref<4x2x32x128xf32, #tpu.memory_space<vmem>> -> memref<1x1x32x128xf32, #tpu.memory_space<vmem>>
    %dma_wait3A_50 = tpu.memref_squeeze %dma_wait3A_49 : memref<1x1x32x128xf32, #tpu.memory_space<vmem>> -> memref<32x128xf32, #tpu.memory_space<vmem>>
    %dma_wait3A_51 = arith.constant 0 : i32
    %dma_wait3A_52 = arith.constant 0 : i32
    %dma_wait3A_53 = tpu.memref_slice %arg4[%dma_wait3A_51, %dma_wait3A_52] : memref<32x1000000xf32, #tpu.memory_space<hbm>> -> memref<32x128xf32, #tpu.memory_space<hbm>>
    tpu.wait_dma2 semaphore(%dma_wait3A_46 : memref<!tpu.dma_semaphore, #tpu.memory_space<semaphore_mem>>) src(%dma_wait3A_53 : memref<32x128xf32, #tpu.memory_space<hbm>>) dst(%dma_wait3A_50 : memref<32x128xf32, #tpu.memory_space<vmem>>)
    %broadcast_in_dim3A = arith.constant 1 : i32
    %broadcast_in_dim3A_54 = vector.broadcast %broadcast_in_dim3A : i32 to vector<16xi32>
    %slice3A = vector.extract_strided_slice %get3A_13 {offsets = [10], sizes = [1], strides = [1]} : vector<16xi32> to vector<1xi32>
    %squeeze3A = vector.extract %slice3A[0] : i32 from vector<1xi32>
    %and3A = arith.constant 127 : i32
    %and3A_55 = arith.andi %squeeze3A, %and3A : i32
    %broadcast_in_dim3A_56 = vector.broadcast %and3A_55 : i32 to vector<16xi32>
    %broadcast_in_dim3A_57 = arith.constant 0 : i32
    %broadcast_in_dim3A_58 = vector.broadcast %broadcast_in_dim3A_57 : i32 to vector<16xi32>
    %gather3A = tpu.vector_load_idx %arg11[%broadcast_in_dim3A_54, %broadcast_in_dim3A_58, %iota3A, %broadcast_in_dim3A_56] : memref<4x2x32x128xf32, #tpu.memory_space<vmem>>[vector<16xi32>, vector<16xi32>, vector<16xi32>, vector<16xi32>], vector<16xf32>,
    %add3A_59 = arith.constant 16 : i32
    %add3A_60 = vector.broadcast %add3A_59 : i32 to vector<16xi32>
    %add3A_61 = arith.addi %add3A_60, %iota3A : vector<16xi32>
    %gather3A_62 = tpu.vector_load_idx %arg11[%broadcast_in_dim3A_54, %broadcast_in_dim3A_58, %add3A_61, %broadcast_in_dim3A_56] : memref<4x2x32x128xf32, #tpu.memory_space<vmem>>[vector<16xi32>, vector<16xi32>, vector<16xi32>, vector<16xi32>], vector<16xf32>,
    %mul3A_63 = arith.constant 512 : i32
    %mul3A_64 = vector.broadcast %mul3A_63 : i32 to vector<16xi32>
    %mul3A_65 = arith.muli %iota3A, %mul3A_64 : vector<16xi32>
    %add3A_66 = arith.constant 506 : i32
    %add3A_67 = vector.broadcast %add3A_66 : i32 to vector<16xi32>
    %add3A_68 = arith.addi %mul3A_65, %add3A_67 : vector<16xi32>
    tpu.vector_store_idx %arg9[%add3A_68], %gather3A : memref<16384xf32, #tpu.memory_space<vmem>>[vector<16xi32>], vector<16xf32>,
    %add3A_69 = arith.constant 16 : i32
    %add3A_70 = vector.broadcast %add3A_69 : i32 to vector<16xi32>
    %add3A_71 = arith.addi %add3A_70, %iota3A : vector<16xi32>
    %mul3A_72 = arith.constant 512 : i32
    %mul3A_73 = vector.broadcast %mul3A_72 : i32 to vector<16xi32>
    %mul3A_74 = arith.muli %add3A_71, %mul3A_73 : vector<16xi32>
    %add3A_75 = arith.constant 506 : i32
    %add3A_76 = vector.broadcast %add3A_75 : i32 to vector<16xi32>
    %add3A_77 = arith.addi %mul3A_74, %add3A_76 : vector<16xi32>
    tpu.vector_store_idx %arg9[%add3A_77], %gather3A_62 : memref<16384xf32, #tpu.memory_space<vmem>>[vector<16xi32>], vector<16xf32>,
    %slice3A_78 = vector.extract_strided_slice %get3A_13 {offsets = [11], sizes = [1], strides = [1]} : vector<16xi32> to vector<1xi32>
    %squeeze3A_79 = vector.extract %slice3A_78[0] : i32 from vector<1xi32>
    %and3A_80 = arith.constant 127 : i32
    %and3A_81 = arith.andi %squeeze3A_79, %and3A_80 : i32
    %broadcast_in_dim3A_82 = vector.broadcast %and3A_81 : i32 to vector<16xi32>
    %broadcast_in_dim3A_83 = arith.constant 1 : i32
    %broadcast_in_dim3A_84 = vector.broadcast %broadcast_in_dim3A_83 : i32 to vector<16xi32>
    %gather3A_85 = tpu.vector_load_idx %arg11[%broadcast_in_dim3A_54, %broadcast_in_dim3A_84, %iota3A, %broadcast_in_dim3A_82] : memref<4x2x32x128xf32, #tpu.memory_space<vmem>>[vector<16xi32>, vector<16xi32>, vector<16xi32>, vector<16xi32>], vector<16xf32>,
    %add3A_86 = arith.constant 16 : i32
    %add3A_87 = vector.broadcast %add3A_86 : i32 to vector<16xi32>
    %add3A_88 = arith.addi %add3A_87, %iota3A : vector<16xi32>
    %gather3A_89 = tpu.vector_load_idx %arg11[%broadcast_in_dim3A_54, %broadcast_in_dim3A_84, %add3A_88, %broadcast_in_dim3A_82] : memref<4x2x32x128xf32, #tpu.memory_space<vmem>>[vector<16xi32>, vector<16xi32>, vector<16xi32>, vector<16xi32>], vector<16xf32>,
    %mul3A_90 = arith.constant 512 : i32
    %mul3A_91 = vector.broadcast %mul3A_90 : i32 to vector<16xi32>
    %mul3A_92 = arith.muli %iota3A, %mul3A_91 : vector<16xi32>
    %add3A_93 = arith.constant 507 : i32
    %add3A_94 = vector.broadcast %add3A_93 : i32 to vector<16xi32>
    %add3A_95 = arith.addi %mul3A_92, %add3A_94 : vector<16xi32>
    tpu.vector_store_idx %arg9[%add3A_95], %gather3A_85 : memref<16384xf32, #tpu.memory_space<vmem>>[vector<16xi32>], vector<16xf32>,
    %add3A_96 = arith.constant 16 : i32
    %add3A_97 = vector.broadcast %add3A_96 : i32 to vector<16xi32>
    %add3A_98 = arith.addi %add3A_97, %iota3A : vector<16xi32>
    %mul3A_99 = arith.constant 512 : i32
    %mul3A_100 = vector.broadcast %mul3A_99 : i32 to vector<16xi32>
    %mul3A_101 = arith.muli %add3A_98, %mul3A_100 : vector<16xi32>
    %add3A_102 = arith.constant 507 : i32
    %add3A_103 = vector.broadcast %add3A_102 : i32 to vector<16xi32>
    %add3A_104 = arith.addi %mul3A_101, %add3A_103 : vector<16xi32>
    tpu.vector_store_idx %arg9[%add3A_104], %gather3A_89 : memref<16384xf32, #tpu.memory_space<vmem>>[vector<16xi32>], vector<16xf32>,
    %dma_wait3A_105 = arith.constant 1 : i32
    %dma_wait3A_106 = arith.constant 0 : i32
    %dma_wait3A_107 = arith.constant 1 : i32
    %dma_wait3A_108 = arith.constant 0 : i32
    %dma_wait3A_109 = arith.constant 0 : i32
    %dma_wait3A_110 = tpu.memref_slice %arg12[%dma_wait3A_105, %dma_wait3A_106, %dma_wait3A_108, %dma_wait3A_109] : memref<4x2x32x128xf32, #tpu.memory_space<vmem>> -> memref<1x1x32x128xf32, #tpu.memory_space<vmem>>
    %dma_wait3A_111 = tpu.memref_squeeze %dma_wait3A_110 : memref<1x1x32x128xf32, #tpu.memory_space<vmem>> -> memref<32x128xf32, #tpu.memory_space<vmem>>
    %dma_wait3A_112 = arith.constant 0 : i32
    %dma_wait3A_113 = arith.constant 0 : i32
    %dma_wait3A_114 = tpu.memref_slice %arg5[%dma_wait3A_112, %dma_wait3A_113] : memref<32x1000000xf32, #tpu.memory_space<hbm>> -> memref<32x128xf32, #tpu.memory_space<hbm>>
    %dma_wait3A_115 = tpu.memref_slice %arg15[%dma_wait3A_107] : memref<4x!tpu.dma_semaphore, #tpu.memory_space<semaphore_mem>> -> memref<1x!tpu.dma_semaphore, #tpu.memory_space<semaphore_mem>>
    %dma_wait3A_116 = tpu.memref_squeeze %dma_wait3A_115 : memref<1x!tpu.dma_semaphore, #tpu.memory_space<semaphore_mem>> -> memref<!tpu.dma_semaphore, #tpu.memory_space<semaphore_mem>>
    %dma_wait3A_117 = arith.constant 0 : i32
    %dma_wait3A_118 = arith.constant 0 : i32
    %dma_wait3A_119 = tpu.memref_slice %arg12[%dma_wait3A_105, %dma_wait3A_106, %dma_wait3A_117, %dma_wait3A_118] : memref<4x2x32x128xf32, #tpu.memory_space<vmem>> -> memref<1x1x32x128xf32, #tpu.memory_space<vmem>>
    %dma_wait3A_120 = tpu.memref_squeeze %dma_wait3A_119 : memref<1x1x32x128xf32, #tpu.memory_space<vmem>> -> memref<32x128xf32, #tpu.memory_space<vmem>>
    %dma_wait3A_121 = arith.constant 0 : i32
    %dma_wait3A_122 = arith.constant 0 : i32
    %dma_wait3A_123 = tpu.memref_slice %arg5[%dma_wait3A_121, %dma_wait3A_122] : memref<32x1000000xf32, #tpu.memory_space<hbm>> -> memref<32x128xf32, #tpu.memory_space<hbm>>
    tpu.wait_dma2 semaphore(%dma_wait3A_116 : memref<!tpu.dma_semaphore, #tpu.memory_space<semaphore_mem>>) src(%dma_wait3A_123 : memref<32x128xf32, #tpu.memory_space<hbm>>) dst(%dma_wait3A_120 : memref<32x128xf32, #tpu.memory_space<vmem>>)
    %dma_wait3A_124 = arith.constant 1 : i32
    %dma_wait3A_125 = arith.constant 1 : i32
    %dma_wait3A_126 = arith.constant 1 : i32
    %dma_wait3A_127 = arith.constant 0 : i32
    %dma_wait3A_128 = arith.constant 0 : i32
    %dma_wait3A_129 = tpu.memref_slice %arg12[%dma_wait3A_124, %dma_wait3A_125, %dma_wait3A_127, %dma_wait3A_128] : memref<4x2x32x128xf32, #tpu.memory_space<vmem>> -> memref<1x1x32x128xf32, #tpu.memory_space<vmem>>
    %dma_wait3A_130 = tpu.memref_squeeze %dma_wait3A_129 : memref<1x1x32x128xf32, #tpu.memory_space<vmem>> -> memref<32x128xf32, #tpu.memory_space<vmem>>
    %dma_wait3A_131 = arith.constant 0 : i32
    %dma_wait3A_132 = arith.constant 0 : i32
    %dma_wait3A_133 = tpu.memref_slice %arg5[%dma_wait3A_131, %dma_wait3A_132] : memref<32x1000000xf32, #tpu.memory_space<hbm>> -> memref<32x128xf32, #tpu.memory_space<hbm>>
    %dma_wait3A_134 = tpu.memref_slice %arg15[%dma_wait3A_126] : memref<4x!tpu.dma_semaphore, #tpu.memory_space<semaphore_mem>> -> memref<1x!tpu.dma_semaphore, #tpu.memory_space<semaphore_mem>>
    %dma_wait3A_135 = tpu.memref_squeeze %dma_wait3A_134 : memref<1x!tpu.dma_semaphore, #tpu.memory_space<semaphore_mem>> -> memref<!tpu.dma_semaphore, #tpu.memory_space<semaphore_mem>>
    %dma_wait3A_136 = arith.constant 0 : i32
    %dma_wait3A_137 = arith.constant 0 : i32
    %dma_wait3A_138 = tpu.memref_slice %arg12[%dma_wait3A_124, %dma_wait3A_125, %dma_wait3A_136, %dma_wait3A_137] : memref<4x2x32x128xf32, #tpu.memory_space<vmem>> -> memref<1x1x32x128xf32, #tpu.memory_space<vmem>>
    %dma_wait3A_139 = tpu.memref_squeeze %dma_wait3A_138 : memref<1x1x32x128xf32, #tpu.memory_space<vmem>> -> memref<32x128xf32, #tpu.memory_space<vmem>>
    %dma_wait3A_140 = arith.constant 0 : i32
    %dma_wait3A_141 = arith.constant 0 : i32
    %dma_wait3A_142 = tpu.memref_slice %arg5[%dma_wait3A_140, %dma_wait3A_141] : memref<32x1000000xf32, #tpu.memory_space<hbm>> -> memref<32x128xf32, #tpu.memory_space<hbm>>
    tpu.wait_dma2 semaphore(%dma_wait3A_135 : memref<!tpu.dma_semaphore, #tpu.memory_space<semaphore_mem>>) src(%dma_wait3A_142 : memref<32x128xf32, #tpu.memory_space<hbm>>) dst(%dma_wait3A_139 : memref<32x128xf32, #tpu.memory_space<vmem>>)
    %broadcast_in_dim3A_143 = arith.constant 1 : i32
    %broadcast_in_dim3A_144 = vector.broadcast %broadcast_in_dim3A_143 : i32 to vector<16xi32>
    %slice3A_145 = vector.extract_strided_slice %get3A_15 {offsets = [10], sizes = [1], strides = [1]} : vector<16xi32> to vector<1xi32>
    %squeeze3A_146 = vector.extract %slice3A_145[0] : i32 from vector<1xi32>
    %and3A_147 = arith.constant 127 : i32
    %and3A_148 = arith.andi %squeeze3A_146, %and3A_147 : i32
    %broadcast_in_dim3A_149 = vector.broadcast %and3A_148 : i32 to vector<16xi32>
    %broadcast_in_dim3A_150 = arith.constant 0 : i32
    %broadcast_in_dim3A_151 = vector.broadcast %broadcast_in_dim3A_150 : i32 to vector<16xi32>
    %gather3A_152 = tpu.vector_load_idx %arg12[%broadcast_in_dim3A_144, %broadcast_in_dim3A_151, %iota3A, %broadcast_in_dim3A_149] : memref<4x2x32x128xf32, #tpu.memory_space<vmem>>[vector<16xi32>, vector<16xi32>, vector<16xi32>, vector<16xi32>], vector<16xf32>,
    %add3A_153 = arith.constant 16 : i32
    %add3A_154 = vector.broadcast %add3A_153 : i32 to vector<16xi32>
    %add3A_155 = arith.addi %add3A_154, %iota3A : vector<16xi32>
    %gather3A_156 = tpu.vector_load_idx %arg12[%broadcast_in_dim3A_144, %broadcast_in_dim3A_151, %add3A_155, %broadcast_in_dim3A_149] : memref<4x2x32x128xf32, #tpu.memory_space<vmem>>[vector<16xi32>, vector<16xi32>, vector<16xi32>, vector<16xi32>], vector<16xf32>,
    %mul3A_157 = arith.constant 512 : i32
    %mul3A_158 = vector.broadcast %mul3A_157 : i32 to vector<16xi32>
    %mul3A_159 = arith.muli %iota3A, %mul3A_158 : vector<16xi32>
    %add3A_160 = arith.constant 506 : i32
    %add3A_161 = vector.broadcast %add3A_160 : i32 to vector<16xi32>
    %add3A_162 = arith.addi %mul3A_159, %add3A_161 : vector<16xi32>
    tpu.vector_store_idx %arg10[%add3A_162], %gather3A_152 : memref<16384xf32, #tpu.memory_space<vmem>>[vector<16xi32>], vector<16xf32>,
    %add3A_163 = arith.constant 16 : i32
    %add3A_164 = vector.broadcast %add3A_163 : i32 to vector<16xi32>
    %add3A_165 = arith.addi %add3A_164, %iota3A : vector<16xi32>
    %mul3A_166 = arith.constant 512 : i32
    %mul3A_167 = vector.broadcast %mul3A_166 : i32 to vector<16xi32>
    %mul3A_168 = arith.muli %add3A_165, %mul3A_167 : vector<16xi32>
    %add3A_169 = arith.constant 506 : i32
    %add3A_170 = vector.broadcast %add3A_169 : i32 to vector<16xi32>
    %add3A_171 = arith.addi %mul3A_168, %add3A_170 : vector<16xi32>
    tpu.vector_store_idx %arg10[%add3A_171], %gather3A_156 : memref<16384xf32, #tpu.memory_space<vmem>>[vector<16xi32>], vector<16xf32>,
    %slice3A_172 = vector.extract_strided_slice %get3A_15 {offsets = [11], sizes = [1], strides = [1]} : vector<16xi32> to vector<1xi32>
    %squeeze3A_173 = vector.extract %slice3A_172[0] : i32 from vector<1xi32>
    %and3A_174 = arith.constant 127 : i32
    %and3A_175 = arith.andi %squeeze3A_173, %and3A_174 : i32
    %broadcast_in_dim3A_176 = vector.broadcast %and3A_175 : i32 to vector<16xi32>
    %broadcast_in_dim3A_177 = arith.constant 1 : i32
    %broadcast_in_dim3A_178 = vector.broadcast %broadcast_in_dim3A_177 : i32 to vector<16xi32>
    %gather3A_179 = tpu.vector_load_idx %arg12[%broadcast_in_dim3A_144, %broadcast_in_dim3A_178, %iota3A, %broadcast_in_dim3A_176] : memref<4x2x32x128xf32, #tpu.memory_space<vmem>>[vector<16xi32>, vector<16xi32>, vector<16xi32>, vector<16xi32>], vector<16xf32>,
    %add3A_180 = arith.constant 16 : i32
    %add3A_181 = vector.broadcast %add3A_180 : i32 to vector<16xi32>
    %add3A_182 = arith.addi %add3A_181, %iota3A : vector<16xi32>
    %gather3A_183 = tpu.vector_load_idx %arg12[%broadcast_in_dim3A_144, %broadcast_in_dim3A_178, %add3A_182, %broadcast_in_dim3A_176] : memref<4x2x32x128xf32, #tpu.memory_space<vmem>>[vector<16xi32>, vector<16xi32>, vector<16xi32>, vector<16xi32>], vector<16xf32>,
    %mul3A_184 = arith.constant 512 : i32
    %mul3A_185 = vector.broadcast %mul3A_184 : i32 to vector<16xi32>
    %mul3A_186 = arith.muli %iota3A, %mul3A_185 : vector<16xi32>
    %add3A_187 = arith.constant 507 : i32
    %add3A_188 = vector.broadcast %add3A_187 : i32 to vector<16xi32>
    %add3A_189 = arith.addi %mul3A_186, %add3A_188 : vector<16xi32>
    tpu.vector_store_idx %arg10[%add3A_189], %gather3A_179 : memref<16384xf32, #tpu.memory_space<vmem>>[vector<16xi32>], vector<16xf32>,
    %add3A_190 = arith.constant 16 : i32
    %add3A_191 = vector.broadcast %add3A_190 : i32 to vector<16xi32>
    %add3A_192 = arith.addi %add3A_191, %iota3A : vector<16xi32>
    %mul3A_193 = arith.constant 512 : i32
    %mul3A_194 = vector.broadcast %mul3A_193 : i32 to vector<16xi32>
    %mul3A_195 = arith.muli %add3A_192, %mul3A_194 : vector<16xi32>
    %add3A_196 = arith.constant 507 : i32
    %add3A_197 = vector.broadcast %add3A_196 : i32 to vector<16xi32>
    %add3A_198 = arith.addi %mul3A_195, %add3A_197 : vector<16xi32>
    tpu.vector_store_idx %arg10[%add3A_198], %gather3A_183 : memref<16384xf32, #tpu.memory_space<vmem>>[vector<16xi32>], vector<16xf32>,
    %dma_wait3A_199 = arith.constant 2 : i32
    %dma_wait3A_200 = arith.constant 0 : i32
    %dma_wait3A_201 = arith.constant 2 : i32
    %dma_wait3A_202 = arith.constant 0 : i32
    %dma_wait3A_203 = arith.constant 0 : i32
    %dma_wait3A_204 = tpu.memref_slice %arg11[%dma_wait3A_199, %dma_wait3A_200, %dma_wait3A_202, %dma_wait3A_203] : memref<4x2x32x128xf32, #tpu.memory_space<vmem>> -> memref<1x1x32x128xf32, #tpu.memory_space<vmem>>
    %dma_wait3A_205 = tpu.memref_squeeze %dma_wait3A_204 : memref<1x1x32x128xf32, #tpu.memory_space<vmem>> -> memref<32x128xf32, #tpu.memory_space<vmem>>
    %dma_wait3A_206 = arith.constant 0 : i32
    %dma_wait3A_207 = arith.constant 0 : i32
    %dma_wait3A_208 = tpu.memref_slice %arg4[%dma_wait3A_206, %dma_wait3A_207] : memref<32x1000000xf32, #tpu.memory_space<hbm>> -> memref<32x128xf32, #tpu.memory_space<hbm>>
    %dma_wait3A_209 = tpu.memref_slice %arg14[%dma_wait3A_201] : memref<4x!tpu.dma_semaphore, #tpu.memory_space<semaphore_mem>> -> memref<1x!tpu.dma_semaphore, #tpu.memory_space<semaphore_mem>>
    %dma_wait3A_210 = tpu.memref_squeeze %dma_wait3A_209 : memref<1x!tpu.dma_semaphore, #tpu.memory_space<semaphore_mem>> -> memref<!tpu.dma_semaphore, #tpu.memory_space<semaphore_mem>>
    %dma_wait3A_211 = arith.constant 0 : i32
    %dma_wait3A_212 = arith.constant 0 : i32
    %dma_wait3A_213 = tpu.memref_slice %arg11[%dma_wait3A_199, %dma_wait3A_200, %dma_wait3A_211, %dma_wait3A_212] : memref<4x2x32x128xf32, #tpu.memory_space<vmem>> -> memref<1x1x32x128xf32, #tpu.memory_space<vmem>>
    %dma_wait3A_214 = tpu.memref_squeeze %dma_wait3A_213 : memref<1x1x32x128xf32, #tpu.memory_space<vmem>> -> memref<32x128xf32, #tpu.memory_space<vmem>>
    %dma_wait3A_215 = arith.constant 0 : i32
    %dma_wait3A_216 = arith.constant 0 : i32
    %dma_wait3A_217 = tpu.memref_slice %arg4[%dma_wait3A_215, %dma_wait3A_216] : memref<32x1000000xf32, #tpu.memory_space<hbm>> -> memref<32x128xf32, #tpu.memory_space<hbm>>
    tpu.wait_dma2 semaphore(%dma_wait3A_210 : memref<!tpu.dma_semaphore, #tpu.memory_space<semaphore_mem>>) src(%dma_wait3A_217 : memref<32x128xf32, #tpu.memory_space<hbm>>) dst(%dma_wait3A_214 : memref<32x128xf32, #tpu.memory_space<vmem>>)
    %dma_wait3A_218 = arith.constant 2 : i32
    %dma_wait3A_219 = arith.constant 1 : i32
    %dma_wait3A_220 = arith.constant 2 : i32
    %dma_wait3A_221 = arith.constant 0 : i32
    %dma_wait3A_222 = arith.constant 0 : i32
    %dma_wait3A_223 = tpu.memref_slice %arg11[%dma_wait3A_218, %dma_wait3A_219, %dma_wait3A_221, %dma_wait3A_222] : memref<4x2x32x128xf32, #tpu.memory_space<vmem>> -> memref<1x1x32x128xf32, #tpu.memory_space<vmem>>
    %dma_wait3A_224 = tpu.memref_squeeze %dma_wait3A_223 : memref<1x1x32x128xf32, #tpu.memory_space<vmem>> -> memref<32x128xf32, #tpu.memory_space<vmem>>
    %dma_wait3A_225 = arith.constant 0 : i32
    %dma_wait3A_226 = arith.constant 0 : i32
    %dma_wait3A_227 = tpu.memref_slice %arg4[%dma_wait3A_225, %dma_wait3A_226] : memref<32x1000000xf32, #tpu.memory_space<hbm>> -> memref<32x128xf32, #tpu.memory_space<hbm>>
    %dma_wait3A_228 = tpu.memref_slice %arg14[%dma_wait3A_220] : memref<4x!tpu.dma_semaphore, #tpu.memory_space<semaphore_mem>> -> memref<1x!tpu.dma_semaphore, #tpu.memory_space<semaphore_mem>>
    %dma_wait3A_229 = tpu.memref_squeeze %dma_wait3A_228 : memref<1x!tpu.dma_semaphore, #tpu.memory_space<semaphore_mem>> -> memref<!tpu.dma_semaphore, #tpu.memory_space<semaphore_mem>>
    %dma_wait3A_230 = arith.constant 0 : i32
    %dma_wait3A_231 = arith.constant 0 : i32
    %dma_wait3A_232 = tpu.memref_slice %arg11[%dma_wait3A_218, %dma_wait3A_219, %dma_wait3A_230, %dma_wait3A_231] : memref<4x2x32x128xf32, #tpu.memory_space<vmem>> -> memref<1x1x32x128xf32, #tpu.memory_space<vmem>>
    %dma_wait3A_233 = tpu.memref_squeeze %dma_wait3A_232 : memref<1x1x32x128xf32, #tpu.memory_space<vmem>> -> memref<32x128xf32, #tpu.memory_space<vmem>>
    %dma_wait3A_234 = arith.constant 0 : i32
    %dma_wait3A_235 = arith.constant 0 : i32
    %dma_wait3A_236 = tpu.memref_slice %arg4[%dma_wait3A_234, %dma_wait3A_235] : memref<32x1000000xf32, #tpu.memory_space<hbm>> -> memref<32x128xf32, #tpu.memory_space<hbm>>
    tpu.wait_dma2 semaphore(%dma_wait3A_229 : memref<!tpu.dma_semaphore, #tpu.memory_space<semaphore_mem>>) src(%dma_wait3A_236 : memref<32x128xf32, #tpu.memory_space<hbm>>) dst(%dma_wait3A_233 : memref<32x128xf32, #tpu.memory_space<vmem>>)
    %broadcast_in_dim3A_237 = arith.constant 2 : i32
    %broadcast_in_dim3A_238 = vector.broadcast %broadcast_in_dim3A_237 : i32 to vector<16xi32>
    %slice3A_239 = vector.extract_strided_slice %get3A_13 {offsets = [12], sizes = [1], strides = [1]} : vector<16xi32> to vector<1xi32>
    %squeeze3A_240 = vector.extract %slice3A_239[0] : i32 from vector<1xi32>
    %and3A_241 = arith.constant 127 : i32
    %and3A_242 = arith.andi %squeeze3A_240, %and3A_241 : i32
    %broadcast_in_dim3A_243 = vector.broadcast %and3A_242 : i32 to vector<16xi32>
    %broadcast_in_dim3A_244 = arith.constant 0 : i32
    %broadcast_in_dim3A_245 = vector.broadcast %broadcast_in_dim3A_244 : i32 to vector<16xi32>
    %gather3A_246 = tpu.vector_load_idx %arg11[%broadcast_in_dim3A_238, %broadcast_in_dim3A_245, %iota3A, %broadcast_in_dim3A_243] : memref<4x2x32x128xf32, #tpu.memory_space<vmem>>[vector<16xi32>, vector<16xi32>, vector<16xi32>, vector<16xi32>], vector<16xf32>,
    %add3A_247 = arith.constant 16 : i32
    %add3A_248 = vector.broadcast %add3A_247 : i32 to vector<16xi32>
    %add3A_249 = arith.addi %add3A_248, %iota3A : vector<16xi32>
    %gather3A_250 = tpu.vector_load_idx %arg11[%broadcast_in_dim3A_238, %broadcast_in_dim3A_245, %add3A_249, %broadcast_in_dim3A_243] : memref<4x2x32x128xf32, #tpu.memory_space<vmem>>[vector<16xi32>, vector<16xi32>, vector<16xi32>, vector<16xi32>], vector<16xf32>,
    %mul3A_251 = arith.constant 512 : i32
    %mul3A_252 = vector.broadcast %mul3A_251 : i32 to vector<16xi32>
    %mul3A_253 = arith.muli %iota3A, %mul3A_252 : vector<16xi32>
    %add3A_254 = arith.constant 508 : i32
    %add3A_255 = vector.broadcast %add3A_254 : i32 to vector<16xi32>
    %add3A_256 = arith.addi %mul3A_253, %add3A_255 : vector<16xi32>
    tpu.vector_store_idx %arg9[%add3A_256], %gather3A_246 : memref<16384xf32, #tpu.memory_space<vmem>>[vector<16xi32>], vector<16xf32>,
    %add3A_257 = arith.constant 16 : i32
    %add3A_258 = vector.broadcast %add3A_257 : i32 to vector<16xi32>
    %add3A_259 = arith.addi %add3A_258, %iota3A : vector<16xi32>
    %mul3A_260 = arith.constant 512 : i32
    %mul3A_261 = vector.broadcast %mul3A_260 : i32 to vector<16xi32>
    %mul3A_262 = arith.muli %add3A_259, %mul3A_261 : vector<16xi32>
    %add3A_263 = arith.constant 508 : i32
    %add3A_264 = vector.broadcast %add3A_263 : i32 to vector<16xi32>
    %add3A_265 = arith.addi %mul3A_262, %add3A_264 : vector<16xi32>
    tpu.vector_store_idx %arg9[%add3A_265], %gather3A_250 : memref<16384xf32, #tpu.memory_space<vmem>>[vector<16xi32>], vector<16xf32>,
    %slice3A_266 = vector.extract_strided_slice %get3A_13 {offsets = [13], sizes = [1], strides = [1]} : vector<16xi32> to vector<1xi32>
    %squeeze3A_267 = vector.extract %slice3A_266[0] : i32 from vector<1xi32>
    %and3A_268 = arith.constant 127 : i32
    %and3A_269 = arith.andi %squeeze3A_267, %and3A_268 : i32
    %broadcast_in_dim3A_270 = vector.broadcast %and3A_269 : i32 to vector<16xi32>
    %broadcast_in_dim3A_271 = arith.constant 1 : i32
    %broadcast_in_dim3A_272 = vector.broadcast %broadcast_in_dim3A_271 : i32 to vector<16xi32>
    %gather3A_273 = tpu.vector_load_idx %arg11[%broadcast_in_dim3A_238, %broadcast_in_dim3A_272, %iota3A, %broadcast_in_dim3A_270] : memref<4x2x32x128xf32, #tpu.memory_space<vmem>>[vector<16xi32>, vector<16xi32>, vector<16xi32>, vector<16xi32>], vector<16xf32>,
    %add3A_274 = arith.constant 16 : i32
    %add3A_275 = vector.broadcast %add3A_274 : i32 to vector<16xi32>
    %add3A_276 = arith.addi %add3A_275, %iota3A : vector<16xi32>
    %gather3A_277 = tpu.vector_load_idx %arg11[%broadcast_in_dim3A_238, %broadcast_in_dim3A_272, %add3A_276, %broadcast_in_dim3A_270] : memref<4x2x32x128xf32, #tpu.memory_space<vmem>>[vector<16xi32>, vector<16xi32>, vector<16xi32>, vector<16xi32>], vector<16xf32>,
    %mul3A_278 = arith.constant 512 : i32
    %mul3A_279 = vector.broadcast %mul3A_278 : i32 to vector<16xi32>
    %mul3A_280 = arith.muli %iota3A, %mul3A_279 : vector<16xi32>
    %add3A_281 = arith.constant 509 : i32
    %add3A_282 = vector.broadcast %add3A_281 : i32 to vector<16xi32>
    %add3A_283 = arith.addi %mul3A_280, %add3A_282 : vector<16xi32>
    tpu.vector_store_idx %arg9[%add3A_283], %gather3A_273 : memref<16384xf32, #tpu.memory_space<vmem>>[vector<16xi32>], vector<16xf32>,
    %add3A_284 = arith.constant 16 : i32
    %add3A_285 = vector.broadcast %add3A_284 : i32 to vector<16xi32>
    %add3A_286 = arith.addi %add3A_285, %iota3A : vector<16xi32>
    %mul3A_287 = arith.constant 512 : i32
    %mul3A_288 = vector.broadcast %mul3A_287 : i32 to vector<16xi32>
    %mul3A_289 = arith.muli %add3A_286, %mul3A_288 : vector<16xi32>
    %add3A_290 = arith.constant 509 : i32
    %add3A_291 = vector.broadcast %add3A_290 : i32 to vector<16xi32>
    %add3A_292 = arith.addi %mul3A_289, %add3A_291 : vector<16xi32>
    tpu.vector_store_idx %arg9[%add3A_292], %gather3A_277 : memref<16384xf32, #tpu.memory_space<vmem>>[vector<16xi32>], vector<16xf32>,
    %dma_wait3A_293 = arith.constant 2 : i32
    %dma_wait3A_294 = arith.constant 0 : i32
    %dma_wait3A_295 = arith.constant 2 : i32
    %dma_wait3A_296 = arith.constant 0 : i32
    %dma_wait3A_297 = arith.constant 0 : i32
    %dma_wait3A_298 = tpu.memref_slice %arg12[%dma_wait3A_293, %dma_wait3A_294, %dma_wait3A_296, %dma_wait3A_297] : memref<4x2x32x128xf32, #tpu.memory_space<vmem>> -> memref<1x1x32x128xf32, #tpu.memory_space<vmem>>
    %dma_wait3A_299 = tpu.memref_squeeze %dma_wait3A_298 : memref<1x1x32x128xf32, #tpu.memory_space<vmem>> -> memref<32x128xf32, #tpu.memory_space<vmem>>
    %dma_wait3A_300 = arith.constant 0 : i32
    %dma_wait3A_301 = arith.constant 0 : i32
    %dma_wait3A_302 = tpu.memref_slice %arg5[%dma_wait3A_300, %dma_wait3A_301] : memref<32x1000000xf32, #tpu.memory_space<hbm>> -> memref<32x128xf32, #tpu.memory_space<hbm>>
    %dma_wait3A_303 = tpu.memref_slice %arg15[%dma_wait3A_295] : memref<4x!tpu.dma_semaphore, #tpu.memory_space<semaphore_mem>> -> memref<1x!tpu.dma_semaphore, #tpu.memory_space<semaphore_mem>>
    %dma_wait3A_304 = tpu.memref_squeeze %dma_wait3A_303 : memref<1x!tpu.dma_semaphore, #tpu.memory_space<semaphore_mem>> -> memref<!tpu.dma_semaphore, #tpu.memory_space<semaphore_mem>>
    %dma_wait3A_305 = arith.constant 0 : i32
    %dma_wait3A_306 = arith.constant 0 : i32
    %dma_wait3A_307 = tpu.memref_slice %arg12[%dma_wait3A_293, %dma_wait3A_294, %dma_wait3A_305, %dma_wait3A_306] : memref<4x2x32x128xf32, #tpu.memory_space<vmem>> -> memref<1x1x32x128xf32, #tpu.memory_space<vmem>>
    %dma_wait3A_308 = tpu.memref_squeeze %dma_wait3A_307 : memref<1x1x32x128xf32, #tpu.memory_space<vmem>> -> memref<32x128xf32, #tpu.memory_space<vmem>>
    %dma_wait3A_309 = arith.constant 0 : i32
    %dma_wait3A_310 = arith.constant 0 : i32
    %dma_wait3A_311 = tpu.memref_slice %arg5[%dma_wait3A_309, %dma_wait3A_310] : memref<32x1000000xf32, #tpu.memory_space<hbm>> -> memref<32x128xf32, #tpu.memory_space<hbm>>
    tpu.wait_dma2 semaphore(%dma_wait3A_304 : memref<!tpu.dma_semaphore, #tpu.memory_space<semaphore_mem>>) src(%dma_wait3A_311 : memref<32x128xf32, #tpu.memory_space<hbm>>) dst(%dma_wait3A_308 : memref<32x128xf32, #tpu.memory_space<vmem>>)
    %dma_wait3A_312 = arith.constant 2 : i32
    %dma_wait3A_313 = arith.constant 1 : i32
    %dma_wait3A_314 = arith.constant 2 : i32
    %dma_wait3A_315 = arith.constant 0 : i32
    %dma_wait3A_316 = arith.constant 0 : i32
    %dma_wait3A_317 = tpu.memref_slice %arg12[%dma_wait3A_312, %dma_wait3A_313, %dma_wait3A_315, %dma_wait3A_316] : memref<4x2x32x128xf32, #tpu.memory_space<vmem>> -> memref<1x1x32x128xf32, #tpu.memory_space<vmem>>
    %dma_wait3A_318 = tpu.memref_squeeze %dma_wait3A_317 : memref<1x1x32x128xf32, #tpu.memory_space<vmem>> -> memref<32x128xf32, #tpu.memory_space<vmem>>
    %dma_wait3A_319 = arith.constant 0 : i32
    %dma_wait3A_320 = arith.constant 0 : i32
    %dma_wait3A_321 = tpu.memref_slice %arg5[%dma_wait3A_319, %dma_wait3A_320] : memref<32x1000000xf32, #tpu.memory_space<hbm>> -> memref<32x128xf32, #tpu.memory_space<hbm>>
    %dma_wait3A_322 = tpu.memref_slice %arg15[%dma_wait3A_314] : memref<4x!tpu.dma_semaphore, #tpu.memory_space<semaphore_mem>> -> memref<1x!tpu.dma_semaphore, #tpu.memory_space<semaphore_mem>>
    %dma_wait3A_323 = tpu.memref_squeeze %dma_wait3A_322 : memref<1x!tpu.dma_semaphore, #tpu.memory_space<semaphore_mem>> -> memref<!tpu.dma_semaphore, #tpu.memory_space<semaphore_mem>>
    %dma_wait3A_324 = arith.constant 0 : i32
    %dma_wait3A_325 = arith.constant 0 : i32
    %dma_wait3A_326 = tpu.memref_slice %arg12[%dma_wait3A_312, %dma_wait3A_313, %dma_wait3A_324, %dma_wait3A_325] : memref<4x2x32x128xf32, #tpu.memory_space<vmem>> -> memref<1x1x32x128xf32, #tpu.memory_space<vmem>>
    %dma_wait3A_327 = tpu.memref_squeeze %dma_wait3A_326 : memref<1x1x32x128xf32, #tpu.memory_space<vmem>> -> memref<32x128xf32, #tpu.memory_space<vmem>>
    %dma_wait3A_328 = arith.constant 0 : i32
    %dma_wait3A_329 = arith.constant 0 : i32
    %dma_wait3A_330 = tpu.memref_slice %arg5[%dma_wait3A_328, %dma_wait3A_329] : memref<32x1000000xf32, #tpu.memory_space<hbm>> -> memref<32x128xf32, #tpu.memory_space<hbm>>
    tpu.wait_dma2 semaphore(%dma_wait3A_323 : memref<!tpu.dma_semaphore, #tpu.memory_space<semaphore_mem>>) src(%dma_wait3A_330 : memref<32x128xf32, #tpu.memory_space<hbm>>) dst(%dma_wait3A_327 : memref<32x128xf32, #tpu.memory_space<vmem>>)
    %broadcast_in_dim3A_331 = arith.constant 2 : i32
    %broadcast_in_dim3A_332 = vector.broadcast %broadcast_in_dim3A_331 : i32 to vector<16xi32>
    %slice3A_333 = vector.extract_strided_slice %get3A_15 {offsets = [12], sizes = [1], strides = [1]} : vector<16xi32> to vector<1xi32>
    %squeeze3A_334 = vector.extract %slice3A_333[0] : i32 from vector<1xi32>
    %and3A_335 = arith.constant 127 : i32
    %and3A_336 = arith.andi %squeeze3A_334, %and3A_335 : i32
    %broadcast_in_dim3A_337 = vector.broadcast %and3A_336 : i32 to vector<16xi32>
    %broadcast_in_dim3A_338 = arith.constant 0 : i32
    %broadcast_in_dim3A_339 = vector.broadcast %broadcast_in_dim3A_338 : i32 to vector<16xi32>
    %gather3A_340 = tpu.vector_load_idx %arg12[%broadcast_in_dim3A_332, %broadcast_in_dim3A_339, %iota3A, %broadcast_in_dim3A_337] : memref<4x2x32x128xf32, #tpu.memory_space<vmem>>[vector<16xi32>, vector<16xi32>, vector<16xi32>, vector<16xi32>], vector<16xf32>,
    %add3A_341 = arith.constant 16 : i32
    %add3A_342 = vector.broadcast %add3A_341 : i32 to vector<16xi32>
    %add3A_343 = arith.addi %add3A_342, %iota3A : vector<16xi32>
    %gather3A_344 = tpu.vector_load_idx %arg12[%broadcast_in_dim3A_332, %broadcast_in_dim3A_339, %add3A_343, %broadcast_in_dim3A_337] : memref<4x2x32x128xf32, #tpu.memory_space<vmem>>[vector<16xi32>, vector<16xi32>, vector<16xi32>, vector<16xi32>], vector<16xf32>,
    %mul3A_345 = arith.constant 512 : i32
    %mul3A_346 = vector.broadcast %mul3A_345 : i32 to vector<16xi32>
    %mul3A_347 = arith.muli %iota3A, %mul3A_346 : vector<16xi32>
    %add3A_348 = arith.constant 508 : i32
    %add3A_349 = vector.broadcast %add3A_348 : i32 to vector<16xi32>
    %add3A_350 = arith.addi %mul3A_347, %add3A_349 : vector<16xi32>
    tpu.vector_store_idx %arg10[%add3A_350], %gather3A_340 : memref<16384xf32, #tpu.memory_space<vmem>>[vector<16xi32>], vector<16xf32>,
    %add3A_351 = arith.constant 16 : i32
    %add3A_352 = vector.broadcast %add3A_351 : i32 to vector<16xi32>
    %add3A_353 = arith.addi %add3A_352, %iota3A : vector<16xi32>
    %mul3A_354 = arith.constant 512 : i32
    %mul3A_355 = vector.broadcast %mul3A_354 : i32 to vector<16xi32>
    %mul3A_356 = arith.muli %add3A_353, %mul3A_355 : vector<16xi32>
    %add3A_357 = arith.constant 508 : i32
    %add3A_358 = vector.broadcast %add3A_357 : i32 to vector<16xi32>
    %add3A_359 = arith.addi %mul3A_356, %add3A_358 : vector<16xi32>
    tpu.vector_store_idx %arg10[%add3A_359], %gather3A_344 : memref<16384xf32, #tpu.memory_space<vmem>>[vector<16xi32>], vector<16xf32>,
    %slice3A_360 = vector.extract_strided_slice %get3A_15 {offsets = [13], sizes = [1], strides = [1]} : vector<16xi32> to vector<1xi32>
    %squeeze3A_361 = vector.extract %slice3A_360[0] : i32 from vector<1xi32>
    %and3A_362 = arith.constant 127 : i32
    %and3A_363 = arith.andi %squeeze3A_361, %and3A_362 : i32
    %broadcast_in_dim3A_364 = vector.broadcast %and3A_363 : i32 to vector<16xi32>
    %broadcast_in_dim3A_365 = arith.constant 1 : i32
    %broadcast_in_dim3A_366 = vector.broadcast %broadcast_in_dim3A_365 : i32 to vector<16xi32>
    %gather3A_367 = tpu.vector_load_idx %arg12[%broadcast_in_dim3A_332, %broadcast_in_dim3A_366, %iota3A, %broadcast_in_dim3A_364] : memref<4x2x32x128xf32, #tpu.memory_space<vmem>>[vector<16xi32>, vector<16xi32>, vector<16xi32>, vector<16xi32>], vector<16xf32>,
    %add3A_368 = arith.constant 16 : i32
    %add3A_369 = vector.broadcast %add3A_368 : i32 to vector<16xi32>
    %add3A_370 = arith.addi %add3A_369, %iota3A : vector<16xi32>
    %gather3A_371 = tpu.vector_load_idx %arg12[%broadcast_in_dim3A_332, %broadcast_in_dim3A_366, %add3A_370, %broadcast_in_dim3A_364] : memref<4x2x32x128xf32, #tpu.memory_space<vmem>>[vector<16xi32>, vector<16xi32>, vector<16xi32>, vector<16xi32>], vector<16xf32>,
    %mul3A_372 = arith.constant 512 : i32
    %mul3A_373 = vector.broadcast %mul3A_372 : i32 to vector<16xi32>
    %mul3A_374 = arith.muli %iota3A, %mul3A_373 : vector<16xi32>
    %add3A_375 = arith.constant 509 : i32
    %add3A_376 = vector.broadcast %add3A_375 : i32 to vector<16xi32>
    %add3A_377 = arith.addi %mul3A_374, %add3A_376 : vector<16xi32>
    tpu.vector_store_idx %arg10[%add3A_377], %gather3A_367 : memref<16384xf32, #tpu.memory_space<vmem>>[vector<16xi32>], vector<16xf32>,
    %add3A_378 = arith.constant 16 : i32
    %add3A_379 = vector.broadcast %add3A_378 : i32 to vector<16xi32>
    %add3A_380 = arith.addi %add3A_379, %iota3A : vector<16xi32>
    %mul3A_381 = arith.constant 512 : i32
    %mul3A_382 = vector.broadcast %mul3A_381 : i32 to vector<16xi32>
    %mul3A_383 = arith.muli %add3A_380, %mul3A_382 : vector<16xi32>
    %add3A_384 = arith.constant 509 : i32
    %add3A_385 = vector.broadcast %add3A_384 : i32 to vector<16xi32>
    %add3A_386 = arith.addi %mul3A_383, %add3A_385 : vector<16xi32>
    tpu.vector_store_idx %arg10[%add3A_386], %gather3A_371 : memref<16384xf32, #tpu.memory_space<vmem>>[vector<16xi32>], vector<16xf32>,
    %dma_wait3A_387 = arith.constant 3 : i32
    %dma_wait3A_388 = arith.constant 0 : i32
    %dma_wait3A_389 = arith.constant 3 : i32
    %dma_wait3A_390 = arith.constant 0 : i32
    %dma_wait3A_391 = arith.constant 0 : i32
    %dma_wait3A_392 = tpu.memref_slice %arg11[%dma_wait3A_387, %dma_wait3A_388, %dma_wait3A_390, %dma_wait3A_391] : memref<4x2x32x128xf32, #tpu.memory_space<vmem>> -> memref<1x1x32x128xf32, #tpu.memory_space<vmem>>
    %dma_wait3A_393 = tpu.memref_squeeze %dma_wait3A_392 : memref<1x1x32x128xf32, #tpu.memory_space<vmem>> -> memref<32x128xf32, #tpu.memory_space<vmem>>
    %dma_wait3A_394 = arith.constant 0 : i32
    %dma_wait3A_395 = arith.constant 0 : i32
    %dma_wait3A_396 = tpu.memref_slice %arg4[%dma_wait3A_394, %dma_wait3A_395] : memref<32x1000000xf32, #tpu.memory_space<hbm>> -> memref<32x128xf32, #tpu.memory_space<hbm>>
    %dma_wait3A_397 = tpu.memref_slice %arg14[%dma_wait3A_389] : memref<4x!tpu.dma_semaphore, #tpu.memory_space<semaphore_mem>> -> memref<1x!tpu.dma_semaphore, #tpu.memory_space<semaphore_mem>>
    %dma_wait3A_398 = tpu.memref_squeeze %dma_wait3A_397 : memref<1x!tpu.dma_semaphore, #tpu.memory_space<semaphore_mem>> -> memref<!tpu.dma_semaphore, #tpu.memory_space<semaphore_mem>>
    %dma_wait3A_399 = arith.constant 0 : i32
    %dma_wait3A_400 = arith.constant 0 : i32
    %dma_wait3A_401 = tpu.memref_slice %arg11[%dma_wait3A_387, %dma_wait3A_388, %dma_wait3A_399, %dma_wait3A_400] : memref<4x2x32x128xf32, #tpu.memory_space<vmem>> -> memref<1x1x32x128xf32, #tpu.memory_space<vmem>>
    %dma_wait3A_402 = tpu.memref_squeeze %dma_wait3A_401 : memref<1x1x32x128xf32, #tpu.memory_space<vmem>> -> memref<32x128xf32, #tpu.memory_space<vmem>>
    %dma_wait3A_403 = arith.constant 0 : i32
    %dma_wait3A_404 = arith.constant 0 : i32
    %dma_wait3A_405 = tpu.memref_slice %arg4[%dma_wait3A_403, %dma_wait3A_404] : memref<32x1000000xf32, #tpu.memory_space<hbm>> -> memref<32x128xf32, #tpu.memory_space<hbm>>
    tpu.wait_dma2 semaphore(%dma_wait3A_398 : memref<!tpu.dma_semaphore, #tpu.memory_space<semaphore_mem>>) src(%dma_wait3A_405 : memref<32x128xf32, #tpu.memory_space<hbm>>) dst(%dma_wait3A_402 : memref<32x128xf32, #tpu.memory_space<vmem>>)
    %dma_wait3A_406 = arith.constant 3 : i32
    %dma_wait3A_407 = arith.constant 1 : i32
    %dma_wait3A_408 = arith.constant 3 : i32
    %dma_wait3A_409 = arith.constant 0 : i32
    %dma_wait3A_410 = arith.constant 0 : i32
    %dma_wait3A_411 = tpu.memref_slice %arg11[%dma_wait3A_406, %dma_wait3A_407, %dma_wait3A_409, %dma_wait3A_410] : memref<4x2x32x128xf32, #tpu.memory_space<vmem>> -> memref<1x1x32x128xf32, #tpu.memory_space<vmem>>
    %dma_wait3A_412 = tpu.memref_squeeze %dma_wait3A_411 : memref<1x1x32x128xf32, #tpu.memory_space<vmem>> -> memref<32x128xf32, #tpu.memory_space<vmem>>
    %dma_wait3A_413 = arith.constant 0 : i32
    %dma_wait3A_414 = arith.constant 0 : i32
    %dma_wait3A_415 = tpu.memref_slice %arg4[%dma_wait3A_413, %dma_wait3A_414] : memref<32x1000000xf32, #tpu.memory_space<hbm>> -> memref<32x128xf32, #tpu.memory_space<hbm>>
    %dma_wait3A_416 = tpu.memref_slice %arg14[%dma_wait3A_408] : memref<4x!tpu.dma_semaphore, #tpu.memory_space<semaphore_mem>> -> memref<1x!tpu.dma_semaphore, #tpu.memory_space<semaphore_mem>>
    %dma_wait3A_417 = tpu.memref_squeeze %dma_wait3A_416 : memref<1x!tpu.dma_semaphore, #tpu.memory_space<semaphore_mem>> -> memref<!tpu.dma_semaphore, #tpu.memory_space<semaphore_mem>>
    %dma_wait3A_418 = arith.constant 0 : i32
    %dma_wait3A_419 = arith.constant 0 : i32
    %dma_wait3A_420 = tpu.memref_slice %arg11[%dma_wait3A_406, %dma_wait3A_407, %dma_wait3A_418, %dma_wait3A_419] : memref<4x2x32x128xf32, #tpu.memory_space<vmem>> -> memref<1x1x32x128xf32, #tpu.memory_space<vmem>>
    %dma_wait3A_421 = tpu.memref_squeeze %dma_wait3A_420 : memref<1x1x32x128xf32, #tpu.memory_space<vmem>> -> memref<32x128xf32, #tpu.memory_space<vmem>>
    %dma_wait3A_422 = arith.constant 0 : i32
    %dma_wait3A_423 = arith.constant 0 : i32
    %dma_wait3A_424 = tpu.memref_slice %arg4[%dma_wait3A_422, %dma_wait3A_423] : memref<32x1000000xf32, #tpu.memory_space<hbm>> -> memref<32x128xf32, #tpu.memory_space<hbm>>
    tpu.wait_dma2 semaphore(%dma_wait3A_417 : memref<!tpu.dma_semaphore, #tpu.memory_space<semaphore_mem>>) src(%dma_wait3A_424 : memref<32x128xf32, #tpu.memory_space<hbm>>) dst(%dma_wait3A_421 : memref<32x128xf32, #tpu.memory_space<vmem>>)
    %broadcast_in_dim3A_425 = arith.constant 3 : i32
    %broadcast_in_dim3A_426 = vector.broadcast %broadcast_in_dim3A_425 : i32 to vector<16xi32>
    %slice3A_427 = vector.extract_strided_slice %get3A_13 {offsets = [14], sizes = [1], strides = [1]} : vector<16xi32> to vector<1xi32>
    %squeeze3A_428 = vector.extract %slice3A_427[0] : i32 from vector<1xi32>
    %and3A_429 = arith.constant 127 : i32
    %and3A_430 = arith.andi %squeeze3A_428, %and3A_429 : i32
    %broadcast_in_dim3A_431 = vector.broadcast %and3A_430 : i32 to vector<16xi32>
    %broadcast_in_dim3A_432 = arith.constant 0 : i32
    %broadcast_in_dim3A_433 = vector.broadcast %broadcast_in_dim3A_432 : i32 to vector<16xi32>
    %gather3A_434 = tpu.vector_load_idx %arg11[%broadcast_in_dim3A_426, %broadcast_in_dim3A_433, %iota3A, %broadcast_in_dim3A_431] : memref<4x2x32x128xf32, #tpu.memory_space<vmem>>[vector<16xi32>, vector<16xi32>, vector<16xi32>, vector<16xi32>], vector<16xf32>,
    %add3A_435 = arith.constant 16 : i32
    %add3A_436 = vector.broadcast %add3A_435 : i32 to vector<16xi32>
    %add3A_437 = arith.addi %add3A_436, %iota3A : vector<16xi32>
    %gather3A_438 = tpu.vector_load_idx %arg11[%broadcast_in_dim3A_426, %broadcast_in_dim3A_433, %add3A_437, %broadcast_in_dim3A_431] : memref<4x2x32x128xf32, #tpu.memory_space<vmem>>[vector<16xi32>, vector<16xi32>, vector<16xi32>, vector<16xi32>], vector<16xf32>,
    %mul3A_439 = arith.constant 512 : i32
    %mul3A_440 = vector.broadcast %mul3A_439 : i32 to vector<16xi32>
    %mul3A_441 = arith.muli %iota3A, %mul3A_440 : vector<16xi32>
    %add3A_442 = arith.constant 510 : i32
    %add3A_443 = vector.broadcast %add3A_442 : i32 to vector<16xi32>
    %add3A_444 = arith.addi %mul3A_441, %add3A_443 : vector<16xi32>
    tpu.vector_store_idx %arg9[%add3A_444], %gather3A_434 : memref<16384xf32, #tpu.memory_space<vmem>>[vector<16xi32>], vector<16xf32>,
    %add3A_445 = arith.constant 16 : i32
    %add3A_446 = vector.broadcast %add3A_445 : i32 to vector<16xi32>
    %add3A_447 = arith.addi %add3A_446, %iota3A : vector<16xi32>
    %mul3A_448 = arith.constant 512 : i32
    %mul3A_449 = vector.broadcast %mul3A_448 : i32 to vector<16xi32>
    %mul3A_450 = arith.muli %add3A_447, %mul3A_449 : vector<16xi32>
    %add3A_451 = arith.constant 510 : i32
    %add3A_452 = vector.broadcast %add3A_451 : i32 to vector<16xi32>
    %add3A_453 = arith.addi %mul3A_450, %add3A_452 : vector<16xi32>
    tpu.vector_store_idx %arg9[%add3A_453], %gather3A_438 : memref<16384xf32, #tpu.memory_space<vmem>>[vector<16xi32>], vector<16xf32>,
    %slice3A_454 = vector.extract_strided_slice %get3A_13 {offsets = [15], sizes = [1], strides = [1]} : vector<16xi32> to vector<1xi32>
    %squeeze3A_455 = vector.extract %slice3A_454[0] : i32 from vector<1xi32>
    %and3A_456 = arith.constant 127 : i32
    %and3A_457 = arith.andi %squeeze3A_455, %and3A_456 : i32
    %broadcast_in_dim3A_458 = vector.broadcast %and3A_457 : i32 to vector<16xi32>
    %broadcast_in_dim3A_459 = arith.constant 1 : i32
    %broadcast_in_dim3A_460 = vector.broadcast %broadcast_in_dim3A_459 : i32 to vector<16xi32>
    %gather3A_461 = tpu.vector_load_idx %arg11[%broadcast_in_dim3A_426, %broadcast_in_dim3A_460, %iota3A, %broadcast_in_dim3A_458] : memref<4x2x32x128xf32, #tpu.memory_space<vmem>>[vector<16xi32>, vector<16xi32>, vector<16xi32>, vector<16xi32>], vector<16xf32>,
    %add3A_462 = arith.constant 16 : i32
    %add3A_463 = vector.broadcast %add3A_462 : i32 to vector<16xi32>
    %add3A_464 = arith.addi %add3A_463, %iota3A : vector<16xi32>
    %gather3A_465 = tpu.vector_load_idx %arg11[%broadcast_in_dim3A_426, %broadcast_in_dim3A_460, %add3A_464, %broadcast_in_dim3A_458] : memref<4x2x32x128xf32, #tpu.memory_space<vmem>>[vector<16xi32>, vector<16xi32>, vector<16xi32>, vector<16xi32>], vector<16xf32>,
    %mul3A_466 = arith.constant 512 : i32
    %mul3A_467 = vector.broadcast %mul3A_466 : i32 to vector<16xi32>
    %mul3A_468 = arith.muli %iota3A, %mul3A_467 : vector<16xi32>
    %add3A_469 = arith.constant 511 : i32
    %add3A_470 = vector.broadcast %add3A_469 : i32 to vector<16xi32>
    %add3A_471 = arith.addi %mul3A_468, %add3A_470 : vector<16xi32>
    tpu.vector_store_idx %arg9[%add3A_471], %gather3A_461 : memref<16384xf32, #tpu.memory_space<vmem>>[vector<16xi32>], vector<16xf32>,
    %add3A_472 = arith.constant 16 : i32
    %add3A_473 = vector.broadcast %add3A_472 : i32 to vector<16xi32>
    %add3A_474 = arith.addi %add3A_473, %iota3A : vector<16xi32>
    %mul3A_475 = arith.constant 512 : i32
    %mul3A_476 = vector.broadcast %mul3A_475 : i32 to vector<16xi32>
    %mul3A_477 = arith.muli %add3A_474, %mul3A_476 : vector<16xi32>
    %add3A_478 = arith.constant 511 : i32
    %add3A_479 = vector.broadcast %add3A_478 : i32 to vector<16xi32>
    %add3A_480 = arith.addi %mul3A_477, %add3A_479 : vector<16xi32>
    tpu.vector_store_idx %arg9[%add3A_480], %gather3A_465 : memref<16384xf32, #tpu.memory_space<vmem>>[vector<16xi32>], vector<16xf32>,
    %dma_wait3A_481 = arith.constant 3 : i32
    %dma_wait3A_482 = arith.constant 0 : i32
    %dma_wait3A_483 = arith.constant 3 : i32
    %dma_wait3A_484 = arith.constant 0 : i32
    %dma_wait3A_485 = arith.constant 0 : i32
    %dma_wait3A_486 = tpu.memref_slice %arg12[%dma_wait3A_481, %dma_wait3A_482, %dma_wait3A_484, %dma_wait3A_485] : memref<4x2x32x128xf32, #tpu.memory_space<vmem>> -> memref<1x1x32x128xf32, #tpu.memory_space<vmem>>
    %dma_wait3A_487 = tpu.memref_squeeze %dma_wait3A_486 : memref<1x1x32x128xf32, #tpu.memory_space<vmem>> -> memref<32x128xf32, #tpu.memory_space<vmem>>
    %dma_wait3A_488 = arith.constant 0 : i32
    %dma_wait3A_489 = arith.constant 0 : i32
    %dma_wait3A_490 = tpu.memref_slice %arg5[%dma_wait3A_488, %dma_wait3A_489] : memref<32x1000000xf32, #tpu.memory_space<hbm>> -> memref<32x128xf32, #tpu.memory_space<hbm>>
    %dma_wait3A_491 = tpu.memref_slice %arg15[%dma_wait3A_483] : memref<4x!tpu.dma_semaphore, #tpu.memory_space<semaphore_mem>> -> memref<1x!tpu.dma_semaphore, #tpu.memory_space<semaphore_mem>>
    %dma_wait3A_492 = tpu.memref_squeeze %dma_wait3A_491 : memref<1x!tpu.dma_semaphore, #tpu.memory_space<semaphore_mem>> -> memref<!tpu.dma_semaphore, #tpu.memory_space<semaphore_mem>>
    %dma_wait3A_493 = arith.constant 0 : i32
    %dma_wait3A_494 = arith.constant 0 : i32
    %dma_wait3A_495 = tpu.memref_slice %arg12[%dma_wait3A_481, %dma_wait3A_482, %dma_wait3A_493, %dma_wait3A_494] : memref<4x2x32x128xf32, #tpu.memory_space<vmem>> -> memref<1x1x32x128xf32, #tpu.memory_space<vmem>>
    %dma_wait3A_496 = tpu.memref_squeeze %dma_wait3A_495 : memref<1x1x32x128xf32, #tpu.memory_space<vmem>> -> memref<32x128xf32, #tpu.memory_space<vmem>>
    %dma_wait3A_497 = arith.constant 0 : i32
    %dma_wait3A_498 = arith.constant 0 : i32
    %dma_wait3A_499 = tpu.memref_slice %arg5[%dma_wait3A_497, %dma_wait3A_498] : memref<32x1000000xf32, #tpu.memory_space<hbm>> -> memref<32x128xf32, #tpu.memory_space<hbm>>
    tpu.wait_dma2 semaphore(%dma_wait3A_492 : memref<!tpu.dma_semaphore, #tpu.memory_space<semaphore_mem>>) src(%dma_wait3A_499 : memref<32x128xf32, #tpu.memory_space<hbm>>) dst(%dma_wait3A_496 : memref<32x128xf32, #tpu.memory_space<vmem>>)
    %dma_wait3A_500 = arith.constant 3 : i32
    %dma_wait3A_501 = arith.constant 1 : i32
    %dma_wait3A_502 = arith.constant 3 : i32
    %dma_wait3A_503 = arith.constant 0 : i32
    %dma_wait3A_504 = arith.constant 0 : i32
    %dma_wait3A_505 = tpu.memref_slice %arg12[%dma_wait3A_500, %dma_wait3A_501, %dma_wait3A_503, %dma_wait3A_504] : memref<4x2x32x128xf32, #tpu.memory_space<vmem>> -> memref<1x1x32x128xf32, #tpu.memory_space<vmem>>
    %dma_wait3A_506 = tpu.memref_squeeze %dma_wait3A_505 : memref<1x1x32x128xf32, #tpu.memory_space<vmem>> -> memref<32x128xf32, #tpu.memory_space<vmem>>
    %dma_wait3A_507 = arith.constant 0 : i32
    %dma_wait3A_508 = arith.constant 0 : i32
    %dma_wait3A_509 = tpu.memref_slice %arg5[%dma_wait3A_507, %dma_wait3A_508] : memref<32x1000000xf32, #tpu.memory_space<hbm>> -> memref<32x128xf32, #tpu.memory_space<hbm>>
    %dma_wait3A_510 = tpu.memref_slice %arg15[%dma_wait3A_502] : memref<4x!tpu.dma_semaphore, #tpu.memory_space<semaphore_mem>> -> memref<1x!tpu.dma_semaphore, #tpu.memory_space<semaphore_mem>>
    %dma_wait3A_511 = tpu.memref_squeeze %dma_wait3A_510 : memref<1x!tpu.dma_semaphore, #tpu.memory_space<semaphore_mem>> -> memref<!tpu.dma_semaphore, #tpu.memory_space<semaphore_mem>>
    %dma_wait3A_512 = arith.constant 0 : i32
    %dma_wait3A_513 = arith.constant 0 : i32
    %dma_wait3A_514 = tpu.memref_slice %arg12[%dma_wait3A_500, %dma_wait3A_501, %dma_wait3A_512, %dma_wait3A_513] : memref<4x2x32x128xf32, #tpu.memory_space<vmem>> -> memref<1x1x32x128xf32, #tpu.memory_space<vmem>>
    %dma_wait3A_515 = tpu.memref_squeeze %dma_wait3A_514 : memref<1x1x32x128xf32, #tpu.memory_space<vmem>> -> memref<32x128xf32, #tpu.memory_space<vmem>>
    %dma_wait3A_516 = arith.constant 0 : i32
    %dma_wait3A_517 = arith.constant 0 : i32
    %dma_wait3A_518 = tpu.memref_slice %arg5[%dma_wait3A_516, %dma_wait3A_517] : memref<32x1000000xf32, #tpu.memory_space<hbm>> -> memref<32x128xf32, #tpu.memory_space<hbm>>
    tpu.wait_dma2 semaphore(%dma_wait3A_511 : memref<!tpu.dma_semaphore, #tpu.memory_space<semaphore_mem>>) src(%dma_wait3A_518 : memref<32x128xf32, #tpu.memory_space<hbm>>) dst(%dma_wait3A_515 : memref<32x128xf32, #tpu.memory_space<vmem>>)
    %broadcast_in_dim3A_519 = arith.constant 3 : i32
    %broadcast_in_dim3A_520 = vector.broadcast %broadcast_in_dim3A_519 : i32 to vector<16xi32>
    %slice3A_521 = vector.extract_strided_slice %get3A_15 {offsets = [14], sizes = [1], strides = [1]} : vector<16xi32> to vector<1xi32>
    %squeeze3A_522 = vector.extract %slice3A_521[0] : i32 from vector<1xi32>
    %and3A_523 = arith.constant 127 : i32
    %and3A_524 = arith.andi %squeeze3A_522, %and3A_523 : i32
    %broadcast_in_dim3A_525 = vector.broadcast %and3A_524 : i32 to vector<16xi32>
    %broadcast_in_dim3A_526 = arith.constant 0 : i32
    %broadcast_in_dim3A_527 = vector.broadcast %broadcast_in_dim3A_526 : i32 to vector<16xi32>
    %gather3A_528 = tpu.vector_load_idx %arg12[%broadcast_in_dim3A_520, %broadcast_in_dim3A_527, %iota3A, %broadcast_in_dim3A_525] : memref<4x2x32x128xf32, #tpu.memory_space<vmem>>[vector<16xi32>, vector<16xi32>, vector<16xi32>, vector<16xi32>], vector<16xf32>,
    %add3A_529 = arith.constant 16 : i32
    %add3A_530 = vector.broadcast %add3A_529 : i32 to vector<16xi32>
    %add3A_531 = arith.addi %add3A_530, %iota3A : vector<16xi32>
    %gather3A_532 = tpu.vector_load_idx %arg12[%broadcast_in_dim3A_520, %broadcast_in_dim3A_527, %add3A_531, %broadcast_in_dim3A_525] : memref<4x2x32x128xf32, #tpu.memory_space<vmem>>[vector<16xi32>, vector<16xi32>, vector<16xi32>, vector<16xi32>], vector<16xf32>,
    %mul3A_533 = arith.constant 512 : i32
    %mul3A_534 = vector.broadcast %mul3A_533 : i32 to vector<16xi32>
    %mul3A_535 = arith.muli %iota3A, %mul3A_534 : vector<16xi32>
    %add3A_536 = arith.constant 510 : i32
    %add3A_537 = vector.broadcast %add3A_536 : i32 to vector<16xi32>
    %add3A_538 = arith.addi %mul3A_535, %add3A_537 : vector<16xi32>
    tpu.vector_store_idx %arg10[%add3A_538], %gather3A_528 : memref<16384xf32, #tpu.memory_space<vmem>>[vector<16xi32>], vector<16xf32>,
    %add3A_539 = arith.constant 16 : i32
    %add3A_540 = vector.broadcast %add3A_539 : i32 to vector<16xi32>
    %add3A_541 = arith.addi %add3A_540, %iota3A : vector<16xi32>
    %mul3A_542 = arith.constant 512 : i32
    %mul3A_543 = vector.broadcast %mul3A_542 : i32 to vector<16xi32>
    %mul3A_544 = arith.muli %add3A_541, %mul3A_543 : vector<16xi32>
    %add3A_545 = arith.constant 510 : i32
    %add3A_546 = vector.broadcast %add3A_545 : i32 to vector<16xi32>
    %add3A_547 = arith.addi %mul3A_544, %add3A_546 : vector<16xi32>
    tpu.vector_store_idx %arg10[%add3A_547], %gather3A_532 : memref<16384xf32, #tpu.memory_space<vmem>>[vector<16xi32>], vector<16xf32>,
    %slice3A_548 = vector.extract_strided_slice %get3A_15 {offsets = [15], sizes = [1], strides = [1]} : vector<16xi32> to vector<1xi32>
    %squeeze3A_549 = vector.extract %slice3A_548[0] : i32 from vector<1xi32>
    %and3A_550 = arith.constant 127 : i32
    %and3A_551 = arith.andi %squeeze3A_549, %and3A_550 : i32
    %broadcast_in_dim3A_552 = vector.broadcast %and3A_551 : i32 to vector<16xi32>
    %broadcast_in_dim3A_553 = arith.constant 1 : i32
    %broadcast_in_dim3A_554 = vector.broadcast %broadcast_in_dim3A_553 : i32 to vector<16xi32>
    %gather3A_555 = tpu.vector_load_idx %arg12[%broadcast_in_dim3A_520, %broadcast_in_dim3A_554, %iota3A, %broadcast_in_dim3A_552] : memref<4x2x32x128xf32, #tpu.memory_space<vmem>>[vector<16xi32>, vector<16xi32>, vector<16xi32>, vector<16xi32>], vector<16xf32>,
    %add3A_556 = arith.constant 16 : i32
    %add3A_557 = vector.broadcast %add3A_556 : i32 to vector<16xi32>
    %add3A_558 = arith.addi %add3A_557, %iota3A : vector<16xi32>
    %gather3A_559 = tpu.vector_load_idx %arg12[%broadcast_in_dim3A_520, %broadcast_in_dim3A_554, %add3A_558, %broadcast_in_dim3A_552] : memref<4x2x32x128xf32, #tpu.memory_space<vmem>>[vector<16xi32>, vector<16xi32>, vector<16xi32>, vector<16xi32>], vector<16xf32>,
    %mul3A_560 = arith.constant 512 : i32
    %mul3A_561 = vector.broadcast %mul3A_560 : i32 to vector<16xi32>
    %mul3A_562 = arith.muli %iota3A, %mul3A_561 : vector<16xi32>
    %add3A_563 = arith.constant 511 : i32
    %add3A_564 = vector.broadcast %add3A_563 : i32 to vector<16xi32>
    %add3A_565 = arith.addi %mul3A_562, %add3A_564 : vector<16xi32>
    tpu.vector_store_idx %arg10[%add3A_565], %gather3A_555 : memref<16384xf32, #tpu.memory_space<vmem>>[vector<16xi32>], vector<16xf32>,
    %add3A_566 = arith.constant 16 : i32
    %add3A_567 = vector.broadcast %add3A_566 : i32 to vector<16xi32>
    %add3A_568 = arith.addi %add3A_567, %iota3A : vector<16xi32>
    %mul3A_569 = arith.constant 512 : i32
    %mul3A_570 = vector.broadcast %mul3A_569 : i32 to vector<16xi32>
    %mul3A_571 = arith.muli %add3A_568, %mul3A_570 : vector<16xi32>
    %add3A_572 = arith.constant 511 : i32
    %add3A_573 = vector.broadcast %add3A_572 : i32 to vector<16xi32>
    %add3A_574 = arith.addi %mul3A_571, %add3A_573 : vector<16xi32>
    tpu.vector_store_idx %arg10[%add3A_574], %gather3A_559 : memref<16384xf32, #tpu.memory_space<vmem>>[vector<16xi32>], vector<16xf32>,
    %scan3A_575 = arith.constant 0 : i32
    %scan3A_576 = arith.constant 32 : i32
    %scan3A_577 = arith.addi %scan3A_575, %scan3A_576 : i32
    %scan3A_578 = arith.constant 1 : i32
    scf.for %scan3A_584 = %scan3A_575 to %scan3A_577 step %scan3A_578  : i32 {
      %mul3A_585 = arith.constant 1 : i32
      %mul3A_586 = arith.muli %scan3A_584, %mul3A_585 : i32
      %add3A_587 = arith.constant 0 : i32
      %add3A_588 = arith.addi %add3A_587, %mul3A_586 : i32
      %mul3A_589 = arith.constant 16 : i32
      %mul3A_590 = arith.muli %add3A_588, %mul3A_589 : i32
      %broadcast_in_dim3A_591 = arith.constant 0.000000e+00 : f32
      %broadcast_in_dim3A_592 = vector.broadcast %broadcast_in_dim3A_591 : f32 to vector<16xf32>
      %add3A_593 = arith.constant 0 : i32
      %add3A_594 = arith.addi %add3A_593, %mul3A_590 : i32
      %get3A_595 = arith.index_cast %add3A_594 : i32 to index
      %get3A_596 = tpu.vector_load %arg9[%get3A_595] {strides = array<i32>} : memref<16384xf32, #tpu.memory_space<vmem>>, vector<16xf32>,
      %add3A_597 = arith.constant 0 : i32
      %add3A_598 = arith.addi %add3A_597, %mul3A_590 : i32
      %get3A_599 = arith.index_cast %add3A_598 : i32 to index
      %get3A_600 = tpu.vector_load %arg10[%get3A_599] {strides = array<i32>} : memref<16384xf32, #tpu.memory_space<vmem>>, vector<16xf32>,
      %mul3A_601 = arith.mulf %get3A_596, %get3A_600 : vector<16xf32>
      %add3A_602 = arith.addf %broadcast_in_dim3A_592, %mul3A_601 : vector<16xf32>
      %add3A_603 = arith.constant 512 : i32
      %add3A_604 = arith.addi %add3A_603, %mul3A_590 : i32
      %get3A_605 = arith.index_cast %add3A_604 : i32 to index
      %get3A_606 = tpu.vector_load %arg9[%get3A_605] {strides = array<i32>} : memref<16384xf32, #tpu.memory_space<vmem>>, vector<16xf32>,
      %add3A_607 = arith.constant 512 : i32
      %add3A_608 = arith.addi %add3A_607, %mul3A_590 : i32
      %get3A_609 = arith.index_cast %add3A_608 : i32 to index
      %get3A_610 = tpu.vector_load %arg10[%get3A_609] {strides = array<i32>} : memref<16384xf32, #tpu.memory_space<vmem>>, vector<16xf32>,
      %mul3A_611 = arith.mulf %get3A_606, %get3A_610 : vector<16xf32>
      %add3A_612 = arith.addf %add3A_602, %mul3A_611 : vector<16xf32>
      %add3A_613 = arith.constant 1024 : i32
      %add3A_614 = arith.addi %add3A_613, %mul3A_590 : i32
      %get3A_615 = arith.index_cast %add3A_614 : i32 to index
      %get3A_616 = tpu.vector_load %arg9[%get3A_615] {strides = array<i32>} : memref<16384xf32, #tpu.memory_space<vmem>>, vector<16xf32>,
      %add3A_617 = arith.constant 1024 : i32
      %add3A_618 = arith.addi %add3A_617, %mul3A_590 : i32
      %get3A_619 = arith.index_cast %add3A_618 : i32 to index
      %get3A_620 = tpu.vector_load %arg10[%get3A_619] {strides = array<i32>} : memref<16384xf32, #tpu.memory_space<vmem>>, vector<16xf32>,
      %mul3A_621 = arith.mulf %get3A_616, %get3A_620 : vector<16xf32>
      %add3A_622 = arith.addf %add3A_612, %mul3A_621 : vector<16xf32>
      %add3A_623 = arith.constant 1536 : i32
      %add3A_624 = arith.addi %add3A_623, %mul3A_590 : i32
      %get3A_625 = arith.index_cast %add3A_624 : i32 to index
      %get3A_626 = tpu.vector_load %arg9[%get3A_625] {strides = array<i32>} : memref<16384xf32, #tpu.memory_space<vmem>>, vector<16xf32>,
      %add3A_627 = arith.constant 1536 : i32
      %add3A_628 = arith.addi %add3A_627, %mul3A_590 : i32
      %get3A_629 = arith.index_cast %add3A_628 : i32 to index
      %get3A_630 = tpu.vector_load %arg10[%get3A_629] {strides = array<i32>} : memref<16384xf32, #tpu.memory_space<vmem>>, vector<16xf32>,
      %mul3A_631 = arith.mulf %get3A_626, %get3A_630 : vector<16xf32>
      %add3A_632 = arith.addf %add3A_622, %mul3A_631 : vector<16xf32>
      %add3A_633 = arith.constant 2048 : i32
      %add3A_634 = arith.addi %add3A_633, %mul3A_590 : i32
      %get3A_635 = arith.index_cast %add3A_634 : i32 to index
      %get3A_636 = tpu.vector_load %arg9[%get3A_635] {strides = array<i32>} : memref<16384xf32, #tpu.memory_space<vmem>>, vector<16xf32>,
      %add3A_637 = arith.constant 2048 : i32
      %add3A_638 = arith.addi %add3A_637, %mul3A_590 : i32
      %get3A_639 = arith.index_cast %add3A_638 : i32 to index
      %get3A_640 = tpu.vector_load %arg10[%get3A_639] {strides = array<i32>} : memref<16384xf32, #tpu.memory_space<vmem>>, vector<16xf32>,
      %mul3A_641 = arith.mulf %get3A_636, %get3A_640 : vector<16xf32>
      %add3A_642 = arith.addf %add3A_632, %mul3A_641 : vector<16xf32>
      %add3A_643 = arith.constant 2560 : i32
      %add3A_644 = arith.addi %add3A_643, %mul3A_590 : i32
      %get3A_645 = arith.index_cast %add3A_644 : i32 to index
      %get3A_646 = tpu.vector_load %arg9[%get3A_645] {strides = array<i32>} : memref<16384xf32, #tpu.memory_space<vmem>>, vector<16xf32>,
      %add3A_647 = arith.constant 2560 : i32
      %add3A_648 = arith.addi %add3A_647, %mul3A_590 : i32
      %get3A_649 = arith.index_cast %add3A_648 : i32 to index
      %get3A_650 = tpu.vector_load %arg10[%get3A_649] {strides = array<i32>} : memref<16384xf32, #tpu.memory_space<vmem>>, vector<16xf32>,
      %mul3A_651 = arith.mulf %get3A_646, %get3A_650 : vector<16xf32>
      %add3A_652 = arith.addf %add3A_642, %mul3A_651 : vector<16xf32>
      %add3A_653 = arith.constant 3072 : i32
      %add3A_654 = arith.addi %add3A_653, %mul3A_590 : i32
      %get3A_655 = arith.index_cast %add3A_654 : i32 to index
      %get3A_656 = tpu.vector_load %arg9[%get3A_655] {strides = array<i32>} : memref<16384xf32, #tpu.memory_space<vmem>>, vector<16xf32>,
      %add3A_657 = arith.constant 3072 : i32
      %add3A_658 = arith.addi %add3A_657, %mul3A_590 : i32
      %get3A_659 = arith.index_cast %add3A_658 : i32 to index
      %get3A_660 = tpu.vector_load %arg10[%get3A_659] {strides = array<i32>} : memref<16384xf32, #tpu.memory_space<vmem>>, vector<16xf32>,
      %mul3A_661 = arith.mulf %get3A_656, %get3A_660 : vector<16xf32>
      %add3A_662 = arith.addf %add3A_652, %mul3A_661 : vector<16xf32>
      %add3A_663 = arith.constant 3584 : i32
      %add3A_664 = arith.addi %add3A_663, %mul3A_590 : i32
      %get3A_665 = arith.index_cast %add3A_664 : i32 to index
      %get3A_666 = tpu.vector_load %arg9[%get3A_665] {strides = array<i32>} : memref<16384xf32, #tpu.memory_space<vmem>>, vector<16xf32>,
      %add3A_667 = arith.constant 3584 : i32
      %add3A_668 = arith.addi %add3A_667, %mul3A_590 : i32
      %get3A_669 = arith.index_cast %add3A_668 : i32 to index
      %get3A_670 = tpu.vector_load %arg10[%get3A_669] {strides = array<i32>} : memref<16384xf32, #tpu.memory_space<vmem>>, vector<16xf32>,
      %mul3A_671 = arith.mulf %get3A_666, %get3A_670 : vector<16xf32>
      %add3A_672 = arith.addf %add3A_662, %mul3A_671 : vector<16xf32>
      %add3A_673 = arith.constant 4096 : i32
      %add3A_674 = arith.addi %add3A_673, %mul3A_590 : i32
      %get3A_675 = arith.index_cast %add3A_674 : i32 to index
      %get3A_676 = tpu.vector_load %arg9[%get3A_675] {strides = array<i32>} : memref<16384xf32, #tpu.memory_space<vmem>>, vector<16xf32>,
      %add3A_677 = arith.constant 4096 : i32
      %add3A_678 = arith.addi %add3A_677, %mul3A_590 : i32
      %get3A_679 = arith.index_cast %add3A_678 : i32 to index
      %get3A_680 = tpu.vector_load %arg10[%get3A_679] {strides = array<i32>} : memref<16384xf32, #tpu.memory_space<vmem>>, vector<16xf32>,
      %mul3A_681 = arith.mulf %get3A_676, %get3A_680 : vector<16xf32>
      %add3A_682 = arith.addf %add3A_672, %mul3A_681 : vector<16xf32>
      %add3A_683 = arith.constant 4608 : i32
      %add3A_684 = arith.addi %add3A_683, %mul3A_590 : i32
      %get3A_685 = arith.index_cast %add3A_684 : i32 to index
      %get3A_686 = tpu.vector_load %arg9[%get3A_685] {strides = array<i32>} : memref<16384xf32, #tpu.memory_space<vmem>>, vector<16xf32>,
      %add3A_687 = arith.constant 4608 : i32
      %add3A_688 = arith.addi %add3A_687, %mul3A_590 : i32
      %get3A_689 = arith.index_cast %add3A_688 : i32 to index
      %get3A_690 = tpu.vector_load %arg10[%get3A_689] {strides = array<i32>} : memref<16384xf32, #tpu.memory_space<vmem>>, vector<16xf32>,
      %mul3A_691 = arith.mulf %get3A_686, %get3A_690 : vector<16xf32>
      %add3A_692 = arith.addf %add3A_682, %mul3A_691 : vector<16xf32>
      %add3A_693 = arith.constant 5120 : i32
      %add3A_694 = arith.addi %add3A_693, %mul3A_590 : i32
      %get3A_695 = arith.index_cast %add3A_694 : i32 to index
      %get3A_696 = tpu.vector_load %arg9[%get3A_695] {strides = array<i32>} : memref<16384xf32, #tpu.memory_space<vmem>>, vector<16xf32>,
      %add3A_697 = arith.constant 5120 : i32
      %add3A_698 = arith.addi %add3A_697, %mul3A_590 : i32
      %get3A_699 = arith.index_cast %add3A_698 : i32 to index
      %get3A_700 = tpu.vector_load %arg10[%get3A_699] {strides = array<i32>} : memref<16384xf32, #tpu.memory_space<vmem>>, vector<16xf32>,
      %mul3A_701 = arith.mulf %get3A_696, %get3A_700 : vector<16xf32>
      %add3A_702 = arith.addf %add3A_692, %mul3A_701 : vector<16xf32>
      %add3A_703 = arith.constant 5632 : i32
      %add3A_704 = arith.addi %add3A_703, %mul3A_590 : i32
      %get3A_705 = arith.index_cast %add3A_704 : i32 to index
      %get3A_706 = tpu.vector_load %arg9[%get3A_705] {strides = array<i32>} : memref<16384xf32, #tpu.memory_space<vmem>>, vector<16xf32>,
      %add3A_707 = arith.constant 5632 : i32
      %add3A_708 = arith.addi %add3A_707, %mul3A_590 : i32
      %get3A_709 = arith.index_cast %add3A_708 : i32 to index
      %get3A_710 = tpu.vector_load %arg10[%get3A_709] {strides = array<i32>} : memref<16384xf32, #tpu.memory_space<vmem>>, vector<16xf32>,
      %mul3A_711 = arith.mulf %get3A_706, %get3A_710 : vector<16xf32>
      %add3A_712 = arith.addf %add3A_702, %mul3A_711 : vector<16xf32>
      %add3A_713 = arith.constant 6144 : i32
      %add3A_714 = arith.addi %add3A_713, %mul3A_590 : i32
      %get3A_715 = arith.index_cast %add3A_714 : i32 to index
      %get3A_716 = tpu.vector_load %arg9[%get3A_715] {strides = array<i32>} : memref<16384xf32, #tpu.memory_space<vmem>>, vector<16xf32>,
      %add3A_717 = arith.constant 6144 : i32
      %add3A_718 = arith.addi %add3A_717, %mul3A_590 : i32
      %get3A_719 = arith.index_cast %add3A_718 : i32 to index
      %get3A_720 = tpu.vector_load %arg10[%get3A_719] {strides = array<i32>} : memref<16384xf32, #tpu.memory_space<vmem>>, vector<16xf32>,
      %mul3A_721 = arith.mulf %get3A_716, %get3A_720 : vector<16xf32>
      %add3A_722 = arith.addf %add3A_712, %mul3A_721 : vector<16xf32>
      %add3A_723 = arith.constant 6656 : i32
      %add3A_724 = arith.addi %add3A_723, %mul3A_590 : i32
      %get3A_725 = arith.index_cast %add3A_724 : i32 to index
      %get3A_726 = tpu.vector_load %arg9[%get3A_725] {strides = array<i32>} : memref<16384xf32, #tpu.memory_space<vmem>>, vector<16xf32>,
      %add3A_727 = arith.constant 6656 : i32
      %add3A_728 = arith.addi %add3A_727, %mul3A_590 : i32
      %get3A_729 = arith.index_cast %add3A_728 : i32 to index
      %get3A_730 = tpu.vector_load %arg10[%get3A_729] {strides = array<i32>} : memref<16384xf32, #tpu.memory_space<vmem>>, vector<16xf32>,
      %mul3A_731 = arith.mulf %get3A_726, %get3A_730 : vector<16xf32>
      %add3A_732 = arith.addf %add3A_722, %mul3A_731 : vector<16xf32>
      %add3A_733 = arith.constant 7168 : i32
      %add3A_734 = arith.addi %add3A_733, %mul3A_590 : i32
      %get3A_735 = arith.index_cast %add3A_734 : i32 to index
      %get3A_736 = tpu.vector_load %arg9[%get3A_735] {strides = array<i32>} : memref<16384xf32, #tpu.memory_space<vmem>>, vector<16xf32>,
      %add3A_737 = arith.constant 7168 : i32
      %add3A_738 = arith.addi %add3A_737, %mul3A_590 : i32
      %get3A_739 = arith.index_cast %add3A_738 : i32 to index
      %get3A_740 = tpu.vector_load %arg10[%get3A_739] {strides = array<i32>} : memref<16384xf32, #tpu.memory_space<vmem>>, vector<16xf32>,
      %mul3A_741 = arith.mulf %get3A_736, %get3A_740 : vector<16xf32>
      %add3A_742 = arith.addf %add3A_732, %mul3A_741 : vector<16xf32>
      %add3A_743 = arith.constant 7680 : i32
      %add3A_744 = arith.addi %add3A_743, %mul3A_590 : i32
      %get3A_745 = arith.index_cast %add3A_744 : i32 to index
      %get3A_746 = tpu.vector_load %arg9[%get3A_745] {strides = array<i32>} : memref<16384xf32, #tpu.memory_space<vmem>>, vector<16xf32>,
      %add3A_747 = arith.constant 7680 : i32
      %add3A_748 = arith.addi %add3A_747, %mul3A_590 : i32
      %get3A_749 = arith.index_cast %add3A_748 : i32 to index
      %get3A_750 = tpu.vector_load %arg10[%get3A_749] {strides = array<i32>} : memref<16384xf32, #tpu.memory_space<vmem>>, vector<16xf32>,
      %mul3A_751 = arith.mulf %get3A_746, %get3A_750 : vector<16xf32>
      %add3A_752 = arith.addf %add3A_742, %mul3A_751 : vector<16xf32>
      %add3A_753 = arith.constant 8192 : i32
      %add3A_754 = arith.addi %add3A_753, %mul3A_590 : i32
      %get3A_755 = arith.index_cast %add3A_754 : i32 to index
      %get3A_756 = tpu.vector_load %arg9[%get3A_755] {strides = array<i32>} : memref<16384xf32, #tpu.memory_space<vmem>>, vector<16xf32>,
      %add3A_757 = arith.constant 8192 : i32
      %add3A_758 = arith.addi %add3A_757, %mul3A_590 : i32
      %get3A_759 = arith.index_cast %add3A_758 : i32 to index
      %get3A_760 = tpu.vector_load %arg10[%get3A_759] {strides = array<i32>} : memref<16384xf32, #tpu.memory_space<vmem>>, vector<16xf32>,
      %mul3A_761 = arith.mulf %get3A_756, %get3A_760 : vector<16xf32>
      %add3A_762 = arith.addf %add3A_752, %mul3A_761 : vector<16xf32>
      %add3A_763 = arith.constant 8704 : i32
      %add3A_764 = arith.addi %add3A_763, %mul3A_590 : i32
      %get3A_765 = arith.index_cast %add3A_764 : i32 to index
      %get3A_766 = tpu.vector_load %arg9[%get3A_765] {strides = array<i32>} : memref<16384xf32, #tpu.memory_space<vmem>>, vector<16xf32>,
      %add3A_767 = arith.constant 8704 : i32
      %add3A_768 = arith.addi %add3A_767, %mul3A_590 : i32
      %get3A_769 = arith.index_cast %add3A_768 : i32 to index
      %get3A_770 = tpu.vector_load %arg10[%get3A_769] {strides = array<i32>} : memref<16384xf32, #tpu.memory_space<vmem>>, vector<16xf32>,
      %mul3A_771 = arith.mulf %get3A_766, %get3A_770 : vector<16xf32>
      %add3A_772 = arith.addf %add3A_762, %mul3A_771 : vector<16xf32>
      %add3A_773 = arith.constant 9216 : i32
      %add3A_774 = arith.addi %add3A_773, %mul3A_590 : i32
      %get3A_775 = arith.index_cast %add3A_774 : i32 to index
      %get3A_776 = tpu.vector_load %arg9[%get3A_775] {strides = array<i32>} : memref<16384xf32, #tpu.memory_space<vmem>>, vector<16xf32>,
      %add3A_777 = arith.constant 9216 : i32
      %add3A_778 = arith.addi %add3A_777, %mul3A_590 : i32
      %get3A_779 = arith.index_cast %add3A_778 : i32 to index
      %get3A_780 = tpu.vector_load %arg10[%get3A_779] {strides = array<i32>} : memref<16384xf32, #tpu.memory_space<vmem>>, vector<16xf32>,
      %mul3A_781 = arith.mulf %get3A_776, %get3A_780 : vector<16xf32>
      %add3A_782 = arith.addf %add3A_772, %mul3A_781 : vector<16xf32>
      %add3A_783 = arith.constant 9728 : i32
      %add3A_784 = arith.addi %add3A_783, %mul3A_590 : i32
      %get3A_785 = arith.index_cast %add3A_784 : i32 to index
      %get3A_786 = tpu.vector_load %arg9[%get3A_785] {strides = array<i32>} : memref<16384xf32, #tpu.memory_space<vmem>>, vector<16xf32>,
      %add3A_787 = arith.constant 9728 : i32
      %add3A_788 = arith.addi %add3A_787, %mul3A_590 : i32
      %get3A_789 = arith.index_cast %add3A_788 : i32 to index
      %get3A_790 = tpu.vector_load %arg10[%get3A_789] {strides = array<i32>} : memref<16384xf32, #tpu.memory_space<vmem>>, vector<16xf32>,
      %mul3A_791 = arith.mulf %get3A_786, %get3A_790 : vector<16xf32>
      %add3A_792 = arith.addf %add3A_782, %mul3A_791 : vector<16xf32>
      %add3A_793 = arith.constant 10240 : i32
      %add3A_794 = arith.addi %add3A_793, %mul3A_590 : i32
      %get3A_795 = arith.index_cast %add3A_794 : i32 to index
      %get3A_796 = tpu.vector_load %arg9[%get3A_795] {strides = array<i32>} : memref<16384xf32, #tpu.memory_space<vmem>>, vector<16xf32>,
      %add3A_797 = arith.constant 10240 : i32
      %add3A_798 = arith.addi %add3A_797, %mul3A_590 : i32
      %get3A_799 = arith.index_cast %add3A_798 : i32 to index
      %get3A_800 = tpu.vector_load %arg10[%get3A_799] {strides = array<i32>} : memref<16384xf32, #tpu.memory_space<vmem>>, vector<16xf32>,
      %mul3A_801 = arith.mulf %get3A_796, %get3A_800 : vector<16xf32>
      %add3A_802 = arith.addf %add3A_792, %mul3A_801 : vector<16xf32>
      %add3A_803 = arith.constant 10752 : i32
      %add3A_804 = arith.addi %add3A_803, %mul3A_590 : i32
      %get3A_805 = arith.index_cast %add3A_804 : i32 to index
      %get3A_806 = tpu.vector_load %arg9[%get3A_805] {strides = array<i32>} : memref<16384xf32, #tpu.memory_space<vmem>>, vector<16xf32>,
      %add3A_807 = arith.constant 10752 : i32
      %add3A_808 = arith.addi %add3A_807, %mul3A_590 : i32
      %get3A_809 = arith.index_cast %add3A_808 : i32 to index
      %get3A_810 = tpu.vector_load %arg10[%get3A_809] {strides = array<i32>} : memref<16384xf32, #tpu.memory_space<vmem>>, vector<16xf32>,
      %mul3A_811 = arith.mulf %get3A_806, %get3A_810 : vector<16xf32>
      %add3A_812 = arith.addf %add3A_802, %mul3A_811 : vector<16xf32>
      %add3A_813 = arith.constant 11264 : i32
      %add3A_814 = arith.addi %add3A_813, %mul3A_590 : i32
      %get3A_815 = arith.index_cast %add3A_814 : i32 to index
      %get3A_816 = tpu.vector_load %arg9[%get3A_815] {strides = array<i32>} : memref<16384xf32, #tpu.memory_space<vmem>>, vector<16xf32>,
      %add3A_817 = arith.constant 11264 : i32
      %add3A_818 = arith.addi %add3A_817, %mul3A_590 : i32
      %get3A_819 = arith.index_cast %add3A_818 : i32 to index
      %get3A_820 = tpu.vector_load %arg10[%get3A_819] {strides = array<i32>} : memref<16384xf32, #tpu.memory_space<vmem>>, vector<16xf32>,
      %mul3A_821 = arith.mulf %get3A_816, %get3A_820 : vector<16xf32>
      %add3A_822 = arith.addf %add3A_812, %mul3A_821 : vector<16xf32>
      %add3A_823 = arith.constant 11776 : i32
      %add3A_824 = arith.addi %add3A_823, %mul3A_590 : i32
      %get3A_825 = arith.index_cast %add3A_824 : i32 to index
      %get3A_826 = tpu.vector_load %arg9[%get3A_825] {strides = array<i32>} : memref<16384xf32, #tpu.memory_space<vmem>>, vector<16xf32>,
      %add3A_827 = arith.constant 11776 : i32
      %add3A_828 = arith.addi %add3A_827, %mul3A_590 : i32
      %get3A_829 = arith.index_cast %add3A_828 : i32 to index
      %get3A_830 = tpu.vector_load %arg10[%get3A_829] {strides = array<i32>} : memref<16384xf32, #tpu.memory_space<vmem>>, vector<16xf32>,
      %mul3A_831 = arith.mulf %get3A_826, %get3A_830 : vector<16xf32>
      %add3A_832 = arith.addf %add3A_822, %mul3A_831 : vector<16xf32>
      %add3A_833 = arith.constant 12288 : i32
      %add3A_834 = arith.addi %add3A_833, %mul3A_590 : i32
      %get3A_835 = arith.index_cast %add3A_834 : i32 to index
      %get3A_836 = tpu.vector_load %arg9[%get3A_835] {strides = array<i32>} : memref<16384xf32, #tpu.memory_space<vmem>>, vector<16xf32>,
      %add3A_837 = arith.constant 12288 : i32
      %add3A_838 = arith.addi %add3A_837, %mul3A_590 : i32
      %get3A_839 = arith.index_cast %add3A_838 : i32 to index
      %get3A_840 = tpu.vector_load %arg10[%get3A_839] {strides = array<i32>} : memref<16384xf32, #tpu.memory_space<vmem>>, vector<16xf32>,
      %mul3A_841 = arith.mulf %get3A_836, %get3A_840 : vector<16xf32>
      %add3A_842 = arith.addf %add3A_832, %mul3A_841 : vector<16xf32>
      %add3A_843 = arith.constant 12800 : i32
      %add3A_844 = arith.addi %add3A_843, %mul3A_590 : i32
      %get3A_845 = arith.index_cast %add3A_844 : i32 to index
      %get3A_846 = tpu.vector_load %arg9[%get3A_845] {strides = array<i32>} : memref<16384xf32, #tpu.memory_space<vmem>>, vector<16xf32>,
      %add3A_847 = arith.constant 12800 : i32
      %add3A_848 = arith.addi %add3A_847, %mul3A_590 : i32
      %get3A_849 = arith.index_cast %add3A_848 : i32 to index
      %get3A_850 = tpu.vector_load %arg10[%get3A_849] {strides = array<i32>} : memref<16384xf32, #tpu.memory_space<vmem>>, vector<16xf32>,
      %mul3A_851 = arith.mulf %get3A_846, %get3A_850 : vector<16xf32>
      %add3A_852 = arith.addf %add3A_842, %mul3A_851 : vector<16xf32>
      %add3A_853 = arith.constant 13312 : i32
      %add3A_854 = arith.addi %add3A_853, %mul3A_590 : i32
      %get3A_855 = arith.index_cast %add3A_854 : i32 to index
      %get3A_856 = tpu.vector_load %arg9[%get3A_855] {strides = array<i32>} : memref<16384xf32, #tpu.memory_space<vmem>>, vector<16xf32>,
      %add3A_857 = arith.constant 13312 : i32
      %add3A_858 = arith.addi %add3A_857, %mul3A_590 : i32
      %get3A_859 = arith.index_cast %add3A_858 : i32 to index
      %get3A_860 = tpu.vector_load %arg10[%get3A_859] {strides = array<i32>} : memref<16384xf32, #tpu.memory_space<vmem>>, vector<16xf32>,
      %mul3A_861 = arith.mulf %get3A_856, %get3A_860 : vector<16xf32>
      %add3A_862 = arith.addf %add3A_852, %mul3A_861 : vector<16xf32>
      %add3A_863 = arith.constant 13824 : i32
      %add3A_864 = arith.addi %add3A_863, %mul3A_590 : i32
      %get3A_865 = arith.index_cast %add3A_864 : i32 to index
      %get3A_866 = tpu.vector_load %arg9[%get3A_865] {strides = array<i32>} : memref<16384xf32, #tpu.memory_space<vmem>>, vector<16xf32>,
      %add3A_867 = arith.constant 13824 : i32
      %add3A_868 = arith.addi %add3A_867, %mul3A_590 : i32
      %get3A_869 = arith.index_cast %add3A_868 : i32 to index
      %get3A_870 = tpu.vector_load %arg10[%get3A_869] {strides = array<i32>} : memref<16384xf32, #tpu.memory_space<vmem>>, vector<16xf32>,
      %mul3A_871 = arith.mulf %get3A_866, %get3A_870 : vector<16xf32>
      %add3A_872 = arith.addf %add3A_862, %mul3A_871 : vector<16xf32>
      %add3A_873 = arith.constant 14336 : i32
      %add3A_874 = arith.addi %add3A_873, %mul3A_590 : i32
      %get3A_875 = arith.index_cast %add3A_874 : i32 to index
      %get3A_876 = tpu.vector_load %arg9[%get3A_875] {strides = array<i32>} : memref<16384xf32, #tpu.memory_space<vmem>>, vector<16xf32>,
      %add3A_877 = arith.constant 14336 : i32
      %add3A_878 = arith.addi %add3A_877, %mul3A_590 : i32
      %get3A_879 = arith.index_cast %add3A_878 : i32 to index
      %get3A_880 = tpu.vector_load %arg10[%get3A_879] {strides = array<i32>} : memref<16384xf32, #tpu.memory_space<vmem>>, vector<16xf32>,
      %mul3A_881 = arith.mulf %get3A_876, %get3A_880 : vector<16xf32>
      %add3A_882 = arith.addf %add3A_872, %mul3A_881 : vector<16xf32>
      %add3A_883 = arith.constant 14848 : i32
      %add3A_884 = arith.addi %add3A_883, %mul3A_590 : i32
      %get3A_885 = arith.index_cast %add3A_884 : i32 to index
      %get3A_886 = tpu.vector_load %arg9[%get3A_885] {strides = array<i32>} : memref<16384xf32, #tpu.memory_space<vmem>>, vector<16xf32>,
      %add3A_887 = arith.constant 14848 : i32
      %add3A_888 = arith.addi %add3A_887, %mul3A_590 : i32
      %get3A_889 = arith.index_cast %add3A_888 : i32 to index
      %get3A_890 = tpu.vector_load %arg10[%get3A_889] {strides = array<i32>} : memref<16384xf32, #tpu.memory_space<vmem>>, vector<16xf32>,
      %mul3A_891 = arith.mulf %get3A_886, %get3A_890 : vector<16xf32>
      %add3A_892 = arith.addf %add3A_882, %mul3A_891 : vector<16xf32>
      %add3A_893 = arith.constant 15360 : i32
      %add3A_894 = arith.addi %add3A_893, %mul3A_590 : i32
      %get3A_895 = arith.index_cast %add3A_894 : i32 to index
      %get3A_896 = tpu.vector_load %arg9[%get3A_895] {strides = array<i32>} : memref<16384xf32, #tpu.memory_space<vmem>>, vector<16xf32>,
      %add3A_897 = arith.constant 15360 : i32
      %add3A_898 = arith.addi %add3A_897, %mul3A_590 : i32
      %get3A_899 = arith.index_cast %add3A_898 : i32 to index
      %get3A_900 = tpu.vector_load %arg10[%get3A_899] {strides = array<i32>} : memref<16384xf32, #tpu.memory_space<vmem>>, vector<16xf32>,
      %mul3A_901 = arith.mulf %get3A_896, %get3A_900 : vector<16xf32>
      %add3A_902 = arith.addf %add3A_892, %mul3A_901 : vector<16xf32>
      %add3A_903 = arith.constant 15872 : i32
      %add3A_904 = arith.addi %add3A_903, %mul3A_590 : i32
      %get3A_905 = arith.index_cast %add3A_904 : i32 to index
      %get3A_906 = tpu.vector_load %arg9[%get3A_905] {strides = array<i32>} : memref<16384xf32, #tpu.memory_space<vmem>>, vector<16xf32>,
      %add3A_907 = arith.constant 15872 : i32
      %add3A_908 = arith.addi %add3A_907, %mul3A_590 : i32
      %get3A_909 = arith.index_cast %add3A_908 : i32 to index
      %get3A_910 = tpu.vector_load %arg10[%get3A_909] {strides = array<i32>} : memref<16384xf32, #tpu.memory_space<vmem>>, vector<16xf32>,
      %mul3A_911 = arith.mulf %get3A_906, %get3A_910 : vector<16xf32>
      %add3A_912 = arith.addf %add3A_902, %mul3A_911 : vector<16xf32>
      %swap3A = arith.index_cast %mul3A_590 : i32 to index
      %swap3A_913 = tpu.vector_load %arg13[%swap3A] {strides = array<i32>} : memref<512xf32, #tpu.memory_space<vmem>>, vector<16xf32>,
      tpu.vector_store %arg13[%swap3A], %add3A_912 {strides = array<i32>} : memref<512xf32, #tpu.memory_space<vmem>>, vector<16xf32>,
    }
    %scan3A_579 = arith.constant 32 : i32
    %dma_start3A_580 = tpu.memref_slice %arg6[%mul3A_2] : memref<16384xf32, #tpu.memory_space<hbm>> -> memref<512xf32, #tpu.memory_space<hbm>>
    %dma_start3A_581 = tpu.memref_slice %arg6[%mul3A_2] : memref<16384xf32, #tpu.memory_space<hbm>> -> memref<512xf32, #tpu.memory_space<hbm>>
    tpu.enqueue_dma source(%arg13 : memref<512xf32, #tpu.memory_space<vmem>>) target(%dma_start3A_581 : memref<512xf32, #tpu.memory_space<hbm>>) target_semaphore(%arg16 : memref<!tpu.dma_semaphore, #tpu.memory_space<semaphore_mem>>)
    %dma_wait3A_582 = tpu.memref_slice %arg6[%mul3A_2] : memref<16384xf32, #tpu.memory_space<hbm>> -> memref<512xf32, #tpu.memory_space<hbm>>
    %dma_wait3A_583 = tpu.memref_slice %arg6[%mul3A_2] : memref<16384xf32, #tpu.memory_space<hbm>> -> memref<512xf32, #tpu.memory_space<hbm>>
    tpu.wait_dma2 semaphore(%arg16 : memref<!tpu.dma_semaphore, #tpu.memory_space<semaphore_mem>>) src(%arg13 : memref<512xf32, #tpu.memory_space<vmem>>) dst(%dma_wait3A_583 : memref<512xf32, #tpu.memory_space<hbm>>)
    return
  }
}

</mosaic_0001>

<sc_bundles>
// kernel: kernel.3.cloned.1.call-start
scs
__scs_entry_jumppad:
0x0: {  	(pc) =	sbr.rel $0x88, $3  }
0x1: {  	(tag) =	ssettag $0x0;
	lr =	simm.s32 $0x1  }
0x2: {  	[smem:$0x3F9E] =	sst lr;
	_ =	strace $0xD0000000  }
0x3: {  	_ = 	snop  }
0x4: {  	_ = 	snop  }
0x5: {  	_ = 	snop  }
0x6: {  	_ = 	snop  }
0x7: {  	_ = 	snop  }
__scs_overlays_trampoline_lowered:
0x8: {  	[smem:$0x3FAD] =	sst s0  }
0x9: {  	[smem:$0x3FAE] =	sst s1  }
0xa: {  	[smem:$0x3FAF] =	sst s2  }
0xb: {  	[smem:$0x3FB0] =	sst s3  }
0xc: {  	[smem:$0x3FB1] =	sst s4  }
0xd: {  	[smem:$0x3FB2] =	sst s5  }
0xe: {  	[smem:$0x3FB3] =	sst s6  }
0xf: {  	[smem:$0x3FB4] =	sst s7  }
0x10: {  	[smem:$0x3FB5] =	sst s8  }
0x11: {  	[smem:$0x3FB6] =	sst s9;
	s0 =	simm.s32 @!p0 $0x0  }
0x12: {  	s1 =	sld [smem:$0x3F9C];
	s0 =	simm.s32 @p0 $0x1  }
0x13: {  	[smem:$0x3FB7] =	sst s0;
	s0 =	simm.s32 @!p1 $0x0  }
0x14: {  	s2 =	sld [smem:$0x3F9B];
	s0 =	simm.s32 @p1 $0x1  }
0x15: {  	[smem:$0x3FB8] =	sst s0;
	s0 =	simm.s32 @!p2 $0x0  }
0x16: {  	s3 =	sld [smem:$0x3FDB];
	s0 =	simm.s32 @p2 $0x1  }
0x17: {  	s4 =	simm.s32 $0x1BF5;
	[smem:$0x3FBA] =	sst s0  }
0x18: {  	s0 =	sld [smem:$0x3F9D];
	_ =	swait.ge [sflag:s4], $0x0  }
0x19: {  	s7 =	sld [smem:$0x3F9E]  }
0x1a: {  	s8 =	sadd.s32 $0xFFFFE003, lr  }
0x1b: {  	s9 =	sadd.s32 $0xFFFFFEF7, lr;
	s5 =	simm.s32 $0xFFFFFFFF;
	p2 =	slt.u32 s8, $0xFFFFF086  }
0x1c: {  	p1 =	slt.u32 s9, $0xF7A;
	s5 =	simm.s32 @!p2 $0x0  }
0x1d: {  	s5 =	simm.s32 @p1 $0x1;
	p0 =	seq.s32 s7, s2  }
0x1e: {  	s7 =	smul.u32 @!p0 $0xF7A, s2;
	p2 =	seq.s32 @!p0 s5, $0x0  }
0x1f: {  	s9 =	smul.u32 $0xF7A, s1;
	s8 =	simm.s32 @!p0 $0x1BF5;
	p2 =	por !p2, p0  }
0x20: {  	[sflag:s8] =	ssyncset.s32 @!p0 $0xFFFFF086;
	s6 =	sadd.s32 @!p0 s3, s7;
	s7 =	simm.s32 @!p0 $0x108  }
0x21: {  	s3 =	sadd.s32 s3, s9;
	s6 =	sadd.s32 @!p0 $0x88, s6;
	s7 =	simm.s32 @p2 $0x1082  }
0x22: {  	[simem:s7], [sflag:s8] =	dma.local @!p0 [hbm:s6], $0xF7A  }
0x23: {  	s9 =	sor.u32 $0xD0000000, s2;
	s6 =	simm.s32 $0x108;
	_ =	swait.ge @!p0 [sflag:s8], $0x0  }
0x24: {  	s3 =	sadd.s32 $0x88, s3;
	s6 =	simm.s32 @!p1 $0x1082;
	[sflag:s4] =	ssyncset.s32 $0xFFFFF086  }
0x25: {  	[simem:s6], [sflag:s4] =	dma.local [hbm:s3], $0xF7A  }
0x26: {  	[smem:$0x3F9E] =	sst s1;
	(tag) =	ssettag s2;
	_ =	strace s9  }
0x27: {  	s1 =	sld [smem:$0x3FAE]  }
0x28: {  	s2 =	sld [smem:$0x3FAF]  }
0x29: {  	s4 =	sld [smem:$0x3FB1]  }
0x2a: {  	p0 =	seq.s32 s5, $0x0;
	s5 =	sld [smem:$0x3FB2]  }
0x2b: {  	s6 =	sld [smem:$0x3FB3]  }
0x2c: {  	s7 =	sld [smem:$0x3FB4]  }
0x2d: {  	s3 =	simm.s32 $0x108;
	s8 =	sld [smem:$0x3FB5]  }
0x2e: {  	s3 =	simm.s32 @!p0 $0x1082;
	s9 =	sld [smem:$0x3FB6]  }
0x2f: {  	lr =	sadd.s32 s0, s3;
	s0 =	sld [smem:$0x3FAD]  }
0x30: {  	s3 =	sld [smem:$0x3FB0]  }
0x31: {  	[smem:$0x3FB9] =	sst s10  }
0x32: {  	s10 =	sld [smem:$0x3FB7];
	_ =	sdelay $0x3  }
0x33: {  	p0 =	seq.s32 s10, $0x1;
	s10 =	sld [smem:$0x3FB9];
	_ =	sdelay $0x3  }
0x34: {  	[smem:$0x3FB9] =	sst s10  }
0x35: {  	s10 =	sld [smem:$0x3FB8];
	_ =	sdelay $0x3  }
0x36: {  	p1 =	seq.s32 s10, $0x1;
	s10 =	sld [smem:$0x3FB9];
	_ =	sdelay $0x3  }
0x37: {  	[smem:$0x3FB9] =	sst s10  }
0x38: {  	s10 =	sld [smem:$0x3FBA]  }
0x39: {  	_ = 	snop;
	(pc) =	sbr.ind lr, $3  }
0x3a: {  	_ = 	snop  }
0x3b: {  	_ = 	snop  }
0x3c: {  	p2 =	seq.s32 s10, $0x1;
	s10 =	sld [smem:$0x3FB9]  }
0x3d: {  	_ =	shalt  }
0x3e: {  	_ =	shalt  }
0x3f: {  	_ =	shalt  }
0x40: {  	_ =	shalt  }
0x41: {  	_ =	shalt  }
0x42: {  	_ =	shalt  }
0x43: {  	_ =	shalt  }
0x44: {  	_ =	shalt  }
0x45: {  	_ =	shalt  }
0x46: {  	_ =	shalt  }
0x47: {  	_ =	shalt  }
0x48: {  	_ =	shalt  }
0x49: {  	_ =	shalt  }
0x4a: {  	_ =	shalt  }
0x4b: {  	_ =	shalt  }
0x4c: {  	_ =	shalt  }
0x4d: {  	_ =	shalt  }
0x4e: {  	_ =	shalt  }
0x4f: {  	_ =	shalt  }
0x50: {  	_ =	shalt  }
0x51: {  	_ =	shalt  }
0x52: {  	_ =	shalt  }
0x53: {  	_ =	shalt  }
0x54: {  	_ =	shalt  }
0x55: {  	_ =	shalt  }
0x56: {  	_ =	shalt  }
0x57: {  	_ =	shalt  }
0x58: {  	_ =	shalt  }
0x59: {  	_ =	shalt  }
0x5a: {  	_ =	shalt  }
0x5b: {  	_ =	shalt  }
0x5c: {  	_ =	shalt  }
0x5d: {  	_ =	shalt  }
0x5e: {  	_ =	shalt  }
0x5f: {  	_ =	shalt  }
0x60: {  	_ =	shalt  }
0x61: {  	_ =	shalt  }
0x62: {  	_ =	shalt  }
0x63: {  	_ =	shalt  }
0x64: {  	_ =	shalt  }
0x65: {  	_ =	shalt  }
0x66: {  	_ =	shalt  }
0x67: {  	_ =	shalt  }
0x68: {  	_ =	shalt  }
0x69: {  	_ =	shalt  }
0x6a: {  	_ =	shalt  }
0x6b: {  	_ =	shalt  }
0x6c: {  	_ =	shalt  }
0x6d: {  	_ =	shalt  }
0x6e: {  	_ =	shalt  }
0x6f: {  	_ =	shalt  }
0x70: {  	_ =	shalt  }
0x71: {  	_ =	shalt  }
0x72: {  	_ =	shalt  }
0x73: {  	_ =	shalt  }
0x74: {  	_ =	shalt  }
0x75: {  	_ =	shalt  }
0x76: {  	_ =	shalt  }
0x77: {  	_ =	shalt  }
0x78: {  	_ =	shalt  }
0x79: {  	_ =	shalt  }
0x7a: {  	_ =	shalt  }
0x7b: {  	_ =	shalt  }
0x7c: {  	_ =	shalt  }
0x7d: {  	_ =	shalt  }
0x7e: {  	_ =	shalt  }
0x7f: {  	_ =	shalt  }
0x80: {  	_ =	shalt  }
0x81: {  	_ =	shalt  }
0x82: {  	_ =	shalt  }
0x83: {  	_ =	shalt  }
0x84: {  	_ =	shalt  }
0x85: {  	_ =	shalt  }
0x86: {  	_ =	shalt  }
0x87: {  	_ =	shalt  }
.Lfunc_end0:
.L_simem_size_0:
called_computation_lowered:
.L_overlay_start_0:
0x88: {  	s2 =	sld [smem:$0x3FD9]  }
0x89: {  	s3 =	sld [smem:$0x3FFE];
	_ =	sdelay $0x1  }
0x8a: {  	s1 =	srdreg.scid  }
0x8b: {  	s0 =	sand.u32 $0x1, s1  }
0x8c: {  	s17 =	sshll.u32 s0, $0xA;
	s2 =	sadd.s32 s3, s2  }
0x8d: {  	s2 =	sadd.s32 s2, s17  }
0x8e: {  	[smem:$0x3FC5] =	sst s2  }
0x8f: {  	_ = 	snop  }
0x90: {  	s2 =	sld [smem:$0x3FC8]  }
0x91: {  	s18 =	sld [smem:$0x3FC7]  }
0x92: {  	s4 =	sld [smem:$0x3FD0];
	(tm) =	ssettm $0x1  }
0x93: {  	s5 =	sld [smem:$0x3FFB];
	_ =	sdelay $0x3  }
0x94: {  	_ =	strace s5  }
0x95: {  	s5 =	sld [smem:$0x3FFC];
	_ =	sdelay $0x3  }
0x96: {  	_ =	strace s5  }
0x97: {  	s5 =	sld [smem:$0x3FFD];
	_ =	sdelay $0x3  }
0x98: {  	_ =	strace s5  }
0x99: {  	_ =	strace $0x8FFFFFFF  }
0x9a: {  	s19 =	sld [smem:$0x3FDB];
	_ =	sdelay $0x1  }
0x9b: {  	s6 =	simm.s32 $_scs_section_size  }
0x9c: {  	s7 =	simm.s32 $_size__tile_overlayer_lowered;
	s8 =	simm.s32 $_tile_overlayer_lowered  }
0x9d: {  	s22 =	simm.s32 $0x1BFF;
	s21 =	sshll.u32 s8, $0x1;
	s5 =	sadd.s32 s6, s19  }
0x9e: {  	s9 =	simm.s32 $0x0;
	s20 =	sshll.u32 s7, $0x1;
	s7 =	sadd.s32 s21, s5  }
0x9f: {  	[timem:s9], [sflag:s22] =	dma.local [hbm:s7], s20  }
0xa0: {  	_ =	swait.ge [sflag:s22], s20  }
0xa1: {  	s6 =	ssub.s32 $0x0, s20;
	[sflag:s22] =	ssyncset.done $0x0  }
0xa2: {  	[sflag:s22] =	ssyncadd.s32 s6;
	_ =	sdelay $0x1  }
0xa3: {  	s23 =	simm.s32 $0x1B8B  }
0xa4: {  	_ =	swait.ge [sflag:s23], $0x1  }
0xa5: {  	[sflag:s23] =	ssyncset.done $0x0  }
0xa6: {  	s25 =	simm.s32 $0x1B8E;
	s24 =	sld [smem:$0x3FFE];
	[sflag:s23] =	ssyncadd.s32 $0xFFFFFFFF  }
0xa7: {  	s26 =	simm.s32 $execute0_lowered;
	[smem:$0x3FD2] =	sst s25  }
0xa8: {  	s7 =	sshll.u32 s26, $0x1;
	_ =	strace $0x80000046;
	[dreg:$0x1] =	wrdreg $0xFFFFFFFF  }
0xa9: {  	s28 =	simm.s32 $_size_execute0_lowered;
	s5 =	sadd.s32 s5, s7;
	[dreg:$0x0] =	wrdreg $0x0  }
0xaa: {  	s7 =	sshll.u32 s28, $0x1;
	[dreg:$0x2] =	wrdreg s5  }
0xab: {  	[dreg:$0x3] =	wrdreg s7  }
0xac: {  	[dreg:$0x4] =	wrdreg $0xC0  }
0xad: {  	_ =	task [dreg:s9], $0x5FFFF  }
0xae: {  	[dreg:$0x1] =	wrdreg $0xFFFFFFFF  }
0xaf: {  	[dreg:$0x0] =	wrdreg $0x60  }
0xb0: {  	[dreg:$0x2] =	wrdreg s24  }
0xb1: {  	[dreg:$0x3] =	wrdreg s2  }
0xb2: {  	[dreg:$0x4] =	wrdreg s18  }
0xb3: {  	[dreg:$0x5] =	wrdreg s4  }
0xb4: {  	[dreg:$0x6] =	wrdreg $0x9  }
0xb5: {  	_ =	task.clear_ibuf [dreg:s9], $0x7FFFF;
	_ =	strace $0x90000046  }
0xb6: {  	s29 =	simm.s32 $0x9;
	_ =	strace $0x80000048  }
0xb7: {  	_ =	swait.ge [sflag:s29], $0x1  }
0xb8: {  	[sflag:s29] =	ssyncadd.s32 $0xFFFFFFFF  }
0xb9: {  	_ =	strace $0x90000048  }
0xba: {  	_ =	sfence  }
0xbb: {  	s30 =	sld [smem:$0x0];
	_ =	sdelay $0x2  }
0xbc: {  	s31 =	sshll.u32 s1, $0xD;
	s1 =	sshrl.u32 s1, $0x2  }
0xbd: {  	s3 =	sand.u32 $0x4000, s31;
	s1 =	sadd.s32 s1, s30  }
0xbe: {  	s0 =	sor.u32 s3, s0;
	s1 =	sshll.u32 s1, $0x11  }
0xbf: {  	s0 =	sor.u32 s1, s0  }
0xc0: {  	s0 =	sadd.s32 $0x8F2B, s0  }
0xc1: {  	[sflag:s0] =	ssyncadd.remote.s32 $0x1  }
0xc2: {  	_ =	sfence.sel $0xFFFF  }
0xc3: {  	[dreg:$0x0] =	wrdreg $0xFFFFFFFF;
	(pc) =	sbr.abs _section_cstart, $3  }
0xc4: {  	[dreg:$0x1] =	wrdreg $0xFFFFFFFF  }
0xc5: {  	_ =	task.clear_ibuf [dreg:s9], $0x2FFFF;
	_ =	strace $0x9FFFFFFF  }
0xc6: {  	(tm) =	ssettm $0x7FFFFFFF  }
0xc7: {  	_ =	shalt  }
tec
execute0_lowered:
.L_overlay_start_1:
0x0: {  	(tag) =	ssettag $0x1  }
0x1: {  	s0 =	rddreg [dreg:$0x0]  }
0x2: {  	s29 =	rddreg [dreg:$0x1]  }
0x3: {  	s3 =	rddreg [dreg:$0x2]  }
0x4: {  	s2 =	rddreg [dreg:$0x3];
	v1 =	vlaneseq.u32  }
0x5: {  	s4 =	srdreg.scid;
	s5 =	stileid.u32;
	v0 =	vmul.u32 $0x80, v1  }
0x6: {  	s8 =	simm.s32 $0x0;
	s10 =	simm.s32 $0x400;
	s11 =	simm.s32 $0x7A1400;
	v1 =	vmul.u32 $0x200, v1  }
0x7: {  	s12 =	simm.s32 $0x8400;
	s14 =	simm.s32 $0x10400;
	s9 =	simm.s32 $0x11400;
	v2 =	vor.u32 $0x800, v0  }
0x8: {  	s19 =	simm.s32 $0xB400;
	s23 =	simm.s32 $0xC400;
	s31 =	simm.s32 $0x4400;
	v3 =	vor.u32 $0x2000, v1;
	v4 =	vor.u32 $0x1000, v0;
	v5 =	vor.u32 $0x1800, v0  }
0x9: {  	s1 =	simm.s32 $0x9;
	s30 =	simm.s32 $0x16400;
	s4 =	sand.u32 $0x1, s4;
	v6 =	vor.u32 $0x2000, v0;
	v7 =	vor.u32 $0x2800, v0;
	v8 =	vor.u32 $0x3000, v0  }
0xa: {  	s7 =	simm.s32 $0x5;
	s5 =	sshll.u32 s5, $0x7;
	s6 =	sshll.u32 s4, $0x6;
	v9 =	vor.u32 $0x3800, v0;
	v10 =	vor.u32 $0x4000, v0;
	v11 =	vor.u32 $0x4800, v0  }
0xb: {  	[smem:$0x7FF] =	sst s8;
	s4 =	ssub.s32 $0x2, s4;
	s5 =	sor.u32 s6, s5;
	v12 =	vor.u32 $0x5000, v0;
	v13 =	vor.u32 $0x5800, v0;
	v14 =	vor.u32 $0x6000, v0  }
0xc: {  	_ =	strace $0x80000047;
	v15 =	vor.u32 $0x6800, v0;
	v16 =	vor.u32 $0x7000, v0;
	v17 =	vor.u32 $0x7800, v0;
	s0 =	sadd.s32 s5, s0;
	s26 =	sadd.s32 s2, s5  }
0xd: {  	s24 =	sshrl.u32 s4, $0x1;
	v18 =	vor.u32 $0x1FA, v1;
	v19 =	vor.u32 $0x21FA, v1;
	v20 =	vor.u32 $0x1FB, v1;
	s25 =	sadd.s32 $0xE00, s0;
	[dreg:$0x7] =	wrdreg s26  }
0xe: {  	v21 =	vor.u32 $0x21FB, v1;
	v22 =	vor.u32 $0x1FC, v1;
	v23 =	vor.u32 $0x21FC, v1;
	s4 =	ssub.s32 s4, s24;
	s0 =	sadd.s32 $0x600, s0;
	[dreg:$0x5] =	wrdreg s25  }
0xf: {  	s6 =	simm.s32 $0xA400;
	v24 =	vor.u32 $0x1FD, v1;
	v25 =	vor.u32 $0x21FD, v1;
	v26 =	vor.u32 $0x1FE, v1;
	s28 =	smax.u32 s4, $0x1;
	[dreg:$0x6] =	wrdreg s0  }
0x10: {  	v27 =	vor.u32 $0x21FE, v1;
	v28 =	vor.u32 $0x1FF, v1;
	v29 =	vor.u32 $0x21FF, v1;
	s5 =	simm.s32 $0x9400;
	s2 =	simm.s32 $0x0;
	[dreg:$0x8] =	wrdreg s28  }
.LBB2_1:
0x11: {  	[dreg:$0x9] =	wrdreg s2  }
0x12: {  	s0 =	rddreg [dreg:$0x5]  }
0x13: {  	[tilespmem:s8], [sflag:$0x9] =	stream.linear.gather [hbm4b:s0+s8], $0x200, $0x38;
	[tilespmem:$0x18600] =	vst v63  }
0x14: {  	s26 =	rddreg [dreg:$0x6];
	s28 =	simm.s32 $0x200  }
0x15: {  	[tilespmem:s28], [sflag:$0x9] =	stream.linear.gather [hbm4b:s26+s8], $0x200, $0x38;
	[tilespmem:$0x18600] =	vst v63  }
0x16: {  	_ =	swait.ge [sflag:s1], $0x200  }
.Ltmp0:
0x17: {  	[sflag:s1] =	ssyncset.done $0x0;
	(pc) =	sbr.rel .LBB2_2-.Ltmp0, $4  }
0x18: {  	[sflag:s1] =	ssyncadd.s32 $0xFFFFFE00  }
0x19: {  	_ =	swait.ge [sflag:s1], $0x200  }
0x1a: {  	s4 =	simm.s32 $0x1F0;
	[sflag:s1] =	ssyncset.done $0x0  }
0x1b: {  	s13 =	simm.s32 $0x9;
	s8 =	simm.s32 $0xFFFFFFF0;
	[sflag:s1] =	ssyncadd.s32 $0xFFFFFE00  }
.LBB2_8:
0x1c: {  	(v2sf) =	vpush v31, $0x6;
	_ =	sdelay $0x1  }
0x1d: {  	(v2sf) =	vpush v31, $0x7;
	_ =	sdelay $0x4  }
0x1e: {  	(v2sf) =	vpush v30, $0x6;
	_ =	sdelay $0x3  }
0x1f: {  	(v2sf) =	vpush v30, $0x7;
	_ =	sdelay $0x3  }
0x20: {  	s9 =	spop (v2sf)  }
0x21: {  	s0 =	sand.u32 $0xFFFFF80, s9  }
0x22: {  	s1 =	simm.s32 $0xE400;
	s2 =	spop (v2sf);
	s0 =	sadd.s32 s29, s0  }
0x23: {  	[tilespmem:s1], [sflag:$0x4] =	stream.strided.gather [hbm4b:s0+s10], $0x1000, s11, s10, $0x38;
	[tilespmem:$0x18600] =	vst v63  }
0x24: {  	s1 =	sand.u32 $0xFFFFF80, s2  }
0x25: {  	s5 =	simm.s32 $0xF400;
	s0 =	sadd.s32 s29, s1  }
0x26: {  	[tilespmem:s5], [sflag:$0x4] =	stream.strided.gather [hbm4b:s0+s10], $0x1000, s11, s10, $0x38;
	[tilespmem:$0x18600] =	vst v63  }
0x27: {  	s0 =	spop (v2sf)  }
0x28: {  	s26 =	sand.u32 $0xFFFFF80, s0  }
0x29: {  	s26 =	sadd.s32 s3, s26  }
0x2a: {  	[tilespmem:s30], [sflag:$0x8] =	stream.strided.gather [hbm4b:s26+s10], $0x1000, s11, s10, $0x38;
	[tilespmem:$0x18600] =	vst v63  }
0x2b: {  	s26 =	spop (v2sf)  }
0x2c: {  	s5 =	sand.u32 $0xFFFFF80, s26  }
0x2d: {  	s6 =	simm.s32 $0x17400;
	s1 =	simm.s32 $0x1;
	s5 =	sadd.s32 s3, s5  }
0x2e: {  	[tilespmem:s6], [sflag:$0x8] =	stream.strided.gather [hbm4b:s5+s10], $0x1000, s11, s10, $0x38;
	[tilespmem:$0x18600] =	vst v63  }
0x2f: {  	s6 =	sand.u32 $0x7F, s18;
	_ =	swait.ge [sflag:s1], $0x1000  }
0x30: {  	v32 =	vor.u32 s6, v0;
	[sflag:s1] =	ssyncset.done $0x0  }
0x31: {  	v33 =	vor.u32 s6, v2;
	[sflag:s1] =	ssyncadd.s32 $0xFFFFF000  }
0x32: {  	_ =	swait.ge [sflag:s1], $0x1000  }
0x33: {  	[sflag:s1] =	ssyncset.done $0x0  }
0x34: {  	s18 =	sadd.s32 $0xFFFFFFF7, s13;
	[sflag:s1] =	ssyncadd.s32 $0xFFFFF000  }
0x35: {  	v34 =	vor.u32 s18, v1;
	v32 =	vld.idx.msk [tilespmem:v32+s12+$0x0], $0xffff  }
0x36: {  	v35 =	vor.u32 s18, v3;
	s6 =	sand.u32 $0x7F, s17;
	v33 =	vld.idx.msk [tilespmem:v33+s12+$0x0], $0xffff  }
0x37: {  	v36 =	vor.u32 s6, v4  }
0x38: {  	v37 =	vor.u32 s6, v5;
	_ =	sdelay $0x1  }
0x39: {  	[tilespmem:v34+s10+$0x0] =	vst.idx.msk $0xffff, v32  }
0x3a: {  	s17 =	sadd.s32 $0xFFFFFFF8, s13;
	[tilespmem:v35+s10+$0x0] =	vst.idx.msk $0xffff, v33  }
0x3b: {  	v60 =	vor.u32 s17, v1;
	v32 =	vld.idx.msk [tilespmem:v36+s12+$0x0], $0xffff  }
0x3c: {  	v62 =	vor.u32 s17, v3;
	v61 =	vld.idx.msk [tilespmem:v37+s12+$0x0], $0xffff;
	_ =	sdelay $0x3  }
0x3d: {  	[tilespmem:v60+s10+$0x0] =	vst.idx.msk $0xffff, v32  }
0x3e: {  	[tilespmem:v62+s10+$0x0] =	vst.idx.msk $0xffff, v61  }
0x3f: {  	_ =	swait.ge [sflag:s7], $0x1000  }
0x40: {  	[sflag:s7] =	ssyncset.done $0x0  }
0x41: {  	s18 =	sand.u32 $0x7F, s16;
	[sflag:s7] =	ssyncadd.s32 $0xFFFFF000  }
0x42: {  	v63 =	vor.u32 s18, v0;
	_ =	swait.ge [sflag:s7], $0x1000  }
0x43: {  	v40 =	vor.u32 s18, v2;
	(v2sf) =	vpush v31, $0x8  }
0x44: {  	(v2sf) =	vpush v31, $0x9  }
0x45: {  	[sflag:s7] =	ssyncset.done $0x0  }
0x46: {  	[sflag:s7] =	ssyncadd.s32 $0xFFFFF000  }
0x47: {  	v32 =	vld.idx.msk [tilespmem:v63+s14+$0x0], $0xffff;
	(v2sf) =	vpush v30, $0x8  }
0x48: {  	s6 =	sand.u32 $0x7F, s15;
	v36 =	vld.idx.msk [tilespmem:v40+s14+$0x0], $0xffff  }
0x49: {  	v38 =	vor.u32 s6, v4  }
0x4a: {  	v39 =	vor.u32 s6, v5;
	(v2sf) =	vpush v30, $0x9;
	_ =	sdelay $0x1  }
0x4b: {  	[tilespmem:v34+s31+$0x0] =	vst.idx.msk $0xffff, v32  }
0x4c: {  	[tilespmem:v35+s31+$0x0] =	vst.idx.msk $0xffff, v36  }
0x4d: {  	v32 =	vld.idx.msk [tilespmem:v38+s14+$0x0], $0xffff  }
0x4e: {  	v34 =	vld.idx.msk [tilespmem:v39+s14+$0x0], $0xffff;
	_ =	sdelay $0x2  }
0x4f: {  	s18 =	spop (v2sf)  }
0x50: {  	[tilespmem:v60+s31+$0x0] =	vst.idx.msk $0xffff, v32;
	s15 =	sand.u32 $0xFFFFF80, s18;
	s17 =	spop (v2sf)  }
0x51: {  	[tilespmem:v62+s31+$0x0] =	vst.idx.msk $0xffff, v34;
	s5 =	sadd.s32 s29, s15;
	s16 =	sand.u32 $0xFFFFF80, s17  }
0x52: {  	[tilespmem:s12], [sflag:$0x1] =	stream.strided.gather [hbm4b:s5+s10], $0x1000, s11, s10, $0x38;
	[tilespmem:$0x18600] =	vst v63  }
0x53: {  	s5 =	sadd.s32 s29, s16;
	s16 =	spop (v2sf)  }
0x54: {  	s6 =	simm.s32 $0x9400;
	s15 =	sand.u32 $0xFFFFF80, s16  }
0x55: {  	[tilespmem:s6], [sflag:$0x1] =	stream.strided.gather [hbm4b:s5+s10], $0x1000, s11, s10, $0x38;
	[tilespmem:$0x18600] =	vst v63  }
0x56: {  	s5 =	sadd.s32 s3, s15;
	s15 =	spop (v2sf)  }
0x57: {  	s6 =	sand.u32 $0xFFFFF80, s15  }
0x58: {  	[tilespmem:s14], [sflag:$0x5] =	stream.strided.gather [hbm4b:s5+s10], $0x1000, s11, s10, $0x38;
	[tilespmem:$0x18600] =	vst v63  }
0x59: {  	s5 =	sadd.s32 s3, s6;
	s6 =	simm.s32 $0x11400  }
0x5a: {  	[tilespmem:s6], [sflag:$0x5] =	stream.strided.gather [hbm4b:s5+s10], $0x1000, s11, s10, $0x38;
	[tilespmem:$0x18600] =	vst v63  }
0x5b: {  	s6 =	simm.s32 $0x2  }
0x5c: {  	s22 =	sand.u32 $0x7F, s22;
	_ =	swait.ge [sflag:s6], $0x1000  }
0x5d: {  	v41 =	vor.u32 s22, v6;
	[sflag:s6] =	ssyncset.done $0x0  }
0x5e: {  	v42 =	vor.u32 s22, v7;
	[sflag:s6] =	ssyncadd.s32 $0xFFFFF000  }
0x5f: {  	_ =	swait.ge [sflag:s6], $0x1000  }
0x60: {  	[sflag:s6] =	ssyncset.done $0x0  }
0x61: {  	s22 =	sadd.s32 $0xFFFFFFF9, s13;
	[sflag:s6] =	ssyncadd.s32 $0xFFFFF000  }
0x62: {  	v43 =	vor.u32 s22, v1;
	v32 =	vld.idx.msk [tilespmem:v41+s12+$0x0], $0xffff  }
0x63: {  	v44 =	vor.u32 s22, v3;
	s22 =	sand.u32 $0x7F, s21;
	v33 =	vld.idx.msk [tilespmem:v42+s12+$0x0], $0xffff  }
0x64: {  	v45 =	vor.u32 s22, v8  }
0x65: {  	v46 =	vor.u32 s22, v9;
	_ =	sdelay $0x1  }
0x66: {  	[tilespmem:v43+s10+$0x0] =	vst.idx.msk $0xffff, v32  }
0x67: {  	s6 =	sadd.s32 $0xFFFFFFFA, s13;
	[tilespmem:v44+s10+$0x0] =	vst.idx.msk $0xffff, v33  }
0x68: {  	v47 =	vor.u32 s6, v1;
	v32 =	vld.idx.msk [tilespmem:v45+s12+$0x0], $0xffff  }
0x69: {  	v48 =	vor.u32 s6, v3;
	v37 =	vld.idx.msk [tilespmem:v46+s12+$0x0], $0xffff;
	_ =	sdelay $0x3  }
0x6a: {  	[tilespmem:v47+s10+$0x0] =	vst.idx.msk $0xffff, v32  }
0x6b: {  	s21 =	simm.s32 $0x6;
	[tilespmem:v48+s10+$0x0] =	vst.idx.msk $0xffff, v37  }
0x6c: {  	_ =	swait.ge [sflag:s21], $0x1000  }
0x6d: {  	[sflag:s21] =	ssyncset.done $0x0  }
0x6e: {  	s22 =	sand.u32 $0x7F, s20;
	[sflag:s21] =	ssyncadd.s32 $0xFFFFF000  }
0x6f: {  	v49 =	vor.u32 s22, v6;
	_ =	swait.ge [sflag:s21], $0x1000  }
0x70: {  	v50 =	vor.u32 s22, v7;
	(v2sf) =	vpush v31, $0xA;
	_ =	sdelay $0x1  }
0x71: {  	[sflag:s21] =	ssyncset.done $0x0;
	(v2sf) =	vpush v31, $0xB  }
0x72: {  	[sflag:s21] =	ssyncadd.s32 $0xFFFFF000  }
0x73: {  	v32 =	vld.idx.msk [tilespmem:v49+s14+$0x0], $0xffff  }
0x74: {  	s6 =	sand.u32 $0x7F, s19;
	v37 =	vld.idx.msk [tilespmem:v50+s14+$0x0], $0xffff;
	(v2sf) =	vpush v30, $0xA  }
0x75: {  	v51 =	vor.u32 s6, v8  }
0x76: {  	v52 =	vor.u32 s6, v9  }
0x77: {  	(v2sf) =	vpush v30, $0xB  }
0x78: {  	[tilespmem:v43+s31+$0x0] =	vst.idx.msk $0xffff, v32  }
0x79: {  	[tilespmem:v44+s31+$0x0] =	vst.idx.msk $0xffff, v37  }
0x7a: {  	v32 =	vld.idx.msk [tilespmem:v51+s14+$0x0], $0xffff  }
0x7b: {  	v34 =	vld.idx.msk [tilespmem:v52+s14+$0x0], $0xffff;
	_ =	sdelay $0x2  }
0x7c: {  	s19 =	spop (v2sf)  }
0x7d: {  	[tilespmem:v47+s31+$0x0] =	vst.idx.msk $0xffff, v32;
	s5 =	sand.u32 $0xFFFFF80, s19  }
0x7e: {  	s6 =	simm.s32 $0xA400;
	[tilespmem:v48+s31+$0x0] =	vst.idx.msk $0xffff, v34;
	s20 =	spop (v2sf);
	s5 =	sadd.s32 s29, s5  }
0x7f: {  	[tilespmem:s6], [sflag:$0x2] =	stream.strided.gather [hbm4b:s5+s10], $0x1000, s11, s10, $0x38;
	[tilespmem:$0x18600] =	vst v63  }
0x80: {  	s5 =	sand.u32 $0xFFFFF80, s20  }
0x81: {  	s19 =	simm.s32 $0xB400;
	s21 =	spop (v2sf);
	s5 =	sadd.s32 s29, s5  }
0x82: {  	[tilespmem:s19], [sflag:$0x2] =	stream.strided.gather [hbm4b:s5+s10], $0x1000, s11, s10, $0x38;
	[tilespmem:$0x18600] =	vst v63  }
0x83: {  	s5 =	sand.u32 $0xFFFFF80, s21  }
0x84: {  	s22 =	simm.s32 $0x12400;
	s21 =	spop (v2sf);
	s5 =	sadd.s32 s3, s5  }
0x85: {  	[tilespmem:s22], [sflag:$0x6] =	stream.strided.gather [hbm4b:s5+s10], $0x1000, s11, s10, $0x38;
	[tilespmem:$0x18600] =	vst v63  }
0x86: {  	s5 =	sand.u32 $0xFFFFF80, s21  }
0x87: {  	s22 =	simm.s32 $0x13400;
	s21 =	simm.s32 $0x3;
	s5 =	sadd.s32 s3, s5  }
0x88: {  	[tilespmem:s22], [sflag:$0x6] =	stream.strided.gather [hbm4b:s5+s10], $0x1000, s11, s10, $0x38;
	[tilespmem:$0x18600] =	vst v63  }
0x89: {  	s22 =	sand.u32 $0x7F, s28;
	_ =	swait.ge [sflag:s21], $0x1000  }
0x8a: {  	v53 =	vor.u32 s22, v10;
	[sflag:s21] =	ssyncset.done $0x0  }
0x8b: {  	v54 =	vor.u32 s22, v11;
	[sflag:s21] =	ssyncadd.s32 $0xFFFFF000  }
0x8c: {  	_ =	swait.ge [sflag:s21], $0x1000  }
0x8d: {  	[sflag:s21] =	ssyncset.done $0x0  }
0x8e: {  	s28 =	sadd.s32 $0xFFFFFFFB, s13;
	[sflag:s21] =	ssyncadd.s32 $0xFFFFF000  }
0x8f: {  	v55 =	vor.u32 s28, v1;
	v32 =	vld.idx.msk [tilespmem:v53+s12+$0x0], $0xffff  }
0x90: {  	v56 =	vor.u32 s28, v3;
	s21 =	sand.u32 $0x7F, s25;
	v33 =	vld.idx.msk [tilespmem:v54+s12+$0x0], $0xffff  }
0x91: {  	v57 =	vor.u32 s21, v12  }
0x92: {  	v58 =	vor.u32 s21, v13;
	_ =	sdelay $0x1  }
0x93: {  	[tilespmem:v55+s10+$0x0] =	vst.idx.msk $0xffff, v32  }
0x94: {  	s22 =	sadd.s32 $0xFFFFFFFC, s13;
	[tilespmem:v56+s10+$0x0] =	vst.idx.msk $0xffff, v33  }
0x95: {  	v59 =	vor.u32 s22, v1;
	v32 =	vld.idx.msk [tilespmem:v57+s12+$0x0], $0xffff  }
0x96: {  	v60 =	vor.u32 s22, v3;
	v37 =	vld.idx.msk [tilespmem:v58+s12+$0x0], $0xffff;
	_ =	sdelay $0x3  }
0x97: {  	[tilespmem:v59+s10+$0x0] =	vst.idx.msk $0xffff, v32  }
0x98: {  	s25 =	simm.s32 $0x7;
	[tilespmem:v60+s10+$0x0] =	vst.idx.msk $0xffff, v37  }
0x99: {  	_ =	swait.ge [sflag:s25], $0x1000  }
0x9a: {  	[sflag:s25] =	ssyncset.done $0x0  }
0x9b: {  	s28 =	sand.u32 $0x7F, s24;
	[sflag:s25] =	ssyncadd.s32 $0xFFFFF000  }
0x9c: {  	v61 =	vor.u32 s28, v10;
	_ =	swait.ge [sflag:s25], $0x1000  }
0x9d: {  	v62 =	vor.u32 s28, v11;
	(v2sf) =	vpush v31, $0xC;
	_ =	sdelay $0x1  }
0x9e: {  	[sflag:s25] =	ssyncset.done $0x0;
	(v2sf) =	vpush v31, $0xD  }
0x9f: {  	[sflag:s25] =	ssyncadd.s32 $0xFFFFF000  }
0xa0: {  	v32 =	vld.idx.msk [tilespmem:v61+s14+$0x0], $0xffff  }
0xa1: {  	s20 =	sand.u32 $0x7F, s23;
	v37 =	vld.idx.msk [tilespmem:v62+s14+$0x0], $0xffff;
	(v2sf) =	vpush v30, $0xC  }
0xa2: {  	v63 =	vor.u32 s20, v12  }
0xa3: {  	v42 =	vor.u32 s20, v13  }
0xa4: {  	(v2sf) =	vpush v30, $0xD  }
0xa5: {  	[tilespmem:v55+s31+$0x0] =	vst.idx.msk $0xffff, v32  }
0xa6: {  	[tilespmem:v56+s31+$0x0] =	vst.idx.msk $0xffff, v37  }
0xa7: {  	v32 =	vld.idx.msk [tilespmem:v63+s14+$0x0], $0xffff  }
0xa8: {  	v34 =	vld.idx.msk [tilespmem:v42+s14+$0x0], $0xffff;
	_ =	sdelay $0x2  }
0xa9: {  	s21 =	spop (v2sf)  }
0xaa: {  	[tilespmem:v59+s31+$0x0] =	vst.idx.msk $0xffff, v32;
	s5 =	sand.u32 $0xFFFFF80, s21  }
0xab: {  	s23 =	simm.s32 $0xC400;
	[tilespmem:v60+s31+$0x0] =	vst.idx.msk $0xffff, v34;
	s22 =	spop (v2sf);
	s5 =	sadd.s32 s29, s5  }
0xac: {  	[tilespmem:s23], [sflag:$0x3] =	stream.strided.gather [hbm4b:s5+s10], $0x1000, s11, s10, $0x38;
	[tilespmem:$0x18600] =	vst v63  }
0xad: {  	s5 =	sand.u32 $0xFFFFF80, s22  }
0xae: {  	s24 =	simm.s32 $0xD400;
	s25 =	spop (v2sf);
	s5 =	sadd.s32 s29, s5  }
0xaf: {  	[tilespmem:s24], [sflag:$0x3] =	stream.strided.gather [hbm4b:s5+s10], $0x1000, s11, s10, $0x38;
	[tilespmem:$0x18600] =	vst v63  }
0xb0: {  	s5 =	sand.u32 $0xFFFFF80, s25  }
0xb1: {  	s28 =	simm.s32 $0x14400;
	s21 =	spop (v2sf);
	s5 =	sadd.s32 s3, s5  }
0xb2: {  	[tilespmem:s28], [sflag:$0x7] =	stream.strided.gather [hbm4b:s5+s10], $0x1000, s11, s10, $0x38;
	[tilespmem:$0x18600] =	vst v63  }
0xb3: {  	s5 =	sand.u32 $0xFFFFF80, s21  }
0xb4: {  	s22 =	simm.s32 $0x15400;
	s24 =	simm.s32 $0x4;
	s5 =	sadd.s32 s3, s5  }
0xb5: {  	[tilespmem:s22], [sflag:$0x7] =	stream.strided.gather [hbm4b:s5+s10], $0x1000, s11, s10, $0x38;
	[tilespmem:$0x18600] =	vst v63  }
0xb6: {  	s25 =	sand.u32 $0x7F, s9;
	_ =	swait.ge [sflag:s24], $0x1000  }
0xb7: {  	v43 =	vor.u32 s25, v14;
	[sflag:s24] =	ssyncset.done $0x0  }
0xb8: {  	v44 =	vor.u32 s25, v15;
	[sflag:s24] =	ssyncadd.s32 $0xFFFFF000  }
0xb9: {  	_ =	swait.ge [sflag:s24], $0x1000  }
0xba: {  	[sflag:s24] =	ssyncset.done $0x0  }
0xbb: {  	s28 =	sadd.s32 $0xFFFFFFFD, s13;
	[sflag:s24] =	ssyncadd.s32 $0xFFFFF000  }
0xbc: {  	v45 =	vor.u32 s28, v1;
	v32 =	vld.idx.msk [tilespmem:v43+s12+$0x0], $0xffff  }
0xbd: {  	s2 =	sand.u32 $0x7F, s2;
	v46 =	vor.u32 s28, v3;
	v33 =	vld.idx.msk [tilespmem:v44+s12+$0x0], $0xffff  }
0xbe: {  	v47 =	vor.u32 s2, v16  }
0xbf: {  	v48 =	vor.u32 s2, v17;
	_ =	sdelay $0x1  }
0xc0: {  	[tilespmem:v45+s10+$0x0] =	vst.idx.msk $0xffff, v32  }
0xc1: {  	s20 =	sadd.s32 $0xFFFFFFFE, s13;
	[tilespmem:v46+s10+$0x0] =	vst.idx.msk $0xffff, v33  }
0xc2: {  	v49 =	vor.u32 s20, v1;
	v32 =	vld.idx.msk [tilespmem:v47+s12+$0x0], $0xffff  }
0xc3: {  	v50 =	vor.u32 s20, v3;
	v37 =	vld.idx.msk [tilespmem:v48+s12+$0x0], $0xffff;
	_ =	sdelay $0x3  }
0xc4: {  	[tilespmem:v49+s10+$0x0] =	vst.idx.msk $0xffff, v32  }
0xc5: {  	s21 =	simm.s32 $0x8;
	[tilespmem:v50+s10+$0x0] =	vst.idx.msk $0xffff, v37  }
0xc6: {  	_ =	swait.ge [sflag:s21], $0x1000  }
0xc7: {  	[sflag:s21] =	ssyncset.done $0x0  }
0xc8: {  	s0 =	sand.u32 $0x7F, s0;
	[sflag:s21] =	ssyncadd.s32 $0xFFFFF000  }
0xc9: {  	v51 =	vor.u32 s0, v14;
	_ =	swait.ge [sflag:s21], $0x1000  }
0xca: {  	v52 =	vor.u32 s0, v15;
	(v2sf) =	vpush v31, $0xE;
	_ =	sdelay $0x1  }
0xcb: {  	[sflag:s21] =	ssyncset.done $0x0;
	(v2sf) =	vpush v31, $0xF  }
0xcc: {  	[sflag:s21] =	ssyncadd.s32 $0xFFFFF000  }
0xcd: {  	v32 =	vld.idx.msk [tilespmem:v51+s14+$0x0], $0xffff  }
0xce: {  	s22 =	sand.u32 $0x7F, s26;
	v31 =	vld.idx.msk [tilespmem:v52+s14+$0x0], $0xffff;
	(v2sf) =	vpush v30, $0xE  }
0xcf: {  	v53 =	vor.u32 s22, v16  }
0xd0: {  	v54 =	vor.u32 s22, v17  }
0xd1: {  	(v2sf) =	vpush v30, $0xF  }
0xd2: {  	[tilespmem:v45+s31+$0x0] =	vst.idx.msk $0xffff, v32  }
0xd3: {  	[tilespmem:v46+s31+$0x0] =	vst.idx.msk $0xffff, v31  }
0xd4: {  	v31 =	vld.idx.msk [tilespmem:v53+s14+$0x0], $0xffff  }
0xd5: {  	v32 =	vld.idx.msk [tilespmem:v54+s14+$0x0], $0xffff;
	_ =	sdelay $0x2  }
0xd6: {  	s24 =	spop (v2sf)  }
0xd7: {  	[tilespmem:v49+s31+$0x0] =	vst.idx.msk $0xffff, v31;
	s0 =	sand.u32 $0xFFFFF80, s24  }
0xd8: {  	s25 =	simm.s32 $0xE400;
	[tilespmem:v50+s31+$0x0] =	vst.idx.msk $0xffff, v32;
	s26 =	spop (v2sf);
	s0 =	sadd.s32 s29, s0  }
0xd9: {  	[tilespmem:s25], [sflag:$0x4] =	stream.strided.gather [hbm4b:s0+s10], $0x1000, s11, s10, $0x38;
	[tilespmem:$0x18600] =	vst v63  }
0xda: {  	s0 =	sand.u32 $0xFFFFF80, s26  }
0xdb: {  	s28 =	simm.s32 $0xF400;
	s2 =	spop (v2sf);
	s0 =	sadd.s32 s29, s0  }
0xdc: {  	[tilespmem:s28], [sflag:$0x4] =	stream.strided.gather [hbm4b:s0+s10], $0x1000, s11, s10, $0x38;
	[tilespmem:$0x18600] =	vst v63  }
0xdd: {  	s0 =	sand.u32 $0xFFFFF80, s2  }
0xde: {  	s20 =	spop (v2sf);
	s0 =	sadd.s32 s3, s0  }
0xdf: {  	[tilespmem:s30], [sflag:$0x8] =	stream.strided.gather [hbm4b:s0+s10], $0x1000, s11, s10, $0x38;
	[tilespmem:$0x18600] =	vst v63  }
0xe0: {  	s0 =	sand.u32 $0xFFFFF80, s20  }
0xe1: {  	s21 =	simm.s32 $0x17400;
	s0 =	sadd.s32 s3, s0  }
0xe2: {  	[tilespmem:s21], [sflag:$0x8] =	stream.strided.gather [hbm4b:s0+s10], $0x1000, s11, s10, $0x38;
	[tilespmem:$0x18600] =	vst v63  }
0xe3: {  	s22 =	sand.u32 $0x7F, s18;
	_ =	swait.ge [sflag:s1], $0x1000  }
0xe4: {  	v30 =	vor.u32 s22, v0;
	[sflag:s1] =	ssyncset.done $0x0  }
0xe5: {  	v31 =	vor.u32 s22, v2;
	[sflag:s1] =	ssyncadd.s32 $0xFFFFF000  }
0xe6: {  	_ =	swait.ge [sflag:s1], $0x1000  }
0xe7: {  	[sflag:s1] =	ssyncset.done $0x0  }
0xe8: {  	s24 =	sadd.s32 $0xFFFFFFFF, s13;
	[sflag:s1] =	ssyncadd.s32 $0xFFFFF000  }
0xe9: {  	v55 =	vor.u32 s24, v1;
	v30 =	vld.idx.msk [tilespmem:v30+s12+$0x0], $0xffff  }
0xea: {  	v56 =	vor.u32 s24, v3;
	s25 =	sand.u32 $0x7F, s17;
	v31 =	vld.idx.msk [tilespmem:v31+s12+$0x0], $0xffff  }
0xeb: {  	v57 =	vor.u32 s25, v4  }
0xec: {  	v58 =	vor.u32 s25, v5;
	_ =	sdelay $0x1  }
0xed: {  	[tilespmem:v55+s10+$0x0] =	vst.idx.msk $0xffff, v30  }
0xee: {  	[tilespmem:v56+s10+$0x0] =	vst.idx.msk $0xffff, v31  }
0xef: {  	v31 =	vor.u32 s13, v1;
	v30 =	vld.idx.msk [tilespmem:v57+s12+$0x0], $0xffff  }
0xf0: {  	v60 =	vor.u32 s13, v3;
	v59 =	vld.idx.msk [tilespmem:v58+s12+$0x0], $0xffff;
	_ =	sdelay $0x3  }
0xf1: {  	[tilespmem:v31+s10+$0x0] =	vst.idx.msk $0xffff, v30  }
0xf2: {  	[tilespmem:v60+s10+$0x0] =	vst.idx.msk $0xffff, v59  }
0xf3: {  	s26 =	sand.u32 $0x7F, s16;
	_ =	swait.ge [sflag:s7], $0x1000  }
0xf4: {  	v30 =	vor.u32 s26, v0;
	[sflag:s7] =	ssyncset.done $0x0  }
0xf5: {  	v61 =	vor.u32 s26, v2;
	[sflag:s7] =	ssyncadd.s32 $0xFFFFF000  }
0xf6: {  	_ =	swait.ge [sflag:s7], $0x1000  }
0xf7: {  	[sflag:s7] =	ssyncset.done $0x0  }
0xf8: {  	[sflag:s7] =	ssyncadd.s32 $0xFFFFF000  }
0xf9: {  	v30 =	vld.idx.msk [tilespmem:v30+s14+$0x0], $0xffff  }
0xfa: {  	s28 =	sand.u32 $0x7F, s15;
	v34 =	vld.idx.msk [tilespmem:v61+s14+$0x0], $0xffff  }
0xfb: {  	v62 =	vor.u32 s28, v4  }
0xfc: {  	v63 =	vor.u32 s28, v5;
	_ =	sdelay $0x1  }
0xfd: {  	[tilespmem:v55+s31+$0x0] =	vst.idx.msk $0xffff, v30  }
0xfe: {  	[tilespmem:v56+s31+$0x0] =	vst.idx.msk $0xffff, v34  }
0xff: {  	s13 =	sadd.s32 $0x10, s13;
	v30 =	vld.idx.msk [tilespmem:v62+s14+$0x0], $0xffff  }
0x100: {  	p0 =	sne.s32 s13, $0x209;
	v32 =	vld.idx.msk [tilespmem:v63+s14+$0x0], $0xffff  }
.Ltmp1:
0x101: {  	_ = 	snop;
	(pc) =	sbr.rel @!p0 .LBB2_9-.Ltmp1, $3  }
0x102: {  	_ =	sdelay $0x1  }
0x103: {  	s8 =	sadd.s32 $0x10, s8;
	[tilespmem:v31+s31+$0x0] =	vst.idx.msk $0xffff, v30  }
0x104: {  	s4 =	sadd.s32 $0x10, s4;
	s9 =	simm.s32 $0x11400;
	s5 =	simm.s32 $0x9400;
	[tilespmem:v60+s31+$0x0] =	vst.idx.msk $0xffff, v32  }
.LBB2_2:
0x105: {  	v31 =	vld [tilespmem:s8+$0x10];
	_ =	sdelay $0x3  }
0x106: {  	v30 =	vld [tilespmem:s4+$0x10]  }
0x107: {  	(v2sf) =	vpush v31, $0x0  }
0x108: {  	(v2sf) =	vpush v31, $0x1;
	_ =	sdelay $0x2  }
0x109: {  	(v2sf) =	vpush v30, $0x0;
	_ =	sdelay $0x1  }
0x10a: {  	(v2sf) =	vpush v30, $0x1;
	_ =	sdelay $0x8  }
0x10b: {  	s18 =	spop (v2sf)  }
0x10c: {  	s0 =	sand.u32 $0xFFFFF80, s18;
	s17 =	spop (v2sf)  }
0x10d: {  	s0 =	sadd.s32 s29, s0;
	s25 =	sand.u32 $0xFFFFF80, s17  }
0x10e: {  	[tilespmem:s12], [sflag:$0x1] =	stream.strided.gather [hbm4b:s0+s10], $0x1000, s11, s10, $0x38;
	[tilespmem:$0x18600] =	vst v63  }
0x10f: {  	p0 =	seq.s32 s13, $0x9;
	s16 =	spop (v2sf);
	s0 =	sadd.s32 s29, s25  }
0x110: {  	[tilespmem:s5], [sflag:$0x1] =	stream.strided.gather [hbm4b:s0+s10], $0x1000, s11, s10, $0x38;
	[tilespmem:$0x18600] =	vst v63  }
.Ltmp2:
0x111: {  	s26 =	sand.u32 $0xFFFFF80, s16;
	s15 =	spop (v2sf);
	(pc) =	sbr.rel @p0 .LBB2_4-.Ltmp2, $4  }
0x112: {  	s28 =	sand.u32 $0xFFFFF80, s15;
	s0 =	sadd.s32 s3, s26  }
0x113: {  	[tilespmem:s14], [sflag:$0x5] =	stream.strided.gather [hbm4b:s0+s10], $0x1000, s11, s10, $0x38;
	[tilespmem:$0x18600] =	vst v63  }
0x114: {  	s0 =	sadd.s32 s3, s28  }
0x115: {  	[tilespmem:s9], [sflag:$0x5] =	stream.strided.gather [hbm4b:s0+s10], $0x1000, s11, s10, $0x38;
	[tilespmem:$0x18600] =	vst v63  }
0x116: {  	v32 =	vld [tilespmem:s8+$0x0];
	s1 =	simm.s32 $0x2  }
0x117: {  	v33 =	vld [tilespmem:s4+$0x0];
	_ =	swait.ge [sflag:s1], $0x1000  }
0x118: {  	[sflag:s1] =	ssyncset.done $0x0  }
0x119: {  	[sflag:s1] =	ssyncadd.s32 $0xFFFFF000  }
0x11a: {  	_ =	swait.ge [sflag:s1], $0x1000  }
0x11b: {  	(v2sf) =	vpush v32, $0xA;
	_ =	sdelay $0x6  }
0x11c: {  	(v2sf) =	vpush v32, $0xB;
	_ =	sdelay $0x7  }
0x11d: {  	s0 =	spop (v2sf)  }
0x11e: {  	s0 =	sand.u32 $0x7F, s0  }
0x11f: {  	v55 =	vor.u32 s0, v6  }
0x120: {  	v34 =	vor.u32 s0, v7  }
0x121: {  	s21 =	sadd.s32 $0xFFFFFFF1, s13  }
0x122: {  	v35 =	vmov s21;
	v36 =	vadd.s32 s21, v1;
	[sflag:s1] =	ssyncset.done $0x0  }
0x123: {  	v37 =	vadd.s32 s21, v3;
	v36 =	vand.u32 $0xFFFFFF80, v36;
	v35 =	vand.u32 $0x7A, v35;
	[sflag:s1] =	ssyncadd.s32 $0xFFFFF000  }
0x124: {  	v37 =	vand.u32 $0xFFFFFF80, v37;
	v36 =	vor.u32 v35, v36;
	s22 =	spop (v2sf);
	v32 =	vld.idx.msk [tilespmem:v55+s12+$0x0], $0xffff  }
0x125: {  	v35 =	vor.u32 v35, v37;
	s0 =	sand.u32 $0x7F, s22;
	v34 =	vld.idx.msk [tilespmem:v34+s12+$0x0], $0xffff  }
0x126: {  	v56 =	vor.u32 s0, v8  }
0x127: {  	v38 =	vor.u32 s0, v9  }
0x128: {  	s24 =	sadd.s32 $0xFFFFFFF2, s13  }
0x129: {  	v57 =	vmov s24;
	v39 =	vadd.s32 s24, v1;
	[tilespmem:v36+s10+$0x0] =	vst.idx.msk $0xffff, v32  }
0x12a: {  	v59 =	vadd.s32 s24, v3;
	v58 =	vand.u32 $0xFFFFFF80, v39;
	v32 =	vand.u32 $0x7B, v57;
	[tilespmem:v35+s10+$0x0] =	vst.idx.msk $0xffff, v34  }
0x12b: {  	v39 =	vand.u32 $0xFFFFFF80, v59;
	v34 =	vor.u32 v32, v58;
	v37 =	vld.idx.msk [tilespmem:v56+s12+$0x0], $0xffff  }
0x12c: {  	v32 =	vor.u32 v32, v39;
	v38 =	vld.idx.msk [tilespmem:v38+s12+$0x0], $0xffff;
	_ =	sdelay $0x3  }
0x12d: {  	[tilespmem:v34+s10+$0x0] =	vst.idx.msk $0xffff, v37  }
0x12e: {  	s25 =	simm.s32 $0x6;
	[tilespmem:v32+s10+$0x0] =	vst.idx.msk $0xffff, v38  }
0x12f: {  	_ =	swait.ge [sflag:s25], $0x1000  }
0x130: {  	[sflag:s25] =	ssyncset.done $0x0  }
0x131: {  	[sflag:s25] =	ssyncadd.s32 $0xFFFFF000  }
0x132: {  	_ =	swait.ge [sflag:s25], $0x1000  }
0x133: {  	(v2sf) =	vpush v33, $0xA;
	_ =	sdelay $0x6  }
0x134: {  	(v2sf) =	vpush v33, $0xB;
	_ =	sdelay $0x7  }
0x135: {  	s26 =	spop (v2sf)  }
0x136: {  	s0 =	sand.u32 $0x7F, s26  }
0x137: {  	v60 =	vor.u32 s0, v6  }
0x138: {  	v61 =	vor.u32 s0, v7;
	_ =	sdelay $0x1  }
0x139: {  	[sflag:s25] =	ssyncset.done $0x0  }
0x13a: {  	[sflag:s25] =	ssyncadd.s32 $0xFFFFF000  }
0x13b: {  	s28 =	spop (v2sf);
	v33 =	vld.idx.msk [tilespmem:v60+s14+$0x0], $0xffff  }
0x13c: {  	s0 =	sand.u32 $0x7F, s28;
	v37 =	vld.idx.msk [tilespmem:v61+s14+$0x0], $0xffff  }
0x13d: {  	v62 =	vor.u32 s0, v8  }
0x13e: {  	v63 =	vor.u32 s0, v9;
	_ =	sdelay $0x1  }
0x13f: {  	[tilespmem:v36+s31+$0x0] =	vst.idx.msk $0xffff, v33  }
0x140: {  	[tilespmem:v35+s31+$0x0] =	vst.idx.msk $0xffff, v37  }
0x141: {  	v33 =	vld.idx.msk [tilespmem:v62+s14+$0x0], $0xffff  }
0x142: {  	v35 =	vld.idx.msk [tilespmem:v63+s14+$0x0], $0xffff;
	_ =	sdelay $0x3  }
0x143: {  	[tilespmem:v34+s31+$0x0] =	vst.idx.msk $0xffff, v33  }
0x144: {  	[tilespmem:v32+s31+$0x0] =	vst.idx.msk $0xffff, v35  }
.LBB2_4:
0x145: {  	(v2sf) =	vpush v31, $0x2  }
0x146: {  	(v2sf) =	vpush v31, $0x3;
	_ =	sdelay $0x2  }
0x147: {  	(v2sf) =	vpush v30, $0x2;
	_ =	sdelay $0x1  }
0x148: {  	(v2sf) =	vpush v30, $0x3;
	_ =	sdelay $0x8  }
0x149: {  	s22 =	spop (v2sf)  }
0x14a: {  	s0 =	sand.u32 $0xFFFFF80, s22;
	s21 =	spop (v2sf)  }
0x14b: {  	s0 =	sadd.s32 s29, s0;
	s24 =	sand.u32 $0xFFFFF80, s21  }
0x14c: {  	[tilespmem:s6], [sflag:$0x2] =	stream.strided.gather [hbm4b:s0+s10], $0x1000, s11, s10, $0x38;
	[tilespmem:$0x18600] =	vst v63  }
0x14d: {  	s20 =	spop (v2sf);
	s0 =	sadd.s32 s29, s24  }
0x14e: {  	[tilespmem:s19], [sflag:$0x2] =	stream.strided.gather [hbm4b:s0+s10], $0x1000, s11, s10, $0x38;
	[tilespmem:$0x18600] =	vst v63  }
.Ltmp3:
0x14f: {  	s25 =	sand.u32 $0xFFFFF80, s20;
	s19 =	spop (v2sf);
	(pc) =	sbr.rel @p0 .LBB2_6-.Ltmp3, $4  }
0x150: {  	s2 =	simm.s32 $0x12400;
	s0 =	sadd.s32 s3, s25;
	s26 =	sand.u32 $0xFFFFF80, s19  }
0x151: {  	[tilespmem:s2], [sflag:$0x6] =	stream.strided.gather [hbm4b:s0+s10], $0x1000, s11, s10, $0x38;
	[tilespmem:$0x18600] =	vst v63  }
0x152: {  	s28 =	simm.s32 $0x13400;
	s0 =	sadd.s32 s3, s26  }
0x153: {  	[tilespmem:s28], [sflag:$0x6] =	stream.strided.gather [hbm4b:s0+s10], $0x1000, s11, s10, $0x38;
	[tilespmem:$0x18600] =	vst v63  }
0x154: {  	v32 =	vld [tilespmem:s8+$0x0];
	s1 =	simm.s32 $0x3  }
0x155: {  	v33 =	vld [tilespmem:s4+$0x0];
	_ =	swait.ge [sflag:s1], $0x1000  }
0x156: {  	[sflag:s1] =	ssyncset.done $0x0  }
0x157: {  	[sflag:s1] =	ssyncadd.s32 $0xFFFFF000  }
0x158: {  	_ =	swait.ge [sflag:s1], $0x1000  }
0x159: {  	(v2sf) =	vpush v32, $0xC;
	_ =	sdelay $0x6  }
0x15a: {  	(v2sf) =	vpush v32, $0xD;
	_ =	sdelay $0x7  }
0x15b: {  	s0 =	spop (v2sf)  }
0x15c: {  	s0 =	sand.u32 $0x7F, s0  }
0x15d: {  	v55 =	vor.u32 s0, v10  }
0x15e: {  	v34 =	vor.u32 s0, v11  }
0x15f: {  	s6 =	sadd.s32 $0xFFFFFFF3, s13  }
0x160: {  	v35 =	vmov s6;
	v36 =	vadd.s32 s6, v1;
	[sflag:s1] =	ssyncset.done $0x0  }
0x161: {  	v37 =	vadd.s32 s6, v3;
	v36 =	vand.u32 $0xFFFFFF80, v36;
	v35 =	vand.u32 $0x7C, v35;
	[sflag:s1] =	ssyncadd.s32 $0xFFFFF000  }
0x162: {  	v37 =	vand.u32 $0xFFFFFF80, v37;
	v36 =	vor.u32 v35, v36;
	s9 =	spop (v2sf);
	v32 =	vld.idx.msk [tilespmem:v55+s12+$0x0], $0xffff  }
0x163: {  	v35 =	vor.u32 v35, v37;
	s0 =	sand.u32 $0x7F, s9;
	v34 =	vld.idx.msk [tilespmem:v34+s12+$0x0], $0xffff  }
0x164: {  	v56 =	vor.u32 s0, v12  }
0x165: {  	v38 =	vor.u32 s0, v13  }
0x166: {  	s24 =	sadd.s32 $0xFFFFFFF4, s13  }
0x167: {  	v57 =	vmov s24;
	v39 =	vadd.s32 s24, v1;
	[tilespmem:v36+s10+$0x0] =	vst.idx.msk $0xffff, v32  }
0x168: {  	v59 =	vadd.s32 s24, v3;
	v58 =	vand.u32 $0xFFFFFF80, v39;
	v32 =	vand.u32 $0x7D, v57;
	[tilespmem:v35+s10+$0x0] =	vst.idx.msk $0xffff, v34  }
0x169: {  	v39 =	vand.u32 $0xFFFFFF80, v59;
	v34 =	vor.u32 v32, v58;
	v37 =	vld.idx.msk [tilespmem:v56+s12+$0x0], $0xffff  }
0x16a: {  	v32 =	vor.u32 v32, v39;
	v38 =	vld.idx.msk [tilespmem:v38+s12+$0x0], $0xffff;
	_ =	sdelay $0x3  }
0x16b: {  	[tilespmem:v34+s10+$0x0] =	vst.idx.msk $0xffff, v37  }
0x16c: {  	s25 =	simm.s32 $0x7;
	[tilespmem:v32+s10+$0x0] =	vst.idx.msk $0xffff, v38  }
0x16d: {  	_ =	swait.ge [sflag:s25], $0x1000  }
0x16e: {  	[sflag:s25] =	ssyncset.done $0x0  }
0x16f: {  	[sflag:s25] =	ssyncadd.s32 $0xFFFFF000  }
0x170: {  	_ =	swait.ge [sflag:s25], $0x1000  }
0x171: {  	(v2sf) =	vpush v33, $0xC;
	_ =	sdelay $0x6  }
0x172: {  	(v2sf) =	vpush v33, $0xD;
	_ =	sdelay $0x7  }
0x173: {  	s26 =	spop (v2sf)  }
0x174: {  	s0 =	sand.u32 $0x7F, s26  }
0x175: {  	v60 =	vor.u32 s0, v10  }
0x176: {  	v61 =	vor.u32 s0, v11;
	_ =	sdelay $0x1  }
0x177: {  	[sflag:s25] =	ssyncset.done $0x0  }
0x178: {  	[sflag:s25] =	ssyncadd.s32 $0xFFFFF000  }
0x179: {  	s28 =	spop (v2sf);
	v33 =	vld.idx.msk [tilespmem:v60+s14+$0x0], $0xffff  }
0x17a: {  	s0 =	sand.u32 $0x7F, s28;
	v37 =	vld.idx.msk [tilespmem:v61+s14+$0x0], $0xffff  }
0x17b: {  	v62 =	vor.u32 s0, v12  }
0x17c: {  	v63 =	vor.u32 s0, v13;
	_ =	sdelay $0x1  }
0x17d: {  	[tilespmem:v36+s31+$0x0] =	vst.idx.msk $0xffff, v33  }
0x17e: {  	[tilespmem:v35+s31+$0x0] =	vst.idx.msk $0xffff, v37  }
0x17f: {  	v33 =	vld.idx.msk [tilespmem:v62+s14+$0x0], $0xffff  }
0x180: {  	v35 =	vld.idx.msk [tilespmem:v63+s14+$0x0], $0xffff;
	_ =	sdelay $0x3  }
0x181: {  	[tilespmem:v34+s31+$0x0] =	vst.idx.msk $0xffff, v33  }
0x182: {  	[tilespmem:v32+s31+$0x0] =	vst.idx.msk $0xffff, v35  }
.LBB2_6:
0x183: {  	(v2sf) =	vpush v31, $0x4  }
0x184: {  	(v2sf) =	vpush v31, $0x5;
	_ =	sdelay $0x2  }
0x185: {  	(v2sf) =	vpush v30, $0x4;
	_ =	sdelay $0x1  }
0x186: {  	(v2sf) =	vpush v30, $0x5;
	_ =	sdelay $0x8  }
0x187: {  	s28 =	spop (v2sf)  }
0x188: {  	s0 =	sand.u32 $0xFFFFF80, s28;
	s25 =	spop (v2sf)  }
0x189: {  	s0 =	sadd.s32 s29, s0;
	s2 =	sand.u32 $0xFFFFF80, s25  }
0x18a: {  	[tilespmem:s23], [sflag:$0x3] =	stream.strided.gather [hbm4b:s0+s10], $0x1000, s11, s10, $0x38;
	[tilespmem:$0x18600] =	vst v63  }
0x18b: {  	s24 =	spop (v2sf);
	s0 =	sadd.s32 s29, s2;
	s2 =	simm.s32 $0xD400  }
0x18c: {  	[tilespmem:s2], [sflag:$0x3] =	stream.strided.gather [hbm4b:s0+s10], $0x1000, s11, s10, $0x38;
	[tilespmem:$0x18600] =	vst v63  }
.Ltmp4:
0x18d: {  	s5 =	sand.u32 $0xFFFFF80, s24;
	s23 =	spop (v2sf);
	(pc) =	sbr.rel @p0 .LBB2_8-.Ltmp4, $4  }
0x18e: {  	s6 =	simm.s32 $0x14400;
	s9 =	sand.u32 $0xFFFFF80, s23;
	s0 =	sadd.s32 s3, s5  }
0x18f: {  	[tilespmem:s6], [sflag:$0x7] =	stream.strided.gather [hbm4b:s0+s10], $0x1000, s11, s10, $0x38;
	[tilespmem:$0x18600] =	vst v63  }
0x190: {  	s26 =	simm.s32 $0x15400;
	s0 =	sadd.s32 s3, s9  }
0x191: {  	[tilespmem:s26], [sflag:$0x7] =	stream.strided.gather [hbm4b:s0+s10], $0x1000, s11, s10, $0x38;
	[tilespmem:$0x18600] =	vst v63  }
0x192: {  	v32 =	vld [tilespmem:s8+$0x0];
	s1 =	simm.s32 $0x4  }
0x193: {  	v33 =	vld [tilespmem:s4+$0x0];
	_ =	swait.ge [sflag:s1], $0x1000  }
0x194: {  	[sflag:s1] =	ssyncset.done $0x0  }
0x195: {  	[sflag:s1] =	ssyncadd.s32 $0xFFFFF000  }
0x196: {  	_ =	swait.ge [sflag:s1], $0x1000  }
0x197: {  	(v2sf) =	vpush v32, $0xE;
	_ =	sdelay $0x6  }
0x198: {  	(v2sf) =	vpush v32, $0xF;
	_ =	sdelay $0x7  }
0x199: {  	s0 =	spop (v2sf)  }
0x19a: {  	s0 =	sand.u32 $0x7F, s0  }
0x19b: {  	v56 =	vor.u32 s0, v14  }
0x19c: {  	v34 =	vor.u32 s0, v15  }
0x19d: {  	s26 =	sadd.s32 $0xFFFFFFF5, s13  }
0x19e: {  	v35 =	vmov s26;
	v36 =	vadd.s32 s26, v1;
	[sflag:s1] =	ssyncset.done $0x0  }
0x19f: {  	v37 =	vadd.s32 s26, v3;
	v36 =	vand.u32 $0xFFFFFF80, v36;
	v35 =	vand.u32 $0x7E, v35;
	[sflag:s1] =	ssyncadd.s32 $0xFFFFF000  }
0x1a0: {  	v37 =	vand.u32 $0xFFFFFF80, v37;
	v36 =	vor.u32 v35, v36;
	s2 =	spop (v2sf);
	v32 =	vld.idx.msk [tilespmem:v56+s12+$0x0], $0xffff  }
0x1a1: {  	v35 =	vor.u32 v35, v37;
	s0 =	sand.u32 $0x7F, s2;
	v34 =	vld.idx.msk [tilespmem:v34+s12+$0x0], $0xffff  }
0x1a2: {  	v57 =	vor.u32 s0, v16  }
0x1a3: {  	v38 =	vor.u32 s0, v17;
	_ =	sdelay $0x1  }
0x1a4: {  	[tilespmem:v36+s10+$0x0] =	vst.idx.msk $0xffff, v32  }
0x1a5: {  	s5 =	sadd.s32 $0xFFFFFFF6, s13;
	[tilespmem:v35+s10+$0x0] =	vst.idx.msk $0xffff, v34  }
0x1a6: {  	v58 =	vadd.s32 s5, v1;
	v32 =	vld.idx.msk [tilespmem:v57+s12+$0x0], $0xffff  }
0x1a7: {  	v60 =	vadd.s32 s5, v3;
	v59 =	vld.idx.msk [tilespmem:v38+s12+$0x0], $0xffff;
	_ =	sdelay $0x3  }
0x1a8: {  	[tilespmem:v58+s10+$0x0] =	vst.idx.msk $0xffff, v32  }
0x1a9: {  	s6 =	simm.s32 $0x8;
	[tilespmem:v60+s10+$0x0] =	vst.idx.msk $0xffff, v59  }
0x1aa: {  	_ =	swait.ge [sflag:s6], $0x1000  }
0x1ab: {  	[sflag:s6] =	ssyncset.done $0x0  }
0x1ac: {  	[sflag:s6] =	ssyncadd.s32 $0xFFFFF000  }
0x1ad: {  	_ =	swait.ge [sflag:s6], $0x1000  }
0x1ae: {  	(v2sf) =	vpush v33, $0xE;
	_ =	sdelay $0x6  }
0x1af: {  	(v2sf) =	vpush v33, $0xF;
	_ =	sdelay $0x7  }
0x1b0: {  	s9 =	spop (v2sf)  }
0x1b1: {  	s0 =	sand.u32 $0x7F, s9  }
0x1b2: {  	v61 =	vor.u32 s0, v14  }
0x1b3: {  	v62 =	vor.u32 s0, v15;
	_ =	sdelay $0x1  }
0x1b4: {  	[sflag:s6] =	ssyncset.done $0x0  }
0x1b5: {  	[sflag:s6] =	ssyncadd.s32 $0xFFFFF000  }
0x1b6: {  	s26 =	spop (v2sf);
	v32 =	vld.idx.msk [tilespmem:v61+s14+$0x0], $0xffff  }
0x1b7: {  	s0 =	sand.u32 $0x7F, s26;
	v33 =	vld.idx.msk [tilespmem:v62+s14+$0x0], $0xffff  }
0x1b8: {  	v63 =	vor.u32 s0, v16  }
0x1b9: {  	v39 =	vor.u32 s0, v17;
	_ =	sdelay $0x1  }
0x1ba: {  	[tilespmem:v36+s31+$0x0] =	vst.idx.msk $0xffff, v32  }
0x1bb: {  	[tilespmem:v35+s31+$0x0] =	vst.idx.msk $0xffff, v33  }
0x1bc: {  	v32 =	vld.idx.msk [tilespmem:v63+s14+$0x0], $0xffff  }
0x1bd: {  	v33 =	vld.idx.msk [tilespmem:v39+s14+$0x0], $0xffff  }
.Ltmp5:
0x1be: {  	_ = 	snop;
	(pc) =	sbr.rel .LBB2_8-.Ltmp5, $3  }
0x1bf: {  	_ =	sdelay $0x1  }
0x1c0: {  	[tilespmem:v58+s31+$0x0] =	vst.idx.msk $0xffff, v32  }
0x1c1: {  	[tilespmem:v60+s31+$0x0] =	vst.idx.msk $0xffff, v33  }
.LBB2_9:
0x1c2: {  	v30 =	vld [tilespmem:$0x1F0];
	s1 =	simm.s32 $0x2  }
0x1c3: {  	v31 =	vld [tilespmem:$0x3F0];
	_ =	swait.ge [sflag:s1], $0x1000  }
0x1c4: {  	[sflag:s1] =	ssyncset.done $0x0  }
0x1c5: {  	[sflag:s1] =	ssyncadd.s32 $0xFFFFF000  }
0x1c6: {  	_ =	swait.ge [sflag:s1], $0x1000  }
0x1c7: {  	(v2sf) =	vpush v30, $0xA;
	_ =	sdelay $0x6  }
0x1c8: {  	(v2sf) =	vpush v30, $0xB;
	_ =	sdelay $0x7  }
0x1c9: {  	s0 =	spop (v2sf)  }
0x1ca: {  	s0 =	sand.u32 $0x7F, s0  }
0x1cb: {  	v32 =	vor.u32 s0, v6  }
0x1cc: {  	v33 =	vor.u32 s0, v7;
	_ =	sdelay $0x1  }
0x1cd: {  	[sflag:s1] =	ssyncset.done $0x0  }
0x1ce: {  	[sflag:s1] =	ssyncadd.s32 $0xFFFFF000  }
0x1cf: {  	s1 =	spop (v2sf);
	v32 =	vld.idx.msk [tilespmem:v32+s12+$0x0], $0xffff  }
0x1d0: {  	s0 =	sand.u32 $0x7F, s1;
	v33 =	vld.idx.msk [tilespmem:v33+s12+$0x0], $0xffff  }
0x1d1: {  	v34 =	vor.u32 s0, v8  }
0x1d2: {  	v35 =	vor.u32 s0, v9;
	_ =	sdelay $0x1  }
0x1d3: {  	[tilespmem:v18+s10+$0x0] =	vst.idx.msk $0xffff, v32  }
0x1d4: {  	[tilespmem:v19+s10+$0x0] =	vst.idx.msk $0xffff, v33  }
0x1d5: {  	v32 =	vld.idx.msk [tilespmem:v34+s12+$0x0], $0xffff  }
0x1d6: {  	v33 =	vld.idx.msk [tilespmem:v35+s12+$0x0], $0xffff;
	_ =	sdelay $0x3  }
0x1d7: {  	[tilespmem:v20+s10+$0x0] =	vst.idx.msk $0xffff, v32  }
0x1d8: {  	s2 =	simm.s32 $0x6;
	[tilespmem:v21+s10+$0x0] =	vst.idx.msk $0xffff, v33  }
0x1d9: {  	_ =	swait.ge [sflag:s2], $0x1000  }
0x1da: {  	[sflag:s2] =	ssyncset.done $0x0  }
0x1db: {  	[sflag:s2] =	ssyncadd.s32 $0xFFFFF000  }
0x1dc: {  	_ =	swait.ge [sflag:s2], $0x1000  }
0x1dd: {  	(v2sf) =	vpush v31, $0xA;
	_ =	sdelay $0x6  }
0x1de: {  	(v2sf) =	vpush v31, $0xB;
	_ =	sdelay $0x7  }
0x1df: {  	s4 =	spop (v2sf)  }
0x1e0: {  	s0 =	sand.u32 $0x7F, s4  }
0x1e1: {  	v40 =	vor.u32 s0, v6  }
0x1e2: {  	v41 =	vor.u32 s0, v7;
	_ =	sdelay $0x1  }
0x1e3: {  	[sflag:s2] =	ssyncset.done $0x0  }
0x1e4: {  	[sflag:s2] =	ssyncadd.s32 $0xFFFFF000  }
0x1e5: {  	s8 =	spop (v2sf);
	v32 =	vld.idx.msk [tilespmem:v40+s14+$0x0], $0xffff  }
0x1e6: {  	s0 =	sand.u32 $0x7F, s8;
	v33 =	vld.idx.msk [tilespmem:v41+s14+$0x0], $0xffff  }
0x1e7: {  	v42 =	vor.u32 s0, v8  }
0x1e8: {  	v43 =	vor.u32 s0, v9;
	_ =	sdelay $0x1  }
0x1e9: {  	[tilespmem:v18+s31+$0x0] =	vst.idx.msk $0xffff, v32  }
0x1ea: {  	[tilespmem:v19+s31+$0x0] =	vst.idx.msk $0xffff, v33  }
0x1eb: {  	v32 =	vld.idx.msk [tilespmem:v42+s14+$0x0], $0xffff  }
0x1ec: {  	v33 =	vld.idx.msk [tilespmem:v43+s14+$0x0], $0xffff;
	_ =	sdelay $0x3  }
0x1ed: {  	[tilespmem:v20+s31+$0x0] =	vst.idx.msk $0xffff, v32  }
0x1ee: {  	s13 =	simm.s32 $0x3;
	[tilespmem:v21+s31+$0x0] =	vst.idx.msk $0xffff, v33  }
0x1ef: {  	_ =	swait.ge [sflag:s13], $0x1000  }
0x1f0: {  	[sflag:s13] =	ssyncset.done $0x0  }
0x1f1: {  	[sflag:s13] =	ssyncadd.s32 $0xFFFFF000  }
0x1f2: {  	_ =	swait.ge [sflag:s13], $0x1000  }
0x1f3: {  	(v2sf) =	vpush v30, $0xC;
	_ =	sdelay $0x6  }
0x1f4: {  	(v2sf) =	vpush v30, $0xD;
	_ =	sdelay $0x7  }
0x1f5: {  	s15 =	spop (v2sf)  }
0x1f6: {  	s0 =	sand.u32 $0x7F, s15  }
0x1f7: {  	v44 =	vor.u32 s0, v10  }
0x1f8: {  	v45 =	vor.u32 s0, v11;
	_ =	sdelay $0x1  }
0x1f9: {  	[sflag:s13] =	ssyncset.done $0x0  }
0x1fa: {  	[sflag:s13] =	ssyncadd.s32 $0xFFFFF000  }
0x1fb: {  	s16 =	spop (v2sf);
	v32 =	vld.idx.msk [tilespmem:v44+s12+$0x0], $0xffff  }
0x1fc: {  	s0 =	sand.u32 $0x7F, s16;
	v33 =	vld.idx.msk [tilespmem:v45+s12+$0x0], $0xffff  }
0x1fd: {  	v46 =	vor.u32 s0, v12  }
0x1fe: {  	v47 =	vor.u32 s0, v13;
	_ =	sdelay $0x1  }
0x1ff: {  	[tilespmem:v22+s10+$0x0] =	vst.idx.msk $0xffff, v32  }
0x200: {  	[tilespmem:v23+s10+$0x0] =	vst.idx.msk $0xffff, v33  }
0x201: {  	v32 =	vld.idx.msk [tilespmem:v46+s12+$0x0], $0xffff  }
0x202: {  	v33 =	vld.idx.msk [tilespmem:v47+s12+$0x0], $0xffff;
	_ =	sdelay $0x3  }
0x203: {  	[tilespmem:v24+s10+$0x0] =	vst.idx.msk $0xffff, v32  }
0x204: {  	s17 =	simm.s32 $0x7;
	[tilespmem:v25+s10+$0x0] =	vst.idx.msk $0xffff, v33  }
0x205: {  	_ =	swait.ge [sflag:s17], $0x1000  }
0x206: {  	[sflag:s17] =	ssyncset.done $0x0  }
0x207: {  	[sflag:s17] =	ssyncadd.s32 $0xFFFFF000  }
0x208: {  	_ =	swait.ge [sflag:s17], $0x1000  }
0x209: {  	(v2sf) =	vpush v31, $0xC;
	_ =	sdelay $0x6  }
0x20a: {  	(v2sf) =	vpush v31, $0xD;
	_ =	sdelay $0x7  }
0x20b: {  	s18 =	spop (v2sf)  }
0x20c: {  	s0 =	sand.u32 $0x7F, s18  }
0x20d: {  	v48 =	vor.u32 s0, v10  }
0x20e: {  	v49 =	vor.u32 s0, v11;
	_ =	sdelay $0x1  }
0x20f: {  	[sflag:s17] =	ssyncset.done $0x0  }
0x210: {  	[sflag:s17] =	ssyncadd.s32 $0xFFFFF000  }
0x211: {  	s20 =	spop (v2sf);
	v32 =	vld.idx.msk [tilespmem:v48+s14+$0x0], $0xffff  }
0x212: {  	s0 =	sand.u32 $0x7F, s20;
	v33 =	vld.idx.msk [tilespmem:v49+s14+$0x0], $0xffff  }
0x213: {  	v50 =	vor.u32 s0, v12  }
0x214: {  	v51 =	vor.u32 s0, v13;
	_ =	sdelay $0x1  }
0x215: {  	[tilespmem:v22+s31+$0x0] =	vst.idx.msk $0xffff, v32  }
0x216: {  	[tilespmem:v23+s31+$0x0] =	vst.idx.msk $0xffff, v33  }
0x217: {  	v32 =	vld.idx.msk [tilespmem:v50+s14+$0x0], $0xffff  }
0x218: {  	v33 =	vld.idx.msk [tilespmem:v51+s14+$0x0], $0xffff;
	_ =	sdelay $0x3  }
0x219: {  	[tilespmem:v24+s31+$0x0] =	vst.idx.msk $0xffff, v32  }
0x21a: {  	s21 =	simm.s32 $0x4;
	[tilespmem:v25+s31+$0x0] =	vst.idx.msk $0xffff, v33  }
0x21b: {  	_ =	swait.ge [sflag:s21], $0x1000  }
0x21c: {  	[sflag:s21] =	ssyncset.done $0x0  }
0x21d: {  	[sflag:s21] =	ssyncadd.s32 $0xFFFFF000  }
0x21e: {  	_ =	swait.ge [sflag:s21], $0x1000  }
0x21f: {  	(v2sf) =	vpush v30, $0xE;
	_ =	sdelay $0x6  }
0x220: {  	(v2sf) =	vpush v30, $0xF;
	_ =	sdelay $0x7  }
0x221: {  	s22 =	spop (v2sf)  }
0x222: {  	s0 =	sand.u32 $0x7F, s22  }
0x223: {  	v30 =	vor.u32 s0, v14  }
0x224: {  	v52 =	vor.u32 s0, v15;
	_ =	sdelay $0x1  }
0x225: {  	[sflag:s21] =	ssyncset.done $0x0  }
0x226: {  	[sflag:s21] =	ssyncadd.s32 $0xFFFFF000  }
0x227: {  	s24 =	spop (v2sf);
	v30 =	vld.idx.msk [tilespmem:v30+s12+$0x0], $0xffff  }
0x228: {  	s0 =	sand.u32 $0x7F, s24;
	v32 =	vld.idx.msk [tilespmem:v52+s12+$0x0], $0xffff  }
0x229: {  	v53 =	vor.u32 s0, v16  }
0x22a: {  	v54 =	vor.u32 s0, v17;
	_ =	sdelay $0x1  }
0x22b: {  	[tilespmem:v26+s10+$0x0] =	vst.idx.msk $0xffff, v30  }
0x22c: {  	[tilespmem:v27+s10+$0x0] =	vst.idx.msk $0xffff, v32  }
0x22d: {  	v30 =	vld.idx.msk [tilespmem:v53+s12+$0x0], $0xffff  }
0x22e: {  	v32 =	vld.idx.msk [tilespmem:v54+s12+$0x0], $0xffff;
	_ =	sdelay $0x3  }
0x22f: {  	[tilespmem:v28+s10+$0x0] =	vst.idx.msk $0xffff, v30  }
0x230: {  	s25 =	simm.s32 $0x8;
	[tilespmem:v29+s10+$0x0] =	vst.idx.msk $0xffff, v32  }
0x231: {  	_ =	swait.ge [sflag:s25], $0x1000  }
0x232: {  	[sflag:s25] =	ssyncset.done $0x0  }
0x233: {  	[sflag:s25] =	ssyncadd.s32 $0xFFFFF000  }
0x234: {  	_ =	swait.ge [sflag:s25], $0x1000  }
0x235: {  	(v2sf) =	vpush v31, $0xE;
	_ =	sdelay $0x6  }
0x236: {  	(v2sf) =	vpush v31, $0xF;
	_ =	sdelay $0x7  }
0x237: {  	s26 =	spop (v2sf)  }
0x238: {  	s0 =	sand.u32 $0x7F, s26  }
0x239: {  	v30 =	vor.u32 s0, v14  }
0x23a: {  	v31 =	vor.u32 s0, v15;
	_ =	sdelay $0x1  }
0x23b: {  	[sflag:s25] =	ssyncset.done $0x0  }
0x23c: {  	[sflag:s25] =	ssyncadd.s32 $0xFFFFF000  }
0x23d: {  	s28 =	spop (v2sf);
	v30 =	vld.idx.msk [tilespmem:v30+s14+$0x0], $0xffff  }
0x23e: {  	s0 =	sand.u32 $0x7F, s28;
	v31 =	vld.idx.msk [tilespmem:v31+s14+$0x0], $0xffff  }
0x23f: {  	v55 =	vor.u32 s0, v16  }
0x240: {  	v56 =	vor.u32 s0, v17;
	_ =	sdelay $0x1  }
0x241: {  	[tilespmem:v26+s31+$0x0] =	vst.idx.msk $0xffff, v30  }
0x242: {  	[tilespmem:v27+s31+$0x0] =	vst.idx.msk $0xffff, v31  }
0x243: {  	v30 =	vld.idx.msk [tilespmem:v55+s14+$0x0], $0xffff  }
0x244: {  	v31 =	vld.idx.msk [tilespmem:v56+s14+$0x0], $0xffff;
	_ =	sdelay $0x3  }
0x245: {  	[tilespmem:v28+s31+$0x0] =	vst.idx.msk $0xffff, v30  }
0x246: {  	s4 =	simm.s32 $0x0;
	[tilespmem:v29+s31+$0x0] =	vst.idx.msk $0xffff, v31  }
0x247: {  	v30 =	vld [tilespmem:s4+$0x400]  }
0x248: {  	v31 =	vld [tilespmem:s4+$0x4400]  }
0x249: {  	v57 =	vld [tilespmem:s4+$0x600]  }
0x24a: {  	v58 =	vld [tilespmem:s4+$0x4600]  }
0x24b: {  	v59 =	vld [tilespmem:s4+$0x800]  }
0x24c: {  	v60 =	vld [tilespmem:s4+$0x4800]  }
0x24d: {  	v36 =	vld [tilespmem:s4+$0x4A00];
	v30 =	vmul.f32 v31, v30  }
0x24e: {  	v31 =	vld [tilespmem:s4+$0xA00]  }
0x24f: {  	v61 =	vld [tilespmem:s4+$0xC00];
	v32 =	vmul.f32 v58, v57;
	v30 =	vadd.f32 $0.0e+00, v30  }
0x250: {  	v37 =	vld [tilespmem:s4+$0x4C00]  }
0x251: {  	v63 =	vld [tilespmem:s4+$0xE00];
	v62 =	vmul.f32 v60, v59;
	v30 =	vadd.f32 v32, v30  }
0x252: {  	v40 =	vld [tilespmem:s4+$0x4E00]  }
0x253: {  	v41 =	vld [tilespmem:s4+$0x1000];
	v31 =	vmul.f32 v36, v31;
	v30 =	vadd.f32 v62, v30  }
0x254: {  	v42 =	vld [tilespmem:s4+$0x5000]  }
0x255: {  	v43 =	vld [tilespmem:s4+$0x1200];
	v30 =	vadd.f32 v31, v30;
	v31 =	vmul.f32 v37, v61  }
0x256: {  	v44 =	vld [tilespmem:s4+$0x5200]  }
0x257: {  	v45 =	vld [tilespmem:s4+$0x1400];
	v30 =	vadd.f32 v31, v30;
	v31 =	vmul.f32 v40, v63  }
0x258: {  	v46 =	vld [tilespmem:s4+$0x5400]  }
0x259: {  	v47 =	vld [tilespmem:s4+$0x1600];
	v30 =	vadd.f32 v31, v30;
	v31 =	vmul.f32 v42, v41  }
0x25a: {  	v48 =	vld [tilespmem:s4+$0x5600]  }
0x25b: {  	v49 =	vld [tilespmem:s4+$0x1800];
	v30 =	vadd.f32 v31, v30;
	v31 =	vmul.f32 v44, v43  }
0x25c: {  	v50 =	vld [tilespmem:s4+$0x5800]  }
0x25d: {  	v51 =	vld [tilespmem:s4+$0x1A00];
	v30 =	vadd.f32 v31, v30;
	v31 =	vmul.f32 v46, v45  }
0x25e: {  	v52 =	vld [tilespmem:s4+$0x5A00]  }
0x25f: {  	v53 =	vld [tilespmem:s4+$0x1C00];
	v30 =	vadd.f32 v31, v30;
	v31 =	vmul.f32 v48, v47  }
0x260: {  	v54 =	vld [tilespmem:s4+$0x5C00]  }
0x261: {  	v55 =	vld [tilespmem:s4+$0x1E00];
	v30 =	vadd.f32 v31, v30;
	v31 =	vmul.f32 v50, v49  }
0x262: {  	v56 =	vld [tilespmem:s4+$0x5E00]  }
0x263: {  	v57 =	vld [tilespmem:s4+$0x2000];
	v30 =	vadd.f32 v31, v30;
	v31 =	vmul.f32 v52, v51  }
0x264: {  	v58 =	vld [tilespmem:s4+$0x6000]  }
0x265: {  	v59 =	vld [tilespmem:s4+$0x2200];
	v30 =	vadd.f32 v31, v30;
	v31 =	vmul.f32 v54, v53  }
0x266: {  	v60 =	vld [tilespmem:s4+$0x6200]  }
0x267: {  	v62 =	vld [tilespmem:s4+$0x6400];
	v30 =	vadd.f32 v31, v30;
	v31 =	vmul.f32 v56, v55  }
0x268: {  	v61 =	vld [tilespmem:s4+$0x2400]  }
0x269: {  	v63 =	vld [tilespmem:s4+$0x2600];
	v30 =	vadd.f32 v31, v30;
	v31 =	vmul.f32 v58, v57  }
0x26a: {  	v40 =	vld [tilespmem:s4+$0x6600]  }
0x26b: {  	v41 =	vld [tilespmem:s4+$0x2800];
	v30 =	vadd.f32 v31, v30;
	v31 =	vmul.f32 v60, v59  }
0x26c: {  	v42 =	vld [tilespmem:s4+$0x6800]  }
0x26d: {  	v43 =	vld [tilespmem:s4+$0x2A00];
	v30 =	vadd.f32 v31, v30;
	v31 =	vmul.f32 v62, v61  }
0x26e: {  	v44 =	vld [tilespmem:s4+$0x6A00]  }
0x26f: {  	v45 =	vld [tilespmem:s4+$0x2C00];
	v30 =	vadd.f32 v31, v30;
	v31 =	vmul.f32 v40, v63  }
0x270: {  	v46 =	vld [tilespmem:s4+$0x6C00]  }
0x271: {  	v47 =	vld [tilespmem:s4+$0x2E00];
	v30 =	vadd.f32 v31, v30;
	v31 =	vmul.f32 v42, v41  }
0x272: {  	v48 =	vld [tilespmem:s4+$0x6E00]  }
0x273: {  	v49 =	vld [tilespmem:s4+$0x3000];
	v30 =	vadd.f32 v31, v30;
	v31 =	vmul.f32 v44, v43  }
0x274: {  	v50 =	vld [tilespmem:s4+$0x7000]  }
0x275: {  	v51 =	vld [tilespmem:s4+$0x3200];
	v30 =	vadd.f32 v31, v30;
	v31 =	vmul.f32 v46, v45  }
0x276: {  	v52 =	vld [tilespmem:s4+$0x7200]  }
0x277: {  	v53 =	vld [tilespmem:s4+$0x3400];
	v30 =	vadd.f32 v31, v30;
	v31 =	vmul.f32 v48, v47  }
0x278: {  	v54 =	vld [tilespmem:s4+$0x7400]  }
0x279: {  	v55 =	vld [tilespmem:s4+$0x3600];
	v30 =	vadd.f32 v31, v30;
	v31 =	vmul.f32 v50, v49  }
0x27a: {  	v56 =	vld [tilespmem:s4+$0x7600]  }
0x27b: {  	v57 =	vld [tilespmem:s4+$0x3800];
	v30 =	vadd.f32 v31, v30;
	v31 =	vmul.f32 v52, v51  }
0x27c: {  	v58 =	vld [tilespmem:s4+$0x7800]  }
0x27d: {  	v59 =	vld [tilespmem:s4+$0x3A00];
	v30 =	vadd.f32 v31, v30;
	v31 =	vmul.f32 v54, v53  }
0x27e: {  	v60 =	vld [tilespmem:s4+$0x7A00]  }
0x27f: {  	v38 =	vld [tilespmem:s4+$0x7C00];
	v30 =	vadd.f32 v31, v30;
	v31 =	vmul.f32 v56, v55  }
0x280: {  	v61 =	vld [tilespmem:s4+$0x3C00]  }
0x281: {  	v39 =	vld [tilespmem:s4+$0x3E00];
	v30 =	vadd.f32 v31, v30;
	v31 =	vmul.f32 v58, v57  }
0x282: {  	v40 =	vld [tilespmem:s4+$0x7E00]  }
0x283: {  	v33 =	vld [tilespmem:s4+$0x8000];
	v32 =	vmul.f32 v60, v59;
	v31 =	vadd.f32 v31, v30  }
0x284: {  	v30 =	vld [tilespmem:s4+$0x4000]  }
0x285: {  	v34 =	vld [tilespmem:s4+$0x8200];
	v63 =	vmul.f32 v38, v61;
	v62 =	vadd.f32 v32, v31  }
0x286: {  	s2 =	simm.s32 $0x10;
	v31 =	vld [tilespmem:s4+$0x4200]  }
0x287: {  	s0 =	simm.s32 $0x80;
	v36 =	vmul.f32 v40, v39;
	v32 =	vld [tilespmem:s2+$0x400];
	v35 =	vadd.f32 v63, v62  }
.LBB2_10:
0x288: {  	p0 =	sne.s32 s0, $0x7C0;
	v37 =	vld [tilespmem:s2+$0x4400]  }
0x289: {  	v38 =	vld [tilespmem:s2+$0x600];
	v35 =	vadd.f32 v36, v35;
	v30 =	vmul.f32 v33, v30  }
0x28a: {  	v33 =	vld [tilespmem:s2+$0x4600]  }
0x28b: {  	v36 =	vld [tilespmem:s2+$0x800];
	v30 =	vadd.f32 v30, v35;
	v31 =	vmul.f32 v34, v31  }
0x28c: {  	v34 =	vld [tilespmem:s2+$0x4800]  }
0x28d: {  	v32 =	vmul.f32 v37, v32;
	v35 =	vld [tilespmem:s2+$0xA00];
	v30 =	vadd.f32 v31, v30  }
0x28e: {  	v31 =	vld [tilespmem:s2+$0x4A00]  }
0x28f: {  	v32 =	vadd.f32 $0.0e+00, v32;
	v33 =	vmul.f32 v33, v38;
	v37 =	vld [tilespmem:s2+$0xC00];
	[tilespmem:s4+$0x18400] =	vst v30;
	s4 =	smov.u32 s2  }
0x290: {  	v30 =	vld [tilespmem:s4+$0x4C00]  }
0x291: {  	v32 =	vadd.f32 v33, v32;
	v33 =	vmul.f32 v34, v36;
	v34 =	vld [tilespmem:s4+$0xE00]  }
0x292: {  	v36 =	vld [tilespmem:s4+$0x4E00]  }
0x293: {  	v32 =	vadd.f32 v33, v32;
	v31 =	vmul.f32 v31, v35;
	v33 =	vld [tilespmem:s4+$0x1000]  }
0x294: {  	v35 =	vld [tilespmem:s4+$0x5000]  }
0x295: {  	v31 =	vadd.f32 v31, v32;
	v30 =	vmul.f32 v30, v37;
	v32 =	vld [tilespmem:s4+$0x1200]  }
0x296: {  	v37 =	vld [tilespmem:s4+$0x5200]  }
0x297: {  	v30 =	vadd.f32 v30, v31;
	v31 =	vmul.f32 v36, v34;
	v34 =	vld [tilespmem:s4+$0x1400]  }
0x298: {  	v36 =	vld [tilespmem:s4+$0x5400]  }
0x299: {  	v30 =	vadd.f32 v31, v30;
	v31 =	vmul.f32 v35, v33;
	v33 =	vld [tilespmem:s4+$0x1600]  }
0x29a: {  	v35 =	vld [tilespmem:s4+$0x5600]  }
0x29b: {  	v30 =	vadd.f32 v31, v30;
	v31 =	vmul.f32 v37, v32;
	v32 =	vld [tilespmem:s4+$0x1800]  }
0x29c: {  	v37 =	vld [tilespmem:s4+$0x5800]  }
0x29d: {  	v30 =	vadd.f32 v31, v30;
	v31 =	vmul.f32 v36, v34;
	v34 =	vld [tilespmem:s4+$0x1A00]  }
0x29e: {  	v36 =	vld [tilespmem:s4+$0x5A00]  }
0x29f: {  	v30 =	vadd.f32 v31, v30;
	v31 =	vmul.f32 v35, v33;
	v33 =	vld [tilespmem:s4+$0x1C00]  }
0x2a0: {  	v35 =	vld [tilespmem:s4+$0x5C00]  }
0x2a1: {  	v30 =	vadd.f32 v31, v30;
	v31 =	vmul.f32 v37, v32;
	v32 =	vld [tilespmem:s4+$0x1E00]  }
0x2a2: {  	v37 =	vld [tilespmem:s4+$0x5E00]  }
0x2a3: {  	v30 =	vadd.f32 v31, v30;
	v31 =	vmul.f32 v36, v34;
	v34 =	vld [tilespmem:s4+$0x2000]  }
0x2a4: {  	v36 =	vld [tilespmem:s4+$0x6000]  }
0x2a5: {  	v30 =	vadd.f32 v31, v30;
	v31 =	vmul.f32 v35, v33;
	v33 =	vld [tilespmem:s4+$0x2200]  }
0x2a6: {  	v35 =	vld [tilespmem:s4+$0x6200]  }
0x2a7: {  	v30 =	vadd.f32 v31, v30;
	v31 =	vmul.f32 v37, v32;
	v32 =	vld [tilespmem:s4+$0x2400]  }
0x2a8: {  	v37 =	vld [tilespmem:s4+$0x6400]  }
0x2a9: {  	v30 =	vadd.f32 v31, v30;
	v31 =	vmul.f32 v36, v34;
	v34 =	vld [tilespmem:s4+$0x2600]  }
0x2aa: {  	v36 =	vld [tilespmem:s4+$0x6600]  }
0x2ab: {  	v30 =	vadd.f32 v31, v30;
	v31 =	vmul.f32 v35, v33;
	v33 =	vld [tilespmem:s4+$0x2800]  }
0x2ac: {  	v35 =	vld [tilespmem:s4+$0x6800]  }
0x2ad: {  	v30 =	vadd.f32 v31, v30;
	v31 =	vmul.f32 v37, v32;
	v32 =	vld [tilespmem:s4+$0x2A00]  }
0x2ae: {  	v37 =	vld [tilespmem:s4+$0x6A00]  }
0x2af: {  	v30 =	vadd.f32 v31, v30;
	v31 =	vmul.f32 v36, v34;
	v34 =	vld [tilespmem:s4+$0x2C00]  }
0x2b0: {  	v36 =	vld [tilespmem:s4+$0x6C00]  }
0x2b1: {  	v30 =	vadd.f32 v31, v30;
	v31 =	vmul.f32 v35, v33;
	v33 =	vld [tilespmem:s4+$0x2E00]  }
0x2b2: {  	v35 =	vld [tilespmem:s4+$0x6E00]  }
0x2b3: {  	v30 =	vadd.f32 v31, v30;
	v31 =	vmul.f32 v37, v32;
	v32 =	vld [tilespmem:s4+$0x3000]  }
0x2b4: {  	v37 =	vld [tilespmem:s4+$0x7000]  }
0x2b5: {  	v30 =	vadd.f32 v31, v30;
	v31 =	vmul.f32 v36, v34;
	v34 =	vld [tilespmem:s4+$0x3200]  }
0x2b6: {  	v36 =	vld [tilespmem:s4+$0x7200]  }
0x2b7: {  	v30 =	vadd.f32 v31, v30;
	v31 =	vmul.f32 v35, v33;
	v33 =	vld [tilespmem:s4+$0x3400]  }
0x2b8: {  	v35 =	vld [tilespmem:s4+$0x7400]  }
0x2b9: {  	v30 =	vadd.f32 v31, v30;
	v31 =	vmul.f32 v37, v32;
	v32 =	vld [tilespmem:s4+$0x3600]  }
0x2ba: {  	v37 =	vld [tilespmem:s4+$0x7600]  }
0x2bb: {  	v30 =	vadd.f32 v31, v30;
	v31 =	vmul.f32 v36, v34;
	v34 =	vld [tilespmem:s4+$0x3800]  }
0x2bc: {  	v36 =	vld [tilespmem:s4+$0x7800]  }
0x2bd: {  	v30 =	vadd.f32 v31, v30;
	v31 =	vmul.f32 v35, v33;
	v33 =	vld [tilespmem:s4+$0x3A00]  }
0x2be: {  	v35 =	vld [tilespmem:s4+$0x7A00]  }
0x2bf: {  	v30 =	vadd.f32 v31, v30;
	v31 =	vmul.f32 v37, v32;
	v32 =	vld [tilespmem:s4+$0x3C00]  }
0x2c0: {  	v37 =	vld [tilespmem:s4+$0x7C00]  }
0x2c1: {  	v30 =	vadd.f32 v31, v30;
	v31 =	vmul.f32 v36, v34;
	v36 =	vld [tilespmem:s4+$0x3E00]  }
0x2c2: {  	v38 =	vld [tilespmem:s4+$0x7E00]  }
.Ltmp6:
0x2c3: {  	v31 =	vadd.f32 v31, v30;
	v34 =	vmul.f32 v35, v33;
	v30 =	vld [tilespmem:s4+$0x4000];
	(pc) =	sbr.rel @p0 .LBB2_10-.Ltmp6, $4  }
0x2c4: {  	v33 =	vld [tilespmem:s4+$0x8000]  }
0x2c5: {  	v35 =	vadd.f32 v34, v31;
	v37 =	vmul.f32 v37, v32;
	v31 =	vld [tilespmem:s4+$0x4200]  }
0x2c6: {  	s2 =	sshra.s32 s0, $0x2;
	v34 =	vld [tilespmem:s4+$0x8200]  }
0x2c7: {  	s0 =	sadd.s32 $0x40, s0;
	v32 =	vld [tilespmem:s2+$0x400];
	v35 =	vadd.f32 v37, v35;
	v36 =	vmul.f32 v38, v36  }
0x2c8: {  	v37 =	vld [tilespmem:s2+$0x4400]  }
0x2c9: {  	v38 =	vld [tilespmem:s2+$0x600];
	v35 =	vadd.f32 v36, v35;
	v30 =	vmul.f32 v33, v30  }
0x2ca: {  	v52 =	vld [tilespmem:s2+$0x4600]  }
0x2cb: {  	v53 =	vld [tilespmem:s2+$0x800];
	v30 =	vadd.f32 v30, v35;
	v31 =	vmul.f32 v34, v31  }
0x2cc: {  	v54 =	vld [tilespmem:s2+$0x4800]  }
0x2cd: {  	v55 =	vld [tilespmem:s2+$0xA00];
	v32 =	vmul.f32 v37, v32;
	v30 =	vadd.f32 v31, v30  }
0x2ce: {  	v31 =	vld [tilespmem:s2+$0x4A00]  }
0x2cf: {  	v56 =	vld [tilespmem:s2+$0xC00];
	v33 =	vmul.f32 v52, v38;
	v32 =	vadd.f32 $0.0e+00, v32;
	[tilespmem:s4+$0x18400] =	vst v30  }
0x2d0: {  	v30 =	vld [tilespmem:s2+$0x4C00]  }
0x2d1: {  	v57 =	vmul.f32 v54, v53;
	v58 =	vld [tilespmem:s2+$0xE00];
	v32 =	vadd.f32 v33, v32  }
0x2d2: {  	v59 =	vld [tilespmem:s2+$0x4E00]  }
0x2d3: {  	v60 =	vld [tilespmem:s2+$0x1000];
	v31 =	vmul.f32 v31, v55;
	v32 =	vadd.f32 v57, v32  }
0x2d4: {  	v61 =	vld [tilespmem:s2+$0x5000]  }
0x2d5: {  	v62 =	vld [tilespmem:s2+$0x1200];
	v31 =	vadd.f32 v31, v32;
	v30 =	vmul.f32 v30, v56  }
0x2d6: {  	v63 =	vld [tilespmem:s2+$0x5200]  }
0x2d7: {  	v40 =	vld [tilespmem:s2+$0x1400];
	v30 =	vadd.f32 v30, v31;
	v31 =	vmul.f32 v59, v58  }
0x2d8: {  	v41 =	vld [tilespmem:s2+$0x5400]  }
0x2d9: {  	v42 =	vld [tilespmem:s2+$0x1600];
	v30 =	vadd.f32 v31, v30;
	v31 =	vmul.f32 v61, v60  }
0x2da: {  	v43 =	vld [tilespmem:s2+$0x5600]  }
0x2db: {  	v44 =	vld [tilespmem:s2+$0x1800];
	v30 =	vadd.f32 v31, v30;
	v31 =	vmul.f32 v63, v62  }
0x2dc: {  	v45 =	vld [tilespmem:s2+$0x5800]  }
0x2dd: {  	v46 =	vld [tilespmem:s2+$0x1A00];
	v30 =	vadd.f32 v31, v30;
	v31 =	vmul.f32 v41, v40  }
0x2de: {  	v47 =	vld [tilespmem:s2+$0x5A00]  }
0x2df: {  	v48 =	vld [tilespmem:s2+$0x1C00];
	v30 =	vadd.f32 v31, v30;
	v31 =	vmul.f32 v43, v42  }
0x2e0: {  	v49 =	vld [tilespmem:s2+$0x5C00]  }
0x2e1: {  	v50 =	vld [tilespmem:s2+$0x1E00];
	v30 =	vadd.f32 v31, v30;
	v31 =	vmul.f32 v45, v44  }
0x2e2: {  	v51 =	vld [tilespmem:s2+$0x5E00]  }
0x2e3: {  	v52 =	vld [tilespmem:s2+$0x2000];
	v30 =	vadd.f32 v31, v30;
	v31 =	vmul.f32 v47, v46  }
0x2e4: {  	v53 =	vld [tilespmem:s2+$0x6000]  }
0x2e5: {  	v54 =	vld [tilespmem:s2+$0x2200];
	v30 =	vadd.f32 v31, v30;
	v31 =	vmul.f32 v49, v48  }
0x2e6: {  	v55 =	vld [tilespmem:s2+$0x6200]  }
0x2e7: {  	v57 =	vld [tilespmem:s2+$0x6400];
	v30 =	vadd.f32 v31, v30;
	v31 =	vmul.f32 v51, v50  }
0x2e8: {  	v56 =	vld [tilespmem:s2+$0x2400]  }
0x2e9: {  	v58 =	vld [tilespmem:s2+$0x2600];
	v30 =	vadd.f32 v31, v30;
	v31 =	vmul.f32 v53, v52  }
0x2ea: {  	v59 =	vld [tilespmem:s2+$0x6600]  }
0x2eb: {  	v60 =	vld [tilespmem:s2+$0x2800];
	v30 =	vadd.f32 v31, v30;
	v31 =	vmul.f32 v55, v54  }
0x2ec: {  	v61 =	vld [tilespmem:s2+$0x6800]  }
0x2ed: {  	v62 =	vld [tilespmem:s2+$0x2A00];
	v30 =	vadd.f32 v31, v30;
	v31 =	vmul.f32 v57, v56  }
0x2ee: {  	v63 =	vld [tilespmem:s2+$0x6A00]  }
0x2ef: {  	v40 =	vld [tilespmem:s2+$0x2C00];
	v30 =	vadd.f32 v31, v30;
	v31 =	vmul.f32 v59, v58  }
0x2f0: {  	v41 =	vld [tilespmem:s2+$0x6C00]  }
0x2f1: {  	v42 =	vld [tilespmem:s2+$0x2E00];
	v30 =	vadd.f32 v31, v30;
	v31 =	vmul.f32 v61, v60  }
0x2f2: {  	v43 =	vld [tilespmem:s2+$0x6E00]  }
0x2f3: {  	v44 =	vld [tilespmem:s2+$0x3000];
	v30 =	vadd.f32 v31, v30;
	v31 =	vmul.f32 v63, v62  }
0x2f4: {  	v45 =	vld [tilespmem:s2+$0x7000]  }
0x2f5: {  	v46 =	vld [tilespmem:s2+$0x3200];
	v30 =	vadd.f32 v31, v30;
	v31 =	vmul.f32 v41, v40  }
0x2f6: {  	v47 =	vld [tilespmem:s2+$0x7200]  }
0x2f7: {  	v48 =	vld [tilespmem:s2+$0x3400];
	v30 =	vadd.f32 v31, v30;
	v31 =	vmul.f32 v43, v42  }
0x2f8: {  	v49 =	vld [tilespmem:s2+$0x7400]  }
0x2f9: {  	v50 =	vld [tilespmem:s2+$0x3600];
	v30 =	vadd.f32 v31, v30;
	v31 =	vmul.f32 v45, v44  }
0x2fa: {  	v51 =	vld [tilespmem:s2+$0x7600]  }
0x2fb: {  	v52 =	vld [tilespmem:s2+$0x3800];
	v30 =	vadd.f32 v31, v30;
	v31 =	vmul.f32 v47, v46  }
0x2fc: {  	v53 =	vld [tilespmem:s2+$0x7800]  }
0x2fd: {  	v54 =	vld [tilespmem:s2+$0x3A00];
	v30 =	vadd.f32 v31, v30;
	v31 =	vmul.f32 v49, v48  }
0x2fe: {  	v55 =	vld [tilespmem:s2+$0x7A00]  }
0x2ff: {  	v56 =	vld [tilespmem:s2+$0x3C00];
	v30 =	vadd.f32 v31, v30;
	v31 =	vmul.f32 v51, v50  }
0x300: {  	v57 =	vld [tilespmem:s2+$0x7C00]  }
0x301: {  	v58 =	vld [tilespmem:s2+$0x3E00];
	v30 =	vadd.f32 v31, v30;
	v31 =	vmul.f32 v53, v52  }
0x302: {  	v59 =	vld [tilespmem:s2+$0x7E00]  }
0x303: {  	v60 =	vld [tilespmem:s2+$0x4000];
	v30 =	vadd.f32 v31, v30;
	v31 =	vmul.f32 v55, v54  }
0x304: {  	v61 =	vld [tilespmem:s2+$0x8000]  }
0x305: {  	v62 =	vld [tilespmem:s2+$0x4200];
	v30 =	vadd.f32 v31, v30;
	v31 =	vmul.f32 v57, v56  }
0x306: {  	v63 =	vld [tilespmem:s2+$0x8200]  }
0x307: {  	v30 =	vadd.f32 v31, v30;
	v31 =	vmul.f32 v59, v58;
	_ =	sdelay $0x1  }
0x308: {  	v30 =	vadd.f32 v31, v30;
	v31 =	vmul.f32 v61, v60;
	_ =	sdelay $0x1  }
0x309: {  	v30 =	vadd.f32 v31, v30;
	v31 =	vmul.f32 v63, v62;
	_ =	sdelay $0x1  }
0x30a: {  	v30 =	vadd.f32 v31, v30;
	_ =	sdelay $0x1  }
0x30b: {  	s8 =	simm.s32 $0x0;
	s0 =	rddreg [dreg:$0x7];
	s1 =	simm.s32 $0x18400;
	[tilespmem:s2+$0x18400] =	vst v30  }
0x30c: {  	[hbm4b:s0+s8] =	stream.linear.scatter [tilespmem:s1], [sflag:$0x9], $0x200, $0x38;
	[tilespmem:$0x18600] =	vst v63  }
0x30d: {  	s1 =	simm.s32 $0x9  }
0x30e: {  	_ =	swait.ge [sflag:s1], $0x200  }
0x30f: {  	s26 =	rddreg [dreg:$0x9]  }
0x310: {  	s28 =	rddreg [dreg:$0x8];
	s2 =	sadd.s32 $0x1, s26  }
0x311: {  	p0 =	sne.s32 s2, s28  }
.Ltmp7:
0x312: {  	_ = 	snop;
	(pc) =	sbr.rel @p0 .LBB2_1-.Ltmp7, $3  }
0x313: {  	_ =	sdelay $0x1  }
0x314: {  	[sflag:s1] =	ssyncset.done $0x0  }
0x315: {  	[sflag:s1] =	ssyncadd.s32 $0xFFFFFE00  }
0x316: {  	_ =	sfence.sel $0x180000  }
0x317: {  	[bflag:$0x0] =	sbarrier.arrive $0xFFFF  }
0x318: {  	_ =	strace $0x90000047  }
0x319: {  	s0 =	stileid.u32;
	[bflag:$0x2] =	sbarrier.arrive $0xFFFF  }
0x31a: {  	p0 =	sne.s32 s0, $0x0;
	s0 =	rddreg [dreg:$0x4]  }
0x31b: {  	s0 =	sadd.s32 @!p0 $0x100000, s0  }
0x31c: {  	[sflag:s0] =	ssyncadd.tile.s32 @!p0 $0x1;
	_ =	shalt  }
.Lfunc_end2:
_tile_overlayer_lowered:
.L_overlay_start_2:
0x31d: {  	(tag) =	ssettag $0x2  }
0x31e: {  	s0 =	rddreg [dreg:$0x0];
	s2 =	stileid.u32  }
0x31f: {  	s1 =	rddreg [dreg:$0x1];
	p0 =	sne.s32 s2, $0x0  }
0x320: {  	s3 =	rddreg [dreg:$0x2];
	[bflag:$0x3] =	sbarrier.arrive $0xFFFF;
	s2 =	simm.s32 @!p0 $0x1C0A  }
0x321: {  	[timem:s3], [sflag:s2] =	dma.local @!p0 [hbm:s0], s1  }
0x322: {  	s0 =	simm.s32 @!p0 $0xA  }
0x323: {  	_ =	swait.ge @!p0 [sflag:s0], s1  }
0x324: {  	s1 =	ssub.s32 @!p0 $0x0, s1;
	[sflag:s0] =	ssyncset.done @!p0 $0x0  }
0x325: {  	[sflag:s0] =	ssyncadd.s32 @!p0 s1  }
0x326: {  	[bflag:$0x3] =	sbarrier.arrive $0xFFFF  }
0x327: {  	_ =	shalt  }

</sc_bundles>
